<compile_context>
chip_gen: v7x
topology: tpu7x:2x2x1
jax: 0.10.2.dev20260603
libtpu: 0.0.44.dev20260713+nightly
codegen_flags: <defaults>
</compile_context>

<pallas_src>
import jax
import jax.numpy as jnp
from jax import lax
from jax.experimental import pallas as pl
from jax.experimental.pallas import tpu as pltpu
from jax.experimental.pallas import tpu_sc as plsc

N_NODES = 100000
N_EDGES = 6400000
N_GRAPHS = 64

NC = 2
NS = 16
NW = NC * NS
EPW = N_EDGES // NW
CHUNK = 800
IROW = 80
ROWS = CHUNK // IROW
NCHUNK = EPW // CHUNK
STEPS = CHUNK // 16
LAT = N_GRAPHS * 9
NBUF = 7


def _sc_body(px_hbm, py_hbm, pz_hbm, bf_hbm, dst_hbm, src_hbm,
             shx_hbm, shy_hbm, shz_hbm, lat_hbm, out_hbm, *scr):
    sets = []
    per = 5 + NBUF + 1
    for s in range(2):
        blk = scr[s * per:(s + 1) * per]
        sets.append(dict(dstv=blk[0], srcv=blk[1], shxv=blk[2], shyv=blk[3],
                         shzv=blk[4], bufs=blk[5:5 + NBUF],
                         outv=blk[5 + NBUF]))
    latv = scr[2 * per]
    lsem = scr[2 * per + 1: 2 * per + 3]
    gsem = scr[2 * per + 3: 2 * per + 5]
    osem = scr[2 * per + 5: 2 * per + 7]
    px_s, py_s, pz_s, bf_s = scr[2 * per + 7: 2 * per + 11]

    sid = lax.axis_index("s")
    wid = sid * NC + lax.axis_index("c")
    pltpu.sync_copy(lat_hbm, latv)

    @pl.when(sid == 0)
    def _():
        pltpu.sync_copy(px_hbm, px_s)
        pltpu.sync_copy(py_hbm, py_s)
        pltpu.sync_copy(pz_hbm, pz_s)
        pltpu.sync_copy(bf_hbm, bf_s)

    plsc.subcore_barrier()
    iota = lax.iota(jnp.int32, 16)

    def chunk_base(k):
        return pl.multiple_of(wid * EPW + k * CHUNK, CHUNK)

    def lin_start(k, s):
        base = chunk_base(k)
        pltpu.make_async_copy(
            dst_hbm.at[pl.ds(base, CHUNK)], sets[s]["dstv"], lsem[s]).start()
        pltpu.make_async_copy(
            src_hbm.at[pl.ds(base, CHUNK)], sets[s]["srcv"], lsem[s]).start()
        pltpu.make_async_copy(
            shx_hbm.at[pl.ds(base, CHUNK)], sets[s]["shxv"], lsem[s]).start()
        pltpu.make_async_copy(
            shy_hbm.at[pl.ds(base, CHUNK)], sets[s]["shyv"], lsem[s]).start()
        pltpu.make_async_copy(
            shz_hbm.at[pl.ds(base, CHUNK)], sets[s]["shzv"], lsem[s]).start()

    def lin_wait(s):
        pltpu.make_async_copy(
            dst_hbm.at[pl.ds(0, CHUNK)], sets[s]["dstv"], lsem[s]).wait()
        pltpu.make_async_copy(
            src_hbm.at[pl.ds(0, CHUNK)], sets[s]["srcv"], lsem[s]).wait()
        pltpu.make_async_copy(
            shx_hbm.at[pl.ds(0, CHUNK)], sets[s]["shxv"], lsem[s]).wait()
        pltpu.make_async_copy(
            shy_hbm.at[pl.ds(0, CHUNK)], sets[s]["shyv"], lsem[s]).wait()
        pltpu.make_async_copy(
            shz_hbm.at[pl.ds(0, CHUNK)], sets[s]["shzv"], lsem[s]).wait()

    def gather_start(s):
        st = sets[s]
        for j in range(ROWS):
            sl = pl.ds(j * IROW, IROW)
            dj = st["dstv"].at[sl]
            sj = st["srcv"].at[sl]
            for tab, buf in ((px_s, st["bufs"][0]),
                             (py_s, st["bufs"][1]),
                             (pz_s, st["bufs"][2])):
                pltpu.make_async_copy(tab.at[dj], buf.at[sl], gsem[s]).start()
            for tab, buf in ((px_s, st["bufs"][3]),
                             (py_s, st["bufs"][4]),
                             (pz_s, st["bufs"][5]),
                             (bf_s, st["bufs"][6])):
                pltpu.make_async_copy(tab.at[sj], buf.at[sl], gsem[s]).start()

    def gather_wait(s):
        st = sets[s]
        for j in range(ROWS):
            sl = pl.ds(j * IROW, IROW)
            dj = st["dstv"].at[sl]
            sj = st["srcv"].at[sl]
            for tab, buf in ((px_s, st["bufs"][0]),
                             (py_s, st["bufs"][1]),
                             (pz_s, st["bufs"][2])):
                pltpu.make_async_copy(tab.at[dj], buf.at[sl], gsem[s]).wait()
            for tab, buf in ((px_s, st["bufs"][3]),
                             (py_s, st["bufs"][4]),
                             (pz_s, st["bufs"][5]),
                             (bf_s, st["bufs"][6])):
                pltpu.make_async_copy(tab.at[sj], buf.at[sl], gsem[s]).wait()

    def out_start(k, s):
        base = chunk_base(k)
        pltpu.make_async_copy(
            sets[s]["outv"], out_hbm.at[pl.ds(base, CHUNK)], osem[s]).start()

    def out_wait(s):
        pltpu.make_async_copy(
            sets[s]["outv"], out_hbm.at[pl.ds(0, CHUNK)], osem[s]).wait()

    def compute(s):
        st = sets[s]
        pdx_v, pdy_v, pdz_v, psx_v, psy_v, psz_v, bfv = st["bufs"]
        shxv = st["shxv"]
        shyv = st["shyv"]
        shzv = st["shzv"]
        outv = st["outv"]

        def sub(off):
            sl16 = pl.ds(off, 16)
            pdx = pdx_v[sl16]
            pdy = pdy_v[sl16]
            pdz = pdz_v[sl16]
            psx = psx_v[sl16]
            psy = psy_v[sl16]
            psz = psz_v[sl16]
            b9 = lax.bitcast_convert_type(bfv[sl16], jnp.int32) * 9
            shx = shxv[sl16]
            shy = shyv[sl16]
            shz = shzv[sl16]
            l00 = plsc.load_gather(latv, [b9])
            l01 = plsc.load_gather(latv, [b9 + 1])
            l02 = plsc.load_gather(latv, [b9 + 2])
            l10 = plsc.load_gather(latv, [b9 + 3])
            l11 = plsc.load_gather(latv, [b9 + 4])
            l12 = plsc.load_gather(latv, [b9 + 5])
            l20 = plsc.load_gather(latv, [b9 + 6])
            l21 = plsc.load_gather(latv, [b9 + 7])
            l22 = plsc.load_gather(latv, [b9 + 8])
            vx = pdx - psx + shx * l00 + shy * l10 + shz * l20
            vy = pdy - psy + shx * l01 + shy * l11 + shz * l21
            vz = pdz - psz + shx * l02 + shy * l12 + shz * l22
            x = jnp.maximum(vx * vx + vy * vy + vz * vz, 1e-30)
            ii = 0x5F3759DF - lax.shift_right_logical(
                lax.bitcast_convert_type(x, jnp.int32), 1)
            r = lax.bitcast_convert_type(ii, jnp.float32)
            r = r * (1.5 - 0.5 * x * r * r)
            r = r * (1.5 - 0.5 * x * r * r)
            outv[sl16] = x * r

        def step(i, carry2):
            off = i * 32
            sub(off)
            sub(off + 16)
            return carry2

        lax.fori_loop(0, STEPS // 2, step, 0)

    lin_start(0, 0)
    lin_start(1, 1)
    lin_wait(0)
    gather_start(0)

    def pair_body(kk, carry):
        k0 = kk * 2
        gather_wait(0)

        @pl.when(kk >= 1)
        def _():
            out_wait(0)

        lin_wait(1)
        gather_start(1)
        compute(0)
        out_start(k0, 0)

        @pl.when(kk < (NCHUNK // 2 - 1))
        def _():
            lin_start(k0 + 2, 0)

        k1 = k0 + 1
        gather_wait(1)

        @pl.when(kk >= 1)
        def _():
            out_wait(1)

        @pl.when(kk < (NCHUNK // 2 - 1))
        def _():
            lin_wait(0)
            gather_start(0)

        compute(1)
        out_start(k1, 1)

        @pl.when(kk < (NCHUNK // 2 - 1))
        def _():
            lin_start(k1 + 2, 1)

        return carry

    lax.fori_loop(0, NCHUNK // 2, pair_body, 0)
    out_wait(0)
    out_wait(1)


def _make_scratch():
    one_set = [
        pltpu.VMEM((CHUNK,), jnp.int32),
        pltpu.VMEM((CHUNK,), jnp.int32),
        pltpu.VMEM((CHUNK,), jnp.float32),
        pltpu.VMEM((CHUNK,), jnp.float32),
        pltpu.VMEM((CHUNK,), jnp.float32),
    ] + [pltpu.VMEM((CHUNK,), jnp.float32) for _ in range(NBUF)] + [
        pltpu.VMEM((CHUNK,), jnp.float32),
    ]
    return (one_set * 2
            + [pltpu.VMEM((LAT,), jnp.float32)]
            + [pltpu.SemaphoreType.DMA] * 6
            + [pltpu.VMEM_SHARED((N_NODES,), jnp.float32)
               for _ in range(4)])


_sc_call = pl.kernel(
    _sc_body,
    out_type=jax.ShapeDtypeStruct((N_EDGES,), jnp.float32),
    mesh=plsc.VectorSubcoreMesh(
        core_axis_name="c", subcore_axis_name="s",
        num_cores=NC, num_subcores=NS),
    compiler_params=pltpu.CompilerParams(needs_layout_passes=False),
    scratch_types=_make_scratch(),
)


def kernel(pos, edge_index, edge_shift, lattice, batch_idx):
    px = pos[:, 0]
    py = pos[:, 1]
    pz = pos[:, 2]
    bf = lax.bitcast_convert_type(batch_idx, jnp.float32)
    lat_flat = lattice.reshape(LAT)
    return _sc_call(px, py, pz, bf, edge_index[0], edge_index[1],
                    edge_shift[:, 0], edge_shift[:, 1], edge_shift[:, 2],
                    lat_flat)

# --- scband reference (transcript-rebuilt; emitter-appended) ---
"""Pipeline reference for scband-base-mpnn-1597727834126 (READ-ONLY COPY).

The authoritative reference and input builder live on the scoring server;
editing this copy changes nothing except your own understanding.
"""

import jax, jax.numpy as jnp
import numpy as np

N_NODES = 100000
N_EDGES = 6400000
N_GRAPHS = 64


def setup_inputs(seed: int = 0) -> dict:
    key = jax.random.key(seed)
    k1, k2, k3, k4, k5 = jax.random.split(key, 5)
    pos = jax.random.normal(k1, (N_NODES, 3), dtype=jnp.float32)
    edge_index = jax.random.randint(k2, (2, N_EDGES), 0, N_NODES, dtype=jnp.int32)
    edge_shift = jax.random.normal(k3, (N_EDGES, 3), dtype=jnp.float32)
    lattice = jax.random.normal(k4, (N_GRAPHS, 3, 3), dtype=jnp.float32)
    batch_idx = jnp.sort(jax.random.randint(k5, (N_NODES,), 0, N_GRAPHS, dtype=jnp.int32))
    return {
        "pos": pos,
        "edge_index": edge_index,
        "edge_shift": edge_shift,
        "lattice": lattice,
        "batch_idx": batch_idx,
    }


def reference(pos, edge_index, edge_shift, lattice, batch_idx):
    # Faithful translation of BaseMPNN.calc_atomic_distances (return_vec=False).
    edge_dst = edge_index[0]
    edge_src = edge_index[1]
    # gather per-edge graph (batch) assignment via source node
    edge_batch = jnp.take(batch_idx, edge_src, axis=0)
    # periodic boundary shift: einsum('ni,nij->nj', edge_shift, lattice[edge_batch])
    lat_per_edge = jnp.take(lattice, edge_batch, axis=0)  # [E, 3, 3]
    shift_vec = jnp.einsum('ni,nij->nj', edge_shift, lat_per_edge)
    edge_vec = jnp.take(pos, edge_dst, axis=0) - jnp.take(pos, edge_src, axis=0) + shift_vec
    distance = jnp.linalg.norm(edge_vec, axis=1)
    return distance

if __name__ == "__main__":
    import jax
    _d = setup_inputs()
    print(jax.jit(kernel)(*tuple(_d.values())))

</pallas_src>

<mosaic_0001>
#map = affine_map<(d0, d1) -> (0)>
module attributes {stable_mosaic.version = 14 : i64} {
  func.func @_sc_body(%arg0: i32, %arg1: i32, %arg2: memref<100000xf32, #tpu.memory_space<hbm>>, %arg3: memref<100000xf32, #tpu.memory_space<hbm>>, %arg4: memref<100000xf32, #tpu.memory_space<hbm>>, %arg5: memref<100000xf32, #tpu.memory_space<hbm>>, %arg6: memref<6400000xi32, #tpu.memory_space<hbm>>, %arg7: memref<6400000xi32, #tpu.memory_space<hbm>>, %arg8: memref<6400000xf32, #tpu.memory_space<hbm>>, %arg9: memref<6400000xf32, #tpu.memory_space<hbm>>, %arg10: memref<6400000xf32, #tpu.memory_space<hbm>>, %arg11: memref<576xf32, #tpu.memory_space<hbm>>, %arg12: memref<6400000xf32, #tpu.memory_space<hbm>>, %arg13: memref<800xi32, #tpu.memory_space<vmem>>, %arg14: memref<800xi32, #tpu.memory_space<vmem>>, %arg15: memref<800xf32, #tpu.memory_space<vmem>>, %arg16: memref<800xf32, #tpu.memory_space<vmem>>, %arg17: memref<800xf32, #tpu.memory_space<vmem>>, %arg18: memref<800xf32, #tpu.memory_space<vmem>>, %arg19: memref<800xf32, #tpu.memory_space<vmem>>, %arg20: memref<800xf32, #tpu.memory_space<vmem>>, %arg21: memref<800xf32, #tpu.memory_space<vmem>>, %arg22: memref<800xf32, #tpu.memory_space<vmem>>, %arg23: memref<800xf32, #tpu.memory_space<vmem>>, %arg24: memref<800xf32, #tpu.memory_space<vmem>>, %arg25: memref<800xf32, #tpu.memory_space<vmem>>, %arg26: memref<800xi32, #tpu.memory_space<vmem>>, %arg27: memref<800xi32, #tpu.memory_space<vmem>>, %arg28: memref<800xf32, #tpu.memory_space<vmem>>, %arg29: memref<800xf32, #tpu.memory_space<vmem>>, %arg30: memref<800xf32, #tpu.memory_space<vmem>>, %arg31: memref<800xf32, #tpu.memory_space<vmem>>, %arg32: memref<800xf32, #tpu.memory_space<vmem>>, %arg33: memref<800xf32, #tpu.memory_space<vmem>>, %arg34: memref<800xf32, #tpu.memory_space<vmem>>, %arg35: memref<800xf32, #tpu.memory_space<vmem>>, %arg36: memref<800xf32, #tpu.memory_space<vmem>>, %arg37: memref<800xf32, #tpu.memory_space<vmem>>, %arg38: memref<800xf32, #tpu.memory_space<vmem>>, %arg39: memref<576xf32, #tpu.memory_space<vmem>>, %arg40: memref<!tpu.dma_semaphore, #tpu.memory_space<semaphore_mem>>, %arg41: memref<!tpu.dma_semaphore, #tpu.memory_space<semaphore_mem>>, %arg42: memref<!tpu.dma_semaphore, #tpu.memory_space<semaphore_mem>>, %arg43: memref<!tpu.dma_semaphore, #tpu.memory_space<semaphore_mem>>, %arg44: memref<!tpu.dma_semaphore, #tpu.memory_space<semaphore_mem>>, %arg45: memref<!tpu.dma_semaphore, #tpu.memory_space<semaphore_mem>>, %arg46: memref<100000xf32, #tpu.memory_space<vmem_shared>>, %arg47: memref<100000xf32, #tpu.memory_space<vmem_shared>>, %arg48: memref<100000xf32, #tpu.memory_space<vmem_shared>>, %arg49: memref<100000xf32, #tpu.memory_space<vmem_shared>>) attributes {dimension_semantics = [#tpu.dimension_semantics<core_parallel>, #tpu.dimension_semantics<subcore_parallel>], iteration_bounds = array<i64: 2, 16>, scalar_prefetch = 0 : i64, scratch_operands = 37 : i64, tpu.core_type = #tpu.core_type<sc_vector_subcore>, window_params = [{transform_indices = #map}, {transform_indices = #map}, {transform_indices = #map}, {transform_indices = #map}, {transform_indices = #map}, {transform_indices = #map}, {transform_indices = #map}, {transform_indices = #map}, {transform_indices = #map}, {transform_indices = #map}, {transform_indices = #map}]} {
    %mul3A = arith.constant 2 : i32
    %mul3A_0 = arith.muli %arg1, %mul3A : i32
    %add3A = arith.addi %mul3A_0, %arg0 : i32
    "tpu.region"() ({
      %run_scoped3A = tpu.sem_alloc : memref<!tpu.dma_semaphore, #tpu.memory_space<semaphore_mem>>
      tpu.enqueue_dma source(%arg11 : memref<576xf32, #tpu.memory_space<hbm>>) target(%arg39 : memref<576xf32, #tpu.memory_space<vmem>>) target_semaphore(%run_scoped3A : memref<!tpu.dma_semaphore, #tpu.memory_space<semaphore_mem>>)
      tpu.wait_dma2 semaphore(%run_scoped3A : memref<!tpu.dma_semaphore, #tpu.memory_space<semaphore_mem>>) src(%arg11 : memref<576xf32, #tpu.memory_space<hbm>>) dst(%arg39 : memref<576xf32, #tpu.memory_space<vmem>>)
      tpu.yield
    }) : () -> ()
    %eq3A = arith.constant 0 : i32
    %eq3A_1 = arith.cmpi eq, %arg1, %eq3A : i32
    %convert_element_type3A = arith.extui %eq3A_1 : i1 to i32
    %cond3A = arith.constant 0 : i32
    %cond3A_2 = arith.cmpi ne, %convert_element_type3A, %cond3A : i32
    scf.if %cond3A_2 {
      "tpu.region"() ({
        %run_scoped3A = tpu.sem_alloc : memref<!tpu.dma_semaphore, #tpu.memory_space<semaphore_mem>>
        tpu.enqueue_dma source(%arg2 : memref<100000xf32, #tpu.memory_space<hbm>>) target(%arg46 : memref<100000xf32, #tpu.memory_space<vmem_shared>>) target_semaphore(%run_scoped3A : memref<!tpu.dma_semaphore, #tpu.memory_space<semaphore_mem>>)
        tpu.wait_dma2 semaphore(%run_scoped3A : memref<!tpu.dma_semaphore, #tpu.memory_space<semaphore_mem>>) src(%arg2 : memref<100000xf32, #tpu.memory_space<hbm>>) dst(%arg46 : memref<100000xf32, #tpu.memory_space<vmem_shared>>)
        tpu.yield
      }) : () -> ()
      "tpu.region"() ({
        %run_scoped3A = tpu.sem_alloc : memref<!tpu.dma_semaphore, #tpu.memory_space<semaphore_mem>>
        tpu.enqueue_dma source(%arg3 : memref<100000xf32, #tpu.memory_space<hbm>>) target(%arg47 : memref<100000xf32, #tpu.memory_space<vmem_shared>>) target_semaphore(%run_scoped3A : memref<!tpu.dma_semaphore, #tpu.memory_space<semaphore_mem>>)
        tpu.wait_dma2 semaphore(%run_scoped3A : memref<!tpu.dma_semaphore, #tpu.memory_space<semaphore_mem>>) src(%arg3 : memref<100000xf32, #tpu.memory_space<hbm>>) dst(%arg47 : memref<100000xf32, #tpu.memory_space<vmem_shared>>)
        tpu.yield
      }) : () -> ()
      "tpu.region"() ({
        %run_scoped3A = tpu.sem_alloc : memref<!tpu.dma_semaphore, #tpu.memory_space<semaphore_mem>>
        tpu.enqueue_dma source(%arg4 : memref<100000xf32, #tpu.memory_space<hbm>>) target(%arg48 : memref<100000xf32, #tpu.memory_space<vmem_shared>>) target_semaphore(%run_scoped3A : memref<!tpu.dma_semaphore, #tpu.memory_space<semaphore_mem>>)
        tpu.wait_dma2 semaphore(%run_scoped3A : memref<!tpu.dma_semaphore, #tpu.memory_space<semaphore_mem>>) src(%arg4 : memref<100000xf32, #tpu.memory_space<hbm>>) dst(%arg48 : memref<100000xf32, #tpu.memory_space<vmem_shared>>)
        tpu.yield
      }) : () -> ()
      "tpu.region"() ({
        %run_scoped3A = tpu.sem_alloc : memref<!tpu.dma_semaphore, #tpu.memory_space<semaphore_mem>>
        tpu.enqueue_dma source(%arg5 : memref<100000xf32, #tpu.memory_space<hbm>>) target(%arg49 : memref<100000xf32, #tpu.memory_space<vmem_shared>>) target_semaphore(%run_scoped3A : memref<!tpu.dma_semaphore, #tpu.memory_space<semaphore_mem>>)
        tpu.wait_dma2 semaphore(%run_scoped3A : memref<!tpu.dma_semaphore, #tpu.memory_space<semaphore_mem>>) src(%arg5 : memref<100000xf32, #tpu.memory_space<hbm>>) dst(%arg49 : memref<100000xf32, #tpu.memory_space<vmem_shared>>)
        tpu.yield
      }) : () -> ()
    } else {
    }
    %barrier3A = arith.constant 0 : index
    tpu.barrier barrier_id(%barrier3A)
    %iota3A = tpu.iota {dimensions = array<i32: 0>} : vector<16xi32>
    %mul3A_3 = arith.constant 200000 : i32
    %mul3A_4 = arith.muli %add3A, %mul3A_3 : i32
    %add3A_5 = arith.constant 0 : i32
    %add3A_6 = arith.addi %mul3A_4, %add3A_5 : i32
    %multiple_of3A = tpu.assume_multiple %add3A_6, 800 : i32
    %dma_start3A = tpu.memref_slice %arg6[%multiple_of3A] : memref<6400000xi32, #tpu.memory_space<hbm>> -> memref<800xi32, #tpu.memory_space<hbm>>
    %dma_start3A_7 = tpu.memref_slice %arg6[%multiple_of3A] : memref<6400000xi32, #tpu.memory_space<hbm>> -> memref<800xi32, #tpu.memory_space<hbm>>
    tpu.enqueue_dma source(%dma_start3A_7 : memref<800xi32, #tpu.memory_space<hbm>>) target(%arg13 : memref<800xi32, #tpu.memory_space<vmem>>) target_semaphore(%arg40 : memref<!tpu.dma_semaphore, #tpu.memory_space<semaphore_mem>>)
    %dma_start3A_8 = tpu.memref_slice %arg7[%multiple_of3A] : memref<6400000xi32, #tpu.memory_space<hbm>> -> memref<800xi32, #tpu.memory_space<hbm>>
    %dma_start3A_9 = tpu.memref_slice %arg7[%multiple_of3A] : memref<6400000xi32, #tpu.memory_space<hbm>> -> memref<800xi32, #tpu.memory_space<hbm>>
    tpu.enqueue_dma source(%dma_start3A_9 : memref<800xi32, #tpu.memory_space<hbm>>) target(%arg14 : memref<800xi32, #tpu.memory_space<vmem>>) target_semaphore(%arg40 : memref<!tpu.dma_semaphore, #tpu.memory_space<semaphore_mem>>)
    %dma_start3A_10 = tpu.memref_slice %arg8[%multiple_of3A] : memref<6400000xf32, #tpu.memory_space<hbm>> -> memref<800xf32, #tpu.memory_space<hbm>>
    %dma_start3A_11 = tpu.memref_slice %arg8[%multiple_of3A] : memref<6400000xf32, #tpu.memory_space<hbm>> -> memref<800xf32, #tpu.memory_space<hbm>>
    tpu.enqueue_dma source(%dma_start3A_11 : memref<800xf32, #tpu.memory_space<hbm>>) target(%arg15 : memref<800xf32, #tpu.memory_space<vmem>>) target_semaphore(%arg40 : memref<!tpu.dma_semaphore, #tpu.memory_space<semaphore_mem>>)
    %dma_start3A_12 = tpu.memref_slice %arg9[%multiple_of3A] : memref<6400000xf32, #tpu.memory_space<hbm>> -> memref<800xf32, #tpu.memory_space<hbm>>
    %dma_start3A_13 = tpu.memref_slice %arg9[%multiple_of3A] : memref<6400000xf32, #tpu.memory_space<hbm>> -> memref<800xf32, #tpu.memory_space<hbm>>
    tpu.enqueue_dma source(%dma_start3A_13 : memref<800xf32, #tpu.memory_space<hbm>>) target(%arg16 : memref<800xf32, #tpu.memory_space<vmem>>) target_semaphore(%arg40 : memref<!tpu.dma_semaphore, #tpu.memory_space<semaphore_mem>>)
    %dma_start3A_14 = tpu.memref_slice %arg10[%multiple_of3A] : memref<6400000xf32, #tpu.memory_space<hbm>> -> memref<800xf32, #tpu.memory_space<hbm>>
    %dma_start3A_15 = tpu.memref_slice %arg10[%multiple_of3A] : memref<6400000xf32, #tpu.memory_space<hbm>> -> memref<800xf32, #tpu.memory_space<hbm>>
    tpu.enqueue_dma source(%dma_start3A_15 : memref<800xf32, #tpu.memory_space<hbm>>) target(%arg17 : memref<800xf32, #tpu.memory_space<vmem>>) target_semaphore(%arg40 : memref<!tpu.dma_semaphore, #tpu.memory_space<semaphore_mem>>)
    %mul3A_16 = arith.constant 200000 : i32
    %mul3A_17 = arith.muli %add3A, %mul3A_16 : i32
    %add3A_18 = arith.constant 800 : i32
    %add3A_19 = arith.addi %mul3A_17, %add3A_18 : i32
    %multiple_of3A_20 = tpu.assume_multiple %add3A_19, 800 : i32
    %dma_start3A_21 = tpu.memref_slice %arg6[%multiple_of3A_20] : memref<6400000xi32, #tpu.memory_space<hbm>> -> memref<800xi32, #tpu.memory_space<hbm>>
    %dma_start3A_22 = tpu.memref_slice %arg6[%multiple_of3A_20] : memref<6400000xi32, #tpu.memory_space<hbm>> -> memref<800xi32, #tpu.memory_space<hbm>>
    tpu.enqueue_dma source(%dma_start3A_22 : memref<800xi32, #tpu.memory_space<hbm>>) target(%arg26 : memref<800xi32, #tpu.memory_space<vmem>>) target_semaphore(%arg41 : memref<!tpu.dma_semaphore, #tpu.memory_space<semaphore_mem>>)
    %dma_start3A_23 = tpu.memref_slice %arg7[%multiple_of3A_20] : memref<6400000xi32, #tpu.memory_space<hbm>> -> memref<800xi32, #tpu.memory_space<hbm>>
    %dma_start3A_24 = tpu.memref_slice %arg7[%multiple_of3A_20] : memref<6400000xi32, #tpu.memory_space<hbm>> -> memref<800xi32, #tpu.memory_space<hbm>>
    tpu.enqueue_dma source(%dma_start3A_24 : memref<800xi32, #tpu.memory_space<hbm>>) target(%arg27 : memref<800xi32, #tpu.memory_space<vmem>>) target_semaphore(%arg41 : memref<!tpu.dma_semaphore, #tpu.memory_space<semaphore_mem>>)
    %dma_start3A_25 = tpu.memref_slice %arg8[%multiple_of3A_20] : memref<6400000xf32, #tpu.memory_space<hbm>> -> memref<800xf32, #tpu.memory_space<hbm>>
    %dma_start3A_26 = tpu.memref_slice %arg8[%multiple_of3A_20] : memref<6400000xf32, #tpu.memory_space<hbm>> -> memref<800xf32, #tpu.memory_space<hbm>>
    tpu.enqueue_dma source(%dma_start3A_26 : memref<800xf32, #tpu.memory_space<hbm>>) target(%arg28 : memref<800xf32, #tpu.memory_space<vmem>>) target_semaphore(%arg41 : memref<!tpu.dma_semaphore, #tpu.memory_space<semaphore_mem>>)
    %dma_start3A_27 = tpu.memref_slice %arg9[%multiple_of3A_20] : memref<6400000xf32, #tpu.memory_space<hbm>> -> memref<800xf32, #tpu.memory_space<hbm>>
    %dma_start3A_28 = tpu.memref_slice %arg9[%multiple_of3A_20] : memref<6400000xf32, #tpu.memory_space<hbm>> -> memref<800xf32, #tpu.memory_space<hbm>>
    tpu.enqueue_dma source(%dma_start3A_28 : memref<800xf32, #tpu.memory_space<hbm>>) target(%arg29 : memref<800xf32, #tpu.memory_space<vmem>>) target_semaphore(%arg41 : memref<!tpu.dma_semaphore, #tpu.memory_space<semaphore_mem>>)
    %dma_start3A_29 = tpu.memref_slice %arg10[%multiple_of3A_20] : memref<6400000xf32, #tpu.memory_space<hbm>> -> memref<800xf32, #tpu.memory_space<hbm>>
    %dma_start3A_30 = tpu.memref_slice %arg10[%multiple_of3A_20] : memref<6400000xf32, #tpu.memory_space<hbm>> -> memref<800xf32, #tpu.memory_space<hbm>>
    tpu.enqueue_dma source(%dma_start3A_30 : memref<800xf32, #tpu.memory_space<hbm>>) target(%arg30 : memref<800xf32, #tpu.memory_space<vmem>>) target_semaphore(%arg41 : memref<!tpu.dma_semaphore, #tpu.memory_space<semaphore_mem>>)
    %dma_wait3A = arith.constant 0 : i32
    %dma_wait3A_31 = tpu.memref_slice %arg6[%dma_wait3A] : memref<6400000xi32, #tpu.memory_space<hbm>> -> memref<800xi32, #tpu.memory_space<hbm>>
    %dma_wait3A_32 = arith.constant 0 : i32
    %dma_wait3A_33 = tpu.memref_slice %arg6[%dma_wait3A_32] : memref<6400000xi32, #tpu.memory_space<hbm>> -> memref<800xi32, #tpu.memory_space<hbm>>
    tpu.wait_dma2 semaphore(%arg40 : memref<!tpu.dma_semaphore, #tpu.memory_space<semaphore_mem>>) src(%dma_wait3A_33 : memref<800xi32, #tpu.memory_space<hbm>>) dst(%arg13 : memref<800xi32, #tpu.memory_space<vmem>>)
    %dma_wait3A_34 = arith.constant 0 : i32
    %dma_wait3A_35 = tpu.memref_slice %arg7[%dma_wait3A_34] : memref<6400000xi32, #tpu.memory_space<hbm>> -> memref<800xi32, #tpu.memory_space<hbm>>
    %dma_wait3A_36 = arith.constant 0 : i32
    %dma_wait3A_37 = tpu.memref_slice %arg7[%dma_wait3A_36] : memref<6400000xi32, #tpu.memory_space<hbm>> -> memref<800xi32, #tpu.memory_space<hbm>>
    tpu.wait_dma2 semaphore(%arg40 : memref<!tpu.dma_semaphore, #tpu.memory_space<semaphore_mem>>) src(%dma_wait3A_37 : memref<800xi32, #tpu.memory_space<hbm>>) dst(%arg14 : memref<800xi32, #tpu.memory_space<vmem>>)
    %dma_wait3A_38 = arith.constant 0 : i32
    %dma_wait3A_39 = tpu.memref_slice %arg8[%dma_wait3A_38] : memref<6400000xf32, #tpu.memory_space<hbm>> -> memref<800xf32, #tpu.memory_space<hbm>>
    %dma_wait3A_40 = arith.constant 0 : i32
    %dma_wait3A_41 = tpu.memref_slice %arg8[%dma_wait3A_40] : memref<6400000xf32, #tpu.memory_space<hbm>> -> memref<800xf32, #tpu.memory_space<hbm>>
    tpu.wait_dma2 semaphore(%arg40 : memref<!tpu.dma_semaphore, #tpu.memory_space<semaphore_mem>>) src(%dma_wait3A_41 : memref<800xf32, #tpu.memory_space<hbm>>) dst(%arg15 : memref<800xf32, #tpu.memory_space<vmem>>)
    %dma_wait3A_42 = arith.constant 0 : i32
    %dma_wait3A_43 = tpu.memref_slice %arg9[%dma_wait3A_42] : memref<6400000xf32, #tpu.memory_space<hbm>> -> memref<800xf32, #tpu.memory_space<hbm>>
    %dma_wait3A_44 = arith.constant 0 : i32
    %dma_wait3A_45 = tpu.memref_slice %arg9[%dma_wait3A_44] : memref<6400000xf32, #tpu.memory_space<hbm>> -> memref<800xf32, #tpu.memory_space<hbm>>
    tpu.wait_dma2 semaphore(%arg40 : memref<!tpu.dma_semaphore, #tpu.memory_space<semaphore_mem>>) src(%dma_wait3A_45 : memref<800xf32, #tpu.memory_space<hbm>>) dst(%arg16 : memref<800xf32, #tpu.memory_space<vmem>>)
    %dma_wait3A_46 = arith.constant 0 : i32
    %dma_wait3A_47 = tpu.memref_slice %arg10[%dma_wait3A_46] : memref<6400000xf32, #tpu.memory_space<hbm>> -> memref<800xf32, #tpu.memory_space<hbm>>
    %dma_wait3A_48 = arith.constant 0 : i32
    %dma_wait3A_49 = tpu.memref_slice %arg10[%dma_wait3A_48] : memref<6400000xf32, #tpu.memory_space<hbm>> -> memref<800xf32, #tpu.memory_space<hbm>>
    tpu.wait_dma2 semaphore(%arg40 : memref<!tpu.dma_semaphore, #tpu.memory_space<semaphore_mem>>) src(%dma_wait3A_49 : memref<800xf32, #tpu.memory_space<hbm>>) dst(%arg17 : memref<800xf32, #tpu.memory_space<vmem>>)
    %dma_start3A_50 = arith.constant 0 : i32
    %dma_start3A_51 = tpu.memref_slice %arg18[%dma_start3A_50] : memref<800xf32, #tpu.memory_space<vmem>> -> memref<80xf32, #tpu.memory_space<vmem>>
    %dma_start3A_52 = arith.constant 0 : i32
    %dma_start3A_53 = tpu.memref_slice %arg13[%dma_start3A_52] : memref<800xi32, #tpu.memory_space<vmem>> -> memref<80xi32, #tpu.memory_space<vmem>>
    %dma_start3A_54 = arith.constant 0 : i32
    %dma_start3A_55 = tpu.memref_slice %arg46[%dma_start3A_54] : memref<100000xf32, #tpu.memory_space<vmem_shared>> -> memref<100000xf32, #tpu.memory_space<vmem_shared>>
    tpu.enqueue_indirect_dma source(%dma_start3A_55 : memref<100000xf32, #tpu.memory_space<vmem_shared>>) target(%dma_start3A_51 : memref<80xf32, #tpu.memory_space<vmem>>) offsets(%dma_start3A_53 : memref<80xi32, #tpu.memory_space<vmem>>) semaphore(%arg42 : memref<!tpu.dma_semaphore, #tpu.memory_space<semaphore_mem>>)
    %dma_start3A_56 = arith.constant 0 : i32
    %dma_start3A_57 = tpu.memref_slice %arg19[%dma_start3A_56] : memref<800xf32, #tpu.memory_space<vmem>> -> memref<80xf32, #tpu.memory_space<vmem>>
    %dma_start3A_58 = arith.constant 0 : i32
    %dma_start3A_59 = tpu.memref_slice %arg13[%dma_start3A_58] : memref<800xi32, #tpu.memory_space<vmem>> -> memref<80xi32, #tpu.memory_space<vmem>>
    %dma_start3A_60 = arith.constant 0 : i32
    %dma_start3A_61 = tpu.memref_slice %arg47[%dma_start3A_60] : memref<100000xf32, #tpu.memory_space<vmem_shared>> -> memref<100000xf32, #tpu.memory_space<vmem_shared>>
    tpu.enqueue_indirect_dma source(%dma_start3A_61 : memref<100000xf32, #tpu.memory_space<vmem_shared>>) target(%dma_start3A_57 : memref<80xf32, #tpu.memory_space<vmem>>) offsets(%dma_start3A_59 : memref<80xi32, #tpu.memory_space<vmem>>) semaphore(%arg42 : memref<!tpu.dma_semaphore, #tpu.memory_space<semaphore_mem>>)
    %dma_start3A_62 = arith.constant 0 : i32
    %dma_start3A_63 = tpu.memref_slice %arg20[%dma_start3A_62] : memref<800xf32, #tpu.memory_space<vmem>> -> memref<80xf32, #tpu.memory_space<vmem>>
    %dma_start3A_64 = arith.constant 0 : i32
    %dma_start3A_65 = tpu.memref_slice %arg13[%dma_start3A_64] : memref<800xi32, #tpu.memory_space<vmem>> -> memref<80xi32, #tpu.memory_space<vmem>>
    %dma_start3A_66 = arith.constant 0 : i32
    %dma_start3A_67 = tpu.memref_slice %arg48[%dma_start3A_66] : memref<100000xf32, #tpu.memory_space<vmem_shared>> -> memref<100000xf32, #tpu.memory_space<vmem_shared>>
    tpu.enqueue_indirect_dma source(%dma_start3A_67 : memref<100000xf32, #tpu.memory_space<vmem_shared>>) target(%dma_start3A_63 : memref<80xf32, #tpu.memory_space<vmem>>) offsets(%dma_start3A_65 : memref<80xi32, #tpu.memory_space<vmem>>) semaphore(%arg42 : memref<!tpu.dma_semaphore, #tpu.memory_space<semaphore_mem>>)
    %dma_start3A_68 = arith.constant 0 : i32
    %dma_start3A_69 = tpu.memref_slice %arg21[%dma_start3A_68] : memref<800xf32, #tpu.memory_space<vmem>> -> memref<80xf32, #tpu.memory_space<vmem>>
    %dma_start3A_70 = arith.constant 0 : i32
    %dma_start3A_71 = tpu.memref_slice %arg14[%dma_start3A_70] : memref<800xi32, #tpu.memory_space<vmem>> -> memref<80xi32, #tpu.memory_space<vmem>>
    %dma_start3A_72 = arith.constant 0 : i32
    %dma_start3A_73 = tpu.memref_slice %arg46[%dma_start3A_72] : memref<100000xf32, #tpu.memory_space<vmem_shared>> -> memref<100000xf32, #tpu.memory_space<vmem_shared>>
    tpu.enqueue_indirect_dma source(%dma_start3A_73 : memref<100000xf32, #tpu.memory_space<vmem_shared>>) target(%dma_start3A_69 : memref<80xf32, #tpu.memory_space<vmem>>) offsets(%dma_start3A_71 : memref<80xi32, #tpu.memory_space<vmem>>) semaphore(%arg42 : memref<!tpu.dma_semaphore, #tpu.memory_space<semaphore_mem>>)
    %dma_start3A_74 = arith.constant 0 : i32
    %dma_start3A_75 = tpu.memref_slice %arg22[%dma_start3A_74] : memref<800xf32, #tpu.memory_space<vmem>> -> memref<80xf32, #tpu.memory_space<vmem>>
    %dma_start3A_76 = arith.constant 0 : i32
    %dma_start3A_77 = tpu.memref_slice %arg14[%dma_start3A_76] : memref<800xi32, #tpu.memory_space<vmem>> -> memref<80xi32, #tpu.memory_space<vmem>>
    %dma_start3A_78 = arith.constant 0 : i32
    %dma_start3A_79 = tpu.memref_slice %arg47[%dma_start3A_78] : memref<100000xf32, #tpu.memory_space<vmem_shared>> -> memref<100000xf32, #tpu.memory_space<vmem_shared>>
    tpu.enqueue_indirect_dma source(%dma_start3A_79 : memref<100000xf32, #tpu.memory_space<vmem_shared>>) target(%dma_start3A_75 : memref<80xf32, #tpu.memory_space<vmem>>) offsets(%dma_start3A_77 : memref<80xi32, #tpu.memory_space<vmem>>) semaphore(%arg42 : memref<!tpu.dma_semaphore, #tpu.memory_space<semaphore_mem>>)
    %dma_start3A_80 = arith.constant 0 : i32
    %dma_start3A_81 = tpu.memref_slice %arg23[%dma_start3A_80] : memref<800xf32, #tpu.memory_space<vmem>> -> memref<80xf32, #tpu.memory_space<vmem>>
    %dma_start3A_82 = arith.constant 0 : i32
    %dma_start3A_83 = tpu.memref_slice %arg14[%dma_start3A_82] : memref<800xi32, #tpu.memory_space<vmem>> -> memref<80xi32, #tpu.memory_space<vmem>>
    %dma_start3A_84 = arith.constant 0 : i32
    %dma_start3A_85 = tpu.memref_slice %arg48[%dma_start3A_84] : memref<100000xf32, #tpu.memory_space<vmem_shared>> -> memref<100000xf32, #tpu.memory_space<vmem_shared>>
    tpu.enqueue_indirect_dma source(%dma_start3A_85 : memref<100000xf32, #tpu.memory_space<vmem_shared>>) target(%dma_start3A_81 : memref<80xf32, #tpu.memory_space<vmem>>) offsets(%dma_start3A_83 : memref<80xi32, #tpu.memory_space<vmem>>) semaphore(%arg42 : memref<!tpu.dma_semaphore, #tpu.memory_space<semaphore_mem>>)
    %dma_start3A_86 = arith.constant 0 : i32
    %dma_start3A_87 = tpu.memref_slice %arg24[%dma_start3A_86] : memref<800xf32, #tpu.memory_space<vmem>> -> memref<80xf32, #tpu.memory_space<vmem>>
    %dma_start3A_88 = arith.constant 0 : i32
    %dma_start3A_89 = tpu.memref_slice %arg14[%dma_start3A_88] : memref<800xi32, #tpu.memory_space<vmem>> -> memref<80xi32, #tpu.memory_space<vmem>>
    %dma_start3A_90 = arith.constant 0 : i32
    %dma_start3A_91 = tpu.memref_slice %arg49[%dma_start3A_90] : memref<100000xf32, #tpu.memory_space<vmem_shared>> -> memref<100000xf32, #tpu.memory_space<vmem_shared>>
    tpu.enqueue_indirect_dma source(%dma_start3A_91 : memref<100000xf32, #tpu.memory_space<vmem_shared>>) target(%dma_start3A_87 : memref<80xf32, #tpu.memory_space<vmem>>) offsets(%dma_start3A_89 : memref<80xi32, #tpu.memory_space<vmem>>) semaphore(%arg42 : memref<!tpu.dma_semaphore, #tpu.memory_space<semaphore_mem>>)
    %dma_start3A_92 = arith.constant 80 : i32
    %dma_start3A_93 = tpu.memref_slice %arg18[%dma_start3A_92] : memref<800xf32, #tpu.memory_space<vmem>> -> memref<80xf32, #tpu.memory_space<vmem>>
    %dma_start3A_94 = arith.constant 80 : i32
    %dma_start3A_95 = tpu.memref_slice %arg13[%dma_start3A_94] : memref<800xi32, #tpu.memory_space<vmem>> -> memref<80xi32, #tpu.memory_space<vmem>>
    %dma_start3A_96 = arith.constant 0 : i32
    %dma_start3A_97 = tpu.memref_slice %arg46[%dma_start3A_96] : memref<100000xf32, #tpu.memory_space<vmem_shared>> -> memref<100000xf32, #tpu.memory_space<vmem_shared>>
    tpu.enqueue_indirect_dma source(%dma_start3A_97 : memref<100000xf32, #tpu.memory_space<vmem_shared>>) target(%dma_start3A_93 : memref<80xf32, #tpu.memory_space<vmem>>) offsets(%dma_start3A_95 : memref<80xi32, #tpu.memory_space<vmem>>) semaphore(%arg42 : memref<!tpu.dma_semaphore, #tpu.memory_space<semaphore_mem>>)
    %dma_start3A_98 = arith.constant 80 : i32
    %dma_start3A_99 = tpu.memref_slice %arg19[%dma_start3A_98] : memref<800xf32, #tpu.memory_space<vmem>> -> memref<80xf32, #tpu.memory_space<vmem>>
    %dma_start3A_100 = arith.constant 80 : i32
    %dma_start3A_101 = tpu.memref_slice %arg13[%dma_start3A_100] : memref<800xi32, #tpu.memory_space<vmem>> -> memref<80xi32, #tpu.memory_space<vmem>>
    %dma_start3A_102 = arith.constant 0 : i32
    %dma_start3A_103 = tpu.memref_slice %arg47[%dma_start3A_102] : memref<100000xf32, #tpu.memory_space<vmem_shared>> -> memref<100000xf32, #tpu.memory_space<vmem_shared>>
    tpu.enqueue_indirect_dma source(%dma_start3A_103 : memref<100000xf32, #tpu.memory_space<vmem_shared>>) target(%dma_start3A_99 : memref<80xf32, #tpu.memory_space<vmem>>) offsets(%dma_start3A_101 : memref<80xi32, #tpu.memory_space<vmem>>) semaphore(%arg42 : memref<!tpu.dma_semaphore, #tpu.memory_space<semaphore_mem>>)
    %dma_start3A_104 = arith.constant 80 : i32
    %dma_start3A_105 = tpu.memref_slice %arg20[%dma_start3A_104] : memref<800xf32, #tpu.memory_space<vmem>> -> memref<80xf32, #tpu.memory_space<vmem>>
    %dma_start3A_106 = arith.constant 80 : i32
    %dma_start3A_107 = tpu.memref_slice %arg13[%dma_start3A_106] : memref<800xi32, #tpu.memory_space<vmem>> -> memref<80xi32, #tpu.memory_space<vmem>>
    %dma_start3A_108 = arith.constant 0 : i32
    %dma_start3A_109 = tpu.memref_slice %arg48[%dma_start3A_108] : memref<100000xf32, #tpu.memory_space<vmem_shared>> -> memref<100000xf32, #tpu.memory_space<vmem_shared>>
    tpu.enqueue_indirect_dma source(%dma_start3A_109 : memref<100000xf32, #tpu.memory_space<vmem_shared>>) target(%dma_start3A_105 : memref<80xf32, #tpu.memory_space<vmem>>) offsets(%dma_start3A_107 : memref<80xi32, #tpu.memory_space<vmem>>) semaphore(%arg42 : memref<!tpu.dma_semaphore, #tpu.memory_space<semaphore_mem>>)
    %dma_start3A_110 = arith.constant 80 : i32
    %dma_start3A_111 = tpu.memref_slice %arg21[%dma_start3A_110] : memref<800xf32, #tpu.memory_space<vmem>> -> memref<80xf32, #tpu.memory_space<vmem>>
    %dma_start3A_112 = arith.constant 80 : i32
    %dma_start3A_113 = tpu.memref_slice %arg14[%dma_start3A_112] : memref<800xi32, #tpu.memory_space<vmem>> -> memref<80xi32, #tpu.memory_space<vmem>>
    %dma_start3A_114 = arith.constant 0 : i32
    %dma_start3A_115 = tpu.memref_slice %arg46[%dma_start3A_114] : memref<100000xf32, #tpu.memory_space<vmem_shared>> -> memref<100000xf32, #tpu.memory_space<vmem_shared>>
    tpu.enqueue_indirect_dma source(%dma_start3A_115 : memref<100000xf32, #tpu.memory_space<vmem_shared>>) target(%dma_start3A_111 : memref<80xf32, #tpu.memory_space<vmem>>) offsets(%dma_start3A_113 : memref<80xi32, #tpu.memory_space<vmem>>) semaphore(%arg42 : memref<!tpu.dma_semaphore, #tpu.memory_space<semaphore_mem>>)
    %dma_start3A_116 = arith.constant 80 : i32
    %dma_start3A_117 = tpu.memref_slice %arg22[%dma_start3A_116] : memref<800xf32, #tpu.memory_space<vmem>> -> memref<80xf32, #tpu.memory_space<vmem>>
    %dma_start3A_118 = arith.constant 80 : i32
    %dma_start3A_119 = tpu.memref_slice %arg14[%dma_start3A_118] : memref<800xi32, #tpu.memory_space<vmem>> -> memref<80xi32, #tpu.memory_space<vmem>>
    %dma_start3A_120 = arith.constant 0 : i32
    %dma_start3A_121 = tpu.memref_slice %arg47[%dma_start3A_120] : memref<100000xf32, #tpu.memory_space<vmem_shared>> -> memref<100000xf32, #tpu.memory_space<vmem_shared>>
    tpu.enqueue_indirect_dma source(%dma_start3A_121 : memref<100000xf32, #tpu.memory_space<vmem_shared>>) target(%dma_start3A_117 : memref<80xf32, #tpu.memory_space<vmem>>) offsets(%dma_start3A_119 : memref<80xi32, #tpu.memory_space<vmem>>) semaphore(%arg42 : memref<!tpu.dma_semaphore, #tpu.memory_space<semaphore_mem>>)
    %dma_start3A_122 = arith.constant 80 : i32
    %dma_start3A_123 = tpu.memref_slice %arg23[%dma_start3A_122] : memref<800xf32, #tpu.memory_space<vmem>> -> memref<80xf32, #tpu.memory_space<vmem>>
    %dma_start3A_124 = arith.constant 80 : i32
    %dma_start3A_125 = tpu.memref_slice %arg14[%dma_start3A_124] : memref<800xi32, #tpu.memory_space<vmem>> -> memref<80xi32, #tpu.memory_space<vmem>>
    %dma_start3A_126 = arith.constant 0 : i32
    %dma_start3A_127 = tpu.memref_slice %arg48[%dma_start3A_126] : memref<100000xf32, #tpu.memory_space<vmem_shared>> -> memref<100000xf32, #tpu.memory_space<vmem_shared>>
    tpu.enqueue_indirect_dma source(%dma_start3A_127 : memref<100000xf32, #tpu.memory_space<vmem_shared>>) target(%dma_start3A_123 : memref<80xf32, #tpu.memory_space<vmem>>) offsets(%dma_start3A_125 : memref<80xi32, #tpu.memory_space<vmem>>) semaphore(%arg42 : memref<!tpu.dma_semaphore, #tpu.memory_space<semaphore_mem>>)
    %dma_start3A_128 = arith.constant 80 : i32
    %dma_start3A_129 = tpu.memref_slice %arg24[%dma_start3A_128] : memref<800xf32, #tpu.memory_space<vmem>> -> memref<80xf32, #tpu.memory_space<vmem>>
    %dma_start3A_130 = arith.constant 80 : i32
    %dma_start3A_131 = tpu.memref_slice %arg14[%dma_start3A_130] : memref<800xi32, #tpu.memory_space<vmem>> -> memref<80xi32, #tpu.memory_space<vmem>>
    %dma_start3A_132 = arith.constant 0 : i32
    %dma_start3A_133 = tpu.memref_slice %arg49[%dma_start3A_132] : memref<100000xf32, #tpu.memory_space<vmem_shared>> -> memref<100000xf32, #tpu.memory_space<vmem_shared>>
    tpu.enqueue_indirect_dma source(%dma_start3A_133 : memref<100000xf32, #tpu.memory_space<vmem_shared>>) target(%dma_start3A_129 : memref<80xf32, #tpu.memory_space<vmem>>) offsets(%dma_start3A_131 : memref<80xi32, #tpu.memory_space<vmem>>) semaphore(%arg42 : memref<!tpu.dma_semaphore, #tpu.memory_space<semaphore_mem>>)
    %dma_start3A_134 = arith.constant 160 : i32
    %dma_start3A_135 = tpu.memref_slice %arg18[%dma_start3A_134] : memref<800xf32, #tpu.memory_space<vmem>> -> memref<80xf32, #tpu.memory_space<vmem>>
    %dma_start3A_136 = arith.constant 160 : i32
    %dma_start3A_137 = tpu.memref_slice %arg13[%dma_start3A_136] : memref<800xi32, #tpu.memory_space<vmem>> -> memref<80xi32, #tpu.memory_space<vmem>>
    %dma_start3A_138 = arith.constant 0 : i32
    %dma_start3A_139 = tpu.memref_slice %arg46[%dma_start3A_138] : memref<100000xf32, #tpu.memory_space<vmem_shared>> -> memref<100000xf32, #tpu.memory_space<vmem_shared>>
    tpu.enqueue_indirect_dma source(%dma_start3A_139 : memref<100000xf32, #tpu.memory_space<vmem_shared>>) target(%dma_start3A_135 : memref<80xf32, #tpu.memory_space<vmem>>) offsets(%dma_start3A_137 : memref<80xi32, #tpu.memory_space<vmem>>) semaphore(%arg42 : memref<!tpu.dma_semaphore, #tpu.memory_space<semaphore_mem>>)
    %dma_start3A_140 = arith.constant 160 : i32
    %dma_start3A_141 = tpu.memref_slice %arg19[%dma_start3A_140] : memref<800xf32, #tpu.memory_space<vmem>> -> memref<80xf32, #tpu.memory_space<vmem>>
    %dma_start3A_142 = arith.constant 160 : i32
    %dma_start3A_143 = tpu.memref_slice %arg13[%dma_start3A_142] : memref<800xi32, #tpu.memory_space<vmem>> -> memref<80xi32, #tpu.memory_space<vmem>>
    %dma_start3A_144 = arith.constant 0 : i32
    %dma_start3A_145 = tpu.memref_slice %arg47[%dma_start3A_144] : memref<100000xf32, #tpu.memory_space<vmem_shared>> -> memref<100000xf32, #tpu.memory_space<vmem_shared>>
    tpu.enqueue_indirect_dma source(%dma_start3A_145 : memref<100000xf32, #tpu.memory_space<vmem_shared>>) target(%dma_start3A_141 : memref<80xf32, #tpu.memory_space<vmem>>) offsets(%dma_start3A_143 : memref<80xi32, #tpu.memory_space<vmem>>) semaphore(%arg42 : memref<!tpu.dma_semaphore, #tpu.memory_space<semaphore_mem>>)
    %dma_start3A_146 = arith.constant 160 : i32
    %dma_start3A_147 = tpu.memref_slice %arg20[%dma_start3A_146] : memref<800xf32, #tpu.memory_space<vmem>> -> memref<80xf32, #tpu.memory_space<vmem>>
    %dma_start3A_148 = arith.constant 160 : i32
    %dma_start3A_149 = tpu.memref_slice %arg13[%dma_start3A_148] : memref<800xi32, #tpu.memory_space<vmem>> -> memref<80xi32, #tpu.memory_space<vmem>>
    %dma_start3A_150 = arith.constant 0 : i32
    %dma_start3A_151 = tpu.memref_slice %arg48[%dma_start3A_150] : memref<100000xf32, #tpu.memory_space<vmem_shared>> -> memref<100000xf32, #tpu.memory_space<vmem_shared>>
    tpu.enqueue_indirect_dma source(%dma_start3A_151 : memref<100000xf32, #tpu.memory_space<vmem_shared>>) target(%dma_start3A_147 : memref<80xf32, #tpu.memory_space<vmem>>) offsets(%dma_start3A_149 : memref<80xi32, #tpu.memory_space<vmem>>) semaphore(%arg42 : memref<!tpu.dma_semaphore, #tpu.memory_space<semaphore_mem>>)
    %dma_start3A_152 = arith.constant 160 : i32
    %dma_start3A_153 = tpu.memref_slice %arg21[%dma_start3A_152] : memref<800xf32, #tpu.memory_space<vmem>> -> memref<80xf32, #tpu.memory_space<vmem>>
    %dma_start3A_154 = arith.constant 160 : i32
    %dma_start3A_155 = tpu.memref_slice %arg14[%dma_start3A_154] : memref<800xi32, #tpu.memory_space<vmem>> -> memref<80xi32, #tpu.memory_space<vmem>>
    %dma_start3A_156 = arith.constant 0 : i32
    %dma_start3A_157 = tpu.memref_slice %arg46[%dma_start3A_156] : memref<100000xf32, #tpu.memory_space<vmem_shared>> -> memref<100000xf32, #tpu.memory_space<vmem_shared>>
    tpu.enqueue_indirect_dma source(%dma_start3A_157 : memref<100000xf32, #tpu.memory_space<vmem_shared>>) target(%dma_start3A_153 : memref<80xf32, #tpu.memory_space<vmem>>) offsets(%dma_start3A_155 : memref<80xi32, #tpu.memory_space<vmem>>) semaphore(%arg42 : memref<!tpu.dma_semaphore, #tpu.memory_space<semaphore_mem>>)
    %dma_start3A_158 = arith.constant 160 : i32
    %dma_start3A_159 = tpu.memref_slice %arg22[%dma_start3A_158] : memref<800xf32, #tpu.memory_space<vmem>> -> memref<80xf32, #tpu.memory_space<vmem>>
    %dma_start3A_160 = arith.constant 160 : i32
    %dma_start3A_161 = tpu.memref_slice %arg14[%dma_start3A_160] : memref<800xi32, #tpu.memory_space<vmem>> -> memref<80xi32, #tpu.memory_space<vmem>>
    %dma_start3A_162 = arith.constant 0 : i32
    %dma_start3A_163 = tpu.memref_slice %arg47[%dma_start3A_162] : memref<100000xf32, #tpu.memory_space<vmem_shared>> -> memref<100000xf32, #tpu.memory_space<vmem_shared>>
    tpu.enqueue_indirect_dma source(%dma_start3A_163 : memref<100000xf32, #tpu.memory_space<vmem_shared>>) target(%dma_start3A_159 : memref<80xf32, #tpu.memory_space<vmem>>) offsets(%dma_start3A_161 : memref<80xi32, #tpu.memory_space<vmem>>) semaphore(%arg42 : memref<!tpu.dma_semaphore, #tpu.memory_space<semaphore_mem>>)
    %dma_start3A_164 = arith.constant 160 : i32
    %dma_start3A_165 = tpu.memref_slice %arg23[%dma_start3A_164] : memref<800xf32, #tpu.memory_space<vmem>> -> memref<80xf32, #tpu.memory_space<vmem>>
    %dma_start3A_166 = arith.constant 160 : i32
    %dma_start3A_167 = tpu.memref_slice %arg14[%dma_start3A_166] : memref<800xi32, #tpu.memory_space<vmem>> -> memref<80xi32, #tpu.memory_space<vmem>>
    %dma_start3A_168 = arith.constant 0 : i32
    %dma_start3A_169 = tpu.memref_slice %arg48[%dma_start3A_168] : memref<100000xf32, #tpu.memory_space<vmem_shared>> -> memref<100000xf32, #tpu.memory_space<vmem_shared>>
    tpu.enqueue_indirect_dma source(%dma_start3A_169 : memref<100000xf32, #tpu.memory_space<vmem_shared>>) target(%dma_start3A_165 : memref<80xf32, #tpu.memory_space<vmem>>) offsets(%dma_start3A_167 : memref<80xi32, #tpu.memory_space<vmem>>) semaphore(%arg42 : memref<!tpu.dma_semaphore, #tpu.memory_space<semaphore_mem>>)
    %dma_start3A_170 = arith.constant 160 : i32
    %dma_start3A_171 = tpu.memref_slice %arg24[%dma_start3A_170] : memref<800xf32, #tpu.memory_space<vmem>> -> memref<80xf32, #tpu.memory_space<vmem>>
    %dma_start3A_172 = arith.constant 160 : i32
    %dma_start3A_173 = tpu.memref_slice %arg14[%dma_start3A_172] : memref<800xi32, #tpu.memory_space<vmem>> -> memref<80xi32, #tpu.memory_space<vmem>>
    %dma_start3A_174 = arith.constant 0 : i32
    %dma_start3A_175 = tpu.memref_slice %arg49[%dma_start3A_174] : memref<100000xf32, #tpu.memory_space<vmem_shared>> -> memref<100000xf32, #tpu.memory_space<vmem_shared>>
    tpu.enqueue_indirect_dma source(%dma_start3A_175 : memref<100000xf32, #tpu.memory_space<vmem_shared>>) target(%dma_start3A_171 : memref<80xf32, #tpu.memory_space<vmem>>) offsets(%dma_start3A_173 : memref<80xi32, #tpu.memory_space<vmem>>) semaphore(%arg42 : memref<!tpu.dma_semaphore, #tpu.memory_space<semaphore_mem>>)
    %dma_start3A_176 = arith.constant 240 : i32
    %dma_start3A_177 = tpu.memref_slice %arg18[%dma_start3A_176] : memref<800xf32, #tpu.memory_space<vmem>> -> memref<80xf32, #tpu.memory_space<vmem>>
    %dma_start3A_178 = arith.constant 240 : i32
    %dma_start3A_179 = tpu.memref_slice %arg13[%dma_start3A_178] : memref<800xi32, #tpu.memory_space<vmem>> -> memref<80xi32, #tpu.memory_space<vmem>>
    %dma_start3A_180 = arith.constant 0 : i32
    %dma_start3A_181 = tpu.memref_slice %arg46[%dma_start3A_180] : memref<100000xf32, #tpu.memory_space<vmem_shared>> -> memref<100000xf32, #tpu.memory_space<vmem_shared>>
    tpu.enqueue_indirect_dma source(%dma_start3A_181 : memref<100000xf32, #tpu.memory_space<vmem_shared>>) target(%dma_start3A_177 : memref<80xf32, #tpu.memory_space<vmem>>) offsets(%dma_start3A_179 : memref<80xi32, #tpu.memory_space<vmem>>) semaphore(%arg42 : memref<!tpu.dma_semaphore, #tpu.memory_space<semaphore_mem>>)
    %dma_start3A_182 = arith.constant 240 : i32
    %dma_start3A_183 = tpu.memref_slice %arg19[%dma_start3A_182] : memref<800xf32, #tpu.memory_space<vmem>> -> memref<80xf32, #tpu.memory_space<vmem>>
    %dma_start3A_184 = arith.constant 240 : i32
    %dma_start3A_185 = tpu.memref_slice %arg13[%dma_start3A_184] : memref<800xi32, #tpu.memory_space<vmem>> -> memref<80xi32, #tpu.memory_space<vmem>>
    %dma_start3A_186 = arith.constant 0 : i32
    %dma_start3A_187 = tpu.memref_slice %arg47[%dma_start3A_186] : memref<100000xf32, #tpu.memory_space<vmem_shared>> -> memref<100000xf32, #tpu.memory_space<vmem_shared>>
    tpu.enqueue_indirect_dma source(%dma_start3A_187 : memref<100000xf32, #tpu.memory_space<vmem_shared>>) target(%dma_start3A_183 : memref<80xf32, #tpu.memory_space<vmem>>) offsets(%dma_start3A_185 : memref<80xi32, #tpu.memory_space<vmem>>) semaphore(%arg42 : memref<!tpu.dma_semaphore, #tpu.memory_space<semaphore_mem>>)
    %dma_start3A_188 = arith.constant 240 : i32
    %dma_start3A_189 = tpu.memref_slice %arg20[%dma_start3A_188] : memref<800xf32, #tpu.memory_space<vmem>> -> memref<80xf32, #tpu.memory_space<vmem>>
    %dma_start3A_190 = arith.constant 240 : i32
    %dma_start3A_191 = tpu.memref_slice %arg13[%dma_start3A_190] : memref<800xi32, #tpu.memory_space<vmem>> -> memref<80xi32, #tpu.memory_space<vmem>>
    %dma_start3A_192 = arith.constant 0 : i32
    %dma_start3A_193 = tpu.memref_slice %arg48[%dma_start3A_192] : memref<100000xf32, #tpu.memory_space<vmem_shared>> -> memref<100000xf32, #tpu.memory_space<vmem_shared>>
    tpu.enqueue_indirect_dma source(%dma_start3A_193 : memref<100000xf32, #tpu.memory_space<vmem_shared>>) target(%dma_start3A_189 : memref<80xf32, #tpu.memory_space<vmem>>) offsets(%dma_start3A_191 : memref<80xi32, #tpu.memory_space<vmem>>) semaphore(%arg42 : memref<!tpu.dma_semaphore, #tpu.memory_space<semaphore_mem>>)
    %dma_start3A_194 = arith.constant 240 : i32
    %dma_start3A_195 = tpu.memref_slice %arg21[%dma_start3A_194] : memref<800xf32, #tpu.memory_space<vmem>> -> memref<80xf32, #tpu.memory_space<vmem>>
    %dma_start3A_196 = arith.constant 240 : i32
    %dma_start3A_197 = tpu.memref_slice %arg14[%dma_start3A_196] : memref<800xi32, #tpu.memory_space<vmem>> -> memref<80xi32, #tpu.memory_space<vmem>>
    %dma_start3A_198 = arith.constant 0 : i32
    %dma_start3A_199 = tpu.memref_slice %arg46[%dma_start3A_198] : memref<100000xf32, #tpu.memory_space<vmem_shared>> -> memref<100000xf32, #tpu.memory_space<vmem_shared>>
    tpu.enqueue_indirect_dma source(%dma_start3A_199 : memref<100000xf32, #tpu.memory_space<vmem_shared>>) target(%dma_start3A_195 : memref<80xf32, #tpu.memory_space<vmem>>) offsets(%dma_start3A_197 : memref<80xi32, #tpu.memory_space<vmem>>) semaphore(%arg42 : memref<!tpu.dma_semaphore, #tpu.memory_space<semaphore_mem>>)
    %dma_start3A_200 = arith.constant 240 : i32
    %dma_start3A_201 = tpu.memref_slice %arg22[%dma_start3A_200] : memref<800xf32, #tpu.memory_space<vmem>> -> memref<80xf32, #tpu.memory_space<vmem>>
    %dma_start3A_202 = arith.constant 240 : i32
    %dma_start3A_203 = tpu.memref_slice %arg14[%dma_start3A_202] : memref<800xi32, #tpu.memory_space<vmem>> -> memref<80xi32, #tpu.memory_space<vmem>>
    %dma_start3A_204 = arith.constant 0 : i32
    %dma_start3A_205 = tpu.memref_slice %arg47[%dma_start3A_204] : memref<100000xf32, #tpu.memory_space<vmem_shared>> -> memref<100000xf32, #tpu.memory_space<vmem_shared>>
    tpu.enqueue_indirect_dma source(%dma_start3A_205 : memref<100000xf32, #tpu.memory_space<vmem_shared>>) target(%dma_start3A_201 : memref<80xf32, #tpu.memory_space<vmem>>) offsets(%dma_start3A_203 : memref<80xi32, #tpu.memory_space<vmem>>) semaphore(%arg42 : memref<!tpu.dma_semaphore, #tpu.memory_space<semaphore_mem>>)
    %dma_start3A_206 = arith.constant 240 : i32
    %dma_start3A_207 = tpu.memref_slice %arg23[%dma_start3A_206] : memref<800xf32, #tpu.memory_space<vmem>> -> memref<80xf32, #tpu.memory_space<vmem>>
    %dma_start3A_208 = arith.constant 240 : i32
    %dma_start3A_209 = tpu.memref_slice %arg14[%dma_start3A_208] : memref<800xi32, #tpu.memory_space<vmem>> -> memref<80xi32, #tpu.memory_space<vmem>>
    %dma_start3A_210 = arith.constant 0 : i32
    %dma_start3A_211 = tpu.memref_slice %arg48[%dma_start3A_210] : memref<100000xf32, #tpu.memory_space<vmem_shared>> -> memref<100000xf32, #tpu.memory_space<vmem_shared>>
    tpu.enqueue_indirect_dma source(%dma_start3A_211 : memref<100000xf32, #tpu.memory_space<vmem_shared>>) target(%dma_start3A_207 : memref<80xf32, #tpu.memory_space<vmem>>) offsets(%dma_start3A_209 : memref<80xi32, #tpu.memory_space<vmem>>) semaphore(%arg42 : memref<!tpu.dma_semaphore, #tpu.memory_space<semaphore_mem>>)
    %dma_start3A_212 = arith.constant 240 : i32
    %dma_start3A_213 = tpu.memref_slice %arg24[%dma_start3A_212] : memref<800xf32, #tpu.memory_space<vmem>> -> memref<80xf32, #tpu.memory_space<vmem>>
    %dma_start3A_214 = arith.constant 240 : i32
    %dma_start3A_215 = tpu.memref_slice %arg14[%dma_start3A_214] : memref<800xi32, #tpu.memory_space<vmem>> -> memref<80xi32, #tpu.memory_space<vmem>>
    %dma_start3A_216 = arith.constant 0 : i32
    %dma_start3A_217 = tpu.memref_slice %arg49[%dma_start3A_216] : memref<100000xf32, #tpu.memory_space<vmem_shared>> -> memref<100000xf32, #tpu.memory_space<vmem_shared>>
    tpu.enqueue_indirect_dma source(%dma_start3A_217 : memref<100000xf32, #tpu.memory_space<vmem_shared>>) target(%dma_start3A_213 : memref<80xf32, #tpu.memory_space<vmem>>) offsets(%dma_start3A_215 : memref<80xi32, #tpu.memory_space<vmem>>) semaphore(%arg42 : memref<!tpu.dma_semaphore, #tpu.memory_space<semaphore_mem>>)
    %dma_start3A_218 = arith.constant 320 : i32
    %dma_start3A_219 = tpu.memref_slice %arg18[%dma_start3A_218] : memref<800xf32, #tpu.memory_space<vmem>> -> memref<80xf32, #tpu.memory_space<vmem>>
    %dma_start3A_220 = arith.constant 320 : i32
    %dma_start3A_221 = tpu.memref_slice %arg13[%dma_start3A_220] : memref<800xi32, #tpu.memory_space<vmem>> -> memref<80xi32, #tpu.memory_space<vmem>>
    %dma_start3A_222 = arith.constant 0 : i32
    %dma_start3A_223 = tpu.memref_slice %arg46[%dma_start3A_222] : memref<100000xf32, #tpu.memory_space<vmem_shared>> -> memref<100000xf32, #tpu.memory_space<vmem_shared>>
    tpu.enqueue_indirect_dma source(%dma_start3A_223 : memref<100000xf32, #tpu.memory_space<vmem_shared>>) target(%dma_start3A_219 : memref<80xf32, #tpu.memory_space<vmem>>) offsets(%dma_start3A_221 : memref<80xi32, #tpu.memory_space<vmem>>) semaphore(%arg42 : memref<!tpu.dma_semaphore, #tpu.memory_space<semaphore_mem>>)
    %dma_start3A_224 = arith.constant 320 : i32
    %dma_start3A_225 = tpu.memref_slice %arg19[%dma_start3A_224] : memref<800xf32, #tpu.memory_space<vmem>> -> memref<80xf32, #tpu.memory_space<vmem>>
    %dma_start3A_226 = arith.constant 320 : i32
    %dma_start3A_227 = tpu.memref_slice %arg13[%dma_start3A_226] : memref<800xi32, #tpu.memory_space<vmem>> -> memref<80xi32, #tpu.memory_space<vmem>>
    %dma_start3A_228 = arith.constant 0 : i32
    %dma_start3A_229 = tpu.memref_slice %arg47[%dma_start3A_228] : memref<100000xf32, #tpu.memory_space<vmem_shared>> -> memref<100000xf32, #tpu.memory_space<vmem_shared>>
    tpu.enqueue_indirect_dma source(%dma_start3A_229 : memref<100000xf32, #tpu.memory_space<vmem_shared>>) target(%dma_start3A_225 : memref<80xf32, #tpu.memory_space<vmem>>) offsets(%dma_start3A_227 : memref<80xi32, #tpu.memory_space<vmem>>) semaphore(%arg42 : memref<!tpu.dma_semaphore, #tpu.memory_space<semaphore_mem>>)
    %dma_start3A_230 = arith.constant 320 : i32
    %dma_start3A_231 = tpu.memref_slice %arg20[%dma_start3A_230] : memref<800xf32, #tpu.memory_space<vmem>> -> memref<80xf32, #tpu.memory_space<vmem>>
    %dma_start3A_232 = arith.constant 320 : i32
    %dma_start3A_233 = tpu.memref_slice %arg13[%dma_start3A_232] : memref<800xi32, #tpu.memory_space<vmem>> -> memref<80xi32, #tpu.memory_space<vmem>>
    %dma_start3A_234 = arith.constant 0 : i32
    %dma_start3A_235 = tpu.memref_slice %arg48[%dma_start3A_234] : memref<100000xf32, #tpu.memory_space<vmem_shared>> -> memref<100000xf32, #tpu.memory_space<vmem_shared>>
    tpu.enqueue_indirect_dma source(%dma_start3A_235 : memref<100000xf32, #tpu.memory_space<vmem_shared>>) target(%dma_start3A_231 : memref<80xf32, #tpu.memory_space<vmem>>) offsets(%dma_start3A_233 : memref<80xi32, #tpu.memory_space<vmem>>) semaphore(%arg42 : memref<!tpu.dma_semaphore, #tpu.memory_space<semaphore_mem>>)
    %dma_start3A_236 = arith.constant 320 : i32
    %dma_start3A_237 = tpu.memref_slice %arg21[%dma_start3A_236] : memref<800xf32, #tpu.memory_space<vmem>> -> memref<80xf32, #tpu.memory_space<vmem>>
    %dma_start3A_238 = arith.constant 320 : i32
    %dma_start3A_239 = tpu.memref_slice %arg14[%dma_start3A_238] : memref<800xi32, #tpu.memory_space<vmem>> -> memref<80xi32, #tpu.memory_space<vmem>>
    %dma_start3A_240 = arith.constant 0 : i32
    %dma_start3A_241 = tpu.memref_slice %arg46[%dma_start3A_240] : memref<100000xf32, #tpu.memory_space<vmem_shared>> -> memref<100000xf32, #tpu.memory_space<vmem_shared>>
    tpu.enqueue_indirect_dma source(%dma_start3A_241 : memref<100000xf32, #tpu.memory_space<vmem_shared>>) target(%dma_start3A_237 : memref<80xf32, #tpu.memory_space<vmem>>) offsets(%dma_start3A_239 : memref<80xi32, #tpu.memory_space<vmem>>) semaphore(%arg42 : memref<!tpu.dma_semaphore, #tpu.memory_space<semaphore_mem>>)
    %dma_start3A_242 = arith.constant 320 : i32
    %dma_start3A_243 = tpu.memref_slice %arg22[%dma_start3A_242] : memref<800xf32, #tpu.memory_space<vmem>> -> memref<80xf32, #tpu.memory_space<vmem>>
    %dma_start3A_244 = arith.constant 320 : i32
    %dma_start3A_245 = tpu.memref_slice %arg14[%dma_start3A_244] : memref<800xi32, #tpu.memory_space<vmem>> -> memref<80xi32, #tpu.memory_space<vmem>>
    %dma_start3A_246 = arith.constant 0 : i32
    %dma_start3A_247 = tpu.memref_slice %arg47[%dma_start3A_246] : memref<100000xf32, #tpu.memory_space<vmem_shared>> -> memref<100000xf32, #tpu.memory_space<vmem_shared>>
    tpu.enqueue_indirect_dma source(%dma_start3A_247 : memref<100000xf32, #tpu.memory_space<vmem_shared>>) target(%dma_start3A_243 : memref<80xf32, #tpu.memory_space<vmem>>) offsets(%dma_start3A_245 : memref<80xi32, #tpu.memory_space<vmem>>) semaphore(%arg42 : memref<!tpu.dma_semaphore, #tpu.memory_space<semaphore_mem>>)
    %dma_start3A_248 = arith.constant 320 : i32
    %dma_start3A_249 = tpu.memref_slice %arg23[%dma_start3A_248] : memref<800xf32, #tpu.memory_space<vmem>> -> memref<80xf32, #tpu.memory_space<vmem>>
    %dma_start3A_250 = arith.constant 320 : i32
    %dma_start3A_251 = tpu.memref_slice %arg14[%dma_start3A_250] : memref<800xi32, #tpu.memory_space<vmem>> -> memref<80xi32, #tpu.memory_space<vmem>>
    %dma_start3A_252 = arith.constant 0 : i32
    %dma_start3A_253 = tpu.memref_slice %arg48[%dma_start3A_252] : memref<100000xf32, #tpu.memory_space<vmem_shared>> -> memref<100000xf32, #tpu.memory_space<vmem_shared>>
    tpu.enqueue_indirect_dma source(%dma_start3A_253 : memref<100000xf32, #tpu.memory_space<vmem_shared>>) target(%dma_start3A_249 : memref<80xf32, #tpu.memory_space<vmem>>) offsets(%dma_start3A_251 : memref<80xi32, #tpu.memory_space<vmem>>) semaphore(%arg42 : memref<!tpu.dma_semaphore, #tpu.memory_space<semaphore_mem>>)
    %dma_start3A_254 = arith.constant 320 : i32
    %dma_start3A_255 = tpu.memref_slice %arg24[%dma_start3A_254] : memref<800xf32, #tpu.memory_space<vmem>> -> memref<80xf32, #tpu.memory_space<vmem>>
    %dma_start3A_256 = arith.constant 320 : i32
    %dma_start3A_257 = tpu.memref_slice %arg14[%dma_start3A_256] : memref<800xi32, #tpu.memory_space<vmem>> -> memref<80xi32, #tpu.memory_space<vmem>>
    %dma_start3A_258 = arith.constant 0 : i32
    %dma_start3A_259 = tpu.memref_slice %arg49[%dma_start3A_258] : memref<100000xf32, #tpu.memory_space<vmem_shared>> -> memref<100000xf32, #tpu.memory_space<vmem_shared>>
    tpu.enqueue_indirect_dma source(%dma_start3A_259 : memref<100000xf32, #tpu.memory_space<vmem_shared>>) target(%dma_start3A_255 : memref<80xf32, #tpu.memory_space<vmem>>) offsets(%dma_start3A_257 : memref<80xi32, #tpu.memory_space<vmem>>) semaphore(%arg42 : memref<!tpu.dma_semaphore, #tpu.memory_space<semaphore_mem>>)
    %dma_start3A_260 = arith.constant 400 : i32
    %dma_start3A_261 = tpu.memref_slice %arg18[%dma_start3A_260] : memref<800xf32, #tpu.memory_space<vmem>> -> memref<80xf32, #tpu.memory_space<vmem>>
    %dma_start3A_262 = arith.constant 400 : i32
    %dma_start3A_263 = tpu.memref_slice %arg13[%dma_start3A_262] : memref<800xi32, #tpu.memory_space<vmem>> -> memref<80xi32, #tpu.memory_space<vmem>>
    %dma_start3A_264 = arith.constant 0 : i32
    %dma_start3A_265 = tpu.memref_slice %arg46[%dma_start3A_264] : memref<100000xf32, #tpu.memory_space<vmem_shared>> -> memref<100000xf32, #tpu.memory_space<vmem_shared>>
    tpu.enqueue_indirect_dma source(%dma_start3A_265 : memref<100000xf32, #tpu.memory_space<vmem_shared>>) target(%dma_start3A_261 : memref<80xf32, #tpu.memory_space<vmem>>) offsets(%dma_start3A_263 : memref<80xi32, #tpu.memory_space<vmem>>) semaphore(%arg42 : memref<!tpu.dma_semaphore, #tpu.memory_space<semaphore_mem>>)
    %dma_start3A_266 = arith.constant 400 : i32
    %dma_start3A_267 = tpu.memref_slice %arg19[%dma_start3A_266] : memref<800xf32, #tpu.memory_space<vmem>> -> memref<80xf32, #tpu.memory_space<vmem>>
    %dma_start3A_268 = arith.constant 400 : i32
    %dma_start3A_269 = tpu.memref_slice %arg13[%dma_start3A_268] : memref<800xi32, #tpu.memory_space<vmem>> -> memref<80xi32, #tpu.memory_space<vmem>>
    %dma_start3A_270 = arith.constant 0 : i32
    %dma_start3A_271 = tpu.memref_slice %arg47[%dma_start3A_270] : memref<100000xf32, #tpu.memory_space<vmem_shared>> -> memref<100000xf32, #tpu.memory_space<vmem_shared>>
    tpu.enqueue_indirect_dma source(%dma_start3A_271 : memref<100000xf32, #tpu.memory_space<vmem_shared>>) target(%dma_start3A_267 : memref<80xf32, #tpu.memory_space<vmem>>) offsets(%dma_start3A_269 : memref<80xi32, #tpu.memory_space<vmem>>) semaphore(%arg42 : memref<!tpu.dma_semaphore, #tpu.memory_space<semaphore_mem>>)
    %dma_start3A_272 = arith.constant 400 : i32
    %dma_start3A_273 = tpu.memref_slice %arg20[%dma_start3A_272] : memref<800xf32, #tpu.memory_space<vmem>> -> memref<80xf32, #tpu.memory_space<vmem>>
    %dma_start3A_274 = arith.constant 400 : i32
    %dma_start3A_275 = tpu.memref_slice %arg13[%dma_start3A_274] : memref<800xi32, #tpu.memory_space<vmem>> -> memref<80xi32, #tpu.memory_space<vmem>>
    %dma_start3A_276 = arith.constant 0 : i32
    %dma_start3A_277 = tpu.memref_slice %arg48[%dma_start3A_276] : memref<100000xf32, #tpu.memory_space<vmem_shared>> -> memref<100000xf32, #tpu.memory_space<vmem_shared>>
    tpu.enqueue_indirect_dma source(%dma_start3A_277 : memref<100000xf32, #tpu.memory_space<vmem_shared>>) target(%dma_start3A_273 : memref<80xf32, #tpu.memory_space<vmem>>) offsets(%dma_start3A_275 : memref<80xi32, #tpu.memory_space<vmem>>) semaphore(%arg42 : memref<!tpu.dma_semaphore, #tpu.memory_space<semaphore_mem>>)
    %dma_start3A_278 = arith.constant 400 : i32
    %dma_start3A_279 = tpu.memref_slice %arg21[%dma_start3A_278] : memref<800xf32, #tpu.memory_space<vmem>> -> memref<80xf32, #tpu.memory_space<vmem>>
    %dma_start3A_280 = arith.constant 400 : i32
    %dma_start3A_281 = tpu.memref_slice %arg14[%dma_start3A_280] : memref<800xi32, #tpu.memory_space<vmem>> -> memref<80xi32, #tpu.memory_space<vmem>>
    %dma_start3A_282 = arith.constant 0 : i32
    %dma_start3A_283 = tpu.memref_slice %arg46[%dma_start3A_282] : memref<100000xf32, #tpu.memory_space<vmem_shared>> -> memref<100000xf32, #tpu.memory_space<vmem_shared>>
    tpu.enqueue_indirect_dma source(%dma_start3A_283 : memref<100000xf32, #tpu.memory_space<vmem_shared>>) target(%dma_start3A_279 : memref<80xf32, #tpu.memory_space<vmem>>) offsets(%dma_start3A_281 : memref<80xi32, #tpu.memory_space<vmem>>) semaphore(%arg42 : memref<!tpu.dma_semaphore, #tpu.memory_space<semaphore_mem>>)
    %dma_start3A_284 = arith.constant 400 : i32
    %dma_start3A_285 = tpu.memref_slice %arg22[%dma_start3A_284] : memref<800xf32, #tpu.memory_space<vmem>> -> memref<80xf32, #tpu.memory_space<vmem>>
    %dma_start3A_286 = arith.constant 400 : i32
    %dma_start3A_287 = tpu.memref_slice %arg14[%dma_start3A_286] : memref<800xi32, #tpu.memory_space<vmem>> -> memref<80xi32, #tpu.memory_space<vmem>>
    %dma_start3A_288 = arith.constant 0 : i32
    %dma_start3A_289 = tpu.memref_slice %arg47[%dma_start3A_288] : memref<100000xf32, #tpu.memory_space<vmem_shared>> -> memref<100000xf32, #tpu.memory_space<vmem_shared>>
    tpu.enqueue_indirect_dma source(%dma_start3A_289 : memref<100000xf32, #tpu.memory_space<vmem_shared>>) target(%dma_start3A_285 : memref<80xf32, #tpu.memory_space<vmem>>) offsets(%dma_start3A_287 : memref<80xi32, #tpu.memory_space<vmem>>) semaphore(%arg42 : memref<!tpu.dma_semaphore, #tpu.memory_space<semaphore_mem>>)
    %dma_start3A_290 = arith.constant 400 : i32
    %dma_start3A_291 = tpu.memref_slice %arg23[%dma_start3A_290] : memref<800xf32, #tpu.memory_space<vmem>> -> memref<80xf32, #tpu.memory_space<vmem>>
    %dma_start3A_292 = arith.constant 400 : i32
    %dma_start3A_293 = tpu.memref_slice %arg14[%dma_start3A_292] : memref<800xi32, #tpu.memory_space<vmem>> -> memref<80xi32, #tpu.memory_space<vmem>>
    %dma_start3A_294 = arith.constant 0 : i32
    %dma_start3A_295 = tpu.memref_slice %arg48[%dma_start3A_294] : memref<100000xf32, #tpu.memory_space<vmem_shared>> -> memref<100000xf32, #tpu.memory_space<vmem_shared>>
    tpu.enqueue_indirect_dma source(%dma_start3A_295 : memref<100000xf32, #tpu.memory_space<vmem_shared>>) target(%dma_start3A_291 : memref<80xf32, #tpu.memory_space<vmem>>) offsets(%dma_start3A_293 : memref<80xi32, #tpu.memory_space<vmem>>) semaphore(%arg42 : memref<!tpu.dma_semaphore, #tpu.memory_space<semaphore_mem>>)
    %dma_start3A_296 = arith.constant 400 : i32
    %dma_start3A_297 = tpu.memref_slice %arg24[%dma_start3A_296] : memref<800xf32, #tpu.memory_space<vmem>> -> memref<80xf32, #tpu.memory_space<vmem>>
    %dma_start3A_298 = arith.constant 400 : i32
    %dma_start3A_299 = tpu.memref_slice %arg14[%dma_start3A_298] : memref<800xi32, #tpu.memory_space<vmem>> -> memref<80xi32, #tpu.memory_space<vmem>>
    %dma_start3A_300 = arith.constant 0 : i32
    %dma_start3A_301 = tpu.memref_slice %arg49[%dma_start3A_300] : memref<100000xf32, #tpu.memory_space<vmem_shared>> -> memref<100000xf32, #tpu.memory_space<vmem_shared>>
    tpu.enqueue_indirect_dma source(%dma_start3A_301 : memref<100000xf32, #tpu.memory_space<vmem_shared>>) target(%dma_start3A_297 : memref<80xf32, #tpu.memory_space<vmem>>) offsets(%dma_start3A_299 : memref<80xi32, #tpu.memory_space<vmem>>) semaphore(%arg42 : memref<!tpu.dma_semaphore, #tpu.memory_space<semaphore_mem>>)
    %dma_start3A_302 = arith.constant 480 : i32
    %dma_start3A_303 = tpu.memref_slice %arg18[%dma_start3A_302] : memref<800xf32, #tpu.memory_space<vmem>> -> memref<80xf32, #tpu.memory_space<vmem>>
    %dma_start3A_304 = arith.constant 480 : i32
    %dma_start3A_305 = tpu.memref_slice %arg13[%dma_start3A_304] : memref<800xi32, #tpu.memory_space<vmem>> -> memref<80xi32, #tpu.memory_space<vmem>>
    %dma_start3A_306 = arith.constant 0 : i32
    %dma_start3A_307 = tpu.memref_slice %arg46[%dma_start3A_306] : memref<100000xf32, #tpu.memory_space<vmem_shared>> -> memref<100000xf32, #tpu.memory_space<vmem_shared>>
    tpu.enqueue_indirect_dma source(%dma_start3A_307 : memref<100000xf32, #tpu.memory_space<vmem_shared>>) target(%dma_start3A_303 : memref<80xf32, #tpu.memory_space<vmem>>) offsets(%dma_start3A_305 : memref<80xi32, #tpu.memory_space<vmem>>) semaphore(%arg42 : memref<!tpu.dma_semaphore, #tpu.memory_space<semaphore_mem>>)
    %dma_start3A_308 = arith.constant 480 : i32
    %dma_start3A_309 = tpu.memref_slice %arg19[%dma_start3A_308] : memref<800xf32, #tpu.memory_space<vmem>> -> memref<80xf32, #tpu.memory_space<vmem>>
    %dma_start3A_310 = arith.constant 480 : i32
    %dma_start3A_311 = tpu.memref_slice %arg13[%dma_start3A_310] : memref<800xi32, #tpu.memory_space<vmem>> -> memref<80xi32, #tpu.memory_space<vmem>>
    %dma_start3A_312 = arith.constant 0 : i32
    %dma_start3A_313 = tpu.memref_slice %arg47[%dma_start3A_312] : memref<100000xf32, #tpu.memory_space<vmem_shared>> -> memref<100000xf32, #tpu.memory_space<vmem_shared>>
    tpu.enqueue_indirect_dma source(%dma_start3A_313 : memref<100000xf32, #tpu.memory_space<vmem_shared>>) target(%dma_start3A_309 : memref<80xf32, #tpu.memory_space<vmem>>) offsets(%dma_start3A_311 : memref<80xi32, #tpu.memory_space<vmem>>) semaphore(%arg42 : memref<!tpu.dma_semaphore, #tpu.memory_space<semaphore_mem>>)
    %dma_start3A_314 = arith.constant 480 : i32
    %dma_start3A_315 = tpu.memref_slice %arg20[%dma_start3A_314] : memref<800xf32, #tpu.memory_space<vmem>> -> memref<80xf32, #tpu.memory_space<vmem>>
    %dma_start3A_316 = arith.constant 480 : i32
    %dma_start3A_317 = tpu.memref_slice %arg13[%dma_start3A_316] : memref<800xi32, #tpu.memory_space<vmem>> -> memref<80xi32, #tpu.memory_space<vmem>>
    %dma_start3A_318 = arith.constant 0 : i32
    %dma_start3A_319 = tpu.memref_slice %arg48[%dma_start3A_318] : memref<100000xf32, #tpu.memory_space<vmem_shared>> -> memref<100000xf32, #tpu.memory_space<vmem_shared>>
    tpu.enqueue_indirect_dma source(%dma_start3A_319 : memref<100000xf32, #tpu.memory_space<vmem_shared>>) target(%dma_start3A_315 : memref<80xf32, #tpu.memory_space<vmem>>) offsets(%dma_start3A_317 : memref<80xi32, #tpu.memory_space<vmem>>) semaphore(%arg42 : memref<!tpu.dma_semaphore, #tpu.memory_space<semaphore_mem>>)
    %dma_start3A_320 = arith.constant 480 : i32
    %dma_start3A_321 = tpu.memref_slice %arg21[%dma_start3A_320] : memref<800xf32, #tpu.memory_space<vmem>> -> memref<80xf32, #tpu.memory_space<vmem>>
    %dma_start3A_322 = arith.constant 480 : i32
    %dma_start3A_323 = tpu.memref_slice %arg14[%dma_start3A_322] : memref<800xi32, #tpu.memory_space<vmem>> -> memref<80xi32, #tpu.memory_space<vmem>>
    %dma_start3A_324 = arith.constant 0 : i32
    %dma_start3A_325 = tpu.memref_slice %arg46[%dma_start3A_324] : memref<100000xf32, #tpu.memory_space<vmem_shared>> -> memref<100000xf32, #tpu.memory_space<vmem_shared>>
    tpu.enqueue_indirect_dma source(%dma_start3A_325 : memref<100000xf32, #tpu.memory_space<vmem_shared>>) target(%dma_start3A_321 : memref<80xf32, #tpu.memory_space<vmem>>) offsets(%dma_start3A_323 : memref<80xi32, #tpu.memory_space<vmem>>) semaphore(%arg42 : memref<!tpu.dma_semaphore, #tpu.memory_space<semaphore_mem>>)
    %dma_start3A_326 = arith.constant 480 : i32
    %dma_start3A_327 = tpu.memref_slice %arg22[%dma_start3A_326] : memref<800xf32, #tpu.memory_space<vmem>> -> memref<80xf32, #tpu.memory_space<vmem>>
    %dma_start3A_328 = arith.constant 480 : i32
    %dma_start3A_329 = tpu.memref_slice %arg14[%dma_start3A_328] : memref<800xi32, #tpu.memory_space<vmem>> -> memref<80xi32, #tpu.memory_space<vmem>>
    %dma_start3A_330 = arith.constant 0 : i32
    %dma_start3A_331 = tpu.memref_slice %arg47[%dma_start3A_330] : memref<100000xf32, #tpu.memory_space<vmem_shared>> -> memref<100000xf32, #tpu.memory_space<vmem_shared>>
    tpu.enqueue_indirect_dma source(%dma_start3A_331 : memref<100000xf32, #tpu.memory_space<vmem_shared>>) target(%dma_start3A_327 : memref<80xf32, #tpu.memory_space<vmem>>) offsets(%dma_start3A_329 : memref<80xi32, #tpu.memory_space<vmem>>) semaphore(%arg42 : memref<!tpu.dma_semaphore, #tpu.memory_space<semaphore_mem>>)
    %dma_start3A_332 = arith.constant 480 : i32
    %dma_start3A_333 = tpu.memref_slice %arg23[%dma_start3A_332] : memref<800xf32, #tpu.memory_space<vmem>> -> memref<80xf32, #tpu.memory_space<vmem>>
    %dma_start3A_334 = arith.constant 480 : i32
    %dma_start3A_335 = tpu.memref_slice %arg14[%dma_start3A_334] : memref<800xi32, #tpu.memory_space<vmem>> -> memref<80xi32, #tpu.memory_space<vmem>>
    %dma_start3A_336 = arith.constant 0 : i32
    %dma_start3A_337 = tpu.memref_slice %arg48[%dma_start3A_336] : memref<100000xf32, #tpu.memory_space<vmem_shared>> -> memref<100000xf32, #tpu.memory_space<vmem_shared>>
    tpu.enqueue_indirect_dma source(%dma_start3A_337 : memref<100000xf32, #tpu.memory_space<vmem_shared>>) target(%dma_start3A_333 : memref<80xf32, #tpu.memory_space<vmem>>) offsets(%dma_start3A_335 : memref<80xi32, #tpu.memory_space<vmem>>) semaphore(%arg42 : memref<!tpu.dma_semaphore, #tpu.memory_space<semaphore_mem>>)
    %dma_start3A_338 = arith.constant 480 : i32
    %dma_start3A_339 = tpu.memref_slice %arg24[%dma_start3A_338] : memref<800xf32, #tpu.memory_space<vmem>> -> memref<80xf32, #tpu.memory_space<vmem>>
    %dma_start3A_340 = arith.constant 480 : i32
    %dma_start3A_341 = tpu.memref_slice %arg14[%dma_start3A_340] : memref<800xi32, #tpu.memory_space<vmem>> -> memref<80xi32, #tpu.memory_space<vmem>>
    %dma_start3A_342 = arith.constant 0 : i32
    %dma_start3A_343 = tpu.memref_slice %arg49[%dma_start3A_342] : memref<100000xf32, #tpu.memory_space<vmem_shared>> -> memref<100000xf32, #tpu.memory_space<vmem_shared>>
    tpu.enqueue_indirect_dma source(%dma_start3A_343 : memref<100000xf32, #tpu.memory_space<vmem_shared>>) target(%dma_start3A_339 : memref<80xf32, #tpu.memory_space<vmem>>) offsets(%dma_start3A_341 : memref<80xi32, #tpu.memory_space<vmem>>) semaphore(%arg42 : memref<!tpu.dma_semaphore, #tpu.memory_space<semaphore_mem>>)
    %dma_start3A_344 = arith.constant 560 : i32
    %dma_start3A_345 = tpu.memref_slice %arg18[%dma_start3A_344] : memref<800xf32, #tpu.memory_space<vmem>> -> memref<80xf32, #tpu.memory_space<vmem>>
    %dma_start3A_346 = arith.constant 560 : i32
    %dma_start3A_347 = tpu.memref_slice %arg13[%dma_start3A_346] : memref<800xi32, #tpu.memory_space<vmem>> -> memref<80xi32, #tpu.memory_space<vmem>>
    %dma_start3A_348 = arith.constant 0 : i32
    %dma_start3A_349 = tpu.memref_slice %arg46[%dma_start3A_348] : memref<100000xf32, #tpu.memory_space<vmem_shared>> -> memref<100000xf32, #tpu.memory_space<vmem_shared>>
    tpu.enqueue_indirect_dma source(%dma_start3A_349 : memref<100000xf32, #tpu.memory_space<vmem_shared>>) target(%dma_start3A_345 : memref<80xf32, #tpu.memory_space<vmem>>) offsets(%dma_start3A_347 : memref<80xi32, #tpu.memory_space<vmem>>) semaphore(%arg42 : memref<!tpu.dma_semaphore, #tpu.memory_space<semaphore_mem>>)
    %dma_start3A_350 = arith.constant 560 : i32
    %dma_start3A_351 = tpu.memref_slice %arg19[%dma_start3A_350] : memref<800xf32, #tpu.memory_space<vmem>> -> memref<80xf32, #tpu.memory_space<vmem>>
    %dma_start3A_352 = arith.constant 560 : i32
    %dma_start3A_353 = tpu.memref_slice %arg13[%dma_start3A_352] : memref<800xi32, #tpu.memory_space<vmem>> -> memref<80xi32, #tpu.memory_space<vmem>>
    %dma_start3A_354 = arith.constant 0 : i32
    %dma_start3A_355 = tpu.memref_slice %arg47[%dma_start3A_354] : memref<100000xf32, #tpu.memory_space<vmem_shared>> -> memref<100000xf32, #tpu.memory_space<vmem_shared>>
    tpu.enqueue_indirect_dma source(%dma_start3A_355 : memref<100000xf32, #tpu.memory_space<vmem_shared>>) target(%dma_start3A_351 : memref<80xf32, #tpu.memory_space<vmem>>) offsets(%dma_start3A_353 : memref<80xi32, #tpu.memory_space<vmem>>) semaphore(%arg42 : memref<!tpu.dma_semaphore, #tpu.memory_space<semaphore_mem>>)
    %dma_start3A_356 = arith.constant 560 : i32
    %dma_start3A_357 = tpu.memref_slice %arg20[%dma_start3A_356] : memref<800xf32, #tpu.memory_space<vmem>> -> memref<80xf32, #tpu.memory_space<vmem>>
    %dma_start3A_358 = arith.constant 560 : i32
    %dma_start3A_359 = tpu.memref_slice %arg13[%dma_start3A_358] : memref<800xi32, #tpu.memory_space<vmem>> -> memref<80xi32, #tpu.memory_space<vmem>>
    %dma_start3A_360 = arith.constant 0 : i32
    %dma_start3A_361 = tpu.memref_slice %arg48[%dma_start3A_360] : memref<100000xf32, #tpu.memory_space<vmem_shared>> -> memref<100000xf32, #tpu.memory_space<vmem_shared>>
    tpu.enqueue_indirect_dma source(%dma_start3A_361 : memref<100000xf32, #tpu.memory_space<vmem_shared>>) target(%dma_start3A_357 : memref<80xf32, #tpu.memory_space<vmem>>) offsets(%dma_start3A_359 : memref<80xi32, #tpu.memory_space<vmem>>) semaphore(%arg42 : memref<!tpu.dma_semaphore, #tpu.memory_space<semaphore_mem>>)
    %dma_start3A_362 = arith.constant 560 : i32
    %dma_start3A_363 = tpu.memref_slice %arg21[%dma_start3A_362] : memref<800xf32, #tpu.memory_space<vmem>> -> memref<80xf32, #tpu.memory_space<vmem>>
    %dma_start3A_364 = arith.constant 560 : i32
    %dma_start3A_365 = tpu.memref_slice %arg14[%dma_start3A_364] : memref<800xi32, #tpu.memory_space<vmem>> -> memref<80xi32, #tpu.memory_space<vmem>>
    %dma_start3A_366 = arith.constant 0 : i32
    %dma_start3A_367 = tpu.memref_slice %arg46[%dma_start3A_366] : memref<100000xf32, #tpu.memory_space<vmem_shared>> -> memref<100000xf32, #tpu.memory_space<vmem_shared>>
    tpu.enqueue_indirect_dma source(%dma_start3A_367 : memref<100000xf32, #tpu.memory_space<vmem_shared>>) target(%dma_start3A_363 : memref<80xf32, #tpu.memory_space<vmem>>) offsets(%dma_start3A_365 : memref<80xi32, #tpu.memory_space<vmem>>) semaphore(%arg42 : memref<!tpu.dma_semaphore, #tpu.memory_space<semaphore_mem>>)
    %dma_start3A_368 = arith.constant 560 : i32
    %dma_start3A_369 = tpu.memref_slice %arg22[%dma_start3A_368] : memref<800xf32, #tpu.memory_space<vmem>> -> memref<80xf32, #tpu.memory_space<vmem>>
    %dma_start3A_370 = arith.constant 560 : i32
    %dma_start3A_371 = tpu.memref_slice %arg14[%dma_start3A_370] : memref<800xi32, #tpu.memory_space<vmem>> -> memref<80xi32, #tpu.memory_space<vmem>>
    %dma_start3A_372 = arith.constant 0 : i32
    %dma_start3A_373 = tpu.memref_slice %arg47[%dma_start3A_372] : memref<100000xf32, #tpu.memory_space<vmem_shared>> -> memref<100000xf32, #tpu.memory_space<vmem_shared>>
    tpu.enqueue_indirect_dma source(%dma_start3A_373 : memref<100000xf32, #tpu.memory_space<vmem_shared>>) target(%dma_start3A_369 : memref<80xf32, #tpu.memory_space<vmem>>) offsets(%dma_start3A_371 : memref<80xi32, #tpu.memory_space<vmem>>) semaphore(%arg42 : memref<!tpu.dma_semaphore, #tpu.memory_space<semaphore_mem>>)
    %dma_start3A_374 = arith.constant 560 : i32
    %dma_start3A_375 = tpu.memref_slice %arg23[%dma_start3A_374] : memref<800xf32, #tpu.memory_space<vmem>> -> memref<80xf32, #tpu.memory_space<vmem>>
    %dma_start3A_376 = arith.constant 560 : i32
    %dma_start3A_377 = tpu.memref_slice %arg14[%dma_start3A_376] : memref<800xi32, #tpu.memory_space<vmem>> -> memref<80xi32, #tpu.memory_space<vmem>>
    %dma_start3A_378 = arith.constant 0 : i32
    %dma_start3A_379 = tpu.memref_slice %arg48[%dma_start3A_378] : memref<100000xf32, #tpu.memory_space<vmem_shared>> -> memref<100000xf32, #tpu.memory_space<vmem_shared>>
    tpu.enqueue_indirect_dma source(%dma_start3A_379 : memref<100000xf32, #tpu.memory_space<vmem_shared>>) target(%dma_start3A_375 : memref<80xf32, #tpu.memory_space<vmem>>) offsets(%dma_start3A_377 : memref<80xi32, #tpu.memory_space<vmem>>) semaphore(%arg42 : memref<!tpu.dma_semaphore, #tpu.memory_space<semaphore_mem>>)
    %dma_start3A_380 = arith.constant 560 : i32
    %dma_start3A_381 = tpu.memref_slice %arg24[%dma_start3A_380] : memref<800xf32, #tpu.memory_space<vmem>> -> memref<80xf32, #tpu.memory_space<vmem>>
    %dma_start3A_382 = arith.constant 560 : i32
    %dma_start3A_383 = tpu.memref_slice %arg14[%dma_start3A_382] : memref<800xi32, #tpu.memory_space<vmem>> -> memref<80xi32, #tpu.memory_space<vmem>>
    %dma_start3A_384 = arith.constant 0 : i32
    %dma_start3A_385 = tpu.memref_slice %arg49[%dma_start3A_384] : memref<100000xf32, #tpu.memory_space<vmem_shared>> -> memref<100000xf32, #tpu.memory_space<vmem_shared>>
    tpu.enqueue_indirect_dma source(%dma_start3A_385 : memref<100000xf32, #tpu.memory_space<vmem_shared>>) target(%dma_start3A_381 : memref<80xf32, #tpu.memory_space<vmem>>) offsets(%dma_start3A_383 : memref<80xi32, #tpu.memory_space<vmem>>) semaphore(%arg42 : memref<!tpu.dma_semaphore, #tpu.memory_space<semaphore_mem>>)
    %dma_start3A_386 = arith.constant 640 : i32
    %dma_start3A_387 = tpu.memref_slice %arg18[%dma_start3A_386] : memref<800xf32, #tpu.memory_space<vmem>> -> memref<80xf32, #tpu.memory_space<vmem>>
    %dma_start3A_388 = arith.constant 640 : i32
    %dma_start3A_389 = tpu.memref_slice %arg13[%dma_start3A_388] : memref<800xi32, #tpu.memory_space<vmem>> -> memref<80xi32, #tpu.memory_space<vmem>>
    %dma_start3A_390 = arith.constant 0 : i32
    %dma_start3A_391 = tpu.memref_slice %arg46[%dma_start3A_390] : memref<100000xf32, #tpu.memory_space<vmem_shared>> -> memref<100000xf32, #tpu.memory_space<vmem_shared>>
    tpu.enqueue_indirect_dma source(%dma_start3A_391 : memref<100000xf32, #tpu.memory_space<vmem_shared>>) target(%dma_start3A_387 : memref<80xf32, #tpu.memory_space<vmem>>) offsets(%dma_start3A_389 : memref<80xi32, #tpu.memory_space<vmem>>) semaphore(%arg42 : memref<!tpu.dma_semaphore, #tpu.memory_space<semaphore_mem>>)
    %dma_start3A_392 = arith.constant 640 : i32
    %dma_start3A_393 = tpu.memref_slice %arg19[%dma_start3A_392] : memref<800xf32, #tpu.memory_space<vmem>> -> memref<80xf32, #tpu.memory_space<vmem>>
    %dma_start3A_394 = arith.constant 640 : i32
    %dma_start3A_395 = tpu.memref_slice %arg13[%dma_start3A_394] : memref<800xi32, #tpu.memory_space<vmem>> -> memref<80xi32, #tpu.memory_space<vmem>>
    %dma_start3A_396 = arith.constant 0 : i32
    %dma_start3A_397 = tpu.memref_slice %arg47[%dma_start3A_396] : memref<100000xf32, #tpu.memory_space<vmem_shared>> -> memref<100000xf32, #tpu.memory_space<vmem_shared>>
    tpu.enqueue_indirect_dma source(%dma_start3A_397 : memref<100000xf32, #tpu.memory_space<vmem_shared>>) target(%dma_start3A_393 : memref<80xf32, #tpu.memory_space<vmem>>) offsets(%dma_start3A_395 : memref<80xi32, #tpu.memory_space<vmem>>) semaphore(%arg42 : memref<!tpu.dma_semaphore, #tpu.memory_space<semaphore_mem>>)
    %dma_start3A_398 = arith.constant 640 : i32
    %dma_start3A_399 = tpu.memref_slice %arg20[%dma_start3A_398] : memref<800xf32, #tpu.memory_space<vmem>> -> memref<80xf32, #tpu.memory_space<vmem>>
    %dma_start3A_400 = arith.constant 640 : i32
    %dma_start3A_401 = tpu.memref_slice %arg13[%dma_start3A_400] : memref<800xi32, #tpu.memory_space<vmem>> -> memref<80xi32, #tpu.memory_space<vmem>>
    %dma_start3A_402 = arith.constant 0 : i32
    %dma_start3A_403 = tpu.memref_slice %arg48[%dma_start3A_402] : memref<100000xf32, #tpu.memory_space<vmem_shared>> -> memref<100000xf32, #tpu.memory_space<vmem_shared>>
    tpu.enqueue_indirect_dma source(%dma_start3A_403 : memref<100000xf32, #tpu.memory_space<vmem_shared>>) target(%dma_start3A_399 : memref<80xf32, #tpu.memory_space<vmem>>) offsets(%dma_start3A_401 : memref<80xi32, #tpu.memory_space<vmem>>) semaphore(%arg42 : memref<!tpu.dma_semaphore, #tpu.memory_space<semaphore_mem>>)
    %dma_start3A_404 = arith.constant 640 : i32
    %dma_start3A_405 = tpu.memref_slice %arg21[%dma_start3A_404] : memref<800xf32, #tpu.memory_space<vmem>> -> memref<80xf32, #tpu.memory_space<vmem>>
    %dma_start3A_406 = arith.constant 640 : i32
    %dma_start3A_407 = tpu.memref_slice %arg14[%dma_start3A_406] : memref<800xi32, #tpu.memory_space<vmem>> -> memref<80xi32, #tpu.memory_space<vmem>>
    %dma_start3A_408 = arith.constant 0 : i32
    %dma_start3A_409 = tpu.memref_slice %arg46[%dma_start3A_408] : memref<100000xf32, #tpu.memory_space<vmem_shared>> -> memref<100000xf32, #tpu.memory_space<vmem_shared>>
    tpu.enqueue_indirect_dma source(%dma_start3A_409 : memref<100000xf32, #tpu.memory_space<vmem_shared>>) target(%dma_start3A_405 : memref<80xf32, #tpu.memory_space<vmem>>) offsets(%dma_start3A_407 : memref<80xi32, #tpu.memory_space<vmem>>) semaphore(%arg42 : memref<!tpu.dma_semaphore, #tpu.memory_space<semaphore_mem>>)
    %dma_start3A_410 = arith.constant 640 : i32
    %dma_start3A_411 = tpu.memref_slice %arg22[%dma_start3A_410] : memref<800xf32, #tpu.memory_space<vmem>> -> memref<80xf32, #tpu.memory_space<vmem>>
    %dma_start3A_412 = arith.constant 640 : i32
    %dma_start3A_413 = tpu.memref_slice %arg14[%dma_start3A_412] : memref<800xi32, #tpu.memory_space<vmem>> -> memref<80xi32, #tpu.memory_space<vmem>>
    %dma_start3A_414 = arith.constant 0 : i32
    %dma_start3A_415 = tpu.memref_slice %arg47[%dma_start3A_414] : memref<100000xf32, #tpu.memory_space<vmem_shared>> -> memref<100000xf32, #tpu.memory_space<vmem_shared>>
    tpu.enqueue_indirect_dma source(%dma_start3A_415 : memref<100000xf32, #tpu.memory_space<vmem_shared>>) target(%dma_start3A_411 : memref<80xf32, #tpu.memory_space<vmem>>) offsets(%dma_start3A_413 : memref<80xi32, #tpu.memory_space<vmem>>) semaphore(%arg42 : memref<!tpu.dma_semaphore, #tpu.memory_space<semaphore_mem>>)
    %dma_start3A_416 = arith.constant 640 : i32
    %dma_start3A_417 = tpu.memref_slice %arg23[%dma_start3A_416] : memref<800xf32, #tpu.memory_space<vmem>> -> memref<80xf32, #tpu.memory_space<vmem>>
    %dma_start3A_418 = arith.constant 640 : i32
    %dma_start3A_419 = tpu.memref_slice %arg14[%dma_start3A_418] : memref<800xi32, #tpu.memory_space<vmem>> -> memref<80xi32, #tpu.memory_space<vmem>>
    %dma_start3A_420 = arith.constant 0 : i32
    %dma_start3A_421 = tpu.memref_slice %arg48[%dma_start3A_420] : memref<100000xf32, #tpu.memory_space<vmem_shared>> -> memref<100000xf32, #tpu.memory_space<vmem_shared>>
    tpu.enqueue_indirect_dma source(%dma_start3A_421 : memref<100000xf32, #tpu.memory_space<vmem_shared>>) target(%dma_start3A_417 : memref<80xf32, #tpu.memory_space<vmem>>) offsets(%dma_start3A_419 : memref<80xi32, #tpu.memory_space<vmem>>) semaphore(%arg42 : memref<!tpu.dma_semaphore, #tpu.memory_space<semaphore_mem>>)
    %dma_start3A_422 = arith.constant 640 : i32
    %dma_start3A_423 = tpu.memref_slice %arg24[%dma_start3A_422] : memref<800xf32, #tpu.memory_space<vmem>> -> memref<80xf32, #tpu.memory_space<vmem>>
    %dma_start3A_424 = arith.constant 640 : i32
    %dma_start3A_425 = tpu.memref_slice %arg14[%dma_start3A_424] : memref<800xi32, #tpu.memory_space<vmem>> -> memref<80xi32, #tpu.memory_space<vmem>>
    %dma_start3A_426 = arith.constant 0 : i32
    %dma_start3A_427 = tpu.memref_slice %arg49[%dma_start3A_426] : memref<100000xf32, #tpu.memory_space<vmem_shared>> -> memref<100000xf32, #tpu.memory_space<vmem_shared>>
    tpu.enqueue_indirect_dma source(%dma_start3A_427 : memref<100000xf32, #tpu.memory_space<vmem_shared>>) target(%dma_start3A_423 : memref<80xf32, #tpu.memory_space<vmem>>) offsets(%dma_start3A_425 : memref<80xi32, #tpu.memory_space<vmem>>) semaphore(%arg42 : memref<!tpu.dma_semaphore, #tpu.memory_space<semaphore_mem>>)
    %dma_start3A_428 = arith.constant 720 : i32
    %dma_start3A_429 = tpu.memref_slice %arg18[%dma_start3A_428] : memref<800xf32, #tpu.memory_space<vmem>> -> memref<80xf32, #tpu.memory_space<vmem>>
    %dma_start3A_430 = arith.constant 720 : i32
    %dma_start3A_431 = tpu.memref_slice %arg13[%dma_start3A_430] : memref<800xi32, #tpu.memory_space<vmem>> -> memref<80xi32, #tpu.memory_space<vmem>>
    %dma_start3A_432 = arith.constant 0 : i32
    %dma_start3A_433 = tpu.memref_slice %arg46[%dma_start3A_432] : memref<100000xf32, #tpu.memory_space<vmem_shared>> -> memref<100000xf32, #tpu.memory_space<vmem_shared>>
    tpu.enqueue_indirect_dma source(%dma_start3A_433 : memref<100000xf32, #tpu.memory_space<vmem_shared>>) target(%dma_start3A_429 : memref<80xf32, #tpu.memory_space<vmem>>) offsets(%dma_start3A_431 : memref<80xi32, #tpu.memory_space<vmem>>) semaphore(%arg42 : memref<!tpu.dma_semaphore, #tpu.memory_space<semaphore_mem>>)
    %dma_start3A_434 = arith.constant 720 : i32
    %dma_start3A_435 = tpu.memref_slice %arg19[%dma_start3A_434] : memref<800xf32, #tpu.memory_space<vmem>> -> memref<80xf32, #tpu.memory_space<vmem>>
    %dma_start3A_436 = arith.constant 720 : i32
    %dma_start3A_437 = tpu.memref_slice %arg13[%dma_start3A_436] : memref<800xi32, #tpu.memory_space<vmem>> -> memref<80xi32, #tpu.memory_space<vmem>>
    %dma_start3A_438 = arith.constant 0 : i32
    %dma_start3A_439 = tpu.memref_slice %arg47[%dma_start3A_438] : memref<100000xf32, #tpu.memory_space<vmem_shared>> -> memref<100000xf32, #tpu.memory_space<vmem_shared>>
    tpu.enqueue_indirect_dma source(%dma_start3A_439 : memref<100000xf32, #tpu.memory_space<vmem_shared>>) target(%dma_start3A_435 : memref<80xf32, #tpu.memory_space<vmem>>) offsets(%dma_start3A_437 : memref<80xi32, #tpu.memory_space<vmem>>) semaphore(%arg42 : memref<!tpu.dma_semaphore, #tpu.memory_space<semaphore_mem>>)
    %dma_start3A_440 = arith.constant 720 : i32
    %dma_start3A_441 = tpu.memref_slice %arg20[%dma_start3A_440] : memref<800xf32, #tpu.memory_space<vmem>> -> memref<80xf32, #tpu.memory_space<vmem>>
    %dma_start3A_442 = arith.constant 720 : i32
    %dma_start3A_443 = tpu.memref_slice %arg13[%dma_start3A_442] : memref<800xi32, #tpu.memory_space<vmem>> -> memref<80xi32, #tpu.memory_space<vmem>>
    %dma_start3A_444 = arith.constant 0 : i32
    %dma_start3A_445 = tpu.memref_slice %arg48[%dma_start3A_444] : memref<100000xf32, #tpu.memory_space<vmem_shared>> -> memref<100000xf32, #tpu.memory_space<vmem_shared>>
    tpu.enqueue_indirect_dma source(%dma_start3A_445 : memref<100000xf32, #tpu.memory_space<vmem_shared>>) target(%dma_start3A_441 : memref<80xf32, #tpu.memory_space<vmem>>) offsets(%dma_start3A_443 : memref<80xi32, #tpu.memory_space<vmem>>) semaphore(%arg42 : memref<!tpu.dma_semaphore, #tpu.memory_space<semaphore_mem>>)
    %dma_start3A_446 = arith.constant 720 : i32
    %dma_start3A_447 = tpu.memref_slice %arg21[%dma_start3A_446] : memref<800xf32, #tpu.memory_space<vmem>> -> memref<80xf32, #tpu.memory_space<vmem>>
    %dma_start3A_448 = arith.constant 720 : i32
    %dma_start3A_449 = tpu.memref_slice %arg14[%dma_start3A_448] : memref<800xi32, #tpu.memory_space<vmem>> -> memref<80xi32, #tpu.memory_space<vmem>>
    %dma_start3A_450 = arith.constant 0 : i32
    %dma_start3A_451 = tpu.memref_slice %arg46[%dma_start3A_450] : memref<100000xf32, #tpu.memory_space<vmem_shared>> -> memref<100000xf32, #tpu.memory_space<vmem_shared>>
    tpu.enqueue_indirect_dma source(%dma_start3A_451 : memref<100000xf32, #tpu.memory_space<vmem_shared>>) target(%dma_start3A_447 : memref<80xf32, #tpu.memory_space<vmem>>) offsets(%dma_start3A_449 : memref<80xi32, #tpu.memory_space<vmem>>) semaphore(%arg42 : memref<!tpu.dma_semaphore, #tpu.memory_space<semaphore_mem>>)
    %dma_start3A_452 = arith.constant 720 : i32
    %dma_start3A_453 = tpu.memref_slice %arg22[%dma_start3A_452] : memref<800xf32, #tpu.memory_space<vmem>> -> memref<80xf32, #tpu.memory_space<vmem>>
    %dma_start3A_454 = arith.constant 720 : i32
    %dma_start3A_455 = tpu.memref_slice %arg14[%dma_start3A_454] : memref<800xi32, #tpu.memory_space<vmem>> -> memref<80xi32, #tpu.memory_space<vmem>>
    %dma_start3A_456 = arith.constant 0 : i32
    %dma_start3A_457 = tpu.memref_slice %arg47[%dma_start3A_456] : memref<100000xf32, #tpu.memory_space<vmem_shared>> -> memref<100000xf32, #tpu.memory_space<vmem_shared>>
    tpu.enqueue_indirect_dma source(%dma_start3A_457 : memref<100000xf32, #tpu.memory_space<vmem_shared>>) target(%dma_start3A_453 : memref<80xf32, #tpu.memory_space<vmem>>) offsets(%dma_start3A_455 : memref<80xi32, #tpu.memory_space<vmem>>) semaphore(%arg42 : memref<!tpu.dma_semaphore, #tpu.memory_space<semaphore_mem>>)
    %dma_start3A_458 = arith.constant 720 : i32
    %dma_start3A_459 = tpu.memref_slice %arg23[%dma_start3A_458] : memref<800xf32, #tpu.memory_space<vmem>> -> memref<80xf32, #tpu.memory_space<vmem>>
    %dma_start3A_460 = arith.constant 720 : i32
    %dma_start3A_461 = tpu.memref_slice %arg14[%dma_start3A_460] : memref<800xi32, #tpu.memory_space<vmem>> -> memref<80xi32, #tpu.memory_space<vmem>>
    %dma_start3A_462 = arith.constant 0 : i32
    %dma_start3A_463 = tpu.memref_slice %arg48[%dma_start3A_462] : memref<100000xf32, #tpu.memory_space<vmem_shared>> -> memref<100000xf32, #tpu.memory_space<vmem_shared>>
    tpu.enqueue_indirect_dma source(%dma_start3A_463 : memref<100000xf32, #tpu.memory_space<vmem_shared>>) target(%dma_start3A_459 : memref<80xf32, #tpu.memory_space<vmem>>) offsets(%dma_start3A_461 : memref<80xi32, #tpu.memory_space<vmem>>) semaphore(%arg42 : memref<!tpu.dma_semaphore, #tpu.memory_space<semaphore_mem>>)
    %dma_start3A_464 = arith.constant 720 : i32
    %dma_start3A_465 = tpu.memref_slice %arg24[%dma_start3A_464] : memref<800xf32, #tpu.memory_space<vmem>> -> memref<80xf32, #tpu.memory_space<vmem>>
    %dma_start3A_466 = arith.constant 720 : i32
    %dma_start3A_467 = tpu.memref_slice %arg14[%dma_start3A_466] : memref<800xi32, #tpu.memory_space<vmem>> -> memref<80xi32, #tpu.memory_space<vmem>>
    %dma_start3A_468 = arith.constant 0 : i32
    %dma_start3A_469 = tpu.memref_slice %arg49[%dma_start3A_468] : memref<100000xf32, #tpu.memory_space<vmem_shared>> -> memref<100000xf32, #tpu.memory_space<vmem_shared>>
    tpu.enqueue_indirect_dma source(%dma_start3A_469 : memref<100000xf32, #tpu.memory_space<vmem_shared>>) target(%dma_start3A_465 : memref<80xf32, #tpu.memory_space<vmem>>) offsets(%dma_start3A_467 : memref<80xi32, #tpu.memory_space<vmem>>) semaphore(%arg42 : memref<!tpu.dma_semaphore, #tpu.memory_space<semaphore_mem>>)
    %scan3A = arith.constant 0 : i32
    %scan3A_470 = arith.constant 0 : i32
    %scan3A_471 = arith.constant 125 : i32
    %scan3A_472 = arith.addi %scan3A_470, %scan3A_471 : i32
    %scan3A_473 = arith.constant 1 : i32
    scf.for %scan3A_483 = %scan3A_470 to %scan3A_472 step %scan3A_473  : i32 {
      %mul3A_484 = arith.constant 2 : i32
      %mul3A_485 = arith.muli %scan3A_483, %mul3A_484 : i32
      %dma_wait3A_486 = arith.constant 0 : i32
      %dma_wait3A_487 = tpu.memref_slice %arg18[%dma_wait3A_486] : memref<800xf32, #tpu.memory_space<vmem>> -> memref<80xf32, #tpu.memory_space<vmem>>
      %dma_wait3A_488 = arith.constant 0 : i32
      %dma_wait3A_489 = tpu.memref_slice %arg13[%dma_wait3A_488] : memref<800xi32, #tpu.memory_space<vmem>> -> memref<80xi32, #tpu.memory_space<vmem>>
      %dma_wait3A_490 = arith.constant 0 : i32
      %dma_wait3A_491 = tpu.memref_slice %arg46[%dma_wait3A_490] : memref<100000xf32, #tpu.memory_space<vmem_shared>> -> memref<100000xf32, #tpu.memory_space<vmem_shared>>
      tpu.wait_indirect_dma semaphore(%arg42 : memref<!tpu.dma_semaphore, #tpu.memory_space<semaphore_mem>>) src(%dma_wait3A_491 : memref<100000xf32, #tpu.memory_space<vmem_shared>>) dst(%dma_wait3A_487 : memref<80xf32, #tpu.memory_space<vmem>>)
      %dma_wait3A_492 = arith.constant 0 : i32
      %dma_wait3A_493 = tpu.memref_slice %arg19[%dma_wait3A_492] : memref<800xf32, #tpu.memory_space<vmem>> -> memref<80xf32, #tpu.memory_space<vmem>>
      %dma_wait3A_494 = arith.constant 0 : i32
      %dma_wait3A_495 = tpu.memref_slice %arg13[%dma_wait3A_494] : memref<800xi32, #tpu.memory_space<vmem>> -> memref<80xi32, #tpu.memory_space<vmem>>
      %dma_wait3A_496 = arith.constant 0 : i32
      %dma_wait3A_497 = tpu.memref_slice %arg47[%dma_wait3A_496] : memref<100000xf32, #tpu.memory_space<vmem_shared>> -> memref<100000xf32, #tpu.memory_space<vmem_shared>>
      tpu.wait_indirect_dma semaphore(%arg42 : memref<!tpu.dma_semaphore, #tpu.memory_space<semaphore_mem>>) src(%dma_wait3A_497 : memref<100000xf32, #tpu.memory_space<vmem_shared>>) dst(%dma_wait3A_493 : memref<80xf32, #tpu.memory_space<vmem>>)
      %dma_wait3A_498 = arith.constant 0 : i32
      %dma_wait3A_499 = tpu.memref_slice %arg20[%dma_wait3A_498] : memref<800xf32, #tpu.memory_space<vmem>> -> memref<80xf32, #tpu.memory_space<vmem>>
      %dma_wait3A_500 = arith.constant 0 : i32
      %dma_wait3A_501 = tpu.memref_slice %arg13[%dma_wait3A_500] : memref<800xi32, #tpu.memory_space<vmem>> -> memref<80xi32, #tpu.memory_space<vmem>>
      %dma_wait3A_502 = arith.constant 0 : i32
      %dma_wait3A_503 = tpu.memref_slice %arg48[%dma_wait3A_502] : memref<100000xf32, #tpu.memory_space<vmem_shared>> -> memref<100000xf32, #tpu.memory_space<vmem_shared>>
      tpu.wait_indirect_dma semaphore(%arg42 : memref<!tpu.dma_semaphore, #tpu.memory_space<semaphore_mem>>) src(%dma_wait3A_503 : memref<100000xf32, #tpu.memory_space<vmem_shared>>) dst(%dma_wait3A_499 : memref<80xf32, #tpu.memory_space<vmem>>)
      %dma_wait3A_504 = arith.constant 0 : i32
      %dma_wait3A_505 = tpu.memref_slice %arg21[%dma_wait3A_504] : memref<800xf32, #tpu.memory_space<vmem>> -> memref<80xf32, #tpu.memory_space<vmem>>
      %dma_wait3A_506 = arith.constant 0 : i32
      %dma_wait3A_507 = tpu.memref_slice %arg14[%dma_wait3A_506] : memref<800xi32, #tpu.memory_space<vmem>> -> memref<80xi32, #tpu.memory_space<vmem>>
      %dma_wait3A_508 = arith.constant 0 : i32
      %dma_wait3A_509 = tpu.memref_slice %arg46[%dma_wait3A_508] : memref<100000xf32, #tpu.memory_space<vmem_shared>> -> memref<100000xf32, #tpu.memory_space<vmem_shared>>
      tpu.wait_indirect_dma semaphore(%arg42 : memref<!tpu.dma_semaphore, #tpu.memory_space<semaphore_mem>>) src(%dma_wait3A_509 : memref<100000xf32, #tpu.memory_space<vmem_shared>>) dst(%dma_wait3A_505 : memref<80xf32, #tpu.memory_space<vmem>>)
      %dma_wait3A_510 = arith.constant 0 : i32
      %dma_wait3A_511 = tpu.memref_slice %arg22[%dma_wait3A_510] : memref<800xf32, #tpu.memory_space<vmem>> -> memref<80xf32, #tpu.memory_space<vmem>>
      %dma_wait3A_512 = arith.constant 0 : i32
      %dma_wait3A_513 = tpu.memref_slice %arg14[%dma_wait3A_512] : memref<800xi32, #tpu.memory_space<vmem>> -> memref<80xi32, #tpu.memory_space<vmem>>
      %dma_wait3A_514 = arith.constant 0 : i32
      %dma_wait3A_515 = tpu.memref_slice %arg47[%dma_wait3A_514] : memref<100000xf32, #tpu.memory_space<vmem_shared>> -> memref<100000xf32, #tpu.memory_space<vmem_shared>>
      tpu.wait_indirect_dma semaphore(%arg42 : memref<!tpu.dma_semaphore, #tpu.memory_space<semaphore_mem>>) src(%dma_wait3A_515 : memref<100000xf32, #tpu.memory_space<vmem_shared>>) dst(%dma_wait3A_511 : memref<80xf32, #tpu.memory_space<vmem>>)
      %dma_wait3A_516 = arith.constant 0 : i32
      %dma_wait3A_517 = tpu.memref_slice %arg23[%dma_wait3A_516] : memref<800xf32, #tpu.memory_space<vmem>> -> memref<80xf32, #tpu.memory_space<vmem>>
      %dma_wait3A_518 = arith.constant 0 : i32
      %dma_wait3A_519 = tpu.memref_slice %arg14[%dma_wait3A_518] : memref<800xi32, #tpu.memory_space<vmem>> -> memref<80xi32, #tpu.memory_space<vmem>>
      %dma_wait3A_520 = arith.constant 0 : i32
      %dma_wait3A_521 = tpu.memref_slice %arg48[%dma_wait3A_520] : memref<100000xf32, #tpu.memory_space<vmem_shared>> -> memref<100000xf32, #tpu.memory_space<vmem_shared>>
      tpu.wait_indirect_dma semaphore(%arg42 : memref<!tpu.dma_semaphore, #tpu.memory_space<semaphore_mem>>) src(%dma_wait3A_521 : memref<100000xf32, #tpu.memory_space<vmem_shared>>) dst(%dma_wait3A_517 : memref<80xf32, #tpu.memory_space<vmem>>)
      %dma_wait3A_522 = arith.constant 0 : i32
      %dma_wait3A_523 = tpu.memref_slice %arg24[%dma_wait3A_522] : memref<800xf32, #tpu.memory_space<vmem>> -> memref<80xf32, #tpu.memory_space<vmem>>
      %dma_wait3A_524 = arith.constant 0 : i32
      %dma_wait3A_525 = tpu.memref_slice %arg14[%dma_wait3A_524] : memref<800xi32, #tpu.memory_space<vmem>> -> memref<80xi32, #tpu.memory_space<vmem>>
      %dma_wait3A_526 = arith.constant 0 : i32
      %dma_wait3A_527 = tpu.memref_slice %arg49[%dma_wait3A_526] : memref<100000xf32, #tpu.memory_space<vmem_shared>> -> memref<100000xf32, #tpu.memory_space<vmem_shared>>
      tpu.wait_indirect_dma semaphore(%arg42 : memref<!tpu.dma_semaphore, #tpu.memory_space<semaphore_mem>>) src(%dma_wait3A_527 : memref<100000xf32, #tpu.memory_space<vmem_shared>>) dst(%dma_wait3A_523 : memref<80xf32, #tpu.memory_space<vmem>>)
      %dma_wait3A_528 = arith.constant 80 : i32
      %dma_wait3A_529 = tpu.memref_slice %arg18[%dma_wait3A_528] : memref<800xf32, #tpu.memory_space<vmem>> -> memref<80xf32, #tpu.memory_space<vmem>>
      %dma_wait3A_530 = arith.constant 80 : i32
      %dma_wait3A_531 = tpu.memref_slice %arg13[%dma_wait3A_530] : memref<800xi32, #tpu.memory_space<vmem>> -> memref<80xi32, #tpu.memory_space<vmem>>
      %dma_wait3A_532 = arith.constant 0 : i32
      %dma_wait3A_533 = tpu.memref_slice %arg46[%dma_wait3A_532] : memref<100000xf32, #tpu.memory_space<vmem_shared>> -> memref<100000xf32, #tpu.memory_space<vmem_shared>>
      tpu.wait_indirect_dma semaphore(%arg42 : memref<!tpu.dma_semaphore, #tpu.memory_space<semaphore_mem>>) src(%dma_wait3A_533 : memref<100000xf32, #tpu.memory_space<vmem_shared>>) dst(%dma_wait3A_529 : memref<80xf32, #tpu.memory_space<vmem>>)
      %dma_wait3A_534 = arith.constant 80 : i32
      %dma_wait3A_535 = tpu.memref_slice %arg19[%dma_wait3A_534] : memref<800xf32, #tpu.memory_space<vmem>> -> memref<80xf32, #tpu.memory_space<vmem>>
      %dma_wait3A_536 = arith.constant 80 : i32
      %dma_wait3A_537 = tpu.memref_slice %arg13[%dma_wait3A_536] : memref<800xi32, #tpu.memory_space<vmem>> -> memref<80xi32, #tpu.memory_space<vmem>>
      %dma_wait3A_538 = arith.constant 0 : i32
      %dma_wait3A_539 = tpu.memref_slice %arg47[%dma_wait3A_538] : memref<100000xf32, #tpu.memory_space<vmem_shared>> -> memref<100000xf32, #tpu.memory_space<vmem_shared>>
      tpu.wait_indirect_dma semaphore(%arg42 : memref<!tpu.dma_semaphore, #tpu.memory_space<semaphore_mem>>) src(%dma_wait3A_539 : memref<100000xf32, #tpu.memory_space<vmem_shared>>) dst(%dma_wait3A_535 : memref<80xf32, #tpu.memory_space<vmem>>)
      %dma_wait3A_540 = arith.constant 80 : i32
      %dma_wait3A_541 = tpu.memref_slice %arg20[%dma_wait3A_540] : memref<800xf32, #tpu.memory_space<vmem>> -> memref<80xf32, #tpu.memory_space<vmem>>
      %dma_wait3A_542 = arith.constant 80 : i32
      %dma_wait3A_543 = tpu.memref_slice %arg13[%dma_wait3A_542] : memref<800xi32, #tpu.memory_space<vmem>> -> memref<80xi32, #tpu.memory_space<vmem>>
      %dma_wait3A_544 = arith.constant 0 : i32
      %dma_wait3A_545 = tpu.memref_slice %arg48[%dma_wait3A_544] : memref<100000xf32, #tpu.memory_space<vmem_shared>> -> memref<100000xf32, #tpu.memory_space<vmem_shared>>
      tpu.wait_indirect_dma semaphore(%arg42 : memref<!tpu.dma_semaphore, #tpu.memory_space<semaphore_mem>>) src(%dma_wait3A_545 : memref<100000xf32, #tpu.memory_space<vmem_shared>>) dst(%dma_wait3A_541 : memref<80xf32, #tpu.memory_space<vmem>>)
      %dma_wait3A_546 = arith.constant 80 : i32
      %dma_wait3A_547 = tpu.memref_slice %arg21[%dma_wait3A_546] : memref<800xf32, #tpu.memory_space<vmem>> -> memref<80xf32, #tpu.memory_space<vmem>>
      %dma_wait3A_548 = arith.constant 80 : i32
      %dma_wait3A_549 = tpu.memref_slice %arg14[%dma_wait3A_548] : memref<800xi32, #tpu.memory_space<vmem>> -> memref<80xi32, #tpu.memory_space<vmem>>
      %dma_wait3A_550 = arith.constant 0 : i32
      %dma_wait3A_551 = tpu.memref_slice %arg46[%dma_wait3A_550] : memref<100000xf32, #tpu.memory_space<vmem_shared>> -> memref<100000xf32, #tpu.memory_space<vmem_shared>>
      tpu.wait_indirect_dma semaphore(%arg42 : memref<!tpu.dma_semaphore, #tpu.memory_space<semaphore_mem>>) src(%dma_wait3A_551 : memref<100000xf32, #tpu.memory_space<vmem_shared>>) dst(%dma_wait3A_547 : memref<80xf32, #tpu.memory_space<vmem>>)
      %dma_wait3A_552 = arith.constant 80 : i32
      %dma_wait3A_553 = tpu.memref_slice %arg22[%dma_wait3A_552] : memref<800xf32, #tpu.memory_space<vmem>> -> memref<80xf32, #tpu.memory_space<vmem>>
      %dma_wait3A_554 = arith.constant 80 : i32
      %dma_wait3A_555 = tpu.memref_slice %arg14[%dma_wait3A_554] : memref<800xi32, #tpu.memory_space<vmem>> -> memref<80xi32, #tpu.memory_space<vmem>>
      %dma_wait3A_556 = arith.constant 0 : i32
      %dma_wait3A_557 = tpu.memref_slice %arg47[%dma_wait3A_556] : memref<100000xf32, #tpu.memory_space<vmem_shared>> -> memref<100000xf32, #tpu.memory_space<vmem_shared>>
      tpu.wait_indirect_dma semaphore(%arg42 : memref<!tpu.dma_semaphore, #tpu.memory_space<semaphore_mem>>) src(%dma_wait3A_557 : memref<100000xf32, #tpu.memory_space<vmem_shared>>) dst(%dma_wait3A_553 : memref<80xf32, #tpu.memory_space<vmem>>)
      %dma_wait3A_558 = arith.constant 80 : i32
      %dma_wait3A_559 = tpu.memref_slice %arg23[%dma_wait3A_558] : memref<800xf32, #tpu.memory_space<vmem>> -> memref<80xf32, #tpu.memory_space<vmem>>
      %dma_wait3A_560 = arith.constant 80 : i32
      %dma_wait3A_561 = tpu.memref_slice %arg14[%dma_wait3A_560] : memref<800xi32, #tpu.memory_space<vmem>> -> memref<80xi32, #tpu.memory_space<vmem>>
      %dma_wait3A_562 = arith.constant 0 : i32
      %dma_wait3A_563 = tpu.memref_slice %arg48[%dma_wait3A_562] : memref<100000xf32, #tpu.memory_space<vmem_shared>> -> memref<100000xf32, #tpu.memory_space<vmem_shared>>
      tpu.wait_indirect_dma semaphore(%arg42 : memref<!tpu.dma_semaphore, #tpu.memory_space<semaphore_mem>>) src(%dma_wait3A_563 : memref<100000xf32, #tpu.memory_space<vmem_shared>>) dst(%dma_wait3A_559 : memref<80xf32, #tpu.memory_space<vmem>>)
      %dma_wait3A_564 = arith.constant 80 : i32
      %dma_wait3A_565 = tpu.memref_slice %arg24[%dma_wait3A_564] : memref<800xf32, #tpu.memory_space<vmem>> -> memref<80xf32, #tpu.memory_space<vmem>>
      %dma_wait3A_566 = arith.constant 80 : i32
      %dma_wait3A_567 = tpu.memref_slice %arg14[%dma_wait3A_566] : memref<800xi32, #tpu.memory_space<vmem>> -> memref<80xi32, #tpu.memory_space<vmem>>
      %dma_wait3A_568 = arith.constant 0 : i32
      %dma_wait3A_569 = tpu.memref_slice %arg49[%dma_wait3A_568] : memref<100000xf32, #tpu.memory_space<vmem_shared>> -> memref<100000xf32, #tpu.memory_space<vmem_shared>>
      tpu.wait_indirect_dma semaphore(%arg42 : memref<!tpu.dma_semaphore, #tpu.memory_space<semaphore_mem>>) src(%dma_wait3A_569 : memref<100000xf32, #tpu.memory_space<vmem_shared>>) dst(%dma_wait3A_565 : memref<80xf32, #tpu.memory_space<vmem>>)
      %dma_wait3A_570 = arith.constant 160 : i32
      %dma_wait3A_571 = tpu.memref_slice %arg18[%dma_wait3A_570] : memref<800xf32, #tpu.memory_space<vmem>> -> memref<80xf32, #tpu.memory_space<vmem>>
      %dma_wait3A_572 = arith.constant 160 : i32
      %dma_wait3A_573 = tpu.memref_slice %arg13[%dma_wait3A_572] : memref<800xi32, #tpu.memory_space<vmem>> -> memref<80xi32, #tpu.memory_space<vmem>>
      %dma_wait3A_574 = arith.constant 0 : i32
      %dma_wait3A_575 = tpu.memref_slice %arg46[%dma_wait3A_574] : memref<100000xf32, #tpu.memory_space<vmem_shared>> -> memref<100000xf32, #tpu.memory_space<vmem_shared>>
      tpu.wait_indirect_dma semaphore(%arg42 : memref<!tpu.dma_semaphore, #tpu.memory_space<semaphore_mem>>) src(%dma_wait3A_575 : memref<100000xf32, #tpu.memory_space<vmem_shared>>) dst(%dma_wait3A_571 : memref<80xf32, #tpu.memory_space<vmem>>)
      %dma_wait3A_576 = arith.constant 160 : i32
      %dma_wait3A_577 = tpu.memref_slice %arg19[%dma_wait3A_576] : memref<800xf32, #tpu.memory_space<vmem>> -> memref<80xf32, #tpu.memory_space<vmem>>
      %dma_wait3A_578 = arith.constant 160 : i32
      %dma_wait3A_579 = tpu.memref_slice %arg13[%dma_wait3A_578] : memref<800xi32, #tpu.memory_space<vmem>> -> memref<80xi32, #tpu.memory_space<vmem>>
      %dma_wait3A_580 = arith.constant 0 : i32
      %dma_wait3A_581 = tpu.memref_slice %arg47[%dma_wait3A_580] : memref<100000xf32, #tpu.memory_space<vmem_shared>> -> memref<100000xf32, #tpu.memory_space<vmem_shared>>
      tpu.wait_indirect_dma semaphore(%arg42 : memref<!tpu.dma_semaphore, #tpu.memory_space<semaphore_mem>>) src(%dma_wait3A_581 : memref<100000xf32, #tpu.memory_space<vmem_shared>>) dst(%dma_wait3A_577 : memref<80xf32, #tpu.memory_space<vmem>>)
      %dma_wait3A_582 = arith.constant 160 : i32
      %dma_wait3A_583 = tpu.memref_slice %arg20[%dma_wait3A_582] : memref<800xf32, #tpu.memory_space<vmem>> -> memref<80xf32, #tpu.memory_space<vmem>>
      %dma_wait3A_584 = arith.constant 160 : i32
      %dma_wait3A_585 = tpu.memref_slice %arg13[%dma_wait3A_584] : memref<800xi32, #tpu.memory_space<vmem>> -> memref<80xi32, #tpu.memory_space<vmem>>
      %dma_wait3A_586 = arith.constant 0 : i32
      %dma_wait3A_587 = tpu.memref_slice %arg48[%dma_wait3A_586] : memref<100000xf32, #tpu.memory_space<vmem_shared>> -> memref<100000xf32, #tpu.memory_space<vmem_shared>>
      tpu.wait_indirect_dma semaphore(%arg42 : memref<!tpu.dma_semaphore, #tpu.memory_space<semaphore_mem>>) src(%dma_wait3A_587 : memref<100000xf32, #tpu.memory_space<vmem_shared>>) dst(%dma_wait3A_583 : memref<80xf32, #tpu.memory_space<vmem>>)
      %dma_wait3A_588 = arith.constant 160 : i32
      %dma_wait3A_589 = tpu.memref_slice %arg21[%dma_wait3A_588] : memref<800xf32, #tpu.memory_space<vmem>> -> memref<80xf32, #tpu.memory_space<vmem>>
      %dma_wait3A_590 = arith.constant 160 : i32
      %dma_wait3A_591 = tpu.memref_slice %arg14[%dma_wait3A_590] : memref<800xi32, #tpu.memory_space<vmem>> -> memref<80xi32, #tpu.memory_space<vmem>>
      %dma_wait3A_592 = arith.constant 0 : i32
      %dma_wait3A_593 = tpu.memref_slice %arg46[%dma_wait3A_592] : memref<100000xf32, #tpu.memory_space<vmem_shared>> -> memref<100000xf32, #tpu.memory_space<vmem_shared>>
      tpu.wait_indirect_dma semaphore(%arg42 : memref<!tpu.dma_semaphore, #tpu.memory_space<semaphore_mem>>) src(%dma_wait3A_593 : memref<100000xf32, #tpu.memory_space<vmem_shared>>) dst(%dma_wait3A_589 : memref<80xf32, #tpu.memory_space<vmem>>)
      %dma_wait3A_594 = arith.constant 160 : i32
      %dma_wait3A_595 = tpu.memref_slice %arg22[%dma_wait3A_594] : memref<800xf32, #tpu.memory_space<vmem>> -> memref<80xf32, #tpu.memory_space<vmem>>
      %dma_wait3A_596 = arith.constant 160 : i32
      %dma_wait3A_597 = tpu.memref_slice %arg14[%dma_wait3A_596] : memref<800xi32, #tpu.memory_space<vmem>> -> memref<80xi32, #tpu.memory_space<vmem>>
      %dma_wait3A_598 = arith.constant 0 : i32
      %dma_wait3A_599 = tpu.memref_slice %arg47[%dma_wait3A_598] : memref<100000xf32, #tpu.memory_space<vmem_shared>> -> memref<100000xf32, #tpu.memory_space<vmem_shared>>
      tpu.wait_indirect_dma semaphore(%arg42 : memref<!tpu.dma_semaphore, #tpu.memory_space<semaphore_mem>>) src(%dma_wait3A_599 : memref<100000xf32, #tpu.memory_space<vmem_shared>>) dst(%dma_wait3A_595 : memref<80xf32, #tpu.memory_space<vmem>>)
      %dma_wait3A_600 = arith.constant 160 : i32
      %dma_wait3A_601 = tpu.memref_slice %arg23[%dma_wait3A_600] : memref<800xf32, #tpu.memory_space<vmem>> -> memref<80xf32, #tpu.memory_space<vmem>>
      %dma_wait3A_602 = arith.constant 160 : i32
      %dma_wait3A_603 = tpu.memref_slice %arg14[%dma_wait3A_602] : memref<800xi32, #tpu.memory_space<vmem>> -> memref<80xi32, #tpu.memory_space<vmem>>
      %dma_wait3A_604 = arith.constant 0 : i32
      %dma_wait3A_605 = tpu.memref_slice %arg48[%dma_wait3A_604] : memref<100000xf32, #tpu.memory_space<vmem_shared>> -> memref<100000xf32, #tpu.memory_space<vmem_shared>>
      tpu.wait_indirect_dma semaphore(%arg42 : memref<!tpu.dma_semaphore, #tpu.memory_space<semaphore_mem>>) src(%dma_wait3A_605 : memref<100000xf32, #tpu.memory_space<vmem_shared>>) dst(%dma_wait3A_601 : memref<80xf32, #tpu.memory_space<vmem>>)
      %dma_wait3A_606 = arith.constant 160 : i32
      %dma_wait3A_607 = tpu.memref_slice %arg24[%dma_wait3A_606] : memref<800xf32, #tpu.memory_space<vmem>> -> memref<80xf32, #tpu.memory_space<vmem>>
      %dma_wait3A_608 = arith.constant 160 : i32
      %dma_wait3A_609 = tpu.memref_slice %arg14[%dma_wait3A_608] : memref<800xi32, #tpu.memory_space<vmem>> -> memref<80xi32, #tpu.memory_space<vmem>>
      %dma_wait3A_610 = arith.constant 0 : i32
      %dma_wait3A_611 = tpu.memref_slice %arg49[%dma_wait3A_610] : memref<100000xf32, #tpu.memory_space<vmem_shared>> -> memref<100000xf32, #tpu.memory_space<vmem_shared>>
      tpu.wait_indirect_dma semaphore(%arg42 : memref<!tpu.dma_semaphore, #tpu.memory_space<semaphore_mem>>) src(%dma_wait3A_611 : memref<100000xf32, #tpu.memory_space<vmem_shared>>) dst(%dma_wait3A_607 : memref<80xf32, #tpu.memory_space<vmem>>)
      %dma_wait3A_612 = arith.constant 240 : i32
      %dma_wait3A_613 = tpu.memref_slice %arg18[%dma_wait3A_612] : memref<800xf32, #tpu.memory_space<vmem>> -> memref<80xf32, #tpu.memory_space<vmem>>
      %dma_wait3A_614 = arith.constant 240 : i32
      %dma_wait3A_615 = tpu.memref_slice %arg13[%dma_wait3A_614] : memref<800xi32, #tpu.memory_space<vmem>> -> memref<80xi32, #tpu.memory_space<vmem>>
      %dma_wait3A_616 = arith.constant 0 : i32
      %dma_wait3A_617 = tpu.memref_slice %arg46[%dma_wait3A_616] : memref<100000xf32, #tpu.memory_space<vmem_shared>> -> memref<100000xf32, #tpu.memory_space<vmem_shared>>
      tpu.wait_indirect_dma semaphore(%arg42 : memref<!tpu.dma_semaphore, #tpu.memory_space<semaphore_mem>>) src(%dma_wait3A_617 : memref<100000xf32, #tpu.memory_space<vmem_shared>>) dst(%dma_wait3A_613 : memref<80xf32, #tpu.memory_space<vmem>>)
      %dma_wait3A_618 = arith.constant 240 : i32
      %dma_wait3A_619 = tpu.memref_slice %arg19[%dma_wait3A_618] : memref<800xf32, #tpu.memory_space<vmem>> -> memref<80xf32, #tpu.memory_space<vmem>>
      %dma_wait3A_620 = arith.constant 240 : i32
      %dma_wait3A_621 = tpu.memref_slice %arg13[%dma_wait3A_620] : memref<800xi32, #tpu.memory_space<vmem>> -> memref<80xi32, #tpu.memory_space<vmem>>
      %dma_wait3A_622 = arith.constant 0 : i32
      %dma_wait3A_623 = tpu.memref_slice %arg47[%dma_wait3A_622] : memref<100000xf32, #tpu.memory_space<vmem_shared>> -> memref<100000xf32, #tpu.memory_space<vmem_shared>>
      tpu.wait_indirect_dma semaphore(%arg42 : memref<!tpu.dma_semaphore, #tpu.memory_space<semaphore_mem>>) src(%dma_wait3A_623 : memref<100000xf32, #tpu.memory_space<vmem_shared>>) dst(%dma_wait3A_619 : memref<80xf32, #tpu.memory_space<vmem>>)
      %dma_wait3A_624 = arith.constant 240 : i32
      %dma_wait3A_625 = tpu.memref_slice %arg20[%dma_wait3A_624] : memref<800xf32, #tpu.memory_space<vmem>> -> memref<80xf32, #tpu.memory_space<vmem>>
      %dma_wait3A_626 = arith.constant 240 : i32
      %dma_wait3A_627 = tpu.memref_slice %arg13[%dma_wait3A_626] : memref<800xi32, #tpu.memory_space<vmem>> -> memref<80xi32, #tpu.memory_space<vmem>>
      %dma_wait3A_628 = arith.constant 0 : i32
      %dma_wait3A_629 = tpu.memref_slice %arg48[%dma_wait3A_628] : memref<100000xf32, #tpu.memory_space<vmem_shared>> -> memref<100000xf32, #tpu.memory_space<vmem_shared>>
      tpu.wait_indirect_dma semaphore(%arg42 : memref<!tpu.dma_semaphore, #tpu.memory_space<semaphore_mem>>) src(%dma_wait3A_629 : memref<100000xf32, #tpu.memory_space<vmem_shared>>) dst(%dma_wait3A_625 : memref<80xf32, #tpu.memory_space<vmem>>)
      %dma_wait3A_630 = arith.constant 240 : i32
      %dma_wait3A_631 = tpu.memref_slice %arg21[%dma_wait3A_630] : memref<800xf32, #tpu.memory_space<vmem>> -> memref<80xf32, #tpu.memory_space<vmem>>
      %dma_wait3A_632 = arith.constant 240 : i32
      %dma_wait3A_633 = tpu.memref_slice %arg14[%dma_wait3A_632] : memref<800xi32, #tpu.memory_space<vmem>> -> memref<80xi32, #tpu.memory_space<vmem>>
      %dma_wait3A_634 = arith.constant 0 : i32
      %dma_wait3A_635 = tpu.memref_slice %arg46[%dma_wait3A_634] : memref<100000xf32, #tpu.memory_space<vmem_shared>> -> memref<100000xf32, #tpu.memory_space<vmem_shared>>
      tpu.wait_indirect_dma semaphore(%arg42 : memref<!tpu.dma_semaphore, #tpu.memory_space<semaphore_mem>>) src(%dma_wait3A_635 : memref<100000xf32, #tpu.memory_space<vmem_shared>>) dst(%dma_wait3A_631 : memref<80xf32, #tpu.memory_space<vmem>>)
      %dma_wait3A_636 = arith.constant 240 : i32
      %dma_wait3A_637 = tpu.memref_slice %arg22[%dma_wait3A_636] : memref<800xf32, #tpu.memory_space<vmem>> -> memref<80xf32, #tpu.memory_space<vmem>>
      %dma_wait3A_638 = arith.constant 240 : i32
      %dma_wait3A_639 = tpu.memref_slice %arg14[%dma_wait3A_638] : memref<800xi32, #tpu.memory_space<vmem>> -> memref<80xi32, #tpu.memory_space<vmem>>
      %dma_wait3A_640 = arith.constant 0 : i32
      %dma_wait3A_641 = tpu.memref_slice %arg47[%dma_wait3A_640] : memref<100000xf32, #tpu.memory_space<vmem_shared>> -> memref<100000xf32, #tpu.memory_space<vmem_shared>>
      tpu.wait_indirect_dma semaphore(%arg42 : memref<!tpu.dma_semaphore, #tpu.memory_space<semaphore_mem>>) src(%dma_wait3A_641 : memref<100000xf32, #tpu.memory_space<vmem_shared>>) dst(%dma_wait3A_637 : memref<80xf32, #tpu.memory_space<vmem>>)
      %dma_wait3A_642 = arith.constant 240 : i32
      %dma_wait3A_643 = tpu.memref_slice %arg23[%dma_wait3A_642] : memref<800xf32, #tpu.memory_space<vmem>> -> memref<80xf32, #tpu.memory_space<vmem>>
      %dma_wait3A_644 = arith.constant 240 : i32
      %dma_wait3A_645 = tpu.memref_slice %arg14[%dma_wait3A_644] : memref<800xi32, #tpu.memory_space<vmem>> -> memref<80xi32, #tpu.memory_space<vmem>>
      %dma_wait3A_646 = arith.constant 0 : i32
      %dma_wait3A_647 = tpu.memref_slice %arg48[%dma_wait3A_646] : memref<100000xf32, #tpu.memory_space<vmem_shared>> -> memref<100000xf32, #tpu.memory_space<vmem_shared>>
      tpu.wait_indirect_dma semaphore(%arg42 : memref<!tpu.dma_semaphore, #tpu.memory_space<semaphore_mem>>) src(%dma_wait3A_647 : memref<100000xf32, #tpu.memory_space<vmem_shared>>) dst(%dma_wait3A_643 : memref<80xf32, #tpu.memory_space<vmem>>)
      %dma_wait3A_648 = arith.constant 240 : i32
      %dma_wait3A_649 = tpu.memref_slice %arg24[%dma_wait3A_648] : memref<800xf32, #tpu.memory_space<vmem>> -> memref<80xf32, #tpu.memory_space<vmem>>
      %dma_wait3A_650 = arith.constant 240 : i32
      %dma_wait3A_651 = tpu.memref_slice %arg14[%dma_wait3A_650] : memref<800xi32, #tpu.memory_space<vmem>> -> memref<80xi32, #tpu.memory_space<vmem>>
      %dma_wait3A_652 = arith.constant 0 : i32
      %dma_wait3A_653 = tpu.memref_slice %arg49[%dma_wait3A_652] : memref<100000xf32, #tpu.memory_space<vmem_shared>> -> memref<100000xf32, #tpu.memory_space<vmem_shared>>
      tpu.wait_indirect_dma semaphore(%arg42 : memref<!tpu.dma_semaphore, #tpu.memory_space<semaphore_mem>>) src(%dma_wait3A_653 : memref<100000xf32, #tpu.memory_space<vmem_shared>>) dst(%dma_wait3A_649 : memref<80xf32, #tpu.memory_space<vmem>>)
      %dma_wait3A_654 = arith.constant 320 : i32
      %dma_wait3A_655 = tpu.memref_slice %arg18[%dma_wait3A_654] : memref<800xf32, #tpu.memory_space<vmem>> -> memref<80xf32, #tpu.memory_space<vmem>>
      %dma_wait3A_656 = arith.constant 320 : i32
      %dma_wait3A_657 = tpu.memref_slice %arg13[%dma_wait3A_656] : memref<800xi32, #tpu.memory_space<vmem>> -> memref<80xi32, #tpu.memory_space<vmem>>
      %dma_wait3A_658 = arith.constant 0 : i32
      %dma_wait3A_659 = tpu.memref_slice %arg46[%dma_wait3A_658] : memref<100000xf32, #tpu.memory_space<vmem_shared>> -> memref<100000xf32, #tpu.memory_space<vmem_shared>>
      tpu.wait_indirect_dma semaphore(%arg42 : memref<!tpu.dma_semaphore, #tpu.memory_space<semaphore_mem>>) src(%dma_wait3A_659 : memref<100000xf32, #tpu.memory_space<vmem_shared>>) dst(%dma_wait3A_655 : memref<80xf32, #tpu.memory_space<vmem>>)
      %dma_wait3A_660 = arith.constant 320 : i32
      %dma_wait3A_661 = tpu.memref_slice %arg19[%dma_wait3A_660] : memref<800xf32, #tpu.memory_space<vmem>> -> memref<80xf32, #tpu.memory_space<vmem>>
      %dma_wait3A_662 = arith.constant 320 : i32
      %dma_wait3A_663 = tpu.memref_slice %arg13[%dma_wait3A_662] : memref<800xi32, #tpu.memory_space<vmem>> -> memref<80xi32, #tpu.memory_space<vmem>>
      %dma_wait3A_664 = arith.constant 0 : i32
      %dma_wait3A_665 = tpu.memref_slice %arg47[%dma_wait3A_664] : memref<100000xf32, #tpu.memory_space<vmem_shared>> -> memref<100000xf32, #tpu.memory_space<vmem_shared>>
      tpu.wait_indirect_dma semaphore(%arg42 : memref<!tpu.dma_semaphore, #tpu.memory_space<semaphore_mem>>) src(%dma_wait3A_665 : memref<100000xf32, #tpu.memory_space<vmem_shared>>) dst(%dma_wait3A_661 : memref<80xf32, #tpu.memory_space<vmem>>)
      %dma_wait3A_666 = arith.constant 320 : i32
      %dma_wait3A_667 = tpu.memref_slice %arg20[%dma_wait3A_666] : memref<800xf32, #tpu.memory_space<vmem>> -> memref<80xf32, #tpu.memory_space<vmem>>
      %dma_wait3A_668 = arith.constant 320 : i32
      %dma_wait3A_669 = tpu.memref_slice %arg13[%dma_wait3A_668] : memref<800xi32, #tpu.memory_space<vmem>> -> memref<80xi32, #tpu.memory_space<vmem>>
      %dma_wait3A_670 = arith.constant 0 : i32
      %dma_wait3A_671 = tpu.memref_slice %arg48[%dma_wait3A_670] : memref<100000xf32, #tpu.memory_space<vmem_shared>> -> memref<100000xf32, #tpu.memory_space<vmem_shared>>
      tpu.wait_indirect_dma semaphore(%arg42 : memref<!tpu.dma_semaphore, #tpu.memory_space<semaphore_mem>>) src(%dma_wait3A_671 : memref<100000xf32, #tpu.memory_space<vmem_shared>>) dst(%dma_wait3A_667 : memref<80xf32, #tpu.memory_space<vmem>>)
      %dma_wait3A_672 = arith.constant 320 : i32
      %dma_wait3A_673 = tpu.memref_slice %arg21[%dma_wait3A_672] : memref<800xf32, #tpu.memory_space<vmem>> -> memref<80xf32, #tpu.memory_space<vmem>>
      %dma_wait3A_674 = arith.constant 320 : i32
      %dma_wait3A_675 = tpu.memref_slice %arg14[%dma_wait3A_674] : memref<800xi32, #tpu.memory_space<vmem>> -> memref<80xi32, #tpu.memory_space<vmem>>
      %dma_wait3A_676 = arith.constant 0 : i32
      %dma_wait3A_677 = tpu.memref_slice %arg46[%dma_wait3A_676] : memref<100000xf32, #tpu.memory_space<vmem_shared>> -> memref<100000xf32, #tpu.memory_space<vmem_shared>>
      tpu.wait_indirect_dma semaphore(%arg42 : memref<!tpu.dma_semaphore, #tpu.memory_space<semaphore_mem>>) src(%dma_wait3A_677 : memref<100000xf32, #tpu.memory_space<vmem_shared>>) dst(%dma_wait3A_673 : memref<80xf32, #tpu.memory_space<vmem>>)
      %dma_wait3A_678 = arith.constant 320 : i32
      %dma_wait3A_679 = tpu.memref_slice %arg22[%dma_wait3A_678] : memref<800xf32, #tpu.memory_space<vmem>> -> memref<80xf32, #tpu.memory_space<vmem>>
      %dma_wait3A_680 = arith.constant 320 : i32
      %dma_wait3A_681 = tpu.memref_slice %arg14[%dma_wait3A_680] : memref<800xi32, #tpu.memory_space<vmem>> -> memref<80xi32, #tpu.memory_space<vmem>>
      %dma_wait3A_682 = arith.constant 0 : i32
      %dma_wait3A_683 = tpu.memref_slice %arg47[%dma_wait3A_682] : memref<100000xf32, #tpu.memory_space<vmem_shared>> -> memref<100000xf32, #tpu.memory_space<vmem_shared>>
      tpu.wait_indirect_dma semaphore(%arg42 : memref<!tpu.dma_semaphore, #tpu.memory_space<semaphore_mem>>) src(%dma_wait3A_683 : memref<100000xf32, #tpu.memory_space<vmem_shared>>) dst(%dma_wait3A_679 : memref<80xf32, #tpu.memory_space<vmem>>)
      %dma_wait3A_684 = arith.constant 320 : i32
      %dma_wait3A_685 = tpu.memref_slice %arg23[%dma_wait3A_684] : memref<800xf32, #tpu.memory_space<vmem>> -> memref<80xf32, #tpu.memory_space<vmem>>
      %dma_wait3A_686 = arith.constant 320 : i32
      %dma_wait3A_687 = tpu.memref_slice %arg14[%dma_wait3A_686] : memref<800xi32, #tpu.memory_space<vmem>> -> memref<80xi32, #tpu.memory_space<vmem>>
      %dma_wait3A_688 = arith.constant 0 : i32
      %dma_wait3A_689 = tpu.memref_slice %arg48[%dma_wait3A_688] : memref<100000xf32, #tpu.memory_space<vmem_shared>> -> memref<100000xf32, #tpu.memory_space<vmem_shared>>
      tpu.wait_indirect_dma semaphore(%arg42 : memref<!tpu.dma_semaphore, #tpu.memory_space<semaphore_mem>>) src(%dma_wait3A_689 : memref<100000xf32, #tpu.memory_space<vmem_shared>>) dst(%dma_wait3A_685 : memref<80xf32, #tpu.memory_space<vmem>>)
      %dma_wait3A_690 = arith.constant 320 : i32
      %dma_wait3A_691 = tpu.memref_slice %arg24[%dma_wait3A_690] : memref<800xf32, #tpu.memory_space<vmem>> -> memref<80xf32, #tpu.memory_space<vmem>>
      %dma_wait3A_692 = arith.constant 320 : i32
      %dma_wait3A_693 = tpu.memref_slice %arg14[%dma_wait3A_692] : memref<800xi32, #tpu.memory_space<vmem>> -> memref<80xi32, #tpu.memory_space<vmem>>
      %dma_wait3A_694 = arith.constant 0 : i32
      %dma_wait3A_695 = tpu.memref_slice %arg49[%dma_wait3A_694] : memref<100000xf32, #tpu.memory_space<vmem_shared>> -> memref<100000xf32, #tpu.memory_space<vmem_shared>>
      tpu.wait_indirect_dma semaphore(%arg42 : memref<!tpu.dma_semaphore, #tpu.memory_space<semaphore_mem>>) src(%dma_wait3A_695 : memref<100000xf32, #tpu.memory_space<vmem_shared>>) dst(%dma_wait3A_691 : memref<80xf32, #tpu.memory_space<vmem>>)
      %dma_wait3A_696 = arith.constant 400 : i32
      %dma_wait3A_697 = tpu.memref_slice %arg18[%dma_wait3A_696] : memref<800xf32, #tpu.memory_space<vmem>> -> memref<80xf32, #tpu.memory_space<vmem>>
      %dma_wait3A_698 = arith.constant 400 : i32
      %dma_wait3A_699 = tpu.memref_slice %arg13[%dma_wait3A_698] : memref<800xi32, #tpu.memory_space<vmem>> -> memref<80xi32, #tpu.memory_space<vmem>>
      %dma_wait3A_700 = arith.constant 0 : i32
      %dma_wait3A_701 = tpu.memref_slice %arg46[%dma_wait3A_700] : memref<100000xf32, #tpu.memory_space<vmem_shared>> -> memref<100000xf32, #tpu.memory_space<vmem_shared>>
      tpu.wait_indirect_dma semaphore(%arg42 : memref<!tpu.dma_semaphore, #tpu.memory_space<semaphore_mem>>) src(%dma_wait3A_701 : memref<100000xf32, #tpu.memory_space<vmem_shared>>) dst(%dma_wait3A_697 : memref<80xf32, #tpu.memory_space<vmem>>)
      %dma_wait3A_702 = arith.constant 400 : i32
      %dma_wait3A_703 = tpu.memref_slice %arg19[%dma_wait3A_702] : memref<800xf32, #tpu.memory_space<vmem>> -> memref<80xf32, #tpu.memory_space<vmem>>
      %dma_wait3A_704 = arith.constant 400 : i32
      %dma_wait3A_705 = tpu.memref_slice %arg13[%dma_wait3A_704] : memref<800xi32, #tpu.memory_space<vmem>> -> memref<80xi32, #tpu.memory_space<vmem>>
      %dma_wait3A_706 = arith.constant 0 : i32
      %dma_wait3A_707 = tpu.memref_slice %arg47[%dma_wait3A_706] : memref<100000xf32, #tpu.memory_space<vmem_shared>> -> memref<100000xf32, #tpu.memory_space<vmem_shared>>
      tpu.wait_indirect_dma semaphore(%arg42 : memref<!tpu.dma_semaphore, #tpu.memory_space<semaphore_mem>>) src(%dma_wait3A_707 : memref<100000xf32, #tpu.memory_space<vmem_shared>>) dst(%dma_wait3A_703 : memref<80xf32, #tpu.memory_space<vmem>>)
      %dma_wait3A_708 = arith.constant 400 : i32
      %dma_wait3A_709 = tpu.memref_slice %arg20[%dma_wait3A_708] : memref<800xf32, #tpu.memory_space<vmem>> -> memref<80xf32, #tpu.memory_space<vmem>>
      %dma_wait3A_710 = arith.constant 400 : i32
      %dma_wait3A_711 = tpu.memref_slice %arg13[%dma_wait3A_710] : memref<800xi32, #tpu.memory_space<vmem>> -> memref<80xi32, #tpu.memory_space<vmem>>
      %dma_wait3A_712 = arith.constant 0 : i32
      %dma_wait3A_713 = tpu.memref_slice %arg48[%dma_wait3A_712] : memref<100000xf32, #tpu.memory_space<vmem_shared>> -> memref<100000xf32, #tpu.memory_space<vmem_shared>>
      tpu.wait_indirect_dma semaphore(%arg42 : memref<!tpu.dma_semaphore, #tpu.memory_space<semaphore_mem>>) src(%dma_wait3A_713 : memref<100000xf32, #tpu.memory_space<vmem_shared>>) dst(%dma_wait3A_709 : memref<80xf32, #tpu.memory_space<vmem>>)
      %dma_wait3A_714 = arith.constant 400 : i32
      %dma_wait3A_715 = tpu.memref_slice %arg21[%dma_wait3A_714] : memref<800xf32, #tpu.memory_space<vmem>> -> memref<80xf32, #tpu.memory_space<vmem>>
      %dma_wait3A_716 = arith.constant 400 : i32
      %dma_wait3A_717 = tpu.memref_slice %arg14[%dma_wait3A_716] : memref<800xi32, #tpu.memory_space<vmem>> -> memref<80xi32, #tpu.memory_space<vmem>>
      %dma_wait3A_718 = arith.constant 0 : i32
      %dma_wait3A_719 = tpu.memref_slice %arg46[%dma_wait3A_718] : memref<100000xf32, #tpu.memory_space<vmem_shared>> -> memref<100000xf32, #tpu.memory_space<vmem_shared>>
      tpu.wait_indirect_dma semaphore(%arg42 : memref<!tpu.dma_semaphore, #tpu.memory_space<semaphore_mem>>) src(%dma_wait3A_719 : memref<100000xf32, #tpu.memory_space<vmem_shared>>) dst(%dma_wait3A_715 : memref<80xf32, #tpu.memory_space<vmem>>)
      %dma_wait3A_720 = arith.constant 400 : i32
      %dma_wait3A_721 = tpu.memref_slice %arg22[%dma_wait3A_720] : memref<800xf32, #tpu.memory_space<vmem>> -> memref<80xf32, #tpu.memory_space<vmem>>
      %dma_wait3A_722 = arith.constant 400 : i32
      %dma_wait3A_723 = tpu.memref_slice %arg14[%dma_wait3A_722] : memref<800xi32, #tpu.memory_space<vmem>> -> memref<80xi32, #tpu.memory_space<vmem>>
      %dma_wait3A_724 = arith.constant 0 : i32
      %dma_wait3A_725 = tpu.memref_slice %arg47[%dma_wait3A_724] : memref<100000xf32, #tpu.memory_space<vmem_shared>> -> memref<100000xf32, #tpu.memory_space<vmem_shared>>
      tpu.wait_indirect_dma semaphore(%arg42 : memref<!tpu.dma_semaphore, #tpu.memory_space<semaphore_mem>>) src(%dma_wait3A_725 : memref<100000xf32, #tpu.memory_space<vmem_shared>>) dst(%dma_wait3A_721 : memref<80xf32, #tpu.memory_space<vmem>>)
      %dma_wait3A_726 = arith.constant 400 : i32
      %dma_wait3A_727 = tpu.memref_slice %arg23[%dma_wait3A_726] : memref<800xf32, #tpu.memory_space<vmem>> -> memref<80xf32, #tpu.memory_space<vmem>>
      %dma_wait3A_728 = arith.constant 400 : i32
      %dma_wait3A_729 = tpu.memref_slice %arg14[%dma_wait3A_728] : memref<800xi32, #tpu.memory_space<vmem>> -> memref<80xi32, #tpu.memory_space<vmem>>
      %dma_wait3A_730 = arith.constant 0 : i32
      %dma_wait3A_731 = tpu.memref_slice %arg48[%dma_wait3A_730] : memref<100000xf32, #tpu.memory_space<vmem_shared>> -> memref<100000xf32, #tpu.memory_space<vmem_shared>>
      tpu.wait_indirect_dma semaphore(%arg42 : memref<!tpu.dma_semaphore, #tpu.memory_space<semaphore_mem>>) src(%dma_wait3A_731 : memref<100000xf32, #tpu.memory_space<vmem_shared>>) dst(%dma_wait3A_727 : memref<80xf32, #tpu.memory_space<vmem>>)
      %dma_wait3A_732 = arith.constant 400 : i32
      %dma_wait3A_733 = tpu.memref_slice %arg24[%dma_wait3A_732] : memref<800xf32, #tpu.memory_space<vmem>> -> memref<80xf32, #tpu.memory_space<vmem>>
      %dma_wait3A_734 = arith.constant 400 : i32
      %dma_wait3A_735 = tpu.memref_slice %arg14[%dma_wait3A_734] : memref<800xi32, #tpu.memory_space<vmem>> -> memref<80xi32, #tpu.memory_space<vmem>>
      %dma_wait3A_736 = arith.constant 0 : i32
      %dma_wait3A_737 = tpu.memref_slice %arg49[%dma_wait3A_736] : memref<100000xf32, #tpu.memory_space<vmem_shared>> -> memref<100000xf32, #tpu.memory_space<vmem_shared>>
      tpu.wait_indirect_dma semaphore(%arg42 : memref<!tpu.dma_semaphore, #tpu.memory_space<semaphore_mem>>) src(%dma_wait3A_737 : memref<100000xf32, #tpu.memory_space<vmem_shared>>) dst(%dma_wait3A_733 : memref<80xf32, #tpu.memory_space<vmem>>)
      %dma_wait3A_738 = arith.constant 480 : i32
      %dma_wait3A_739 = tpu.memref_slice %arg18[%dma_wait3A_738] : memref<800xf32, #tpu.memory_space<vmem>> -> memref<80xf32, #tpu.memory_space<vmem>>
      %dma_wait3A_740 = arith.constant 480 : i32
      %dma_wait3A_741 = tpu.memref_slice %arg13[%dma_wait3A_740] : memref<800xi32, #tpu.memory_space<vmem>> -> memref<80xi32, #tpu.memory_space<vmem>>
      %dma_wait3A_742 = arith.constant 0 : i32
      %dma_wait3A_743 = tpu.memref_slice %arg46[%dma_wait3A_742] : memref<100000xf32, #tpu.memory_space<vmem_shared>> -> memref<100000xf32, #tpu.memory_space<vmem_shared>>
      tpu.wait_indirect_dma semaphore(%arg42 : memref<!tpu.dma_semaphore, #tpu.memory_space<semaphore_mem>>) src(%dma_wait3A_743 : memref<100000xf32, #tpu.memory_space<vmem_shared>>) dst(%dma_wait3A_739 : memref<80xf32, #tpu.memory_space<vmem>>)
      %dma_wait3A_744 = arith.constant 480 : i32
      %dma_wait3A_745 = tpu.memref_slice %arg19[%dma_wait3A_744] : memref<800xf32, #tpu.memory_space<vmem>> -> memref<80xf32, #tpu.memory_space<vmem>>
      %dma_wait3A_746 = arith.constant 480 : i32
      %dma_wait3A_747 = tpu.memref_slice %arg13[%dma_wait3A_746] : memref<800xi32, #tpu.memory_space<vmem>> -> memref<80xi32, #tpu.memory_space<vmem>>
      %dma_wait3A_748 = arith.constant 0 : i32
      %dma_wait3A_749 = tpu.memref_slice %arg47[%dma_wait3A_748] : memref<100000xf32, #tpu.memory_space<vmem_shared>> -> memref<100000xf32, #tpu.memory_space<vmem_shared>>
      tpu.wait_indirect_dma semaphore(%arg42 : memref<!tpu.dma_semaphore, #tpu.memory_space<semaphore_mem>>) src(%dma_wait3A_749 : memref<100000xf32, #tpu.memory_space<vmem_shared>>) dst(%dma_wait3A_745 : memref<80xf32, #tpu.memory_space<vmem>>)
      %dma_wait3A_750 = arith.constant 480 : i32
      %dma_wait3A_751 = tpu.memref_slice %arg20[%dma_wait3A_750] : memref<800xf32, #tpu.memory_space<vmem>> -> memref<80xf32, #tpu.memory_space<vmem>>
      %dma_wait3A_752 = arith.constant 480 : i32
      %dma_wait3A_753 = tpu.memref_slice %arg13[%dma_wait3A_752] : memref<800xi32, #tpu.memory_space<vmem>> -> memref<80xi32, #tpu.memory_space<vmem>>
      %dma_wait3A_754 = arith.constant 0 : i32
      %dma_wait3A_755 = tpu.memref_slice %arg48[%dma_wait3A_754] : memref<100000xf32, #tpu.memory_space<vmem_shared>> -> memref<100000xf32, #tpu.memory_space<vmem_shared>>
      tpu.wait_indirect_dma semaphore(%arg42 : memref<!tpu.dma_semaphore, #tpu.memory_space<semaphore_mem>>) src(%dma_wait3A_755 : memref<100000xf32, #tpu.memory_space<vmem_shared>>) dst(%dma_wait3A_751 : memref<80xf32, #tpu.memory_space<vmem>>)
      %dma_wait3A_756 = arith.constant 480 : i32
      %dma_wait3A_757 = tpu.memref_slice %arg21[%dma_wait3A_756] : memref<800xf32, #tpu.memory_space<vmem>> -> memref<80xf32, #tpu.memory_space<vmem>>
      %dma_wait3A_758 = arith.constant 480 : i32
      %dma_wait3A_759 = tpu.memref_slice %arg14[%dma_wait3A_758] : memref<800xi32, #tpu.memory_space<vmem>> -> memref<80xi32, #tpu.memory_space<vmem>>
      %dma_wait3A_760 = arith.constant 0 : i32
      %dma_wait3A_761 = tpu.memref_slice %arg46[%dma_wait3A_760] : memref<100000xf32, #tpu.memory_space<vmem_shared>> -> memref<100000xf32, #tpu.memory_space<vmem_shared>>
      tpu.wait_indirect_dma semaphore(%arg42 : memref<!tpu.dma_semaphore, #tpu.memory_space<semaphore_mem>>) src(%dma_wait3A_761 : memref<100000xf32, #tpu.memory_space<vmem_shared>>) dst(%dma_wait3A_757 : memref<80xf32, #tpu.memory_space<vmem>>)
      %dma_wait3A_762 = arith.constant 480 : i32
      %dma_wait3A_763 = tpu.memref_slice %arg22[%dma_wait3A_762] : memref<800xf32, #tpu.memory_space<vmem>> -> memref<80xf32, #tpu.memory_space<vmem>>
      %dma_wait3A_764 = arith.constant 480 : i32
      %dma_wait3A_765 = tpu.memref_slice %arg14[%dma_wait3A_764] : memref<800xi32, #tpu.memory_space<vmem>> -> memref<80xi32, #tpu.memory_space<vmem>>
      %dma_wait3A_766 = arith.constant 0 : i32
      %dma_wait3A_767 = tpu.memref_slice %arg47[%dma_wait3A_766] : memref<100000xf32, #tpu.memory_space<vmem_shared>> -> memref<100000xf32, #tpu.memory_space<vmem_shared>>
      tpu.wait_indirect_dma semaphore(%arg42 : memref<!tpu.dma_semaphore, #tpu.memory_space<semaphore_mem>>) src(%dma_wait3A_767 : memref<100000xf32, #tpu.memory_space<vmem_shared>>) dst(%dma_wait3A_763 : memref<80xf32, #tpu.memory_space<vmem>>)
      %dma_wait3A_768 = arith.constant 480 : i32
      %dma_wait3A_769 = tpu.memref_slice %arg23[%dma_wait3A_768] : memref<800xf32, #tpu.memory_space<vmem>> -> memref<80xf32, #tpu.memory_space<vmem>>
      %dma_wait3A_770 = arith.constant 480 : i32
      %dma_wait3A_771 = tpu.memref_slice %arg14[%dma_wait3A_770] : memref<800xi32, #tpu.memory_space<vmem>> -> memref<80xi32, #tpu.memory_space<vmem>>
      %dma_wait3A_772 = arith.constant 0 : i32
      %dma_wait3A_773 = tpu.memref_slice %arg48[%dma_wait3A_772] : memref<100000xf32, #tpu.memory_space<vmem_shared>> -> memref<100000xf32, #tpu.memory_space<vmem_shared>>
      tpu.wait_indirect_dma semaphore(%arg42 : memref<!tpu.dma_semaphore, #tpu.memory_space<semaphore_mem>>) src(%dma_wait3A_773 : memref<100000xf32, #tpu.memory_space<vmem_shared>>) dst(%dma_wait3A_769 : memref<80xf32, #tpu.memory_space<vmem>>)
      %dma_wait3A_774 = arith.constant 480 : i32
      %dma_wait3A_775 = tpu.memref_slice %arg24[%dma_wait3A_774] : memref<800xf32, #tpu.memory_space<vmem>> -> memref<80xf32, #tpu.memory_space<vmem>>
      %dma_wait3A_776 = arith.constant 480 : i32
      %dma_wait3A_777 = tpu.memref_slice %arg14[%dma_wait3A_776] : memref<800xi32, #tpu.memory_space<vmem>> -> memref<80xi32, #tpu.memory_space<vmem>>
      %dma_wait3A_778 = arith.constant 0 : i32
      %dma_wait3A_779 = tpu.memref_slice %arg49[%dma_wait3A_778] : memref<100000xf32, #tpu.memory_space<vmem_shared>> -> memref<100000xf32, #tpu.memory_space<vmem_shared>>
      tpu.wait_indirect_dma semaphore(%arg42 : memref<!tpu.dma_semaphore, #tpu.memory_space<semaphore_mem>>) src(%dma_wait3A_779 : memref<100000xf32, #tpu.memory_space<vmem_shared>>) dst(%dma_wait3A_775 : memref<80xf32, #tpu.memory_space<vmem>>)
      %dma_wait3A_780 = arith.constant 560 : i32
      %dma_wait3A_781 = tpu.memref_slice %arg18[%dma_wait3A_780] : memref<800xf32, #tpu.memory_space<vmem>> -> memref<80xf32, #tpu.memory_space<vmem>>
      %dma_wait3A_782 = arith.constant 560 : i32
      %dma_wait3A_783 = tpu.memref_slice %arg13[%dma_wait3A_782] : memref<800xi32, #tpu.memory_space<vmem>> -> memref<80xi32, #tpu.memory_space<vmem>>
      %dma_wait3A_784 = arith.constant 0 : i32
      %dma_wait3A_785 = tpu.memref_slice %arg46[%dma_wait3A_784] : memref<100000xf32, #tpu.memory_space<vmem_shared>> -> memref<100000xf32, #tpu.memory_space<vmem_shared>>
      tpu.wait_indirect_dma semaphore(%arg42 : memref<!tpu.dma_semaphore, #tpu.memory_space<semaphore_mem>>) src(%dma_wait3A_785 : memref<100000xf32, #tpu.memory_space<vmem_shared>>) dst(%dma_wait3A_781 : memref<80xf32, #tpu.memory_space<vmem>>)
      %dma_wait3A_786 = arith.constant 560 : i32
      %dma_wait3A_787 = tpu.memref_slice %arg19[%dma_wait3A_786] : memref<800xf32, #tpu.memory_space<vmem>> -> memref<80xf32, #tpu.memory_space<vmem>>
      %dma_wait3A_788 = arith.constant 560 : i32
      %dma_wait3A_789 = tpu.memref_slice %arg13[%dma_wait3A_788] : memref<800xi32, #tpu.memory_space<vmem>> -> memref<80xi32, #tpu.memory_space<vmem>>
      %dma_wait3A_790 = arith.constant 0 : i32
      %dma_wait3A_791 = tpu.memref_slice %arg47[%dma_wait3A_790] : memref<100000xf32, #tpu.memory_space<vmem_shared>> -> memref<100000xf32, #tpu.memory_space<vmem_shared>>
      tpu.wait_indirect_dma semaphore(%arg42 : memref<!tpu.dma_semaphore, #tpu.memory_space<semaphore_mem>>) src(%dma_wait3A_791 : memref<100000xf32, #tpu.memory_space<vmem_shared>>) dst(%dma_wait3A_787 : memref<80xf32, #tpu.memory_space<vmem>>)
      %dma_wait3A_792 = arith.constant 560 : i32
      %dma_wait3A_793 = tpu.memref_slice %arg20[%dma_wait3A_792] : memref<800xf32, #tpu.memory_space<vmem>> -> memref<80xf32, #tpu.memory_space<vmem>>
      %dma_wait3A_794 = arith.constant 560 : i32
      %dma_wait3A_795 = tpu.memref_slice %arg13[%dma_wait3A_794] : memref<800xi32, #tpu.memory_space<vmem>> -> memref<80xi32, #tpu.memory_space<vmem>>
      %dma_wait3A_796 = arith.constant 0 : i32
      %dma_wait3A_797 = tpu.memref_slice %arg48[%dma_wait3A_796] : memref<100000xf32, #tpu.memory_space<vmem_shared>> -> memref<100000xf32, #tpu.memory_space<vmem_shared>>
      tpu.wait_indirect_dma semaphore(%arg42 : memref<!tpu.dma_semaphore, #tpu.memory_space<semaphore_mem>>) src(%dma_wait3A_797 : memref<100000xf32, #tpu.memory_space<vmem_shared>>) dst(%dma_wait3A_793 : memref<80xf32, #tpu.memory_space<vmem>>)
      %dma_wait3A_798 = arith.constant 560 : i32
      %dma_wait3A_799 = tpu.memref_slice %arg21[%dma_wait3A_798] : memref<800xf32, #tpu.memory_space<vmem>> -> memref<80xf32, #tpu.memory_space<vmem>>
      %dma_wait3A_800 = arith.constant 560 : i32
      %dma_wait3A_801 = tpu.memref_slice %arg14[%dma_wait3A_800] : memref<800xi32, #tpu.memory_space<vmem>> -> memref<80xi32, #tpu.memory_space<vmem>>
      %dma_wait3A_802 = arith.constant 0 : i32
      %dma_wait3A_803 = tpu.memref_slice %arg46[%dma_wait3A_802] : memref<100000xf32, #tpu.memory_space<vmem_shared>> -> memref<100000xf32, #tpu.memory_space<vmem_shared>>
      tpu.wait_indirect_dma semaphore(%arg42 : memref<!tpu.dma_semaphore, #tpu.memory_space<semaphore_mem>>) src(%dma_wait3A_803 : memref<100000xf32, #tpu.memory_space<vmem_shared>>) dst(%dma_wait3A_799 : memref<80xf32, #tpu.memory_space<vmem>>)
      %dma_wait3A_804 = arith.constant 560 : i32
      %dma_wait3A_805 = tpu.memref_slice %arg22[%dma_wait3A_804] : memref<800xf32, #tpu.memory_space<vmem>> -> memref<80xf32, #tpu.memory_space<vmem>>
      %dma_wait3A_806 = arith.constant 560 : i32
      %dma_wait3A_807 = tpu.memref_slice %arg14[%dma_wait3A_806] : memref<800xi32, #tpu.memory_space<vmem>> -> memref<80xi32, #tpu.memory_space<vmem>>
      %dma_wait3A_808 = arith.constant 0 : i32
      %dma_wait3A_809 = tpu.memref_slice %arg47[%dma_wait3A_808] : memref<100000xf32, #tpu.memory_space<vmem_shared>> -> memref<100000xf32, #tpu.memory_space<vmem_shared>>
      tpu.wait_indirect_dma semaphore(%arg42 : memref<!tpu.dma_semaphore, #tpu.memory_space<semaphore_mem>>) src(%dma_wait3A_809 : memref<100000xf32, #tpu.memory_space<vmem_shared>>) dst(%dma_wait3A_805 : memref<80xf32, #tpu.memory_space<vmem>>)
      %dma_wait3A_810 = arith.constant 560 : i32
      %dma_wait3A_811 = tpu.memref_slice %arg23[%dma_wait3A_810] : memref<800xf32, #tpu.memory_space<vmem>> -> memref<80xf32, #tpu.memory_space<vmem>>
      %dma_wait3A_812 = arith.constant 560 : i32
      %dma_wait3A_813 = tpu.memref_slice %arg14[%dma_wait3A_812] : memref<800xi32, #tpu.memory_space<vmem>> -> memref<80xi32, #tpu.memory_space<vmem>>
      %dma_wait3A_814 = arith.constant 0 : i32
      %dma_wait3A_815 = tpu.memref_slice %arg48[%dma_wait3A_814] : memref<100000xf32, #tpu.memory_space<vmem_shared>> -> memref<100000xf32, #tpu.memory_space<vmem_shared>>
      tpu.wait_indirect_dma semaphore(%arg42 : memref<!tpu.dma_semaphore, #tpu.memory_space<semaphore_mem>>) src(%dma_wait3A_815 : memref<100000xf32, #tpu.memory_space<vmem_shared>>) dst(%dma_wait3A_811 : memref<80xf32, #tpu.memory_space<vmem>>)
      %dma_wait3A_816 = arith.constant 560 : i32
      %dma_wait3A_817 = tpu.memref_slice %arg24[%dma_wait3A_816] : memref<800xf32, #tpu.memory_space<vmem>> -> memref<80xf32, #tpu.memory_space<vmem>>
      %dma_wait3A_818 = arith.constant 560 : i32
      %dma_wait3A_819 = tpu.memref_slice %arg14[%dma_wait3A_818] : memref<800xi32, #tpu.memory_space<vmem>> -> memref<80xi32, #tpu.memory_space<vmem>>
      %dma_wait3A_820 = arith.constant 0 : i32
      %dma_wait3A_821 = tpu.memref_slice %arg49[%dma_wait3A_820] : memref<100000xf32, #tpu.memory_space<vmem_shared>> -> memref<100000xf32, #tpu.memory_space<vmem_shared>>
      tpu.wait_indirect_dma semaphore(%arg42 : memref<!tpu.dma_semaphore, #tpu.memory_space<semaphore_mem>>) src(%dma_wait3A_821 : memref<100000xf32, #tpu.memory_space<vmem_shared>>) dst(%dma_wait3A_817 : memref<80xf32, #tpu.memory_space<vmem>>)
      %dma_wait3A_822 = arith.constant 640 : i32
      %dma_wait3A_823 = tpu.memref_slice %arg18[%dma_wait3A_822] : memref<800xf32, #tpu.memory_space<vmem>> -> memref<80xf32, #tpu.memory_space<vmem>>
      %dma_wait3A_824 = arith.constant 640 : i32
      %dma_wait3A_825 = tpu.memref_slice %arg13[%dma_wait3A_824] : memref<800xi32, #tpu.memory_space<vmem>> -> memref<80xi32, #tpu.memory_space<vmem>>
      %dma_wait3A_826 = arith.constant 0 : i32
      %dma_wait3A_827 = tpu.memref_slice %arg46[%dma_wait3A_826] : memref<100000xf32, #tpu.memory_space<vmem_shared>> -> memref<100000xf32, #tpu.memory_space<vmem_shared>>
      tpu.wait_indirect_dma semaphore(%arg42 : memref<!tpu.dma_semaphore, #tpu.memory_space<semaphore_mem>>) src(%dma_wait3A_827 : memref<100000xf32, #tpu.memory_space<vmem_shared>>) dst(%dma_wait3A_823 : memref<80xf32, #tpu.memory_space<vmem>>)
      %dma_wait3A_828 = arith.constant 640 : i32
      %dma_wait3A_829 = tpu.memref_slice %arg19[%dma_wait3A_828] : memref<800xf32, #tpu.memory_space<vmem>> -> memref<80xf32, #tpu.memory_space<vmem>>
      %dma_wait3A_830 = arith.constant 640 : i32
      %dma_wait3A_831 = tpu.memref_slice %arg13[%dma_wait3A_830] : memref<800xi32, #tpu.memory_space<vmem>> -> memref<80xi32, #tpu.memory_space<vmem>>
      %dma_wait3A_832 = arith.constant 0 : i32
      %dma_wait3A_833 = tpu.memref_slice %arg47[%dma_wait3A_832] : memref<100000xf32, #tpu.memory_space<vmem_shared>> -> memref<100000xf32, #tpu.memory_space<vmem_shared>>
      tpu.wait_indirect_dma semaphore(%arg42 : memref<!tpu.dma_semaphore, #tpu.memory_space<semaphore_mem>>) src(%dma_wait3A_833 : memref<100000xf32, #tpu.memory_space<vmem_shared>>) dst(%dma_wait3A_829 : memref<80xf32, #tpu.memory_space<vmem>>)
      %dma_wait3A_834 = arith.constant 640 : i32
      %dma_wait3A_835 = tpu.memref_slice %arg20[%dma_wait3A_834] : memref<800xf32, #tpu.memory_space<vmem>> -> memref<80xf32, #tpu.memory_space<vmem>>
      %dma_wait3A_836 = arith.constant 640 : i32
      %dma_wait3A_837 = tpu.memref_slice %arg13[%dma_wait3A_836] : memref<800xi32, #tpu.memory_space<vmem>> -> memref<80xi32, #tpu.memory_space<vmem>>
      %dma_wait3A_838 = arith.constant 0 : i32
      %dma_wait3A_839 = tpu.memref_slice %arg48[%dma_wait3A_838] : memref<100000xf32, #tpu.memory_space<vmem_shared>> -> memref<100000xf32, #tpu.memory_space<vmem_shared>>
      tpu.wait_indirect_dma semaphore(%arg42 : memref<!tpu.dma_semaphore, #tpu.memory_space<semaphore_mem>>) src(%dma_wait3A_839 : memref<100000xf32, #tpu.memory_space<vmem_shared>>) dst(%dma_wait3A_835 : memref<80xf32, #tpu.memory_space<vmem>>)
      %dma_wait3A_840 = arith.constant 640 : i32
      %dma_wait3A_841 = tpu.memref_slice %arg21[%dma_wait3A_840] : memref<800xf32, #tpu.memory_space<vmem>> -> memref<80xf32, #tpu.memory_space<vmem>>
      %dma_wait3A_842 = arith.constant 640 : i32
      %dma_wait3A_843 = tpu.memref_slice %arg14[%dma_wait3A_842] : memref<800xi32, #tpu.memory_space<vmem>> -> memref<80xi32, #tpu.memory_space<vmem>>
      %dma_wait3A_844 = arith.constant 0 : i32
      %dma_wait3A_845 = tpu.memref_slice %arg46[%dma_wait3A_844] : memref<100000xf32, #tpu.memory_space<vmem_shared>> -> memref<100000xf32, #tpu.memory_space<vmem_shared>>
      tpu.wait_indirect_dma semaphore(%arg42 : memref<!tpu.dma_semaphore, #tpu.memory_space<semaphore_mem>>) src(%dma_wait3A_845 : memref<100000xf32, #tpu.memory_space<vmem_shared>>) dst(%dma_wait3A_841 : memref<80xf32, #tpu.memory_space<vmem>>)
      %dma_wait3A_846 = arith.constant 640 : i32
      %dma_wait3A_847 = tpu.memref_slice %arg22[%dma_wait3A_846] : memref<800xf32, #tpu.memory_space<vmem>> -> memref<80xf32, #tpu.memory_space<vmem>>
      %dma_wait3A_848 = arith.constant 640 : i32
      %dma_wait3A_849 = tpu.memref_slice %arg14[%dma_wait3A_848] : memref<800xi32, #tpu.memory_space<vmem>> -> memref<80xi32, #tpu.memory_space<vmem>>
      %dma_wait3A_850 = arith.constant 0 : i32
      %dma_wait3A_851 = tpu.memref_slice %arg47[%dma_wait3A_850] : memref<100000xf32, #tpu.memory_space<vmem_shared>> -> memref<100000xf32, #tpu.memory_space<vmem_shared>>
      tpu.wait_indirect_dma semaphore(%arg42 : memref<!tpu.dma_semaphore, #tpu.memory_space<semaphore_mem>>) src(%dma_wait3A_851 : memref<100000xf32, #tpu.memory_space<vmem_shared>>) dst(%dma_wait3A_847 : memref<80xf32, #tpu.memory_space<vmem>>)
      %dma_wait3A_852 = arith.constant 640 : i32
      %dma_wait3A_853 = tpu.memref_slice %arg23[%dma_wait3A_852] : memref<800xf32, #tpu.memory_space<vmem>> -> memref<80xf32, #tpu.memory_space<vmem>>
      %dma_wait3A_854 = arith.constant 640 : i32
      %dma_wait3A_855 = tpu.memref_slice %arg14[%dma_wait3A_854] : memref<800xi32, #tpu.memory_space<vmem>> -> memref<80xi32, #tpu.memory_space<vmem>>
      %dma_wait3A_856 = arith.constant 0 : i32
      %dma_wait3A_857 = tpu.memref_slice %arg48[%dma_wait3A_856] : memref<100000xf32, #tpu.memory_space<vmem_shared>> -> memref<100000xf32, #tpu.memory_space<vmem_shared>>
      tpu.wait_indirect_dma semaphore(%arg42 : memref<!tpu.dma_semaphore, #tpu.memory_space<semaphore_mem>>) src(%dma_wait3A_857 : memref<100000xf32, #tpu.memory_space<vmem_shared>>) dst(%dma_wait3A_853 : memref<80xf32, #tpu.memory_space<vmem>>)
      %dma_wait3A_858 = arith.constant 640 : i32
      %dma_wait3A_859 = tpu.memref_slice %arg24[%dma_wait3A_858] : memref<800xf32, #tpu.memory_space<vmem>> -> memref<80xf32, #tpu.memory_space<vmem>>
      %dma_wait3A_860 = arith.constant 640 : i32
      %dma_wait3A_861 = tpu.memref_slice %arg14[%dma_wait3A_860] : memref<800xi32, #tpu.memory_space<vmem>> -> memref<80xi32, #tpu.memory_space<vmem>>
      %dma_wait3A_862 = arith.constant 0 : i32
      %dma_wait3A_863 = tpu.memref_slice %arg49[%dma_wait3A_862] : memref<100000xf32, #tpu.memory_space<vmem_shared>> -> memref<100000xf32, #tpu.memory_space<vmem_shared>>
      tpu.wait_indirect_dma semaphore(%arg42 : memref<!tpu.dma_semaphore, #tpu.memory_space<semaphore_mem>>) src(%dma_wait3A_863 : memref<100000xf32, #tpu.memory_space<vmem_shared>>) dst(%dma_wait3A_859 : memref<80xf32, #tpu.memory_space<vmem>>)
      %dma_wait3A_864 = arith.constant 720 : i32
      %dma_wait3A_865 = tpu.memref_slice %arg18[%dma_wait3A_864] : memref<800xf32, #tpu.memory_space<vmem>> -> memref<80xf32, #tpu.memory_space<vmem>>
      %dma_wait3A_866 = arith.constant 720 : i32
      %dma_wait3A_867 = tpu.memref_slice %arg13[%dma_wait3A_866] : memref<800xi32, #tpu.memory_space<vmem>> -> memref<80xi32, #tpu.memory_space<vmem>>
      %dma_wait3A_868 = arith.constant 0 : i32
      %dma_wait3A_869 = tpu.memref_slice %arg46[%dma_wait3A_868] : memref<100000xf32, #tpu.memory_space<vmem_shared>> -> memref<100000xf32, #tpu.memory_space<vmem_shared>>
      tpu.wait_indirect_dma semaphore(%arg42 : memref<!tpu.dma_semaphore, #tpu.memory_space<semaphore_mem>>) src(%dma_wait3A_869 : memref<100000xf32, #tpu.memory_space<vmem_shared>>) dst(%dma_wait3A_865 : memref<80xf32, #tpu.memory_space<vmem>>)
      %dma_wait3A_870 = arith.constant 720 : i32
      %dma_wait3A_871 = tpu.memref_slice %arg19[%dma_wait3A_870] : memref<800xf32, #tpu.memory_space<vmem>> -> memref<80xf32, #tpu.memory_space<vmem>>
      %dma_wait3A_872 = arith.constant 720 : i32
      %dma_wait3A_873 = tpu.memref_slice %arg13[%dma_wait3A_872] : memref<800xi32, #tpu.memory_space<vmem>> -> memref<80xi32, #tpu.memory_space<vmem>>
      %dma_wait3A_874 = arith.constant 0 : i32
      %dma_wait3A_875 = tpu.memref_slice %arg47[%dma_wait3A_874] : memref<100000xf32, #tpu.memory_space<vmem_shared>> -> memref<100000xf32, #tpu.memory_space<vmem_shared>>
      tpu.wait_indirect_dma semaphore(%arg42 : memref<!tpu.dma_semaphore, #tpu.memory_space<semaphore_mem>>) src(%dma_wait3A_875 : memref<100000xf32, #tpu.memory_space<vmem_shared>>) dst(%dma_wait3A_871 : memref<80xf32, #tpu.memory_space<vmem>>)
      %dma_wait3A_876 = arith.constant 720 : i32
      %dma_wait3A_877 = tpu.memref_slice %arg20[%dma_wait3A_876] : memref<800xf32, #tpu.memory_space<vmem>> -> memref<80xf32, #tpu.memory_space<vmem>>
      %dma_wait3A_878 = arith.constant 720 : i32
      %dma_wait3A_879 = tpu.memref_slice %arg13[%dma_wait3A_878] : memref<800xi32, #tpu.memory_space<vmem>> -> memref<80xi32, #tpu.memory_space<vmem>>
      %dma_wait3A_880 = arith.constant 0 : i32
      %dma_wait3A_881 = tpu.memref_slice %arg48[%dma_wait3A_880] : memref<100000xf32, #tpu.memory_space<vmem_shared>> -> memref<100000xf32, #tpu.memory_space<vmem_shared>>
      tpu.wait_indirect_dma semaphore(%arg42 : memref<!tpu.dma_semaphore, #tpu.memory_space<semaphore_mem>>) src(%dma_wait3A_881 : memref<100000xf32, #tpu.memory_space<vmem_shared>>) dst(%dma_wait3A_877 : memref<80xf32, #tpu.memory_space<vmem>>)
      %dma_wait3A_882 = arith.constant 720 : i32
      %dma_wait3A_883 = tpu.memref_slice %arg21[%dma_wait3A_882] : memref<800xf32, #tpu.memory_space<vmem>> -> memref<80xf32, #tpu.memory_space<vmem>>
      %dma_wait3A_884 = arith.constant 720 : i32
      %dma_wait3A_885 = tpu.memref_slice %arg14[%dma_wait3A_884] : memref<800xi32, #tpu.memory_space<vmem>> -> memref<80xi32, #tpu.memory_space<vmem>>
      %dma_wait3A_886 = arith.constant 0 : i32
      %dma_wait3A_887 = tpu.memref_slice %arg46[%dma_wait3A_886] : memref<100000xf32, #tpu.memory_space<vmem_shared>> -> memref<100000xf32, #tpu.memory_space<vmem_shared>>
      tpu.wait_indirect_dma semaphore(%arg42 : memref<!tpu.dma_semaphore, #tpu.memory_space<semaphore_mem>>) src(%dma_wait3A_887 : memref<100000xf32, #tpu.memory_space<vmem_shared>>) dst(%dma_wait3A_883 : memref<80xf32, #tpu.memory_space<vmem>>)
      %dma_wait3A_888 = arith.constant 720 : i32
      %dma_wait3A_889 = tpu.memref_slice %arg22[%dma_wait3A_888] : memref<800xf32, #tpu.memory_space<vmem>> -> memref<80xf32, #tpu.memory_space<vmem>>
      %dma_wait3A_890 = arith.constant 720 : i32
      %dma_wait3A_891 = tpu.memref_slice %arg14[%dma_wait3A_890] : memref<800xi32, #tpu.memory_space<vmem>> -> memref<80xi32, #tpu.memory_space<vmem>>
      %dma_wait3A_892 = arith.constant 0 : i32
      %dma_wait3A_893 = tpu.memref_slice %arg47[%dma_wait3A_892] : memref<100000xf32, #tpu.memory_space<vmem_shared>> -> memref<100000xf32, #tpu.memory_space<vmem_shared>>
      tpu.wait_indirect_dma semaphore(%arg42 : memref<!tpu.dma_semaphore, #tpu.memory_space<semaphore_mem>>) src(%dma_wait3A_893 : memref<100000xf32, #tpu.memory_space<vmem_shared>>) dst(%dma_wait3A_889 : memref<80xf32, #tpu.memory_space<vmem>>)
      %dma_wait3A_894 = arith.constant 720 : i32
      %dma_wait3A_895 = tpu.memref_slice %arg23[%dma_wait3A_894] : memref<800xf32, #tpu.memory_space<vmem>> -> memref<80xf32, #tpu.memory_space<vmem>>
      %dma_wait3A_896 = arith.constant 720 : i32
      %dma_wait3A_897 = tpu.memref_slice %arg14[%dma_wait3A_896] : memref<800xi32, #tpu.memory_space<vmem>> -> memref<80xi32, #tpu.memory_space<vmem>>
      %dma_wait3A_898 = arith.constant 0 : i32
      %dma_wait3A_899 = tpu.memref_slice %arg48[%dma_wait3A_898] : memref<100000xf32, #tpu.memory_space<vmem_shared>> -> memref<100000xf32, #tpu.memory_space<vmem_shared>>
      tpu.wait_indirect_dma semaphore(%arg42 : memref<!tpu.dma_semaphore, #tpu.memory_space<semaphore_mem>>) src(%dma_wait3A_899 : memref<100000xf32, #tpu.memory_space<vmem_shared>>) dst(%dma_wait3A_895 : memref<80xf32, #tpu.memory_space<vmem>>)
      %dma_wait3A_900 = arith.constant 720 : i32
      %dma_wait3A_901 = tpu.memref_slice %arg24[%dma_wait3A_900] : memref<800xf32, #tpu.memory_space<vmem>> -> memref<80xf32, #tpu.memory_space<vmem>>
      %dma_wait3A_902 = arith.constant 720 : i32
      %dma_wait3A_903 = tpu.memref_slice %arg14[%dma_wait3A_902] : memref<800xi32, #tpu.memory_space<vmem>> -> memref<80xi32, #tpu.memory_space<vmem>>
      %dma_wait3A_904 = arith.constant 0 : i32
      %dma_wait3A_905 = tpu.memref_slice %arg49[%dma_wait3A_904] : memref<100000xf32, #tpu.memory_space<vmem_shared>> -> memref<100000xf32, #tpu.memory_space<vmem_shared>>
      tpu.wait_indirect_dma semaphore(%arg42 : memref<!tpu.dma_semaphore, #tpu.memory_space<semaphore_mem>>) src(%dma_wait3A_905 : memref<100000xf32, #tpu.memory_space<vmem_shared>>) dst(%dma_wait3A_901 : memref<80xf32, #tpu.memory_space<vmem>>)
      %ge3A = arith.constant 1 : i32
      %ge3A_906 = arith.cmpi sge, %scan3A_483, %ge3A : i32
      %convert_element_type3A_907 = arith.extui %ge3A_906 : i1 to i32
      %cond3A_908 = arith.constant 0 : i32
      %cond3A_909 = arith.cmpi ne, %convert_element_type3A_907, %cond3A_908 : i32
      scf.if %cond3A_909 {
        %dma_wait3A_1819 = arith.constant 0 : i32
        %dma_wait3A_1820 = tpu.memref_slice %arg12[%dma_wait3A_1819] : memref<6400000xf32, #tpu.memory_space<hbm>> -> memref<800xf32, #tpu.memory_space<hbm>>
        %dma_wait3A_1821 = arith.constant 0 : i32
        %dma_wait3A_1822 = tpu.memref_slice %arg12[%dma_wait3A_1821] : memref<6400000xf32, #tpu.memory_space<hbm>> -> memref<800xf32, #tpu.memory_space<hbm>>
        tpu.wait_dma2 semaphore(%arg44 : memref<!tpu.dma_semaphore, #tpu.memory_space<semaphore_mem>>) src(%arg25 : memref<800xf32, #tpu.memory_space<vmem>>) dst(%dma_wait3A_1822 : memref<800xf32, #tpu.memory_space<hbm>>)
      } else {
      }
      %dma_wait3A_910 = arith.constant 0 : i32
      %dma_wait3A_911 = tpu.memref_slice %arg6[%dma_wait3A_910] : memref<6400000xi32, #tpu.memory_space<hbm>> -> memref<800xi32, #tpu.memory_space<hbm>>
      %dma_wait3A_912 = arith.constant 0 : i32
      %dma_wait3A_913 = tpu.memref_slice %arg6[%dma_wait3A_912] : memref<6400000xi32, #tpu.memory_space<hbm>> -> memref<800xi32, #tpu.memory_space<hbm>>
      tpu.wait_dma2 semaphore(%arg41 : memref<!tpu.dma_semaphore, #tpu.memory_space<semaphore_mem>>) src(%dma_wait3A_913 : memref<800xi32, #tpu.memory_space<hbm>>) dst(%arg26 : memref<800xi32, #tpu.memory_space<vmem>>)
      %dma_wait3A_914 = arith.constant 0 : i32
      %dma_wait3A_915 = tpu.memref_slice %arg7[%dma_wait3A_914] : memref<6400000xi32, #tpu.memory_space<hbm>> -> memref<800xi32, #tpu.memory_space<hbm>>
      %dma_wait3A_916 = arith.constant 0 : i32
      %dma_wait3A_917 = tpu.memref_slice %arg7[%dma_wait3A_916] : memref<6400000xi32, #tpu.memory_space<hbm>> -> memref<800xi32, #tpu.memory_space<hbm>>
      tpu.wait_dma2 semaphore(%arg41 : memref<!tpu.dma_semaphore, #tpu.memory_space<semaphore_mem>>) src(%dma_wait3A_917 : memref<800xi32, #tpu.memory_space<hbm>>) dst(%arg27 : memref<800xi32, #tpu.memory_space<vmem>>)
      %dma_wait3A_918 = arith.constant 0 : i32
      %dma_wait3A_919 = tpu.memref_slice %arg8[%dma_wait3A_918] : memref<6400000xf32, #tpu.memory_space<hbm>> -> memref<800xf32, #tpu.memory_space<hbm>>
      %dma_wait3A_920 = arith.constant 0 : i32
      %dma_wait3A_921 = tpu.memref_slice %arg8[%dma_wait3A_920] : memref<6400000xf32, #tpu.memory_space<hbm>> -> memref<800xf32, #tpu.memory_space<hbm>>
      tpu.wait_dma2 semaphore(%arg41 : memref<!tpu.dma_semaphore, #tpu.memory_space<semaphore_mem>>) src(%dma_wait3A_921 : memref<800xf32, #tpu.memory_space<hbm>>) dst(%arg28 : memref<800xf32, #tpu.memory_space<vmem>>)
      %dma_wait3A_922 = arith.constant 0 : i32
      %dma_wait3A_923 = tpu.memref_slice %arg9[%dma_wait3A_922] : memref<6400000xf32, #tpu.memory_space<hbm>> -> memref<800xf32, #tpu.memory_space<hbm>>
      %dma_wait3A_924 = arith.constant 0 : i32
      %dma_wait3A_925 = tpu.memref_slice %arg9[%dma_wait3A_924] : memref<6400000xf32, #tpu.memory_space<hbm>> -> memref<800xf32, #tpu.memory_space<hbm>>
      tpu.wait_dma2 semaphore(%arg41 : memref<!tpu.dma_semaphore, #tpu.memory_space<semaphore_mem>>) src(%dma_wait3A_925 : memref<800xf32, #tpu.memory_space<hbm>>) dst(%arg29 : memref<800xf32, #tpu.memory_space<vmem>>)
      %dma_wait3A_926 = arith.constant 0 : i32
      %dma_wait3A_927 = tpu.memref_slice %arg10[%dma_wait3A_926] : memref<6400000xf32, #tpu.memory_space<hbm>> -> memref<800xf32, #tpu.memory_space<hbm>>
      %dma_wait3A_928 = arith.constant 0 : i32
      %dma_wait3A_929 = tpu.memref_slice %arg10[%dma_wait3A_928] : memref<6400000xf32, #tpu.memory_space<hbm>> -> memref<800xf32, #tpu.memory_space<hbm>>
      tpu.wait_dma2 semaphore(%arg41 : memref<!tpu.dma_semaphore, #tpu.memory_space<semaphore_mem>>) src(%dma_wait3A_929 : memref<800xf32, #tpu.memory_space<hbm>>) dst(%arg30 : memref<800xf32, #tpu.memory_space<vmem>>)
      %dma_start3A_930 = arith.constant 0 : i32
      %dma_start3A_931 = tpu.memref_slice %arg31[%dma_start3A_930] : memref<800xf32, #tpu.memory_space<vmem>> -> memref<80xf32, #tpu.memory_space<vmem>>
      %dma_start3A_932 = arith.constant 0 : i32
      %dma_start3A_933 = tpu.memref_slice %arg26[%dma_start3A_932] : memref<800xi32, #tpu.memory_space<vmem>> -> memref<80xi32, #tpu.memory_space<vmem>>
      %dma_start3A_934 = arith.constant 0 : i32
      %dma_start3A_935 = tpu.memref_slice %arg46[%dma_start3A_934] : memref<100000xf32, #tpu.memory_space<vmem_shared>> -> memref<100000xf32, #tpu.memory_space<vmem_shared>>
      tpu.enqueue_indirect_dma source(%dma_start3A_935 : memref<100000xf32, #tpu.memory_space<vmem_shared>>) target(%dma_start3A_931 : memref<80xf32, #tpu.memory_space<vmem>>) offsets(%dma_start3A_933 : memref<80xi32, #tpu.memory_space<vmem>>) semaphore(%arg43 : memref<!tpu.dma_semaphore, #tpu.memory_space<semaphore_mem>>)
      %dma_start3A_936 = arith.constant 0 : i32
      %dma_start3A_937 = tpu.memref_slice %arg32[%dma_start3A_936] : memref<800xf32, #tpu.memory_space<vmem>> -> memref<80xf32, #tpu.memory_space<vmem>>
      %dma_start3A_938 = arith.constant 0 : i32
      %dma_start3A_939 = tpu.memref_slice %arg26[%dma_start3A_938] : memref<800xi32, #tpu.memory_space<vmem>> -> memref<80xi32, #tpu.memory_space<vmem>>
      %dma_start3A_940 = arith.constant 0 : i32
      %dma_start3A_941 = tpu.memref_slice %arg47[%dma_start3A_940] : memref<100000xf32, #tpu.memory_space<vmem_shared>> -> memref<100000xf32, #tpu.memory_space<vmem_shared>>
      tpu.enqueue_indirect_dma source(%dma_start3A_941 : memref<100000xf32, #tpu.memory_space<vmem_shared>>) target(%dma_start3A_937 : memref<80xf32, #tpu.memory_space<vmem>>) offsets(%dma_start3A_939 : memref<80xi32, #tpu.memory_space<vmem>>) semaphore(%arg43 : memref<!tpu.dma_semaphore, #tpu.memory_space<semaphore_mem>>)
      %dma_start3A_942 = arith.constant 0 : i32
      %dma_start3A_943 = tpu.memref_slice %arg33[%dma_start3A_942] : memref<800xf32, #tpu.memory_space<vmem>> -> memref<80xf32, #tpu.memory_space<vmem>>
      %dma_start3A_944 = arith.constant 0 : i32
      %dma_start3A_945 = tpu.memref_slice %arg26[%dma_start3A_944] : memref<800xi32, #tpu.memory_space<vmem>> -> memref<80xi32, #tpu.memory_space<vmem>>
      %dma_start3A_946 = arith.constant 0 : i32
      %dma_start3A_947 = tpu.memref_slice %arg48[%dma_start3A_946] : memref<100000xf32, #tpu.memory_space<vmem_shared>> -> memref<100000xf32, #tpu.memory_space<vmem_shared>>
      tpu.enqueue_indirect_dma source(%dma_start3A_947 : memref<100000xf32, #tpu.memory_space<vmem_shared>>) target(%dma_start3A_943 : memref<80xf32, #tpu.memory_space<vmem>>) offsets(%dma_start3A_945 : memref<80xi32, #tpu.memory_space<vmem>>) semaphore(%arg43 : memref<!tpu.dma_semaphore, #tpu.memory_space<semaphore_mem>>)
      %dma_start3A_948 = arith.constant 0 : i32
      %dma_start3A_949 = tpu.memref_slice %arg34[%dma_start3A_948] : memref<800xf32, #tpu.memory_space<vmem>> -> memref<80xf32, #tpu.memory_space<vmem>>
      %dma_start3A_950 = arith.constant 0 : i32
      %dma_start3A_951 = tpu.memref_slice %arg27[%dma_start3A_950] : memref<800xi32, #tpu.memory_space<vmem>> -> memref<80xi32, #tpu.memory_space<vmem>>
      %dma_start3A_952 = arith.constant 0 : i32
      %dma_start3A_953 = tpu.memref_slice %arg46[%dma_start3A_952] : memref<100000xf32, #tpu.memory_space<vmem_shared>> -> memref<100000xf32, #tpu.memory_space<vmem_shared>>
      tpu.enqueue_indirect_dma source(%dma_start3A_953 : memref<100000xf32, #tpu.memory_space<vmem_shared>>) target(%dma_start3A_949 : memref<80xf32, #tpu.memory_space<vmem>>) offsets(%dma_start3A_951 : memref<80xi32, #tpu.memory_space<vmem>>) semaphore(%arg43 : memref<!tpu.dma_semaphore, #tpu.memory_space<semaphore_mem>>)
      %dma_start3A_954 = arith.constant 0 : i32
      %dma_start3A_955 = tpu.memref_slice %arg35[%dma_start3A_954] : memref<800xf32, #tpu.memory_space<vmem>> -> memref<80xf32, #tpu.memory_space<vmem>>
      %dma_start3A_956 = arith.constant 0 : i32
      %dma_start3A_957 = tpu.memref_slice %arg27[%dma_start3A_956] : memref<800xi32, #tpu.memory_space<vmem>> -> memref<80xi32, #tpu.memory_space<vmem>>
      %dma_start3A_958 = arith.constant 0 : i32
      %dma_start3A_959 = tpu.memref_slice %arg47[%dma_start3A_958] : memref<100000xf32, #tpu.memory_space<vmem_shared>> -> memref<100000xf32, #tpu.memory_space<vmem_shared>>
      tpu.enqueue_indirect_dma source(%dma_start3A_959 : memref<100000xf32, #tpu.memory_space<vmem_shared>>) target(%dma_start3A_955 : memref<80xf32, #tpu.memory_space<vmem>>) offsets(%dma_start3A_957 : memref<80xi32, #tpu.memory_space<vmem>>) semaphore(%arg43 : memref<!tpu.dma_semaphore, #tpu.memory_space<semaphore_mem>>)
      %dma_start3A_960 = arith.constant 0 : i32
      %dma_start3A_961 = tpu.memref_slice %arg36[%dma_start3A_960] : memref<800xf32, #tpu.memory_space<vmem>> -> memref<80xf32, #tpu.memory_space<vmem>>
      %dma_start3A_962 = arith.constant 0 : i32
      %dma_start3A_963 = tpu.memref_slice %arg27[%dma_start3A_962] : memref<800xi32, #tpu.memory_space<vmem>> -> memref<80xi32, #tpu.memory_space<vmem>>
      %dma_start3A_964 = arith.constant 0 : i32
      %dma_start3A_965 = tpu.memref_slice %arg48[%dma_start3A_964] : memref<100000xf32, #tpu.memory_space<vmem_shared>> -> memref<100000xf32, #tpu.memory_space<vmem_shared>>
      tpu.enqueue_indirect_dma source(%dma_start3A_965 : memref<100000xf32, #tpu.memory_space<vmem_shared>>) target(%dma_start3A_961 : memref<80xf32, #tpu.memory_space<vmem>>) offsets(%dma_start3A_963 : memref<80xi32, #tpu.memory_space<vmem>>) semaphore(%arg43 : memref<!tpu.dma_semaphore, #tpu.memory_space<semaphore_mem>>)
      %dma_start3A_966 = arith.constant 0 : i32
      %dma_start3A_967 = tpu.memref_slice %arg37[%dma_start3A_966] : memref<800xf32, #tpu.memory_space<vmem>> -> memref<80xf32, #tpu.memory_space<vmem>>
      %dma_start3A_968 = arith.constant 0 : i32
      %dma_start3A_969 = tpu.memref_slice %arg27[%dma_start3A_968] : memref<800xi32, #tpu.memory_space<vmem>> -> memref<80xi32, #tpu.memory_space<vmem>>
      %dma_start3A_970 = arith.constant 0 : i32
      %dma_start3A_971 = tpu.memref_slice %arg49[%dma_start3A_970] : memref<100000xf32, #tpu.memory_space<vmem_shared>> -> memref<100000xf32, #tpu.memory_space<vmem_shared>>
      tpu.enqueue_indirect_dma source(%dma_start3A_971 : memref<100000xf32, #tpu.memory_space<vmem_shared>>) target(%dma_start3A_967 : memref<80xf32, #tpu.memory_space<vmem>>) offsets(%dma_start3A_969 : memref<80xi32, #tpu.memory_space<vmem>>) semaphore(%arg43 : memref<!tpu.dma_semaphore, #tpu.memory_space<semaphore_mem>>)
      %dma_start3A_972 = arith.constant 80 : i32
      %dma_start3A_973 = tpu.memref_slice %arg31[%dma_start3A_972] : memref<800xf32, #tpu.memory_space<vmem>> -> memref<80xf32, #tpu.memory_space<vmem>>
      %dma_start3A_974 = arith.constant 80 : i32
      %dma_start3A_975 = tpu.memref_slice %arg26[%dma_start3A_974] : memref<800xi32, #tpu.memory_space<vmem>> -> memref<80xi32, #tpu.memory_space<vmem>>
      %dma_start3A_976 = arith.constant 0 : i32
      %dma_start3A_977 = tpu.memref_slice %arg46[%dma_start3A_976] : memref<100000xf32, #tpu.memory_space<vmem_shared>> -> memref<100000xf32, #tpu.memory_space<vmem_shared>>
      tpu.enqueue_indirect_dma source(%dma_start3A_977 : memref<100000xf32, #tpu.memory_space<vmem_shared>>) target(%dma_start3A_973 : memref<80xf32, #tpu.memory_space<vmem>>) offsets(%dma_start3A_975 : memref<80xi32, #tpu.memory_space<vmem>>) semaphore(%arg43 : memref<!tpu.dma_semaphore, #tpu.memory_space<semaphore_mem>>)
      %dma_start3A_978 = arith.constant 80 : i32
      %dma_start3A_979 = tpu.memref_slice %arg32[%dma_start3A_978] : memref<800xf32, #tpu.memory_space<vmem>> -> memref<80xf32, #tpu.memory_space<vmem>>
      %dma_start3A_980 = arith.constant 80 : i32
      %dma_start3A_981 = tpu.memref_slice %arg26[%dma_start3A_980] : memref<800xi32, #tpu.memory_space<vmem>> -> memref<80xi32, #tpu.memory_space<vmem>>
      %dma_start3A_982 = arith.constant 0 : i32
      %dma_start3A_983 = tpu.memref_slice %arg47[%dma_start3A_982] : memref<100000xf32, #tpu.memory_space<vmem_shared>> -> memref<100000xf32, #tpu.memory_space<vmem_shared>>
      tpu.enqueue_indirect_dma source(%dma_start3A_983 : memref<100000xf32, #tpu.memory_space<vmem_shared>>) target(%dma_start3A_979 : memref<80xf32, #tpu.memory_space<vmem>>) offsets(%dma_start3A_981 : memref<80xi32, #tpu.memory_space<vmem>>) semaphore(%arg43 : memref<!tpu.dma_semaphore, #tpu.memory_space<semaphore_mem>>)
      %dma_start3A_984 = arith.constant 80 : i32
      %dma_start3A_985 = tpu.memref_slice %arg33[%dma_start3A_984] : memref<800xf32, #tpu.memory_space<vmem>> -> memref<80xf32, #tpu.memory_space<vmem>>
      %dma_start3A_986 = arith.constant 80 : i32
      %dma_start3A_987 = tpu.memref_slice %arg26[%dma_start3A_986] : memref<800xi32, #tpu.memory_space<vmem>> -> memref<80xi32, #tpu.memory_space<vmem>>
      %dma_start3A_988 = arith.constant 0 : i32
      %dma_start3A_989 = tpu.memref_slice %arg48[%dma_start3A_988] : memref<100000xf32, #tpu.memory_space<vmem_shared>> -> memref<100000xf32, #tpu.memory_space<vmem_shared>>
      tpu.enqueue_indirect_dma source(%dma_start3A_989 : memref<100000xf32, #tpu.memory_space<vmem_shared>>) target(%dma_start3A_985 : memref<80xf32, #tpu.memory_space<vmem>>) offsets(%dma_start3A_987 : memref<80xi32, #tpu.memory_space<vmem>>) semaphore(%arg43 : memref<!tpu.dma_semaphore, #tpu.memory_space<semaphore_mem>>)
      %dma_start3A_990 = arith.constant 80 : i32
      %dma_start3A_991 = tpu.memref_slice %arg34[%dma_start3A_990] : memref<800xf32, #tpu.memory_space<vmem>> -> memref<80xf32, #tpu.memory_space<vmem>>
      %dma_start3A_992 = arith.constant 80 : i32
      %dma_start3A_993 = tpu.memref_slice %arg27[%dma_start3A_992] : memref<800xi32, #tpu.memory_space<vmem>> -> memref<80xi32, #tpu.memory_space<vmem>>
      %dma_start3A_994 = arith.constant 0 : i32
      %dma_start3A_995 = tpu.memref_slice %arg46[%dma_start3A_994] : memref<100000xf32, #tpu.memory_space<vmem_shared>> -> memref<100000xf32, #tpu.memory_space<vmem_shared>>
      tpu.enqueue_indirect_dma source(%dma_start3A_995 : memref<100000xf32, #tpu.memory_space<vmem_shared>>) target(%dma_start3A_991 : memref<80xf32, #tpu.memory_space<vmem>>) offsets(%dma_start3A_993 : memref<80xi32, #tpu.memory_space<vmem>>) semaphore(%arg43 : memref<!tpu.dma_semaphore, #tpu.memory_space<semaphore_mem>>)
      %dma_start3A_996 = arith.constant 80 : i32
      %dma_start3A_997 = tpu.memref_slice %arg35[%dma_start3A_996] : memref<800xf32, #tpu.memory_space<vmem>> -> memref<80xf32, #tpu.memory_space<vmem>>
      %dma_start3A_998 = arith.constant 80 : i32
      %dma_start3A_999 = tpu.memref_slice %arg27[%dma_start3A_998] : memref<800xi32, #tpu.memory_space<vmem>> -> memref<80xi32, #tpu.memory_space<vmem>>
      %dma_start3A_1000 = arith.constant 0 : i32
      %dma_start3A_1001 = tpu.memref_slice %arg47[%dma_start3A_1000] : memref<100000xf32, #tpu.memory_space<vmem_shared>> -> memref<100000xf32, #tpu.memory_space<vmem_shared>>
      tpu.enqueue_indirect_dma source(%dma_start3A_1001 : memref<100000xf32, #tpu.memory_space<vmem_shared>>) target(%dma_start3A_997 : memref<80xf32, #tpu.memory_space<vmem>>) offsets(%dma_start3A_999 : memref<80xi32, #tpu.memory_space<vmem>>) semaphore(%arg43 : memref<!tpu.dma_semaphore, #tpu.memory_space<semaphore_mem>>)
      %dma_start3A_1002 = arith.constant 80 : i32
      %dma_start3A_1003 = tpu.memref_slice %arg36[%dma_start3A_1002] : memref<800xf32, #tpu.memory_space<vmem>> -> memref<80xf32, #tpu.memory_space<vmem>>
      %dma_start3A_1004 = arith.constant 80 : i32
      %dma_start3A_1005 = tpu.memref_slice %arg27[%dma_start3A_1004] : memref<800xi32, #tpu.memory_space<vmem>> -> memref<80xi32, #tpu.memory_space<vmem>>
      %dma_start3A_1006 = arith.constant 0 : i32
      %dma_start3A_1007 = tpu.memref_slice %arg48[%dma_start3A_1006] : memref<100000xf32, #tpu.memory_space<vmem_shared>> -> memref<100000xf32, #tpu.memory_space<vmem_shared>>
      tpu.enqueue_indirect_dma source(%dma_start3A_1007 : memref<100000xf32, #tpu.memory_space<vmem_shared>>) target(%dma_start3A_1003 : memref<80xf32, #tpu.memory_space<vmem>>) offsets(%dma_start3A_1005 : memref<80xi32, #tpu.memory_space<vmem>>) semaphore(%arg43 : memref<!tpu.dma_semaphore, #tpu.memory_space<semaphore_mem>>)
      %dma_start3A_1008 = arith.constant 80 : i32
      %dma_start3A_1009 = tpu.memref_slice %arg37[%dma_start3A_1008] : memref<800xf32, #tpu.memory_space<vmem>> -> memref<80xf32, #tpu.memory_space<vmem>>
      %dma_start3A_1010 = arith.constant 80 : i32
      %dma_start3A_1011 = tpu.memref_slice %arg27[%dma_start3A_1010] : memref<800xi32, #tpu.memory_space<vmem>> -> memref<80xi32, #tpu.memory_space<vmem>>
      %dma_start3A_1012 = arith.constant 0 : i32
      %dma_start3A_1013 = tpu.memref_slice %arg49[%dma_start3A_1012] : memref<100000xf32, #tpu.memory_space<vmem_shared>> -> memref<100000xf32, #tpu.memory_space<vmem_shared>>
      tpu.enqueue_indirect_dma source(%dma_start3A_1013 : memref<100000xf32, #tpu.memory_space<vmem_shared>>) target(%dma_start3A_1009 : memref<80xf32, #tpu.memory_space<vmem>>) offsets(%dma_start3A_1011 : memref<80xi32, #tpu.memory_space<vmem>>) semaphore(%arg43 : memref<!tpu.dma_semaphore, #tpu.memory_space<semaphore_mem>>)
      %dma_start3A_1014 = arith.constant 160 : i32
      %dma_start3A_1015 = tpu.memref_slice %arg31[%dma_start3A_1014] : memref<800xf32, #tpu.memory_space<vmem>> -> memref<80xf32, #tpu.memory_space<vmem>>
      %dma_start3A_1016 = arith.constant 160 : i32
      %dma_start3A_1017 = tpu.memref_slice %arg26[%dma_start3A_1016] : memref<800xi32, #tpu.memory_space<vmem>> -> memref<80xi32, #tpu.memory_space<vmem>>
      %dma_start3A_1018 = arith.constant 0 : i32
      %dma_start3A_1019 = tpu.memref_slice %arg46[%dma_start3A_1018] : memref<100000xf32, #tpu.memory_space<vmem_shared>> -> memref<100000xf32, #tpu.memory_space<vmem_shared>>
      tpu.enqueue_indirect_dma source(%dma_start3A_1019 : memref<100000xf32, #tpu.memory_space<vmem_shared>>) target(%dma_start3A_1015 : memref<80xf32, #tpu.memory_space<vmem>>) offsets(%dma_start3A_1017 : memref<80xi32, #tpu.memory_space<vmem>>) semaphore(%arg43 : memref<!tpu.dma_semaphore, #tpu.memory_space<semaphore_mem>>)
      %dma_start3A_1020 = arith.constant 160 : i32
      %dma_start3A_1021 = tpu.memref_slice %arg32[%dma_start3A_1020] : memref<800xf32, #tpu.memory_space<vmem>> -> memref<80xf32, #tpu.memory_space<vmem>>
      %dma_start3A_1022 = arith.constant 160 : i32
      %dma_start3A_1023 = tpu.memref_slice %arg26[%dma_start3A_1022] : memref<800xi32, #tpu.memory_space<vmem>> -> memref<80xi32, #tpu.memory_space<vmem>>
      %dma_start3A_1024 = arith.constant 0 : i32
      %dma_start3A_1025 = tpu.memref_slice %arg47[%dma_start3A_1024] : memref<100000xf32, #tpu.memory_space<vmem_shared>> -> memref<100000xf32, #tpu.memory_space<vmem_shared>>
      tpu.enqueue_indirect_dma source(%dma_start3A_1025 : memref<100000xf32, #tpu.memory_space<vmem_shared>>) target(%dma_start3A_1021 : memref<80xf32, #tpu.memory_space<vmem>>) offsets(%dma_start3A_1023 : memref<80xi32, #tpu.memory_space<vmem>>) semaphore(%arg43 : memref<!tpu.dma_semaphore, #tpu.memory_space<semaphore_mem>>)
      %dma_start3A_1026 = arith.constant 160 : i32
      %dma_start3A_1027 = tpu.memref_slice %arg33[%dma_start3A_1026] : memref<800xf32, #tpu.memory_space<vmem>> -> memref<80xf32, #tpu.memory_space<vmem>>
      %dma_start3A_1028 = arith.constant 160 : i32
      %dma_start3A_1029 = tpu.memref_slice %arg26[%dma_start3A_1028] : memref<800xi32, #tpu.memory_space<vmem>> -> memref<80xi32, #tpu.memory_space<vmem>>
      %dma_start3A_1030 = arith.constant 0 : i32
      %dma_start3A_1031 = tpu.memref_slice %arg48[%dma_start3A_1030] : memref<100000xf32, #tpu.memory_space<vmem_shared>> -> memref<100000xf32, #tpu.memory_space<vmem_shared>>
      tpu.enqueue_indirect_dma source(%dma_start3A_1031 : memref<100000xf32, #tpu.memory_space<vmem_shared>>) target(%dma_start3A_1027 : memref<80xf32, #tpu.memory_space<vmem>>) offsets(%dma_start3A_1029 : memref<80xi32, #tpu.memory_space<vmem>>) semaphore(%arg43 : memref<!tpu.dma_semaphore, #tpu.memory_space<semaphore_mem>>)
      %dma_start3A_1032 = arith.constant 160 : i32
      %dma_start3A_1033 = tpu.memref_slice %arg34[%dma_start3A_1032] : memref<800xf32, #tpu.memory_space<vmem>> -> memref<80xf32, #tpu.memory_space<vmem>>
      %dma_start3A_1034 = arith.constant 160 : i32
      %dma_start3A_1035 = tpu.memref_slice %arg27[%dma_start3A_1034] : memref<800xi32, #tpu.memory_space<vmem>> -> memref<80xi32, #tpu.memory_space<vmem>>
      %dma_start3A_1036 = arith.constant 0 : i32
      %dma_start3A_1037 = tpu.memref_slice %arg46[%dma_start3A_1036] : memref<100000xf32, #tpu.memory_space<vmem_shared>> -> memref<100000xf32, #tpu.memory_space<vmem_shared>>
      tpu.enqueue_indirect_dma source(%dma_start3A_1037 : memref<100000xf32, #tpu.memory_space<vmem_shared>>) target(%dma_start3A_1033 : memref<80xf32, #tpu.memory_space<vmem>>) offsets(%dma_start3A_1035 : memref<80xi32, #tpu.memory_space<vmem>>) semaphore(%arg43 : memref<!tpu.dma_semaphore, #tpu.memory_space<semaphore_mem>>)
      %dma_start3A_1038 = arith.constant 160 : i32
      %dma_start3A_1039 = tpu.memref_slice %arg35[%dma_start3A_1038] : memref<800xf32, #tpu.memory_space<vmem>> -> memref<80xf32, #tpu.memory_space<vmem>>
      %dma_start3A_1040 = arith.constant 160 : i32
      %dma_start3A_1041 = tpu.memref_slice %arg27[%dma_start3A_1040] : memref<800xi32, #tpu.memory_space<vmem>> -> memref<80xi32, #tpu.memory_space<vmem>>
      %dma_start3A_1042 = arith.constant 0 : i32
      %dma_start3A_1043 = tpu.memref_slice %arg47[%dma_start3A_1042] : memref<100000xf32, #tpu.memory_space<vmem_shared>> -> memref<100000xf32, #tpu.memory_space<vmem_shared>>
      tpu.enqueue_indirect_dma source(%dma_start3A_1043 : memref<100000xf32, #tpu.memory_space<vmem_shared>>) target(%dma_start3A_1039 : memref<80xf32, #tpu.memory_space<vmem>>) offsets(%dma_start3A_1041 : memref<80xi32, #tpu.memory_space<vmem>>) semaphore(%arg43 : memref<!tpu.dma_semaphore, #tpu.memory_space<semaphore_mem>>)
      %dma_start3A_1044 = arith.constant 160 : i32
      %dma_start3A_1045 = tpu.memref_slice %arg36[%dma_start3A_1044] : memref<800xf32, #tpu.memory_space<vmem>> -> memref<80xf32, #tpu.memory_space<vmem>>
      %dma_start3A_1046 = arith.constant 160 : i32
      %dma_start3A_1047 = tpu.memref_slice %arg27[%dma_start3A_1046] : memref<800xi32, #tpu.memory_space<vmem>> -> memref<80xi32, #tpu.memory_space<vmem>>
      %dma_start3A_1048 = arith.constant 0 : i32
      %dma_start3A_1049 = tpu.memref_slice %arg48[%dma_start3A_1048] : memref<100000xf32, #tpu.memory_space<vmem_shared>> -> memref<100000xf32, #tpu.memory_space<vmem_shared>>
      tpu.enqueue_indirect_dma source(%dma_start3A_1049 : memref<100000xf32, #tpu.memory_space<vmem_shared>>) target(%dma_start3A_1045 : memref<80xf32, #tpu.memory_space<vmem>>) offsets(%dma_start3A_1047 : memref<80xi32, #tpu.memory_space<vmem>>) semaphore(%arg43 : memref<!tpu.dma_semaphore, #tpu.memory_space<semaphore_mem>>)
      %dma_start3A_1050 = arith.constant 160 : i32
      %dma_start3A_1051 = tpu.memref_slice %arg37[%dma_start3A_1050] : memref<800xf32, #tpu.memory_space<vmem>> -> memref<80xf32, #tpu.memory_space<vmem>>
      %dma_start3A_1052 = arith.constant 160 : i32
      %dma_start3A_1053 = tpu.memref_slice %arg27[%dma_start3A_1052] : memref<800xi32, #tpu.memory_space<vmem>> -> memref<80xi32, #tpu.memory_space<vmem>>
      %dma_start3A_1054 = arith.constant 0 : i32
      %dma_start3A_1055 = tpu.memref_slice %arg49[%dma_start3A_1054] : memref<100000xf32, #tpu.memory_space<vmem_shared>> -> memref<100000xf32, #tpu.memory_space<vmem_shared>>
      tpu.enqueue_indirect_dma source(%dma_start3A_1055 : memref<100000xf32, #tpu.memory_space<vmem_shared>>) target(%dma_start3A_1051 : memref<80xf32, #tpu.memory_space<vmem>>) offsets(%dma_start3A_1053 : memref<80xi32, #tpu.memory_space<vmem>>) semaphore(%arg43 : memref<!tpu.dma_semaphore, #tpu.memory_space<semaphore_mem>>)
      %dma_start3A_1056 = arith.constant 240 : i32
      %dma_start3A_1057 = tpu.memref_slice %arg31[%dma_start3A_1056] : memref<800xf32, #tpu.memory_space<vmem>> -> memref<80xf32, #tpu.memory_space<vmem>>
      %dma_start3A_1058 = arith.constant 240 : i32
      %dma_start3A_1059 = tpu.memref_slice %arg26[%dma_start3A_1058] : memref<800xi32, #tpu.memory_space<vmem>> -> memref<80xi32, #tpu.memory_space<vmem>>
      %dma_start3A_1060 = arith.constant 0 : i32
      %dma_start3A_1061 = tpu.memref_slice %arg46[%dma_start3A_1060] : memref<100000xf32, #tpu.memory_space<vmem_shared>> -> memref<100000xf32, #tpu.memory_space<vmem_shared>>
      tpu.enqueue_indirect_dma source(%dma_start3A_1061 : memref<100000xf32, #tpu.memory_space<vmem_shared>>) target(%dma_start3A_1057 : memref<80xf32, #tpu.memory_space<vmem>>) offsets(%dma_start3A_1059 : memref<80xi32, #tpu.memory_space<vmem>>) semaphore(%arg43 : memref<!tpu.dma_semaphore, #tpu.memory_space<semaphore_mem>>)
      %dma_start3A_1062 = arith.constant 240 : i32
      %dma_start3A_1063 = tpu.memref_slice %arg32[%dma_start3A_1062] : memref<800xf32, #tpu.memory_space<vmem>> -> memref<80xf32, #tpu.memory_space<vmem>>
      %dma_start3A_1064 = arith.constant 240 : i32
      %dma_start3A_1065 = tpu.memref_slice %arg26[%dma_start3A_1064] : memref<800xi32, #tpu.memory_space<vmem>> -> memref<80xi32, #tpu.memory_space<vmem>>
      %dma_start3A_1066 = arith.constant 0 : i32
      %dma_start3A_1067 = tpu.memref_slice %arg47[%dma_start3A_1066] : memref<100000xf32, #tpu.memory_space<vmem_shared>> -> memref<100000xf32, #tpu.memory_space<vmem_shared>>
      tpu.enqueue_indirect_dma source(%dma_start3A_1067 : memref<100000xf32, #tpu.memory_space<vmem_shared>>) target(%dma_start3A_1063 : memref<80xf32, #tpu.memory_space<vmem>>) offsets(%dma_start3A_1065 : memref<80xi32, #tpu.memory_space<vmem>>) semaphore(%arg43 : memref<!tpu.dma_semaphore, #tpu.memory_space<semaphore_mem>>)
      %dma_start3A_1068 = arith.constant 240 : i32
      %dma_start3A_1069 = tpu.memref_slice %arg33[%dma_start3A_1068] : memref<800xf32, #tpu.memory_space<vmem>> -> memref<80xf32, #tpu.memory_space<vmem>>
      %dma_start3A_1070 = arith.constant 240 : i32
      %dma_start3A_1071 = tpu.memref_slice %arg26[%dma_start3A_1070] : memref<800xi32, #tpu.memory_space<vmem>> -> memref<80xi32, #tpu.memory_space<vmem>>
      %dma_start3A_1072 = arith.constant 0 : i32
      %dma_start3A_1073 = tpu.memref_slice %arg48[%dma_start3A_1072] : memref<100000xf32, #tpu.memory_space<vmem_shared>> -> memref<100000xf32, #tpu.memory_space<vmem_shared>>
      tpu.enqueue_indirect_dma source(%dma_start3A_1073 : memref<100000xf32, #tpu.memory_space<vmem_shared>>) target(%dma_start3A_1069 : memref<80xf32, #tpu.memory_space<vmem>>) offsets(%dma_start3A_1071 : memref<80xi32, #tpu.memory_space<vmem>>) semaphore(%arg43 : memref<!tpu.dma_semaphore, #tpu.memory_space<semaphore_mem>>)
      %dma_start3A_1074 = arith.constant 240 : i32
      %dma_start3A_1075 = tpu.memref_slice %arg34[%dma_start3A_1074] : memref<800xf32, #tpu.memory_space<vmem>> -> memref<80xf32, #tpu.memory_space<vmem>>
      %dma_start3A_1076 = arith.constant 240 : i32
      %dma_start3A_1077 = tpu.memref_slice %arg27[%dma_start3A_1076] : memref<800xi32, #tpu.memory_space<vmem>> -> memref<80xi32, #tpu.memory_space<vmem>>
      %dma_start3A_1078 = arith.constant 0 : i32
      %dma_start3A_1079 = tpu.memref_slice %arg46[%dma_start3A_1078] : memref<100000xf32, #tpu.memory_space<vmem_shared>> -> memref<100000xf32, #tpu.memory_space<vmem_shared>>
      tpu.enqueue_indirect_dma source(%dma_start3A_1079 : memref<100000xf32, #tpu.memory_space<vmem_shared>>) target(%dma_start3A_1075 : memref<80xf32, #tpu.memory_space<vmem>>) offsets(%dma_start3A_1077 : memref<80xi32, #tpu.memory_space<vmem>>) semaphore(%arg43 : memref<!tpu.dma_semaphore, #tpu.memory_space<semaphore_mem>>)
      %dma_start3A_1080 = arith.constant 240 : i32
      %dma_start3A_1081 = tpu.memref_slice %arg35[%dma_start3A_1080] : memref<800xf32, #tpu.memory_space<vmem>> -> memref<80xf32, #tpu.memory_space<vmem>>
      %dma_start3A_1082 = arith.constant 240 : i32
      %dma_start3A_1083 = tpu.memref_slice %arg27[%dma_start3A_1082] : memref<800xi32, #tpu.memory_space<vmem>> -> memref<80xi32, #tpu.memory_space<vmem>>
      %dma_start3A_1084 = arith.constant 0 : i32
      %dma_start3A_1085 = tpu.memref_slice %arg47[%dma_start3A_1084] : memref<100000xf32, #tpu.memory_space<vmem_shared>> -> memref<100000xf32, #tpu.memory_space<vmem_shared>>
      tpu.enqueue_indirect_dma source(%dma_start3A_1085 : memref<100000xf32, #tpu.memory_space<vmem_shared>>) target(%dma_start3A_1081 : memref<80xf32, #tpu.memory_space<vmem>>) offsets(%dma_start3A_1083 : memref<80xi32, #tpu.memory_space<vmem>>) semaphore(%arg43 : memref<!tpu.dma_semaphore, #tpu.memory_space<semaphore_mem>>)
      %dma_start3A_1086 = arith.constant 240 : i32
      %dma_start3A_1087 = tpu.memref_slice %arg36[%dma_start3A_1086] : memref<800xf32, #tpu.memory_space<vmem>> -> memref<80xf32, #tpu.memory_space<vmem>>
      %dma_start3A_1088 = arith.constant 240 : i32
      %dma_start3A_1089 = tpu.memref_slice %arg27[%dma_start3A_1088] : memref<800xi32, #tpu.memory_space<vmem>> -> memref<80xi32, #tpu.memory_space<vmem>>
      %dma_start3A_1090 = arith.constant 0 : i32
      %dma_start3A_1091 = tpu.memref_slice %arg48[%dma_start3A_1090] : memref<100000xf32, #tpu.memory_space<vmem_shared>> -> memref<100000xf32, #tpu.memory_space<vmem_shared>>
      tpu.enqueue_indirect_dma source(%dma_start3A_1091 : memref<100000xf32, #tpu.memory_space<vmem_shared>>) target(%dma_start3A_1087 : memref<80xf32, #tpu.memory_space<vmem>>) offsets(%dma_start3A_1089 : memref<80xi32, #tpu.memory_space<vmem>>) semaphore(%arg43 : memref<!tpu.dma_semaphore, #tpu.memory_space<semaphore_mem>>)
      %dma_start3A_1092 = arith.constant 240 : i32
      %dma_start3A_1093 = tpu.memref_slice %arg37[%dma_start3A_1092] : memref<800xf32, #tpu.memory_space<vmem>> -> memref<80xf32, #tpu.memory_space<vmem>>
      %dma_start3A_1094 = arith.constant 240 : i32
      %dma_start3A_1095 = tpu.memref_slice %arg27[%dma_start3A_1094] : memref<800xi32, #tpu.memory_space<vmem>> -> memref<80xi32, #tpu.memory_space<vmem>>
      %dma_start3A_1096 = arith.constant 0 : i32
      %dma_start3A_1097 = tpu.memref_slice %arg49[%dma_start3A_1096] : memref<100000xf32, #tpu.memory_space<vmem_shared>> -> memref<100000xf32, #tpu.memory_space<vmem_shared>>
      tpu.enqueue_indirect_dma source(%dma_start3A_1097 : memref<100000xf32, #tpu.memory_space<vmem_shared>>) target(%dma_start3A_1093 : memref<80xf32, #tpu.memory_space<vmem>>) offsets(%dma_start3A_1095 : memref<80xi32, #tpu.memory_space<vmem>>) semaphore(%arg43 : memref<!tpu.dma_semaphore, #tpu.memory_space<semaphore_mem>>)
      %dma_start3A_1098 = arith.constant 320 : i32
      %dma_start3A_1099 = tpu.memref_slice %arg31[%dma_start3A_1098] : memref<800xf32, #tpu.memory_space<vmem>> -> memref<80xf32, #tpu.memory_space<vmem>>
      %dma_start3A_1100 = arith.constant 320 : i32
      %dma_start3A_1101 = tpu.memref_slice %arg26[%dma_start3A_1100] : memref<800xi32, #tpu.memory_space<vmem>> -> memref<80xi32, #tpu.memory_space<vmem>>
      %dma_start3A_1102 = arith.constant 0 : i32
      %dma_start3A_1103 = tpu.memref_slice %arg46[%dma_start3A_1102] : memref<100000xf32, #tpu.memory_space<vmem_shared>> -> memref<100000xf32, #tpu.memory_space<vmem_shared>>
      tpu.enqueue_indirect_dma source(%dma_start3A_1103 : memref<100000xf32, #tpu.memory_space<vmem_shared>>) target(%dma_start3A_1099 : memref<80xf32, #tpu.memory_space<vmem>>) offsets(%dma_start3A_1101 : memref<80xi32, #tpu.memory_space<vmem>>) semaphore(%arg43 : memref<!tpu.dma_semaphore, #tpu.memory_space<semaphore_mem>>)
      %dma_start3A_1104 = arith.constant 320 : i32
      %dma_start3A_1105 = tpu.memref_slice %arg32[%dma_start3A_1104] : memref<800xf32, #tpu.memory_space<vmem>> -> memref<80xf32, #tpu.memory_space<vmem>>
      %dma_start3A_1106 = arith.constant 320 : i32
      %dma_start3A_1107 = tpu.memref_slice %arg26[%dma_start3A_1106] : memref<800xi32, #tpu.memory_space<vmem>> -> memref<80xi32, #tpu.memory_space<vmem>>
      %dma_start3A_1108 = arith.constant 0 : i32
      %dma_start3A_1109 = tpu.memref_slice %arg47[%dma_start3A_1108] : memref<100000xf32, #tpu.memory_space<vmem_shared>> -> memref<100000xf32, #tpu.memory_space<vmem_shared>>
      tpu.enqueue_indirect_dma source(%dma_start3A_1109 : memref<100000xf32, #tpu.memory_space<vmem_shared>>) target(%dma_start3A_1105 : memref<80xf32, #tpu.memory_space<vmem>>) offsets(%dma_start3A_1107 : memref<80xi32, #tpu.memory_space<vmem>>) semaphore(%arg43 : memref<!tpu.dma_semaphore, #tpu.memory_space<semaphore_mem>>)
      %dma_start3A_1110 = arith.constant 320 : i32
      %dma_start3A_1111 = tpu.memref_slice %arg33[%dma_start3A_1110] : memref<800xf32, #tpu.memory_space<vmem>> -> memref<80xf32, #tpu.memory_space<vmem>>
      %dma_start3A_1112 = arith.constant 320 : i32
      %dma_start3A_1113 = tpu.memref_slice %arg26[%dma_start3A_1112] : memref<800xi32, #tpu.memory_space<vmem>> -> memref<80xi32, #tpu.memory_space<vmem>>
      %dma_start3A_1114 = arith.constant 0 : i32
      %dma_start3A_1115 = tpu.memref_slice %arg48[%dma_start3A_1114] : memref<100000xf32, #tpu.memory_space<vmem_shared>> -> memref<100000xf32, #tpu.memory_space<vmem_shared>>
      tpu.enqueue_indirect_dma source(%dma_start3A_1115 : memref<100000xf32, #tpu.memory_space<vmem_shared>>) target(%dma_start3A_1111 : memref<80xf32, #tpu.memory_space<vmem>>) offsets(%dma_start3A_1113 : memref<80xi32, #tpu.memory_space<vmem>>) semaphore(%arg43 : memref<!tpu.dma_semaphore, #tpu.memory_space<semaphore_mem>>)
      %dma_start3A_1116 = arith.constant 320 : i32
      %dma_start3A_1117 = tpu.memref_slice %arg34[%dma_start3A_1116] : memref<800xf32, #tpu.memory_space<vmem>> -> memref<80xf32, #tpu.memory_space<vmem>>
      %dma_start3A_1118 = arith.constant 320 : i32
      %dma_start3A_1119 = tpu.memref_slice %arg27[%dma_start3A_1118] : memref<800xi32, #tpu.memory_space<vmem>> -> memref<80xi32, #tpu.memory_space<vmem>>
      %dma_start3A_1120 = arith.constant 0 : i32
      %dma_start3A_1121 = tpu.memref_slice %arg46[%dma_start3A_1120] : memref<100000xf32, #tpu.memory_space<vmem_shared>> -> memref<100000xf32, #tpu.memory_space<vmem_shared>>
      tpu.enqueue_indirect_dma source(%dma_start3A_1121 : memref<100000xf32, #tpu.memory_space<vmem_shared>>) target(%dma_start3A_1117 : memref<80xf32, #tpu.memory_space<vmem>>) offsets(%dma_start3A_1119 : memref<80xi32, #tpu.memory_space<vmem>>) semaphore(%arg43 : memref<!tpu.dma_semaphore, #tpu.memory_space<semaphore_mem>>)
      %dma_start3A_1122 = arith.constant 320 : i32
      %dma_start3A_1123 = tpu.memref_slice %arg35[%dma_start3A_1122] : memref<800xf32, #tpu.memory_space<vmem>> -> memref<80xf32, #tpu.memory_space<vmem>>
      %dma_start3A_1124 = arith.constant 320 : i32
      %dma_start3A_1125 = tpu.memref_slice %arg27[%dma_start3A_1124] : memref<800xi32, #tpu.memory_space<vmem>> -> memref<80xi32, #tpu.memory_space<vmem>>
      %dma_start3A_1126 = arith.constant 0 : i32
      %dma_start3A_1127 = tpu.memref_slice %arg47[%dma_start3A_1126] : memref<100000xf32, #tpu.memory_space<vmem_shared>> -> memref<100000xf32, #tpu.memory_space<vmem_shared>>
      tpu.enqueue_indirect_dma source(%dma_start3A_1127 : memref<100000xf32, #tpu.memory_space<vmem_shared>>) target(%dma_start3A_1123 : memref<80xf32, #tpu.memory_space<vmem>>) offsets(%dma_start3A_1125 : memref<80xi32, #tpu.memory_space<vmem>>) semaphore(%arg43 : memref<!tpu.dma_semaphore, #tpu.memory_space<semaphore_mem>>)
      %dma_start3A_1128 = arith.constant 320 : i32
      %dma_start3A_1129 = tpu.memref_slice %arg36[%dma_start3A_1128] : memref<800xf32, #tpu.memory_space<vmem>> -> memref<80xf32, #tpu.memory_space<vmem>>
      %dma_start3A_1130 = arith.constant 320 : i32
      %dma_start3A_1131 = tpu.memref_slice %arg27[%dma_start3A_1130] : memref<800xi32, #tpu.memory_space<vmem>> -> memref<80xi32, #tpu.memory_space<vmem>>
      %dma_start3A_1132 = arith.constant 0 : i32
      %dma_start3A_1133 = tpu.memref_slice %arg48[%dma_start3A_1132] : memref<100000xf32, #tpu.memory_space<vmem_shared>> -> memref<100000xf32, #tpu.memory_space<vmem_shared>>
      tpu.enqueue_indirect_dma source(%dma_start3A_1133 : memref<100000xf32, #tpu.memory_space<vmem_shared>>) target(%dma_start3A_1129 : memref<80xf32, #tpu.memory_space<vmem>>) offsets(%dma_start3A_1131 : memref<80xi32, #tpu.memory_space<vmem>>) semaphore(%arg43 : memref<!tpu.dma_semaphore, #tpu.memory_space<semaphore_mem>>)
      %dma_start3A_1134 = arith.constant 320 : i32
      %dma_start3A_1135 = tpu.memref_slice %arg37[%dma_start3A_1134] : memref<800xf32, #tpu.memory_space<vmem>> -> memref<80xf32, #tpu.memory_space<vmem>>
      %dma_start3A_1136 = arith.constant 320 : i32
      %dma_start3A_1137 = tpu.memref_slice %arg27[%dma_start3A_1136] : memref<800xi32, #tpu.memory_space<vmem>> -> memref<80xi32, #tpu.memory_space<vmem>>
      %dma_start3A_1138 = arith.constant 0 : i32
      %dma_start3A_1139 = tpu.memref_slice %arg49[%dma_start3A_1138] : memref<100000xf32, #tpu.memory_space<vmem_shared>> -> memref<100000xf32, #tpu.memory_space<vmem_shared>>
      tpu.enqueue_indirect_dma source(%dma_start3A_1139 : memref<100000xf32, #tpu.memory_space<vmem_shared>>) target(%dma_start3A_1135 : memref<80xf32, #tpu.memory_space<vmem>>) offsets(%dma_start3A_1137 : memref<80xi32, #tpu.memory_space<vmem>>) semaphore(%arg43 : memref<!tpu.dma_semaphore, #tpu.memory_space<semaphore_mem>>)
      %dma_start3A_1140 = arith.constant 400 : i32
      %dma_start3A_1141 = tpu.memref_slice %arg31[%dma_start3A_1140] : memref<800xf32, #tpu.memory_space<vmem>> -> memref<80xf32, #tpu.memory_space<vmem>>
      %dma_start3A_1142 = arith.constant 400 : i32
      %dma_start3A_1143 = tpu.memref_slice %arg26[%dma_start3A_1142] : memref<800xi32, #tpu.memory_space<vmem>> -> memref<80xi32, #tpu.memory_space<vmem>>
      %dma_start3A_1144 = arith.constant 0 : i32
      %dma_start3A_1145 = tpu.memref_slice %arg46[%dma_start3A_1144] : memref<100000xf32, #tpu.memory_space<vmem_shared>> -> memref<100000xf32, #tpu.memory_space<vmem_shared>>
      tpu.enqueue_indirect_dma source(%dma_start3A_1145 : memref<100000xf32, #tpu.memory_space<vmem_shared>>) target(%dma_start3A_1141 : memref<80xf32, #tpu.memory_space<vmem>>) offsets(%dma_start3A_1143 : memref<80xi32, #tpu.memory_space<vmem>>) semaphore(%arg43 : memref<!tpu.dma_semaphore, #tpu.memory_space<semaphore_mem>>)
      %dma_start3A_1146 = arith.constant 400 : i32
      %dma_start3A_1147 = tpu.memref_slice %arg32[%dma_start3A_1146] : memref<800xf32, #tpu.memory_space<vmem>> -> memref<80xf32, #tpu.memory_space<vmem>>
      %dma_start3A_1148 = arith.constant 400 : i32
      %dma_start3A_1149 = tpu.memref_slice %arg26[%dma_start3A_1148] : memref<800xi32, #tpu.memory_space<vmem>> -> memref<80xi32, #tpu.memory_space<vmem>>
      %dma_start3A_1150 = arith.constant 0 : i32
      %dma_start3A_1151 = tpu.memref_slice %arg47[%dma_start3A_1150] : memref<100000xf32, #tpu.memory_space<vmem_shared>> -> memref<100000xf32, #tpu.memory_space<vmem_shared>>
      tpu.enqueue_indirect_dma source(%dma_start3A_1151 : memref<100000xf32, #tpu.memory_space<vmem_shared>>) target(%dma_start3A_1147 : memref<80xf32, #tpu.memory_space<vmem>>) offsets(%dma_start3A_1149 : memref<80xi32, #tpu.memory_space<vmem>>) semaphore(%arg43 : memref<!tpu.dma_semaphore, #tpu.memory_space<semaphore_mem>>)
      %dma_start3A_1152 = arith.constant 400 : i32
      %dma_start3A_1153 = tpu.memref_slice %arg33[%dma_start3A_1152] : memref<800xf32, #tpu.memory_space<vmem>> -> memref<80xf32, #tpu.memory_space<vmem>>
      %dma_start3A_1154 = arith.constant 400 : i32
      %dma_start3A_1155 = tpu.memref_slice %arg26[%dma_start3A_1154] : memref<800xi32, #tpu.memory_space<vmem>> -> memref<80xi32, #tpu.memory_space<vmem>>
      %dma_start3A_1156 = arith.constant 0 : i32
      %dma_start3A_1157 = tpu.memref_slice %arg48[%dma_start3A_1156] : memref<100000xf32, #tpu.memory_space<vmem_shared>> -> memref<100000xf32, #tpu.memory_space<vmem_shared>>
      tpu.enqueue_indirect_dma source(%dma_start3A_1157 : memref<100000xf32, #tpu.memory_space<vmem_shared>>) target(%dma_start3A_1153 : memref<80xf32, #tpu.memory_space<vmem>>) offsets(%dma_start3A_1155 : memref<80xi32, #tpu.memory_space<vmem>>) semaphore(%arg43 : memref<!tpu.dma_semaphore, #tpu.memory_space<semaphore_mem>>)
      %dma_start3A_1158 = arith.constant 400 : i32
      %dma_start3A_1159 = tpu.memref_slice %arg34[%dma_start3A_1158] : memref<800xf32, #tpu.memory_space<vmem>> -> memref<80xf32, #tpu.memory_space<vmem>>
      %dma_start3A_1160 = arith.constant 400 : i32
      %dma_start3A_1161 = tpu.memref_slice %arg27[%dma_start3A_1160] : memref<800xi32, #tpu.memory_space<vmem>> -> memref<80xi32, #tpu.memory_space<vmem>>
      %dma_start3A_1162 = arith.constant 0 : i32
      %dma_start3A_1163 = tpu.memref_slice %arg46[%dma_start3A_1162] : memref<100000xf32, #tpu.memory_space<vmem_shared>> -> memref<100000xf32, #tpu.memory_space<vmem_shared>>
      tpu.enqueue_indirect_dma source(%dma_start3A_1163 : memref<100000xf32, #tpu.memory_space<vmem_shared>>) target(%dma_start3A_1159 : memref<80xf32, #tpu.memory_space<vmem>>) offsets(%dma_start3A_1161 : memref<80xi32, #tpu.memory_space<vmem>>) semaphore(%arg43 : memref<!tpu.dma_semaphore, #tpu.memory_space<semaphore_mem>>)
      %dma_start3A_1164 = arith.constant 400 : i32
      %dma_start3A_1165 = tpu.memref_slice %arg35[%dma_start3A_1164] : memref<800xf32, #tpu.memory_space<vmem>> -> memref<80xf32, #tpu.memory_space<vmem>>
      %dma_start3A_1166 = arith.constant 400 : i32
      %dma_start3A_1167 = tpu.memref_slice %arg27[%dma_start3A_1166] : memref<800xi32, #tpu.memory_space<vmem>> -> memref<80xi32, #tpu.memory_space<vmem>>
      %dma_start3A_1168 = arith.constant 0 : i32
      %dma_start3A_1169 = tpu.memref_slice %arg47[%dma_start3A_1168] : memref<100000xf32, #tpu.memory_space<vmem_shared>> -> memref<100000xf32, #tpu.memory_space<vmem_shared>>
      tpu.enqueue_indirect_dma source(%dma_start3A_1169 : memref<100000xf32, #tpu.memory_space<vmem_shared>>) target(%dma_start3A_1165 : memref<80xf32, #tpu.memory_space<vmem>>) offsets(%dma_start3A_1167 : memref<80xi32, #tpu.memory_space<vmem>>) semaphore(%arg43 : memref<!tpu.dma_semaphore, #tpu.memory_space<semaphore_mem>>)
      %dma_start3A_1170 = arith.constant 400 : i32
      %dma_start3A_1171 = tpu.memref_slice %arg36[%dma_start3A_1170] : memref<800xf32, #tpu.memory_space<vmem>> -> memref<80xf32, #tpu.memory_space<vmem>>
      %dma_start3A_1172 = arith.constant 400 : i32
      %dma_start3A_1173 = tpu.memref_slice %arg27[%dma_start3A_1172] : memref<800xi32, #tpu.memory_space<vmem>> -> memref<80xi32, #tpu.memory_space<vmem>>
      %dma_start3A_1174 = arith.constant 0 : i32
      %dma_start3A_1175 = tpu.memref_slice %arg48[%dma_start3A_1174] : memref<100000xf32, #tpu.memory_space<vmem_shared>> -> memref<100000xf32, #tpu.memory_space<vmem_shared>>
      tpu.enqueue_indirect_dma source(%dma_start3A_1175 : memref<100000xf32, #tpu.memory_space<vmem_shared>>) target(%dma_start3A_1171 : memref<80xf32, #tpu.memory_space<vmem>>) offsets(%dma_start3A_1173 : memref<80xi32, #tpu.memory_space<vmem>>) semaphore(%arg43 : memref<!tpu.dma_semaphore, #tpu.memory_space<semaphore_mem>>)
      %dma_start3A_1176 = arith.constant 400 : i32
      %dma_start3A_1177 = tpu.memref_slice %arg37[%dma_start3A_1176] : memref<800xf32, #tpu.memory_space<vmem>> -> memref<80xf32, #tpu.memory_space<vmem>>
      %dma_start3A_1178 = arith.constant 400 : i32
      %dma_start3A_1179 = tpu.memref_slice %arg27[%dma_start3A_1178] : memref<800xi32, #tpu.memory_space<vmem>> -> memref<80xi32, #tpu.memory_space<vmem>>
      %dma_start3A_1180 = arith.constant 0 : i32
      %dma_start3A_1181 = tpu.memref_slice %arg49[%dma_start3A_1180] : memref<100000xf32, #tpu.memory_space<vmem_shared>> -> memref<100000xf32, #tpu.memory_space<vmem_shared>>
      tpu.enqueue_indirect_dma source(%dma_start3A_1181 : memref<100000xf32, #tpu.memory_space<vmem_shared>>) target(%dma_start3A_1177 : memref<80xf32, #tpu.memory_space<vmem>>) offsets(%dma_start3A_1179 : memref<80xi32, #tpu.memory_space<vmem>>) semaphore(%arg43 : memref<!tpu.dma_semaphore, #tpu.memory_space<semaphore_mem>>)
      %dma_start3A_1182 = arith.constant 480 : i32
      %dma_start3A_1183 = tpu.memref_slice %arg31[%dma_start3A_1182] : memref<800xf32, #tpu.memory_space<vmem>> -> memref<80xf32, #tpu.memory_space<vmem>>
      %dma_start3A_1184 = arith.constant 480 : i32
      %dma_start3A_1185 = tpu.memref_slice %arg26[%dma_start3A_1184] : memref<800xi32, #tpu.memory_space<vmem>> -> memref<80xi32, #tpu.memory_space<vmem>>
      %dma_start3A_1186 = arith.constant 0 : i32
      %dma_start3A_1187 = tpu.memref_slice %arg46[%dma_start3A_1186] : memref<100000xf32, #tpu.memory_space<vmem_shared>> -> memref<100000xf32, #tpu.memory_space<vmem_shared>>
      tpu.enqueue_indirect_dma source(%dma_start3A_1187 : memref<100000xf32, #tpu.memory_space<vmem_shared>>) target(%dma_start3A_1183 : memref<80xf32, #tpu.memory_space<vmem>>) offsets(%dma_start3A_1185 : memref<80xi32, #tpu.memory_space<vmem>>) semaphore(%arg43 : memref<!tpu.dma_semaphore, #tpu.memory_space<semaphore_mem>>)
      %dma_start3A_1188 = arith.constant 480 : i32
      %dma_start3A_1189 = tpu.memref_slice %arg32[%dma_start3A_1188] : memref<800xf32, #tpu.memory_space<vmem>> -> memref<80xf32, #tpu.memory_space<vmem>>
      %dma_start3A_1190 = arith.constant 480 : i32
      %dma_start3A_1191 = tpu.memref_slice %arg26[%dma_start3A_1190] : memref<800xi32, #tpu.memory_space<vmem>> -> memref<80xi32, #tpu.memory_space<vmem>>
      %dma_start3A_1192 = arith.constant 0 : i32
      %dma_start3A_1193 = tpu.memref_slice %arg47[%dma_start3A_1192] : memref<100000xf32, #tpu.memory_space<vmem_shared>> -> memref<100000xf32, #tpu.memory_space<vmem_shared>>
      tpu.enqueue_indirect_dma source(%dma_start3A_1193 : memref<100000xf32, #tpu.memory_space<vmem_shared>>) target(%dma_start3A_1189 : memref<80xf32, #tpu.memory_space<vmem>>) offsets(%dma_start3A_1191 : memref<80xi32, #tpu.memory_space<vmem>>) semaphore(%arg43 : memref<!tpu.dma_semaphore, #tpu.memory_space<semaphore_mem>>)
      %dma_start3A_1194 = arith.constant 480 : i32
      %dma_start3A_1195 = tpu.memref_slice %arg33[%dma_start3A_1194] : memref<800xf32, #tpu.memory_space<vmem>> -> memref<80xf32, #tpu.memory_space<vmem>>
      %dma_start3A_1196 = arith.constant 480 : i32
      %dma_start3A_1197 = tpu.memref_slice %arg26[%dma_start3A_1196] : memref<800xi32, #tpu.memory_space<vmem>> -> memref<80xi32, #tpu.memory_space<vmem>>
      %dma_start3A_1198 = arith.constant 0 : i32
      %dma_start3A_1199 = tpu.memref_slice %arg48[%dma_start3A_1198] : memref<100000xf32, #tpu.memory_space<vmem_shared>> -> memref<100000xf32, #tpu.memory_space<vmem_shared>>
      tpu.enqueue_indirect_dma source(%dma_start3A_1199 : memref<100000xf32, #tpu.memory_space<vmem_shared>>) target(%dma_start3A_1195 : memref<80xf32, #tpu.memory_space<vmem>>) offsets(%dma_start3A_1197 : memref<80xi32, #tpu.memory_space<vmem>>) semaphore(%arg43 : memref<!tpu.dma_semaphore, #tpu.memory_space<semaphore_mem>>)
      %dma_start3A_1200 = arith.constant 480 : i32
      %dma_start3A_1201 = tpu.memref_slice %arg34[%dma_start3A_1200] : memref<800xf32, #tpu.memory_space<vmem>> -> memref<80xf32, #tpu.memory_space<vmem>>
      %dma_start3A_1202 = arith.constant 480 : i32
      %dma_start3A_1203 = tpu.memref_slice %arg27[%dma_start3A_1202] : memref<800xi32, #tpu.memory_space<vmem>> -> memref<80xi32, #tpu.memory_space<vmem>>
      %dma_start3A_1204 = arith.constant 0 : i32
      %dma_start3A_1205 = tpu.memref_slice %arg46[%dma_start3A_1204] : memref<100000xf32, #tpu.memory_space<vmem_shared>> -> memref<100000xf32, #tpu.memory_space<vmem_shared>>
      tpu.enqueue_indirect_dma source(%dma_start3A_1205 : memref<100000xf32, #tpu.memory_space<vmem_shared>>) target(%dma_start3A_1201 : memref<80xf32, #tpu.memory_space<vmem>>) offsets(%dma_start3A_1203 : memref<80xi32, #tpu.memory_space<vmem>>) semaphore(%arg43 : memref<!tpu.dma_semaphore, #tpu.memory_space<semaphore_mem>>)
      %dma_start3A_1206 = arith.constant 480 : i32
      %dma_start3A_1207 = tpu.memref_slice %arg35[%dma_start3A_1206] : memref<800xf32, #tpu.memory_space<vmem>> -> memref<80xf32, #tpu.memory_space<vmem>>
      %dma_start3A_1208 = arith.constant 480 : i32
      %dma_start3A_1209 = tpu.memref_slice %arg27[%dma_start3A_1208] : memref<800xi32, #tpu.memory_space<vmem>> -> memref<80xi32, #tpu.memory_space<vmem>>
      %dma_start3A_1210 = arith.constant 0 : i32
      %dma_start3A_1211 = tpu.memref_slice %arg47[%dma_start3A_1210] : memref<100000xf32, #tpu.memory_space<vmem_shared>> -> memref<100000xf32, #tpu.memory_space<vmem_shared>>
      tpu.enqueue_indirect_dma source(%dma_start3A_1211 : memref<100000xf32, #tpu.memory_space<vmem_shared>>) target(%dma_start3A_1207 : memref<80xf32, #tpu.memory_space<vmem>>) offsets(%dma_start3A_1209 : memref<80xi32, #tpu.memory_space<vmem>>) semaphore(%arg43 : memref<!tpu.dma_semaphore, #tpu.memory_space<semaphore_mem>>)
      %dma_start3A_1212 = arith.constant 480 : i32
      %dma_start3A_1213 = tpu.memref_slice %arg36[%dma_start3A_1212] : memref<800xf32, #tpu.memory_space<vmem>> -> memref<80xf32, #tpu.memory_space<vmem>>
      %dma_start3A_1214 = arith.constant 480 : i32
      %dma_start3A_1215 = tpu.memref_slice %arg27[%dma_start3A_1214] : memref<800xi32, #tpu.memory_space<vmem>> -> memref<80xi32, #tpu.memory_space<vmem>>
      %dma_start3A_1216 = arith.constant 0 : i32
      %dma_start3A_1217 = tpu.memref_slice %arg48[%dma_start3A_1216] : memref<100000xf32, #tpu.memory_space<vmem_shared>> -> memref<100000xf32, #tpu.memory_space<vmem_shared>>
      tpu.enqueue_indirect_dma source(%dma_start3A_1217 : memref<100000xf32, #tpu.memory_space<vmem_shared>>) target(%dma_start3A_1213 : memref<80xf32, #tpu.memory_space<vmem>>) offsets(%dma_start3A_1215 : memref<80xi32, #tpu.memory_space<vmem>>) semaphore(%arg43 : memref<!tpu.dma_semaphore, #tpu.memory_space<semaphore_mem>>)
      %dma_start3A_1218 = arith.constant 480 : i32
      %dma_start3A_1219 = tpu.memref_slice %arg37[%dma_start3A_1218] : memref<800xf32, #tpu.memory_space<vmem>> -> memref<80xf32, #tpu.memory_space<vmem>>
      %dma_start3A_1220 = arith.constant 480 : i32
      %dma_start3A_1221 = tpu.memref_slice %arg27[%dma_start3A_1220] : memref<800xi32, #tpu.memory_space<vmem>> -> memref<80xi32, #tpu.memory_space<vmem>>
      %dma_start3A_1222 = arith.constant 0 : i32
      %dma_start3A_1223 = tpu.memref_slice %arg49[%dma_start3A_1222] : memref<100000xf32, #tpu.memory_space<vmem_shared>> -> memref<100000xf32, #tpu.memory_space<vmem_shared>>
      tpu.enqueue_indirect_dma source(%dma_start3A_1223 : memref<100000xf32, #tpu.memory_space<vmem_shared>>) target(%dma_start3A_1219 : memref<80xf32, #tpu.memory_space<vmem>>) offsets(%dma_start3A_1221 : memref<80xi32, #tpu.memory_space<vmem>>) semaphore(%arg43 : memref<!tpu.dma_semaphore, #tpu.memory_space<semaphore_mem>>)
      %dma_start3A_1224 = arith.constant 560 : i32
      %dma_start3A_1225 = tpu.memref_slice %arg31[%dma_start3A_1224] : memref<800xf32, #tpu.memory_space<vmem>> -> memref<80xf32, #tpu.memory_space<vmem>>
      %dma_start3A_1226 = arith.constant 560 : i32
      %dma_start3A_1227 = tpu.memref_slice %arg26[%dma_start3A_1226] : memref<800xi32, #tpu.memory_space<vmem>> -> memref<80xi32, #tpu.memory_space<vmem>>
      %dma_start3A_1228 = arith.constant 0 : i32
      %dma_start3A_1229 = tpu.memref_slice %arg46[%dma_start3A_1228] : memref<100000xf32, #tpu.memory_space<vmem_shared>> -> memref<100000xf32, #tpu.memory_space<vmem_shared>>
      tpu.enqueue_indirect_dma source(%dma_start3A_1229 : memref<100000xf32, #tpu.memory_space<vmem_shared>>) target(%dma_start3A_1225 : memref<80xf32, #tpu.memory_space<vmem>>) offsets(%dma_start3A_1227 : memref<80xi32, #tpu.memory_space<vmem>>) semaphore(%arg43 : memref<!tpu.dma_semaphore, #tpu.memory_space<semaphore_mem>>)
      %dma_start3A_1230 = arith.constant 560 : i32
      %dma_start3A_1231 = tpu.memref_slice %arg32[%dma_start3A_1230] : memref<800xf32, #tpu.memory_space<vmem>> -> memref<80xf32, #tpu.memory_space<vmem>>
      %dma_start3A_1232 = arith.constant 560 : i32
      %dma_start3A_1233 = tpu.memref_slice %arg26[%dma_start3A_1232] : memref<800xi32, #tpu.memory_space<vmem>> -> memref<80xi32, #tpu.memory_space<vmem>>
      %dma_start3A_1234 = arith.constant 0 : i32
      %dma_start3A_1235 = tpu.memref_slice %arg47[%dma_start3A_1234] : memref<100000xf32, #tpu.memory_space<vmem_shared>> -> memref<100000xf32, #tpu.memory_space<vmem_shared>>
      tpu.enqueue_indirect_dma source(%dma_start3A_1235 : memref<100000xf32, #tpu.memory_space<vmem_shared>>) target(%dma_start3A_1231 : memref<80xf32, #tpu.memory_space<vmem>>) offsets(%dma_start3A_1233 : memref<80xi32, #tpu.memory_space<vmem>>) semaphore(%arg43 : memref<!tpu.dma_semaphore, #tpu.memory_space<semaphore_mem>>)
      %dma_start3A_1236 = arith.constant 560 : i32
      %dma_start3A_1237 = tpu.memref_slice %arg33[%dma_start3A_1236] : memref<800xf32, #tpu.memory_space<vmem>> -> memref<80xf32, #tpu.memory_space<vmem>>
      %dma_start3A_1238 = arith.constant 560 : i32
      %dma_start3A_1239 = tpu.memref_slice %arg26[%dma_start3A_1238] : memref<800xi32, #tpu.memory_space<vmem>> -> memref<80xi32, #tpu.memory_space<vmem>>
      %dma_start3A_1240 = arith.constant 0 : i32
      %dma_start3A_1241 = tpu.memref_slice %arg48[%dma_start3A_1240] : memref<100000xf32, #tpu.memory_space<vmem_shared>> -> memref<100000xf32, #tpu.memory_space<vmem_shared>>
      tpu.enqueue_indirect_dma source(%dma_start3A_1241 : memref<100000xf32, #tpu.memory_space<vmem_shared>>) target(%dma_start3A_1237 : memref<80xf32, #tpu.memory_space<vmem>>) offsets(%dma_start3A_1239 : memref<80xi32, #tpu.memory_space<vmem>>) semaphore(%arg43 : memref<!tpu.dma_semaphore, #tpu.memory_space<semaphore_mem>>)
      %dma_start3A_1242 = arith.constant 560 : i32
      %dma_start3A_1243 = tpu.memref_slice %arg34[%dma_start3A_1242] : memref<800xf32, #tpu.memory_space<vmem>> -> memref<80xf32, #tpu.memory_space<vmem>>
      %dma_start3A_1244 = arith.constant 560 : i32
      %dma_start3A_1245 = tpu.memref_slice %arg27[%dma_start3A_1244] : memref<800xi32, #tpu.memory_space<vmem>> -> memref<80xi32, #tpu.memory_space<vmem>>
      %dma_start3A_1246 = arith.constant 0 : i32
      %dma_start3A_1247 = tpu.memref_slice %arg46[%dma_start3A_1246] : memref<100000xf32, #tpu.memory_space<vmem_shared>> -> memref<100000xf32, #tpu.memory_space<vmem_shared>>
      tpu.enqueue_indirect_dma source(%dma_start3A_1247 : memref<100000xf32, #tpu.memory_space<vmem_shared>>) target(%dma_start3A_1243 : memref<80xf32, #tpu.memory_space<vmem>>) offsets(%dma_start3A_1245 : memref<80xi32, #tpu.memory_space<vmem>>) semaphore(%arg43 : memref<!tpu.dma_semaphore, #tpu.memory_space<semaphore_mem>>)
      %dma_start3A_1248 = arith.constant 560 : i32
      %dma_start3A_1249 = tpu.memref_slice %arg35[%dma_start3A_1248] : memref<800xf32, #tpu.memory_space<vmem>> -> memref<80xf32, #tpu.memory_space<vmem>>
      %dma_start3A_1250 = arith.constant 560 : i32
      %dma_start3A_1251 = tpu.memref_slice %arg27[%dma_start3A_1250] : memref<800xi32, #tpu.memory_space<vmem>> -> memref<80xi32, #tpu.memory_space<vmem>>
      %dma_start3A_1252 = arith.constant 0 : i32
      %dma_start3A_1253 = tpu.memref_slice %arg47[%dma_start3A_1252] : memref<100000xf32, #tpu.memory_space<vmem_shared>> -> memref<100000xf32, #tpu.memory_space<vmem_shared>>
      tpu.enqueue_indirect_dma source(%dma_start3A_1253 : memref<100000xf32, #tpu.memory_space<vmem_shared>>) target(%dma_start3A_1249 : memref<80xf32, #tpu.memory_space<vmem>>) offsets(%dma_start3A_1251 : memref<80xi32, #tpu.memory_space<vmem>>) semaphore(%arg43 : memref<!tpu.dma_semaphore, #tpu.memory_space<semaphore_mem>>)
      %dma_start3A_1254 = arith.constant 560 : i32
      %dma_start3A_1255 = tpu.memref_slice %arg36[%dma_start3A_1254] : memref<800xf32, #tpu.memory_space<vmem>> -> memref<80xf32, #tpu.memory_space<vmem>>
      %dma_start3A_1256 = arith.constant 560 : i32
      %dma_start3A_1257 = tpu.memref_slice %arg27[%dma_start3A_1256] : memref<800xi32, #tpu.memory_space<vmem>> -> memref<80xi32, #tpu.memory_space<vmem>>
      %dma_start3A_1258 = arith.constant 0 : i32
      %dma_start3A_1259 = tpu.memref_slice %arg48[%dma_start3A_1258] : memref<100000xf32, #tpu.memory_space<vmem_shared>> -> memref<100000xf32, #tpu.memory_space<vmem_shared>>
      tpu.enqueue_indirect_dma source(%dma_start3A_1259 : memref<100000xf32, #tpu.memory_space<vmem_shared>>) target(%dma_start3A_1255 : memref<80xf32, #tpu.memory_space<vmem>>) offsets(%dma_start3A_1257 : memref<80xi32, #tpu.memory_space<vmem>>) semaphore(%arg43 : memref<!tpu.dma_semaphore, #tpu.memory_space<semaphore_mem>>)
      %dma_start3A_1260 = arith.constant 560 : i32
      %dma_start3A_1261 = tpu.memref_slice %arg37[%dma_start3A_1260] : memref<800xf32, #tpu.memory_space<vmem>> -> memref<80xf32, #tpu.memory_space<vmem>>
      %dma_start3A_1262 = arith.constant 560 : i32
      %dma_start3A_1263 = tpu.memref_slice %arg27[%dma_start3A_1262] : memref<800xi32, #tpu.memory_space<vmem>> -> memref<80xi32, #tpu.memory_space<vmem>>
      %dma_start3A_1264 = arith.constant 0 : i32
      %dma_start3A_1265 = tpu.memref_slice %arg49[%dma_start3A_1264] : memref<100000xf32, #tpu.memory_space<vmem_shared>> -> memref<100000xf32, #tpu.memory_space<vmem_shared>>
      tpu.enqueue_indirect_dma source(%dma_start3A_1265 : memref<100000xf32, #tpu.memory_space<vmem_shared>>) target(%dma_start3A_1261 : memref<80xf32, #tpu.memory_space<vmem>>) offsets(%dma_start3A_1263 : memref<80xi32, #tpu.memory_space<vmem>>) semaphore(%arg43 : memref<!tpu.dma_semaphore, #tpu.memory_space<semaphore_mem>>)
      %dma_start3A_1266 = arith.constant 640 : i32
      %dma_start3A_1267 = tpu.memref_slice %arg31[%dma_start3A_1266] : memref<800xf32, #tpu.memory_space<vmem>> -> memref<80xf32, #tpu.memory_space<vmem>>
      %dma_start3A_1268 = arith.constant 640 : i32
      %dma_start3A_1269 = tpu.memref_slice %arg26[%dma_start3A_1268] : memref<800xi32, #tpu.memory_space<vmem>> -> memref<80xi32, #tpu.memory_space<vmem>>
      %dma_start3A_1270 = arith.constant 0 : i32
      %dma_start3A_1271 = tpu.memref_slice %arg46[%dma_start3A_1270] : memref<100000xf32, #tpu.memory_space<vmem_shared>> -> memref<100000xf32, #tpu.memory_space<vmem_shared>>
      tpu.enqueue_indirect_dma source(%dma_start3A_1271 : memref<100000xf32, #tpu.memory_space<vmem_shared>>) target(%dma_start3A_1267 : memref<80xf32, #tpu.memory_space<vmem>>) offsets(%dma_start3A_1269 : memref<80xi32, #tpu.memory_space<vmem>>) semaphore(%arg43 : memref<!tpu.dma_semaphore, #tpu.memory_space<semaphore_mem>>)
      %dma_start3A_1272 = arith.constant 640 : i32
      %dma_start3A_1273 = tpu.memref_slice %arg32[%dma_start3A_1272] : memref<800xf32, #tpu.memory_space<vmem>> -> memref<80xf32, #tpu.memory_space<vmem>>
      %dma_start3A_1274 = arith.constant 640 : i32
      %dma_start3A_1275 = tpu.memref_slice %arg26[%dma_start3A_1274] : memref<800xi32, #tpu.memory_space<vmem>> -> memref<80xi32, #tpu.memory_space<vmem>>
      %dma_start3A_1276 = arith.constant 0 : i32
      %dma_start3A_1277 = tpu.memref_slice %arg47[%dma_start3A_1276] : memref<100000xf32, #tpu.memory_space<vmem_shared>> -> memref<100000xf32, #tpu.memory_space<vmem_shared>>
      tpu.enqueue_indirect_dma source(%dma_start3A_1277 : memref<100000xf32, #tpu.memory_space<vmem_shared>>) target(%dma_start3A_1273 : memref<80xf32, #tpu.memory_space<vmem>>) offsets(%dma_start3A_1275 : memref<80xi32, #tpu.memory_space<vmem>>) semaphore(%arg43 : memref<!tpu.dma_semaphore, #tpu.memory_space<semaphore_mem>>)
      %dma_start3A_1278 = arith.constant 640 : i32
      %dma_start3A_1279 = tpu.memref_slice %arg33[%dma_start3A_1278] : memref<800xf32, #tpu.memory_space<vmem>> -> memref<80xf32, #tpu.memory_space<vmem>>
      %dma_start3A_1280 = arith.constant 640 : i32
      %dma_start3A_1281 = tpu.memref_slice %arg26[%dma_start3A_1280] : memref<800xi32, #tpu.memory_space<vmem>> -> memref<80xi32, #tpu.memory_space<vmem>>
      %dma_start3A_1282 = arith.constant 0 : i32
      %dma_start3A_1283 = tpu.memref_slice %arg48[%dma_start3A_1282] : memref<100000xf32, #tpu.memory_space<vmem_shared>> -> memref<100000xf32, #tpu.memory_space<vmem_shared>>
      tpu.enqueue_indirect_dma source(%dma_start3A_1283 : memref<100000xf32, #tpu.memory_space<vmem_shared>>) target(%dma_start3A_1279 : memref<80xf32, #tpu.memory_space<vmem>>) offsets(%dma_start3A_1281 : memref<80xi32, #tpu.memory_space<vmem>>) semaphore(%arg43 : memref<!tpu.dma_semaphore, #tpu.memory_space<semaphore_mem>>)
      %dma_start3A_1284 = arith.constant 640 : i32
      %dma_start3A_1285 = tpu.memref_slice %arg34[%dma_start3A_1284] : memref<800xf32, #tpu.memory_space<vmem>> -> memref<80xf32, #tpu.memory_space<vmem>>
      %dma_start3A_1286 = arith.constant 640 : i32
      %dma_start3A_1287 = tpu.memref_slice %arg27[%dma_start3A_1286] : memref<800xi32, #tpu.memory_space<vmem>> -> memref<80xi32, #tpu.memory_space<vmem>>
      %dma_start3A_1288 = arith.constant 0 : i32
      %dma_start3A_1289 = tpu.memref_slice %arg46[%dma_start3A_1288] : memref<100000xf32, #tpu.memory_space<vmem_shared>> -> memref<100000xf32, #tpu.memory_space<vmem_shared>>
      tpu.enqueue_indirect_dma source(%dma_start3A_1289 : memref<100000xf32, #tpu.memory_space<vmem_shared>>) target(%dma_start3A_1285 : memref<80xf32, #tpu.memory_space<vmem>>) offsets(%dma_start3A_1287 : memref<80xi32, #tpu.memory_space<vmem>>) semaphore(%arg43 : memref<!tpu.dma_semaphore, #tpu.memory_space<semaphore_mem>>)
      %dma_start3A_1290 = arith.constant 640 : i32
      %dma_start3A_1291 = tpu.memref_slice %arg35[%dma_start3A_1290] : memref<800xf32, #tpu.memory_space<vmem>> -> memref<80xf32, #tpu.memory_space<vmem>>
      %dma_start3A_1292 = arith.constant 640 : i32
      %dma_start3A_1293 = tpu.memref_slice %arg27[%dma_start3A_1292] : memref<800xi32, #tpu.memory_space<vmem>> -> memref<80xi32, #tpu.memory_space<vmem>>
      %dma_start3A_1294 = arith.constant 0 : i32
      %dma_start3A_1295 = tpu.memref_slice %arg47[%dma_start3A_1294] : memref<100000xf32, #tpu.memory_space<vmem_shared>> -> memref<100000xf32, #tpu.memory_space<vmem_shared>>
      tpu.enqueue_indirect_dma source(%dma_start3A_1295 : memref<100000xf32, #tpu.memory_space<vmem_shared>>) target(%dma_start3A_1291 : memref<80xf32, #tpu.memory_space<vmem>>) offsets(%dma_start3A_1293 : memref<80xi32, #tpu.memory_space<vmem>>) semaphore(%arg43 : memref<!tpu.dma_semaphore, #tpu.memory_space<semaphore_mem>>)
      %dma_start3A_1296 = arith.constant 640 : i32
      %dma_start3A_1297 = tpu.memref_slice %arg36[%dma_start3A_1296] : memref<800xf32, #tpu.memory_space<vmem>> -> memref<80xf32, #tpu.memory_space<vmem>>
      %dma_start3A_1298 = arith.constant 640 : i32
      %dma_start3A_1299 = tpu.memref_slice %arg27[%dma_start3A_1298] : memref<800xi32, #tpu.memory_space<vmem>> -> memref<80xi32, #tpu.memory_space<vmem>>
      %dma_start3A_1300 = arith.constant 0 : i32
      %dma_start3A_1301 = tpu.memref_slice %arg48[%dma_start3A_1300] : memref<100000xf32, #tpu.memory_space<vmem_shared>> -> memref<100000xf32, #tpu.memory_space<vmem_shared>>
      tpu.enqueue_indirect_dma source(%dma_start3A_1301 : memref<100000xf32, #tpu.memory_space<vmem_shared>>) target(%dma_start3A_1297 : memref<80xf32, #tpu.memory_space<vmem>>) offsets(%dma_start3A_1299 : memref<80xi32, #tpu.memory_space<vmem>>) semaphore(%arg43 : memref<!tpu.dma_semaphore, #tpu.memory_space<semaphore_mem>>)
      %dma_start3A_1302 = arith.constant 640 : i32
      %dma_start3A_1303 = tpu.memref_slice %arg37[%dma_start3A_1302] : memref<800xf32, #tpu.memory_space<vmem>> -> memref<80xf32, #tpu.memory_space<vmem>>
      %dma_start3A_1304 = arith.constant 640 : i32
      %dma_start3A_1305 = tpu.memref_slice %arg27[%dma_start3A_1304] : memref<800xi32, #tpu.memory_space<vmem>> -> memref<80xi32, #tpu.memory_space<vmem>>
      %dma_start3A_1306 = arith.constant 0 : i32
      %dma_start3A_1307 = tpu.memref_slice %arg49[%dma_start3A_1306] : memref<100000xf32, #tpu.memory_space<vmem_shared>> -> memref<100000xf32, #tpu.memory_space<vmem_shared>>
      tpu.enqueue_indirect_dma source(%dma_start3A_1307 : memref<100000xf32, #tpu.memory_space<vmem_shared>>) target(%dma_start3A_1303 : memref<80xf32, #tpu.memory_space<vmem>>) offsets(%dma_start3A_1305 : memref<80xi32, #tpu.memory_space<vmem>>) semaphore(%arg43 : memref<!tpu.dma_semaphore, #tpu.memory_space<semaphore_mem>>)
      %dma_start3A_1308 = arith.constant 720 : i32
      %dma_start3A_1309 = tpu.memref_slice %arg31[%dma_start3A_1308] : memref<800xf32, #tpu.memory_space<vmem>> -> memref<80xf32, #tpu.memory_space<vmem>>
      %dma_start3A_1310 = arith.constant 720 : i32
      %dma_start3A_1311 = tpu.memref_slice %arg26[%dma_start3A_1310] : memref<800xi32, #tpu.memory_space<vmem>> -> memref<80xi32, #tpu.memory_space<vmem>>
      %dma_start3A_1312 = arith.constant 0 : i32
      %dma_start3A_1313 = tpu.memref_slice %arg46[%dma_start3A_1312] : memref<100000xf32, #tpu.memory_space<vmem_shared>> -> memref<100000xf32, #tpu.memory_space<vmem_shared>>
      tpu.enqueue_indirect_dma source(%dma_start3A_1313 : memref<100000xf32, #tpu.memory_space<vmem_shared>>) target(%dma_start3A_1309 : memref<80xf32, #tpu.memory_space<vmem>>) offsets(%dma_start3A_1311 : memref<80xi32, #tpu.memory_space<vmem>>) semaphore(%arg43 : memref<!tpu.dma_semaphore, #tpu.memory_space<semaphore_mem>>)
      %dma_start3A_1314 = arith.constant 720 : i32
      %dma_start3A_1315 = tpu.memref_slice %arg32[%dma_start3A_1314] : memref<800xf32, #tpu.memory_space<vmem>> -> memref<80xf32, #tpu.memory_space<vmem>>
      %dma_start3A_1316 = arith.constant 720 : i32
      %dma_start3A_1317 = tpu.memref_slice %arg26[%dma_start3A_1316] : memref<800xi32, #tpu.memory_space<vmem>> -> memref<80xi32, #tpu.memory_space<vmem>>
      %dma_start3A_1318 = arith.constant 0 : i32
      %dma_start3A_1319 = tpu.memref_slice %arg47[%dma_start3A_1318] : memref<100000xf32, #tpu.memory_space<vmem_shared>> -> memref<100000xf32, #tpu.memory_space<vmem_shared>>
      tpu.enqueue_indirect_dma source(%dma_start3A_1319 : memref<100000xf32, #tpu.memory_space<vmem_shared>>) target(%dma_start3A_1315 : memref<80xf32, #tpu.memory_space<vmem>>) offsets(%dma_start3A_1317 : memref<80xi32, #tpu.memory_space<vmem>>) semaphore(%arg43 : memref<!tpu.dma_semaphore, #tpu.memory_space<semaphore_mem>>)
      %dma_start3A_1320 = arith.constant 720 : i32
      %dma_start3A_1321 = tpu.memref_slice %arg33[%dma_start3A_1320] : memref<800xf32, #tpu.memory_space<vmem>> -> memref<80xf32, #tpu.memory_space<vmem>>
      %dma_start3A_1322 = arith.constant 720 : i32
      %dma_start3A_1323 = tpu.memref_slice %arg26[%dma_start3A_1322] : memref<800xi32, #tpu.memory_space<vmem>> -> memref<80xi32, #tpu.memory_space<vmem>>
      %dma_start3A_1324 = arith.constant 0 : i32
      %dma_start3A_1325 = tpu.memref_slice %arg48[%dma_start3A_1324] : memref<100000xf32, #tpu.memory_space<vmem_shared>> -> memref<100000xf32, #tpu.memory_space<vmem_shared>>
      tpu.enqueue_indirect_dma source(%dma_start3A_1325 : memref<100000xf32, #tpu.memory_space<vmem_shared>>) target(%dma_start3A_1321 : memref<80xf32, #tpu.memory_space<vmem>>) offsets(%dma_start3A_1323 : memref<80xi32, #tpu.memory_space<vmem>>) semaphore(%arg43 : memref<!tpu.dma_semaphore, #tpu.memory_space<semaphore_mem>>)
      %dma_start3A_1326 = arith.constant 720 : i32
      %dma_start3A_1327 = tpu.memref_slice %arg34[%dma_start3A_1326] : memref<800xf32, #tpu.memory_space<vmem>> -> memref<80xf32, #tpu.memory_space<vmem>>
      %dma_start3A_1328 = arith.constant 720 : i32
      %dma_start3A_1329 = tpu.memref_slice %arg27[%dma_start3A_1328] : memref<800xi32, #tpu.memory_space<vmem>> -> memref<80xi32, #tpu.memory_space<vmem>>
      %dma_start3A_1330 = arith.constant 0 : i32
      %dma_start3A_1331 = tpu.memref_slice %arg46[%dma_start3A_1330] : memref<100000xf32, #tpu.memory_space<vmem_shared>> -> memref<100000xf32, #tpu.memory_space<vmem_shared>>
      tpu.enqueue_indirect_dma source(%dma_start3A_1331 : memref<100000xf32, #tpu.memory_space<vmem_shared>>) target(%dma_start3A_1327 : memref<80xf32, #tpu.memory_space<vmem>>) offsets(%dma_start3A_1329 : memref<80xi32, #tpu.memory_space<vmem>>) semaphore(%arg43 : memref<!tpu.dma_semaphore, #tpu.memory_space<semaphore_mem>>)
      %dma_start3A_1332 = arith.constant 720 : i32
      %dma_start3A_1333 = tpu.memref_slice %arg35[%dma_start3A_1332] : memref<800xf32, #tpu.memory_space<vmem>> -> memref<80xf32, #tpu.memory_space<vmem>>
      %dma_start3A_1334 = arith.constant 720 : i32
      %dma_start3A_1335 = tpu.memref_slice %arg27[%dma_start3A_1334] : memref<800xi32, #tpu.memory_space<vmem>> -> memref<80xi32, #tpu.memory_space<vmem>>
      %dma_start3A_1336 = arith.constant 0 : i32
      %dma_start3A_1337 = tpu.memref_slice %arg47[%dma_start3A_1336] : memref<100000xf32, #tpu.memory_space<vmem_shared>> -> memref<100000xf32, #tpu.memory_space<vmem_shared>>
      tpu.enqueue_indirect_dma source(%dma_start3A_1337 : memref<100000xf32, #tpu.memory_space<vmem_shared>>) target(%dma_start3A_1333 : memref<80xf32, #tpu.memory_space<vmem>>) offsets(%dma_start3A_1335 : memref<80xi32, #tpu.memory_space<vmem>>) semaphore(%arg43 : memref<!tpu.dma_semaphore, #tpu.memory_space<semaphore_mem>>)
      %dma_start3A_1338 = arith.constant 720 : i32
      %dma_start3A_1339 = tpu.memref_slice %arg36[%dma_start3A_1338] : memref<800xf32, #tpu.memory_space<vmem>> -> memref<80xf32, #tpu.memory_space<vmem>>
      %dma_start3A_1340 = arith.constant 720 : i32
      %dma_start3A_1341 = tpu.memref_slice %arg27[%dma_start3A_1340] : memref<800xi32, #tpu.memory_space<vmem>> -> memref<80xi32, #tpu.memory_space<vmem>>
      %dma_start3A_1342 = arith.constant 0 : i32
      %dma_start3A_1343 = tpu.memref_slice %arg48[%dma_start3A_1342] : memref<100000xf32, #tpu.memory_space<vmem_shared>> -> memref<100000xf32, #tpu.memory_space<vmem_shared>>
      tpu.enqueue_indirect_dma source(%dma_start3A_1343 : memref<100000xf32, #tpu.memory_space<vmem_shared>>) target(%dma_start3A_1339 : memref<80xf32, #tpu.memory_space<vmem>>) offsets(%dma_start3A_1341 : memref<80xi32, #tpu.memory_space<vmem>>) semaphore(%arg43 : memref<!tpu.dma_semaphore, #tpu.memory_space<semaphore_mem>>)
      %dma_start3A_1344 = arith.constant 720 : i32
      %dma_start3A_1345 = tpu.memref_slice %arg37[%dma_start3A_1344] : memref<800xf32, #tpu.memory_space<vmem>> -> memref<80xf32, #tpu.memory_space<vmem>>
      %dma_start3A_1346 = arith.constant 720 : i32
      %dma_start3A_1347 = tpu.memref_slice %arg27[%dma_start3A_1346] : memref<800xi32, #tpu.memory_space<vmem>> -> memref<80xi32, #tpu.memory_space<vmem>>
      %dma_start3A_1348 = arith.constant 0 : i32
      %dma_start3A_1349 = tpu.memref_slice %arg49[%dma_start3A_1348] : memref<100000xf32, #tpu.memory_space<vmem_shared>> -> memref<100000xf32, #tpu.memory_space<vmem_shared>>
      tpu.enqueue_indirect_dma source(%dma_start3A_1349 : memref<100000xf32, #tpu.memory_space<vmem_shared>>) target(%dma_start3A_1345 : memref<80xf32, #tpu.memory_space<vmem>>) offsets(%dma_start3A_1347 : memref<80xi32, #tpu.memory_space<vmem>>) semaphore(%arg43 : memref<!tpu.dma_semaphore, #tpu.memory_space<semaphore_mem>>)
      %scan3A_1350 = arith.constant 0 : i32
      %scan3A_1351 = arith.constant 0 : i32
      %scan3A_1352 = arith.constant 25 : i32
      %scan3A_1353 = arith.addi %scan3A_1351, %scan3A_1352 : i32
      %scan3A_1354 = arith.constant 1 : i32
      scf.for %scan3A_1819 = %scan3A_1351 to %scan3A_1353 step %scan3A_1354  : i32 {
        %mul3A_1820 = arith.constant 32 : i32
        %mul3A_1821 = arith.muli %scan3A_1819, %mul3A_1820 : i32
        %get3A = arith.index_cast %mul3A_1821 : i32 to index
        %get3A_1822 = tpu.vector_load %arg18[%get3A] {strides = array<i32>} : memref<800xf32, #tpu.memory_space<vmem>>, vector<16xf32>,
        %get3A_1823 = arith.index_cast %mul3A_1821 : i32 to index
        %get3A_1824 = tpu.vector_load %arg19[%get3A_1823] {strides = array<i32>} : memref<800xf32, #tpu.memory_space<vmem>>, vector<16xf32>,
        %get3A_1825 = arith.index_cast %mul3A_1821 : i32 to index
        %get3A_1826 = tpu.vector_load %arg20[%get3A_1825] {strides = array<i32>} : memref<800xf32, #tpu.memory_space<vmem>>, vector<16xf32>,
        %get3A_1827 = arith.index_cast %mul3A_1821 : i32 to index
        %get3A_1828 = tpu.vector_load %arg21[%get3A_1827] {strides = array<i32>} : memref<800xf32, #tpu.memory_space<vmem>>, vector<16xf32>,
        %get3A_1829 = arith.index_cast %mul3A_1821 : i32 to index
        %get3A_1830 = tpu.vector_load %arg22[%get3A_1829] {strides = array<i32>} : memref<800xf32, #tpu.memory_space<vmem>>, vector<16xf32>,
        %get3A_1831 = arith.index_cast %mul3A_1821 : i32 to index
        %get3A_1832 = tpu.vector_load %arg23[%get3A_1831] {strides = array<i32>} : memref<800xf32, #tpu.memory_space<vmem>>, vector<16xf32>,
        %get3A_1833 = arith.index_cast %mul3A_1821 : i32 to index
        %get3A_1834 = tpu.vector_load %arg24[%get3A_1833] {strides = array<i32>} : memref<800xf32, #tpu.memory_space<vmem>>, vector<16xf32>,
        %bitcast_convert_type3A = tpu.bitcast %get3A_1834 : vector<16xf32> -> vector<16xi32>
        %mul3A_1835 = arith.constant 9 : i32
        %mul3A_1836 = vector.broadcast %mul3A_1835 : i32 to vector<16xi32>
        %mul3A_1837 = arith.muli %bitcast_convert_type3A, %mul3A_1836 : vector<16xi32>
        %get3A_1838 = arith.index_cast %mul3A_1821 : i32 to index
        %get3A_1839 = tpu.vector_load %arg15[%get3A_1838] {strides = array<i32>} : memref<800xf32, #tpu.memory_space<vmem>>, vector<16xf32>,
        %get3A_1840 = arith.index_cast %mul3A_1821 : i32 to index
        %get3A_1841 = tpu.vector_load %arg16[%get3A_1840] {strides = array<i32>} : memref<800xf32, #tpu.memory_space<vmem>>, vector<16xf32>,
        %get3A_1842 = arith.index_cast %mul3A_1821 : i32 to index
        %get3A_1843 = tpu.vector_load %arg17[%get3A_1842] {strides = array<i32>} : memref<800xf32, #tpu.memory_space<vmem>>, vector<16xf32>,
        %gather3A = tpu.vector_load_idx %arg39[%mul3A_1837] : memref<576xf32, #tpu.memory_space<vmem>>[vector<16xi32>], vector<16xf32>,
        %add3A_1844 = arith.constant 1 : i32
        %add3A_1845 = vector.broadcast %add3A_1844 : i32 to vector<16xi32>
        %add3A_1846 = arith.addi %mul3A_1837, %add3A_1845 : vector<16xi32>
        %gather3A_1847 = tpu.vector_load_idx %arg39[%add3A_1846] : memref<576xf32, #tpu.memory_space<vmem>>[vector<16xi32>], vector<16xf32>,
        %add3A_1848 = arith.constant 2 : i32
        %add3A_1849 = vector.broadcast %add3A_1848 : i32 to vector<16xi32>
        %add3A_1850 = arith.addi %mul3A_1837, %add3A_1849 : vector<16xi32>
        %gather3A_1851 = tpu.vector_load_idx %arg39[%add3A_1850] : memref<576xf32, #tpu.memory_space<vmem>>[vector<16xi32>], vector<16xf32>,
        %add3A_1852 = arith.constant 3 : i32
        %add3A_1853 = vector.broadcast %add3A_1852 : i32 to vector<16xi32>
        %add3A_1854 = arith.addi %mul3A_1837, %add3A_1853 : vector<16xi32>
        %gather3A_1855 = tpu.vector_load_idx %arg39[%add3A_1854] : memref<576xf32, #tpu.memory_space<vmem>>[vector<16xi32>], vector<16xf32>,
        %add3A_1856 = arith.constant 4 : i32
        %add3A_1857 = vector.broadcast %add3A_1856 : i32 to vector<16xi32>
        %add3A_1858 = arith.addi %mul3A_1837, %add3A_1857 : vector<16xi32>
        %gather3A_1859 = tpu.vector_load_idx %arg39[%add3A_1858] : memref<576xf32, #tpu.memory_space<vmem>>[vector<16xi32>], vector<16xf32>,
        %add3A_1860 = arith.constant 5 : i32
        %add3A_1861 = vector.broadcast %add3A_1860 : i32 to vector<16xi32>
        %add3A_1862 = arith.addi %mul3A_1837, %add3A_1861 : vector<16xi32>
        %gather3A_1863 = tpu.vector_load_idx %arg39[%add3A_1862] : memref<576xf32, #tpu.memory_space<vmem>>[vector<16xi32>], vector<16xf32>,
        %add3A_1864 = arith.constant 6 : i32
        %add3A_1865 = vector.broadcast %add3A_1864 : i32 to vector<16xi32>
        %add3A_1866 = arith.addi %mul3A_1837, %add3A_1865 : vector<16xi32>
        %gather3A_1867 = tpu.vector_load_idx %arg39[%add3A_1866] : memref<576xf32, #tpu.memory_space<vmem>>[vector<16xi32>], vector<16xf32>,
        %add3A_1868 = arith.constant 7 : i32
        %add3A_1869 = vector.broadcast %add3A_1868 : i32 to vector<16xi32>
        %add3A_1870 = arith.addi %mul3A_1837, %add3A_1869 : vector<16xi32>
        %gather3A_1871 = tpu.vector_load_idx %arg39[%add3A_1870] : memref<576xf32, #tpu.memory_space<vmem>>[vector<16xi32>], vector<16xf32>,
        %add3A_1872 = arith.constant 8 : i32
        %add3A_1873 = vector.broadcast %add3A_1872 : i32 to vector<16xi32>
        %add3A_1874 = arith.addi %mul3A_1837, %add3A_1873 : vector<16xi32>
        %gather3A_1875 = tpu.vector_load_idx %arg39[%add3A_1874] : memref<576xf32, #tpu.memory_space<vmem>>[vector<16xi32>], vector<16xf32>,
        %sub3A = arith.subf %get3A_1822, %get3A_1828 : vector<16xf32>
        %mul3A_1876 = arith.mulf %get3A_1839, %gather3A : vector<16xf32>
        %add3A_1877 = arith.addf %sub3A, %mul3A_1876 : vector<16xf32>
        %mul3A_1878 = arith.mulf %get3A_1841, %gather3A_1855 : vector<16xf32>
        %add3A_1879 = arith.addf %add3A_1877, %mul3A_1878 : vector<16xf32>
        %mul3A_1880 = arith.mulf %get3A_1843, %gather3A_1867 : vector<16xf32>
        %add3A_1881 = arith.addf %add3A_1879, %mul3A_1880 : vector<16xf32>
        %sub3A_1882 = arith.subf %get3A_1824, %get3A_1830 : vector<16xf32>
        %mul3A_1883 = arith.mulf %get3A_1839, %gather3A_1847 : vector<16xf32>
        %add3A_1884 = arith.addf %sub3A_1882, %mul3A_1883 : vector<16xf32>
        %mul3A_1885 = arith.mulf %get3A_1841, %gather3A_1859 : vector<16xf32>
        %add3A_1886 = arith.addf %add3A_1884, %mul3A_1885 : vector<16xf32>
        %mul3A_1887 = arith.mulf %get3A_1843, %gather3A_1871 : vector<16xf32>
        %add3A_1888 = arith.addf %add3A_1886, %mul3A_1887 : vector<16xf32>
        %sub3A_1889 = arith.subf %get3A_1826, %get3A_1832 : vector<16xf32>
        %mul3A_1890 = arith.mulf %get3A_1839, %gather3A_1851 : vector<16xf32>
        %add3A_1891 = arith.addf %sub3A_1889, %mul3A_1890 : vector<16xf32>
        %mul3A_1892 = arith.mulf %get3A_1841, %gather3A_1863 : vector<16xf32>
        %add3A_1893 = arith.addf %add3A_1891, %mul3A_1892 : vector<16xf32>
        %mul3A_1894 = arith.mulf %get3A_1843, %gather3A_1875 : vector<16xf32>
        %add3A_1895 = arith.addf %add3A_1893, %mul3A_1894 : vector<16xf32>
        %mul3A_1896 = arith.mulf %add3A_1881, %add3A_1881 : vector<16xf32>
        %mul3A_1897 = arith.mulf %add3A_1888, %add3A_1888 : vector<16xf32>
        %add3A_1898 = arith.addf %mul3A_1896, %mul3A_1897 : vector<16xf32>
        %mul3A_1899 = arith.mulf %add3A_1895, %add3A_1895 : vector<16xf32>
        %add3A_1900 = arith.addf %add3A_1898, %mul3A_1899 : vector<16xf32>
        %max3A = arith.constant 1.000000e-30 : f32
        %max3A_1901 = vector.broadcast %max3A : f32 to vector<16xf32>
        %max3A_1902 = arith.maximumf %add3A_1900, %max3A_1901 : vector<16xf32>
        %bitcast_convert_type3A_1903 = tpu.bitcast %max3A_1902 : vector<16xf32> -> vector<16xi32>
        %shift_right_logical3A = arith.constant 1 : i32
        %shift_right_logical3A_1904 = vector.broadcast %shift_right_logical3A : i32 to vector<16xi32>
        %shift_right_logical3A_1905 = arith.shrui %bitcast_convert_type3A_1903, %shift_right_logical3A_1904 : vector<16xi32>
        %sub3A_1906 = arith.constant 1597463007 : i32
        %sub3A_1907 = vector.broadcast %sub3A_1906 : i32 to vector<16xi32>
        %sub3A_1908 = arith.subi %sub3A_1907, %shift_right_logical3A_1905 : vector<16xi32>
        %bitcast_convert_type3A_1909 = tpu.bitcast %sub3A_1908 : vector<16xi32> -> vector<16xf32>
        %mul3A_1910 = arith.constant 5.000000e-01 : f32
        %mul3A_1911 = vector.broadcast %mul3A_1910 : f32 to vector<16xf32>
        %mul3A_1912 = arith.mulf %mul3A_1911, %max3A_1902 : vector<16xf32>
        %mul3A_1913 = arith.mulf %mul3A_1912, %bitcast_convert_type3A_1909 : vector<16xf32>
        %mul3A_1914 = arith.mulf %mul3A_1913, %bitcast_convert_type3A_1909 : vector<16xf32>
        %sub3A_1915 = arith.constant 1.500000e+00 : f32
        %sub3A_1916 = vector.broadcast %sub3A_1915 : f32 to vector<16xf32>
        %sub3A_1917 = arith.subf %sub3A_1916, %mul3A_1914 : vector<16xf32>
        %mul3A_1918 = arith.mulf %bitcast_convert_type3A_1909, %sub3A_1917 : vector<16xf32>
        %mul3A_1919 = arith.constant 5.000000e-01 : f32
        %mul3A_1920 = vector.broadcast %mul3A_1919 : f32 to vector<16xf32>
        %mul3A_1921 = arith.mulf %mul3A_1920, %max3A_1902 : vector<16xf32>
        %mul3A_1922 = arith.mulf %mul3A_1921, %mul3A_1918 : vector<16xf32>
        %mul3A_1923 = arith.mulf %mul3A_1922, %mul3A_1918 : vector<16xf32>
        %sub3A_1924 = arith.constant 1.500000e+00 : f32
        %sub3A_1925 = vector.broadcast %sub3A_1924 : f32 to vector<16xf32>
        %sub3A_1926 = arith.subf %sub3A_1925, %mul3A_1923 : vector<16xf32>
        %mul3A_1927 = arith.mulf %mul3A_1918, %sub3A_1926 : vector<16xf32>
        %mul3A_1928 = arith.mulf %max3A_1902, %mul3A_1927 : vector<16xf32>
        %swap3A = arith.index_cast %mul3A_1821 : i32 to index
        %swap3A_1929 = tpu.vector_load %arg25[%swap3A] {strides = array<i32>} : memref<800xf32, #tpu.memory_space<vmem>>, vector<16xf32>,
        tpu.vector_store %arg25[%swap3A], %mul3A_1928 {strides = array<i32>} : memref<800xf32, #tpu.memory_space<vmem>>, vector<16xf32>,
        %add3A_1930 = arith.constant 16 : i32
        %add3A_1931 = arith.addi %mul3A_1821, %add3A_1930 : i32
        %get3A_1932 = arith.index_cast %add3A_1931 : i32 to index
        %get3A_1933 = tpu.vector_load %arg18[%get3A_1932] {strides = array<i32>} : memref<800xf32, #tpu.memory_space<vmem>>, vector<16xf32>,
        %get3A_1934 = arith.index_cast %add3A_1931 : i32 to index
        %get3A_1935 = tpu.vector_load %arg19[%get3A_1934] {strides = array<i32>} : memref<800xf32, #tpu.memory_space<vmem>>, vector<16xf32>,
        %get3A_1936 = arith.index_cast %add3A_1931 : i32 to index
        %get3A_1937 = tpu.vector_load %arg20[%get3A_1936] {strides = array<i32>} : memref<800xf32, #tpu.memory_space<vmem>>, vector<16xf32>,
        %get3A_1938 = arith.index_cast %add3A_1931 : i32 to index
        %get3A_1939 = tpu.vector_load %arg21[%get3A_1938] {strides = array<i32>} : memref<800xf32, #tpu.memory_space<vmem>>, vector<16xf32>,
        %get3A_1940 = arith.index_cast %add3A_1931 : i32 to index
        %get3A_1941 = tpu.vector_load %arg22[%get3A_1940] {strides = array<i32>} : memref<800xf32, #tpu.memory_space<vmem>>, vector<16xf32>,
        %get3A_1942 = arith.index_cast %add3A_1931 : i32 to index
        %get3A_1943 = tpu.vector_load %arg23[%get3A_1942] {strides = array<i32>} : memref<800xf32, #tpu.memory_space<vmem>>, vector<16xf32>,
        %get3A_1944 = arith.index_cast %add3A_1931 : i32 to index
        %get3A_1945 = tpu.vector_load %arg24[%get3A_1944] {strides = array<i32>} : memref<800xf32, #tpu.memory_space<vmem>>, vector<16xf32>,
        %bitcast_convert_type3A_1946 = tpu.bitcast %get3A_1945 : vector<16xf32> -> vector<16xi32>
        %mul3A_1947 = arith.constant 9 : i32
        %mul3A_1948 = vector.broadcast %mul3A_1947 : i32 to vector<16xi32>
        %mul3A_1949 = arith.muli %bitcast_convert_type3A_1946, %mul3A_1948 : vector<16xi32>
        %get3A_1950 = arith.index_cast %add3A_1931 : i32 to index
        %get3A_1951 = tpu.vector_load %arg15[%get3A_1950] {strides = array<i32>} : memref<800xf32, #tpu.memory_space<vmem>>, vector<16xf32>,
        %get3A_1952 = arith.index_cast %add3A_1931 : i32 to index
        %get3A_1953 = tpu.vector_load %arg16[%get3A_1952] {strides = array<i32>} : memref<800xf32, #tpu.memory_space<vmem>>, vector<16xf32>,
        %get3A_1954 = arith.index_cast %add3A_1931 : i32 to index
        %get3A_1955 = tpu.vector_load %arg17[%get3A_1954] {strides = array<i32>} : memref<800xf32, #tpu.memory_space<vmem>>, vector<16xf32>,
        %gather3A_1956 = tpu.vector_load_idx %arg39[%mul3A_1949] : memref<576xf32, #tpu.memory_space<vmem>>[vector<16xi32>], vector<16xf32>,
        %add3A_1957 = arith.constant 1 : i32
        %add3A_1958 = vector.broadcast %add3A_1957 : i32 to vector<16xi32>
        %add3A_1959 = arith.addi %mul3A_1949, %add3A_1958 : vector<16xi32>
        %gather3A_1960 = tpu.vector_load_idx %arg39[%add3A_1959] : memref<576xf32, #tpu.memory_space<vmem>>[vector<16xi32>], vector<16xf32>,
        %add3A_1961 = arith.constant 2 : i32
        %add3A_1962 = vector.broadcast %add3A_1961 : i32 to vector<16xi32>
        %add3A_1963 = arith.addi %mul3A_1949, %add3A_1962 : vector<16xi32>
        %gather3A_1964 = tpu.vector_load_idx %arg39[%add3A_1963] : memref<576xf32, #tpu.memory_space<vmem>>[vector<16xi32>], vector<16xf32>,
        %add3A_1965 = arith.constant 3 : i32
        %add3A_1966 = vector.broadcast %add3A_1965 : i32 to vector<16xi32>
        %add3A_1967 = arith.addi %mul3A_1949, %add3A_1966 : vector<16xi32>
        %gather3A_1968 = tpu.vector_load_idx %arg39[%add3A_1967] : memref<576xf32, #tpu.memory_space<vmem>>[vector<16xi32>], vector<16xf32>,
        %add3A_1969 = arith.constant 4 : i32
        %add3A_1970 = vector.broadcast %add3A_1969 : i32 to vector<16xi32>
        %add3A_1971 = arith.addi %mul3A_1949, %add3A_1970 : vector<16xi32>
        %gather3A_1972 = tpu.vector_load_idx %arg39[%add3A_1971] : memref<576xf32, #tpu.memory_space<vmem>>[vector<16xi32>], vector<16xf32>,
        %add3A_1973 = arith.constant 5 : i32
        %add3A_1974 = vector.broadcast %add3A_1973 : i32 to vector<16xi32>
        %add3A_1975 = arith.addi %mul3A_1949, %add3A_1974 : vector<16xi32>
        %gather3A_1976 = tpu.vector_load_idx %arg39[%add3A_1975] : memref<576xf32, #tpu.memory_space<vmem>>[vector<16xi32>], vector<16xf32>,
        %add3A_1977 = arith.constant 6 : i32
        %add3A_1978 = vector.broadcast %add3A_1977 : i32 to vector<16xi32>
        %add3A_1979 = arith.addi %mul3A_1949, %add3A_1978 : vector<16xi32>
        %gather3A_1980 = tpu.vector_load_idx %arg39[%add3A_1979] : memref<576xf32, #tpu.memory_space<vmem>>[vector<16xi32>], vector<16xf32>,
        %add3A_1981 = arith.constant 7 : i32
        %add3A_1982 = vector.broadcast %add3A_1981 : i32 to vector<16xi32>
        %add3A_1983 = arith.addi %mul3A_1949, %add3A_1982 : vector<16xi32>
        %gather3A_1984 = tpu.vector_load_idx %arg39[%add3A_1983] : memref<576xf32, #tpu.memory_space<vmem>>[vector<16xi32>], vector<16xf32>,
        %add3A_1985 = arith.constant 8 : i32
        %add3A_1986 = vector.broadcast %add3A_1985 : i32 to vector<16xi32>
        %add3A_1987 = arith.addi %mul3A_1949, %add3A_1986 : vector<16xi32>
        %gather3A_1988 = tpu.vector_load_idx %arg39[%add3A_1987] : memref<576xf32, #tpu.memory_space<vmem>>[vector<16xi32>], vector<16xf32>,
        %sub3A_1989 = arith.subf %get3A_1933, %get3A_1939 : vector<16xf32>
        %mul3A_1990 = arith.mulf %get3A_1951, %gather3A_1956 : vector<16xf32>
        %add3A_1991 = arith.addf %sub3A_1989, %mul3A_1990 : vector<16xf32>
        %mul3A_1992 = arith.mulf %get3A_1953, %gather3A_1968 : vector<16xf32>
        %add3A_1993 = arith.addf %add3A_1991, %mul3A_1992 : vector<16xf32>
        %mul3A_1994 = arith.mulf %get3A_1955, %gather3A_1980 : vector<16xf32>
        %add3A_1995 = arith.addf %add3A_1993, %mul3A_1994 : vector<16xf32>
        %sub3A_1996 = arith.subf %get3A_1935, %get3A_1941 : vector<16xf32>
        %mul3A_1997 = arith.mulf %get3A_1951, %gather3A_1960 : vector<16xf32>
        %add3A_1998 = arith.addf %sub3A_1996, %mul3A_1997 : vector<16xf32>
        %mul3A_1999 = arith.mulf %get3A_1953, %gather3A_1972 : vector<16xf32>
        %add3A_2000 = arith.addf %add3A_1998, %mul3A_1999 : vector<16xf32>
        %mul3A_2001 = arith.mulf %get3A_1955, %gather3A_1984 : vector<16xf32>
        %add3A_2002 = arith.addf %add3A_2000, %mul3A_2001 : vector<16xf32>
        %sub3A_2003 = arith.subf %get3A_1937, %get3A_1943 : vector<16xf32>
        %mul3A_2004 = arith.mulf %get3A_1951, %gather3A_1964 : vector<16xf32>
        %add3A_2005 = arith.addf %sub3A_2003, %mul3A_2004 : vector<16xf32>
        %mul3A_2006 = arith.mulf %get3A_1953, %gather3A_1976 : vector<16xf32>
        %add3A_2007 = arith.addf %add3A_2005, %mul3A_2006 : vector<16xf32>
        %mul3A_2008 = arith.mulf %get3A_1955, %gather3A_1988 : vector<16xf32>
        %add3A_2009 = arith.addf %add3A_2007, %mul3A_2008 : vector<16xf32>
        %mul3A_2010 = arith.mulf %add3A_1995, %add3A_1995 : vector<16xf32>
        %mul3A_2011 = arith.mulf %add3A_2002, %add3A_2002 : vector<16xf32>
        %add3A_2012 = arith.addf %mul3A_2010, %mul3A_2011 : vector<16xf32>
        %mul3A_2013 = arith.mulf %add3A_2009, %add3A_2009 : vector<16xf32>
        %add3A_2014 = arith.addf %add3A_2012, %mul3A_2013 : vector<16xf32>
        %max3A_2015 = arith.constant 1.000000e-30 : f32
        %max3A_2016 = vector.broadcast %max3A_2015 : f32 to vector<16xf32>
        %max3A_2017 = arith.maximumf %add3A_2014, %max3A_2016 : vector<16xf32>
        %bitcast_convert_type3A_2018 = tpu.bitcast %max3A_2017 : vector<16xf32> -> vector<16xi32>
        %shift_right_logical3A_2019 = arith.constant 1 : i32
        %shift_right_logical3A_2020 = vector.broadcast %shift_right_logical3A_2019 : i32 to vector<16xi32>
        %shift_right_logical3A_2021 = arith.shrui %bitcast_convert_type3A_2018, %shift_right_logical3A_2020 : vector<16xi32>
        %sub3A_2022 = arith.constant 1597463007 : i32
        %sub3A_2023 = vector.broadcast %sub3A_2022 : i32 to vector<16xi32>
        %sub3A_2024 = arith.subi %sub3A_2023, %shift_right_logical3A_2021 : vector<16xi32>
        %bitcast_convert_type3A_2025 = tpu.bitcast %sub3A_2024 : vector<16xi32> -> vector<16xf32>
        %mul3A_2026 = arith.constant 5.000000e-01 : f32
        %mul3A_2027 = vector.broadcast %mul3A_2026 : f32 to vector<16xf32>
        %mul3A_2028 = arith.mulf %mul3A_2027, %max3A_2017 : vector<16xf32>
        %mul3A_2029 = arith.mulf %mul3A_2028, %bitcast_convert_type3A_2025 : vector<16xf32>
        %mul3A_2030 = arith.mulf %mul3A_2029, %bitcast_convert_type3A_2025 : vector<16xf32>
        %sub3A_2031 = arith.constant 1.500000e+00 : f32
        %sub3A_2032 = vector.broadcast %sub3A_2031 : f32 to vector<16xf32>
        %sub3A_2033 = arith.subf %sub3A_2032, %mul3A_2030 : vector<16xf32>
        %mul3A_2034 = arith.mulf %bitcast_convert_type3A_2025, %sub3A_2033 : vector<16xf32>
        %mul3A_2035 = arith.constant 5.000000e-01 : f32
        %mul3A_2036 = vector.broadcast %mul3A_2035 : f32 to vector<16xf32>
        %mul3A_2037 = arith.mulf %mul3A_2036, %max3A_2017 : vector<16xf32>
        %mul3A_2038 = arith.mulf %mul3A_2037, %mul3A_2034 : vector<16xf32>
        %mul3A_2039 = arith.mulf %mul3A_2038, %mul3A_2034 : vector<16xf32>
        %sub3A_2040 = arith.constant 1.500000e+00 : f32
        %sub3A_2041 = vector.broadcast %sub3A_2040 : f32 to vector<16xf32>
        %sub3A_2042 = arith.subf %sub3A_2041, %mul3A_2039 : vector<16xf32>
        %mul3A_2043 = arith.mulf %mul3A_2034, %sub3A_2042 : vector<16xf32>
        %mul3A_2044 = arith.mulf %max3A_2017, %mul3A_2043 : vector<16xf32>
        %swap3A_2045 = arith.index_cast %add3A_1931 : i32 to index
        %swap3A_2046 = tpu.vector_load %arg25[%swap3A_2045] {strides = array<i32>} : memref<800xf32, #tpu.memory_space<vmem>>, vector<16xf32>,
        tpu.vector_store %arg25[%swap3A_2045], %mul3A_2044 {strides = array<i32>} : memref<800xf32, #tpu.memory_space<vmem>>, vector<16xf32>,
      }
      %scan3A_1355 = arith.constant 25 : i32
      %mul3A_1356 = arith.constant 200000 : i32
      %mul3A_1357 = arith.muli %add3A, %mul3A_1356 : i32
      %mul3A_1358 = arith.constant 800 : i32
      %mul3A_1359 = arith.muli %mul3A_485, %mul3A_1358 : i32
      %add3A_1360 = arith.addi %mul3A_1357, %mul3A_1359 : i32
      %multiple_of3A_1361 = tpu.assume_multiple %add3A_1360, 800 : i32
      %dma_start3A_1362 = tpu.memref_slice %arg12[%multiple_of3A_1361] : memref<6400000xf32, #tpu.memory_space<hbm>> -> memref<800xf32, #tpu.memory_space<hbm>>
      %dma_start3A_1363 = tpu.memref_slice %arg12[%multiple_of3A_1361] : memref<6400000xf32, #tpu.memory_space<hbm>> -> memref<800xf32, #tpu.memory_space<hbm>>
      tpu.enqueue_dma source(%arg25 : memref<800xf32, #tpu.memory_space<vmem>>) target(%dma_start3A_1363 : memref<800xf32, #tpu.memory_space<hbm>>) target_semaphore(%arg44 : memref<!tpu.dma_semaphore, #tpu.memory_space<semaphore_mem>>)
      %lt3A = arith.constant 124 : i32
      %lt3A_1364 = arith.cmpi slt, %scan3A_483, %lt3A : i32
      %convert_element_type3A_1365 = arith.extui %lt3A_1364 : i1 to i32
      %cond3A_1366 = arith.constant 0 : i32
      %cond3A_1367 = arith.cmpi ne, %convert_element_type3A_1365, %cond3A_1366 : i32
      scf.if %cond3A_1367 {
        %add3A_1819 = arith.constant 2 : i32
        %add3A_1820 = arith.addi %mul3A_485, %add3A_1819 : i32
        %mul3A_1821 = arith.constant 200000 : i32
        %mul3A_1822 = arith.muli %add3A, %mul3A_1821 : i32
        %mul3A_1823 = arith.constant 800 : i32
        %mul3A_1824 = arith.muli %add3A_1820, %mul3A_1823 : i32
        %add3A_1825 = arith.addi %mul3A_1822, %mul3A_1824 : i32
        %multiple_of3A_1826 = tpu.assume_multiple %add3A_1825, 800 : i32
        %dma_start3A_1827 = tpu.memref_slice %arg6[%multiple_of3A_1826] : memref<6400000xi32, #tpu.memory_space<hbm>> -> memref<800xi32, #tpu.memory_space<hbm>>
        %dma_start3A_1828 = tpu.memref_slice %arg6[%multiple_of3A_1826] : memref<6400000xi32, #tpu.memory_space<hbm>> -> memref<800xi32, #tpu.memory_space<hbm>>
        tpu.enqueue_dma source(%dma_start3A_1828 : memref<800xi32, #tpu.memory_space<hbm>>) target(%arg13 : memref<800xi32, #tpu.memory_space<vmem>>) target_semaphore(%arg40 : memref<!tpu.dma_semaphore, #tpu.memory_space<semaphore_mem>>)
        %dma_start3A_1829 = tpu.memref_slice %arg7[%multiple_of3A_1826] : memref<6400000xi32, #tpu.memory_space<hbm>> -> memref<800xi32, #tpu.memory_space<hbm>>
        %dma_start3A_1830 = tpu.memref_slice %arg7[%multiple_of3A_1826] : memref<6400000xi32, #tpu.memory_space<hbm>> -> memref<800xi32, #tpu.memory_space<hbm>>
        tpu.enqueue_dma source(%dma_start3A_1830 : memref<800xi32, #tpu.memory_space<hbm>>) target(%arg14 : memref<800xi32, #tpu.memory_space<vmem>>) target_semaphore(%arg40 : memref<!tpu.dma_semaphore, #tpu.memory_space<semaphore_mem>>)
        %dma_start3A_1831 = tpu.memref_slice %arg8[%multiple_of3A_1826] : memref<6400000xf32, #tpu.memory_space<hbm>> -> memref<800xf32, #tpu.memory_space<hbm>>
        %dma_start3A_1832 = tpu.memref_slice %arg8[%multiple_of3A_1826] : memref<6400000xf32, #tpu.memory_space<hbm>> -> memref<800xf32, #tpu.memory_space<hbm>>
        tpu.enqueue_dma source(%dma_start3A_1832 : memref<800xf32, #tpu.memory_space<hbm>>) target(%arg15 : memref<800xf32, #tpu.memory_space<vmem>>) target_semaphore(%arg40 : memref<!tpu.dma_semaphore, #tpu.memory_space<semaphore_mem>>)
        %dma_start3A_1833 = tpu.memref_slice %arg9[%multiple_of3A_1826] : memref<6400000xf32, #tpu.memory_space<hbm>> -> memref<800xf32, #tpu.memory_space<hbm>>
        %dma_start3A_1834 = tpu.memref_slice %arg9[%multiple_of3A_1826] : memref<6400000xf32, #tpu.memory_space<hbm>> -> memref<800xf32, #tpu.memory_space<hbm>>
        tpu.enqueue_dma source(%dma_start3A_1834 : memref<800xf32, #tpu.memory_space<hbm>>) target(%arg16 : memref<800xf32, #tpu.memory_space<vmem>>) target_semaphore(%arg40 : memref<!tpu.dma_semaphore, #tpu.memory_space<semaphore_mem>>)
        %dma_start3A_1835 = tpu.memref_slice %arg10[%multiple_of3A_1826] : memref<6400000xf32, #tpu.memory_space<hbm>> -> memref<800xf32, #tpu.memory_space<hbm>>
        %dma_start3A_1836 = tpu.memref_slice %arg10[%multiple_of3A_1826] : memref<6400000xf32, #tpu.memory_space<hbm>> -> memref<800xf32, #tpu.memory_space<hbm>>
        tpu.enqueue_dma source(%dma_start3A_1836 : memref<800xf32, #tpu.memory_space<hbm>>) target(%arg17 : memref<800xf32, #tpu.memory_space<vmem>>) target_semaphore(%arg40 : memref<!tpu.dma_semaphore, #tpu.memory_space<semaphore_mem>>)
      } else {
      }
      %add3A_1368 = arith.constant 1 : i32
      %add3A_1369 = arith.addi %mul3A_485, %add3A_1368 : i32
      %dma_wait3A_1370 = arith.constant 0 : i32
      %dma_wait3A_1371 = tpu.memref_slice %arg31[%dma_wait3A_1370] : memref<800xf32, #tpu.memory_space<vmem>> -> memref<80xf32, #tpu.memory_space<vmem>>
      %dma_wait3A_1372 = arith.constant 0 : i32
      %dma_wait3A_1373 = tpu.memref_slice %arg26[%dma_wait3A_1372] : memref<800xi32, #tpu.memory_space<vmem>> -> memref<80xi32, #tpu.memory_space<vmem>>
      %dma_wait3A_1374 = arith.constant 0 : i32
      %dma_wait3A_1375 = tpu.memref_slice %arg46[%dma_wait3A_1374] : memref<100000xf32, #tpu.memory_space<vmem_shared>> -> memref<100000xf32, #tpu.memory_space<vmem_shared>>
      tpu.wait_indirect_dma semaphore(%arg43 : memref<!tpu.dma_semaphore, #tpu.memory_space<semaphore_mem>>) src(%dma_wait3A_1375 : memref<100000xf32, #tpu.memory_space<vmem_shared>>) dst(%dma_wait3A_1371 : memref<80xf32, #tpu.memory_space<vmem>>)
      %dma_wait3A_1376 = arith.constant 0 : i32
      %dma_wait3A_1377 = tpu.memref_slice %arg32[%dma_wait3A_1376] : memref<800xf32, #tpu.memory_space<vmem>> -> memref<80xf32, #tpu.memory_space<vmem>>
      %dma_wait3A_1378 = arith.constant 0 : i32
      %dma_wait3A_1379 = tpu.memref_slice %arg26[%dma_wait3A_1378] : memref<800xi32, #tpu.memory_space<vmem>> -> memref<80xi32, #tpu.memory_space<vmem>>
      %dma_wait3A_1380 = arith.constant 0 : i32
      %dma_wait3A_1381 = tpu.memref_slice %arg47[%dma_wait3A_1380] : memref<100000xf32, #tpu.memory_space<vmem_shared>> -> memref<100000xf32, #tpu.memory_space<vmem_shared>>
      tpu.wait_indirect_dma semaphore(%arg43 : memref<!tpu.dma_semaphore, #tpu.memory_space<semaphore_mem>>) src(%dma_wait3A_1381 : memref<100000xf32, #tpu.memory_space<vmem_shared>>) dst(%dma_wait3A_1377 : memref<80xf32, #tpu.memory_space<vmem>>)
      %dma_wait3A_1382 = arith.constant 0 : i32
      %dma_wait3A_1383 = tpu.memref_slice %arg33[%dma_wait3A_1382] : memref<800xf32, #tpu.memory_space<vmem>> -> memref<80xf32, #tpu.memory_space<vmem>>
      %dma_wait3A_1384 = arith.constant 0 : i32
      %dma_wait3A_1385 = tpu.memref_slice %arg26[%dma_wait3A_1384] : memref<800xi32, #tpu.memory_space<vmem>> -> memref<80xi32, #tpu.memory_space<vmem>>
      %dma_wait3A_1386 = arith.constant 0 : i32
      %dma_wait3A_1387 = tpu.memref_slice %arg48[%dma_wait3A_1386] : memref<100000xf32, #tpu.memory_space<vmem_shared>> -> memref<100000xf32, #tpu.memory_space<vmem_shared>>
      tpu.wait_indirect_dma semaphore(%arg43 : memref<!tpu.dma_semaphore, #tpu.memory_space<semaphore_mem>>) src(%dma_wait3A_1387 : memref<100000xf32, #tpu.memory_space<vmem_shared>>) dst(%dma_wait3A_1383 : memref<80xf32, #tpu.memory_space<vmem>>)
      %dma_wait3A_1388 = arith.constant 0 : i32
      %dma_wait3A_1389 = tpu.memref_slice %arg34[%dma_wait3A_1388] : memref<800xf32, #tpu.memory_space<vmem>> -> memref<80xf32, #tpu.memory_space<vmem>>
      %dma_wait3A_1390 = arith.constant 0 : i32
      %dma_wait3A_1391 = tpu.memref_slice %arg27[%dma_wait3A_1390] : memref<800xi32, #tpu.memory_space<vmem>> -> memref<80xi32, #tpu.memory_space<vmem>>
      %dma_wait3A_1392 = arith.constant 0 : i32
      %dma_wait3A_1393 = tpu.memref_slice %arg46[%dma_wait3A_1392] : memref<100000xf32, #tpu.memory_space<vmem_shared>> -> memref<100000xf32, #tpu.memory_space<vmem_shared>>
      tpu.wait_indirect_dma semaphore(%arg43 : memref<!tpu.dma_semaphore, #tpu.memory_space<semaphore_mem>>) src(%dma_wait3A_1393 : memref<100000xf32, #tpu.memory_space<vmem_shared>>) dst(%dma_wait3A_1389 : memref<80xf32, #tpu.memory_space<vmem>>)
      %dma_wait3A_1394 = arith.constant 0 : i32
      %dma_wait3A_1395 = tpu.memref_slice %arg35[%dma_wait3A_1394] : memref<800xf32, #tpu.memory_space<vmem>> -> memref<80xf32, #tpu.memory_space<vmem>>
      %dma_wait3A_1396 = arith.constant 0 : i32
      %dma_wait3A_1397 = tpu.memref_slice %arg27[%dma_wait3A_1396] : memref<800xi32, #tpu.memory_space<vmem>> -> memref<80xi32, #tpu.memory_space<vmem>>
      %dma_wait3A_1398 = arith.constant 0 : i32
      %dma_wait3A_1399 = tpu.memref_slice %arg47[%dma_wait3A_1398] : memref<100000xf32, #tpu.memory_space<vmem_shared>> -> memref<100000xf32, #tpu.memory_space<vmem_shared>>
      tpu.wait_indirect_dma semaphore(%arg43 : memref<!tpu.dma_semaphore, #tpu.memory_space<semaphore_mem>>) src(%dma_wait3A_1399 : memref<100000xf32, #tpu.memory_space<vmem_shared>>) dst(%dma_wait3A_1395 : memref<80xf32, #tpu.memory_space<vmem>>)
      %dma_wait3A_1400 = arith.constant 0 : i32
      %dma_wait3A_1401 = tpu.memref_slice %arg36[%dma_wait3A_1400] : memref<800xf32, #tpu.memory_space<vmem>> -> memref<80xf32, #tpu.memory_space<vmem>>
      %dma_wait3A_1402 = arith.constant 0 : i32
      %dma_wait3A_1403 = tpu.memref_slice %arg27[%dma_wait3A_1402] : memref<800xi32, #tpu.memory_space<vmem>> -> memref<80xi32, #tpu.memory_space<vmem>>
      %dma_wait3A_1404 = arith.constant 0 : i32
      %dma_wait3A_1405 = tpu.memref_slice %arg48[%dma_wait3A_1404] : memref<100000xf32, #tpu.memory_space<vmem_shared>> -> memref<100000xf32, #tpu.memory_space<vmem_shared>>
      tpu.wait_indirect_dma semaphore(%arg43 : memref<!tpu.dma_semaphore, #tpu.memory_space<semaphore_mem>>) src(%dma_wait3A_1405 : memref<100000xf32, #tpu.memory_space<vmem_shared>>) dst(%dma_wait3A_1401 : memref<80xf32, #tpu.memory_space<vmem>>)
      %dma_wait3A_1406 = arith.constant 0 : i32
      %dma_wait3A_1407 = tpu.memref_slice %arg37[%dma_wait3A_1406] : memref<800xf32, #tpu.memory_space<vmem>> -> memref<80xf32, #tpu.memory_space<vmem>>
      %dma_wait3A_1408 = arith.constant 0 : i32
      %dma_wait3A_1409 = tpu.memref_slice %arg27[%dma_wait3A_1408] : memref<800xi32, #tpu.memory_space<vmem>> -> memref<80xi32, #tpu.memory_space<vmem>>
      %dma_wait3A_1410 = arith.constant 0 : i32
      %dma_wait3A_1411 = tpu.memref_slice %arg49[%dma_wait3A_1410] : memref<100000xf32, #tpu.memory_space<vmem_shared>> -> memref<100000xf32, #tpu.memory_space<vmem_shared>>
      tpu.wait_indirect_dma semaphore(%arg43 : memref<!tpu.dma_semaphore, #tpu.memory_space<semaphore_mem>>) src(%dma_wait3A_1411 : memref<100000xf32, #tpu.memory_space<vmem_shared>>) dst(%dma_wait3A_1407 : memref<80xf32, #tpu.memory_space<vmem>>)
      %dma_wait3A_1412 = arith.constant 80 : i32
      %dma_wait3A_1413 = tpu.memref_slice %arg31[%dma_wait3A_1412] : memref<800xf32, #tpu.memory_space<vmem>> -> memref<80xf32, #tpu.memory_space<vmem>>
      %dma_wait3A_1414 = arith.constant 80 : i32
      %dma_wait3A_1415 = tpu.memref_slice %arg26[%dma_wait3A_1414] : memref<800xi32, #tpu.memory_space<vmem>> -> memref<80xi32, #tpu.memory_space<vmem>>
      %dma_wait3A_1416 = arith.constant 0 : i32
      %dma_wait3A_1417 = tpu.memref_slice %arg46[%dma_wait3A_1416] : memref<100000xf32, #tpu.memory_space<vmem_shared>> -> memref<100000xf32, #tpu.memory_space<vmem_shared>>
      tpu.wait_indirect_dma semaphore(%arg43 : memref<!tpu.dma_semaphore, #tpu.memory_space<semaphore_mem>>) src(%dma_wait3A_1417 : memref<100000xf32, #tpu.memory_space<vmem_shared>>) dst(%dma_wait3A_1413 : memref<80xf32, #tpu.memory_space<vmem>>)
      %dma_wait3A_1418 = arith.constant 80 : i32
      %dma_wait3A_1419 = tpu.memref_slice %arg32[%dma_wait3A_1418] : memref<800xf32, #tpu.memory_space<vmem>> -> memref<80xf32, #tpu.memory_space<vmem>>
      %dma_wait3A_1420 = arith.constant 80 : i32
      %dma_wait3A_1421 = tpu.memref_slice %arg26[%dma_wait3A_1420] : memref<800xi32, #tpu.memory_space<vmem>> -> memref<80xi32, #tpu.memory_space<vmem>>
      %dma_wait3A_1422 = arith.constant 0 : i32
      %dma_wait3A_1423 = tpu.memref_slice %arg47[%dma_wait3A_1422] : memref<100000xf32, #tpu.memory_space<vmem_shared>> -> memref<100000xf32, #tpu.memory_space<vmem_shared>>
      tpu.wait_indirect_dma semaphore(%arg43 : memref<!tpu.dma_semaphore, #tpu.memory_space<semaphore_mem>>) src(%dma_wait3A_1423 : memref<100000xf32, #tpu.memory_space<vmem_shared>>) dst(%dma_wait3A_1419 : memref<80xf32, #tpu.memory_space<vmem>>)
      %dma_wait3A_1424 = arith.constant 80 : i32
      %dma_wait3A_1425 = tpu.memref_slice %arg33[%dma_wait3A_1424] : memref<800xf32, #tpu.memory_space<vmem>> -> memref<80xf32, #tpu.memory_space<vmem>>
      %dma_wait3A_1426 = arith.constant 80 : i32
      %dma_wait3A_1427 = tpu.memref_slice %arg26[%dma_wait3A_1426] : memref<800xi32, #tpu.memory_space<vmem>> -> memref<80xi32, #tpu.memory_space<vmem>>
      %dma_wait3A_1428 = arith.constant 0 : i32
      %dma_wait3A_1429 = tpu.memref_slice %arg48[%dma_wait3A_1428] : memref<100000xf32, #tpu.memory_space<vmem_shared>> -> memref<100000xf32, #tpu.memory_space<vmem_shared>>
      tpu.wait_indirect_dma semaphore(%arg43 : memref<!tpu.dma_semaphore, #tpu.memory_space<semaphore_mem>>) src(%dma_wait3A_1429 : memref<100000xf32, #tpu.memory_space<vmem_shared>>) dst(%dma_wait3A_1425 : memref<80xf32, #tpu.memory_space<vmem>>)
      %dma_wait3A_1430 = arith.constant 80 : i32
      %dma_wait3A_1431 = tpu.memref_slice %arg34[%dma_wait3A_1430] : memref<800xf32, #tpu.memory_space<vmem>> -> memref<80xf32, #tpu.memory_space<vmem>>
      %dma_wait3A_1432 = arith.constant 80 : i32
      %dma_wait3A_1433 = tpu.memref_slice %arg27[%dma_wait3A_1432] : memref<800xi32, #tpu.memory_space<vmem>> -> memref<80xi32, #tpu.memory_space<vmem>>
      %dma_wait3A_1434 = arith.constant 0 : i32
      %dma_wait3A_1435 = tpu.memref_slice %arg46[%dma_wait3A_1434] : memref<100000xf32, #tpu.memory_space<vmem_shared>> -> memref<100000xf32, #tpu.memory_space<vmem_shared>>
      tpu.wait_indirect_dma semaphore(%arg43 : memref<!tpu.dma_semaphore, #tpu.memory_space<semaphore_mem>>) src(%dma_wait3A_1435 : memref<100000xf32, #tpu.memory_space<vmem_shared>>) dst(%dma_wait3A_1431 : memref<80xf32, #tpu.memory_space<vmem>>)
      %dma_wait3A_1436 = arith.constant 80 : i32
      %dma_wait3A_1437 = tpu.memref_slice %arg35[%dma_wait3A_1436] : memref<800xf32, #tpu.memory_space<vmem>> -> memref<80xf32, #tpu.memory_space<vmem>>
      %dma_wait3A_1438 = arith.constant 80 : i32
      %dma_wait3A_1439 = tpu.memref_slice %arg27[%dma_wait3A_1438] : memref<800xi32, #tpu.memory_space<vmem>> -> memref<80xi32, #tpu.memory_space<vmem>>
      %dma_wait3A_1440 = arith.constant 0 : i32
      %dma_wait3A_1441 = tpu.memref_slice %arg47[%dma_wait3A_1440] : memref<100000xf32, #tpu.memory_space<vmem_shared>> -> memref<100000xf32, #tpu.memory_space<vmem_shared>>
      tpu.wait_indirect_dma semaphore(%arg43 : memref<!tpu.dma_semaphore, #tpu.memory_space<semaphore_mem>>) src(%dma_wait3A_1441 : memref<100000xf32, #tpu.memory_space<vmem_shared>>) dst(%dma_wait3A_1437 : memref<80xf32, #tpu.memory_space<vmem>>)
      %dma_wait3A_1442 = arith.constant 80 : i32
      %dma_wait3A_1443 = tpu.memref_slice %arg36[%dma_wait3A_1442] : memref<800xf32, #tpu.memory_space<vmem>> -> memref<80xf32, #tpu.memory_space<vmem>>
      %dma_wait3A_1444 = arith.constant 80 : i32
      %dma_wait3A_1445 = tpu.memref_slice %arg27[%dma_wait3A_1444] : memref<800xi32, #tpu.memory_space<vmem>> -> memref<80xi32, #tpu.memory_space<vmem>>
      %dma_wait3A_1446 = arith.constant 0 : i32
      %dma_wait3A_1447 = tpu.memref_slice %arg48[%dma_wait3A_1446] : memref<100000xf32, #tpu.memory_space<vmem_shared>> -> memref<100000xf32, #tpu.memory_space<vmem_shared>>
      tpu.wait_indirect_dma semaphore(%arg43 : memref<!tpu.dma_semaphore, #tpu.memory_space<semaphore_mem>>) src(%dma_wait3A_1447 : memref<100000xf32, #tpu.memory_space<vmem_shared>>) dst(%dma_wait3A_1443 : memref<80xf32, #tpu.memory_space<vmem>>)
      %dma_wait3A_1448 = arith.constant 80 : i32
      %dma_wait3A_1449 = tpu.memref_slice %arg37[%dma_wait3A_1448] : memref<800xf32, #tpu.memory_space<vmem>> -> memref<80xf32, #tpu.memory_space<vmem>>
      %dma_wait3A_1450 = arith.constant 80 : i32
      %dma_wait3A_1451 = tpu.memref_slice %arg27[%dma_wait3A_1450] : memref<800xi32, #tpu.memory_space<vmem>> -> memref<80xi32, #tpu.memory_space<vmem>>
      %dma_wait3A_1452 = arith.constant 0 : i32
      %dma_wait3A_1453 = tpu.memref_slice %arg49[%dma_wait3A_1452] : memref<100000xf32, #tpu.memory_space<vmem_shared>> -> memref<100000xf32, #tpu.memory_space<vmem_shared>>
      tpu.wait_indirect_dma semaphore(%arg43 : memref<!tpu.dma_semaphore, #tpu.memory_space<semaphore_mem>>) src(%dma_wait3A_1453 : memref<100000xf32, #tpu.memory_space<vmem_shared>>) dst(%dma_wait3A_1449 : memref<80xf32, #tpu.memory_space<vmem>>)
      %dma_wait3A_1454 = arith.constant 160 : i32
      %dma_wait3A_1455 = tpu.memref_slice %arg31[%dma_wait3A_1454] : memref<800xf32, #tpu.memory_space<vmem>> -> memref<80xf32, #tpu.memory_space<vmem>>
      %dma_wait3A_1456 = arith.constant 160 : i32
      %dma_wait3A_1457 = tpu.memref_slice %arg26[%dma_wait3A_1456] : memref<800xi32, #tpu.memory_space<vmem>> -> memref<80xi32, #tpu.memory_space<vmem>>
      %dma_wait3A_1458 = arith.constant 0 : i32
      %dma_wait3A_1459 = tpu.memref_slice %arg46[%dma_wait3A_1458] : memref<100000xf32, #tpu.memory_space<vmem_shared>> -> memref<100000xf32, #tpu.memory_space<vmem_shared>>
      tpu.wait_indirect_dma semaphore(%arg43 : memref<!tpu.dma_semaphore, #tpu.memory_space<semaphore_mem>>) src(%dma_wait3A_1459 : memref<100000xf32, #tpu.memory_space<vmem_shared>>) dst(%dma_wait3A_1455 : memref<80xf32, #tpu.memory_space<vmem>>)
      %dma_wait3A_1460 = arith.constant 160 : i32
      %dma_wait3A_1461 = tpu.memref_slice %arg32[%dma_wait3A_1460] : memref<800xf32, #tpu.memory_space<vmem>> -> memref<80xf32, #tpu.memory_space<vmem>>
      %dma_wait3A_1462 = arith.constant 160 : i32
      %dma_wait3A_1463 = tpu.memref_slice %arg26[%dma_wait3A_1462] : memref<800xi32, #tpu.memory_space<vmem>> -> memref<80xi32, #tpu.memory_space<vmem>>
      %dma_wait3A_1464 = arith.constant 0 : i32
      %dma_wait3A_1465 = tpu.memref_slice %arg47[%dma_wait3A_1464] : memref<100000xf32, #tpu.memory_space<vmem_shared>> -> memref<100000xf32, #tpu.memory_space<vmem_shared>>
      tpu.wait_indirect_dma semaphore(%arg43 : memref<!tpu.dma_semaphore, #tpu.memory_space<semaphore_mem>>) src(%dma_wait3A_1465 : memref<100000xf32, #tpu.memory_space<vmem_shared>>) dst(%dma_wait3A_1461 : memref<80xf32, #tpu.memory_space<vmem>>)
      %dma_wait3A_1466 = arith.constant 160 : i32
      %dma_wait3A_1467 = tpu.memref_slice %arg33[%dma_wait3A_1466] : memref<800xf32, #tpu.memory_space<vmem>> -> memref<80xf32, #tpu.memory_space<vmem>>
      %dma_wait3A_1468 = arith.constant 160 : i32
      %dma_wait3A_1469 = tpu.memref_slice %arg26[%dma_wait3A_1468] : memref<800xi32, #tpu.memory_space<vmem>> -> memref<80xi32, #tpu.memory_space<vmem>>
      %dma_wait3A_1470 = arith.constant 0 : i32
      %dma_wait3A_1471 = tpu.memref_slice %arg48[%dma_wait3A_1470] : memref<100000xf32, #tpu.memory_space<vmem_shared>> -> memref<100000xf32, #tpu.memory_space<vmem_shared>>
      tpu.wait_indirect_dma semaphore(%arg43 : memref<!tpu.dma_semaphore, #tpu.memory_space<semaphore_mem>>) src(%dma_wait3A_1471 : memref<100000xf32, #tpu.memory_space<vmem_shared>>) dst(%dma_wait3A_1467 : memref<80xf32, #tpu.memory_space<vmem>>)
      %dma_wait3A_1472 = arith.constant 160 : i32
      %dma_wait3A_1473 = tpu.memref_slice %arg34[%dma_wait3A_1472] : memref<800xf32, #tpu.memory_space<vmem>> -> memref<80xf32, #tpu.memory_space<vmem>>
      %dma_wait3A_1474 = arith.constant 160 : i32
      %dma_wait3A_1475 = tpu.memref_slice %arg27[%dma_wait3A_1474] : memref<800xi32, #tpu.memory_space<vmem>> -> memref<80xi32, #tpu.memory_space<vmem>>
      %dma_wait3A_1476 = arith.constant 0 : i32
      %dma_wait3A_1477 = tpu.memref_slice %arg46[%dma_wait3A_1476] : memref<100000xf32, #tpu.memory_space<vmem_shared>> -> memref<100000xf32, #tpu.memory_space<vmem_shared>>
      tpu.wait_indirect_dma semaphore(%arg43 : memref<!tpu.dma_semaphore, #tpu.memory_space<semaphore_mem>>) src(%dma_wait3A_1477 : memref<100000xf32, #tpu.memory_space<vmem_shared>>) dst(%dma_wait3A_1473 : memref<80xf32, #tpu.memory_space<vmem>>)
      %dma_wait3A_1478 = arith.constant 160 : i32
      %dma_wait3A_1479 = tpu.memref_slice %arg35[%dma_wait3A_1478] : memref<800xf32, #tpu.memory_space<vmem>> -> memref<80xf32, #tpu.memory_space<vmem>>
      %dma_wait3A_1480 = arith.constant 160 : i32
      %dma_wait3A_1481 = tpu.memref_slice %arg27[%dma_wait3A_1480] : memref<800xi32, #tpu.memory_space<vmem>> -> memref<80xi32, #tpu.memory_space<vmem>>
      %dma_wait3A_1482 = arith.constant 0 : i32
      %dma_wait3A_1483 = tpu.memref_slice %arg47[%dma_wait3A_1482] : memref<100000xf32, #tpu.memory_space<vmem_shared>> -> memref<100000xf32, #tpu.memory_space<vmem_shared>>
      tpu.wait_indirect_dma semaphore(%arg43 : memref<!tpu.dma_semaphore, #tpu.memory_space<semaphore_mem>>) src(%dma_wait3A_1483 : memref<100000xf32, #tpu.memory_space<vmem_shared>>) dst(%dma_wait3A_1479 : memref<80xf32, #tpu.memory_space<vmem>>)
      %dma_wait3A_1484 = arith.constant 160 : i32
      %dma_wait3A_1485 = tpu.memref_slice %arg36[%dma_wait3A_1484] : memref<800xf32, #tpu.memory_space<vmem>> -> memref<80xf32, #tpu.memory_space<vmem>>
      %dma_wait3A_1486 = arith.constant 160 : i32
      %dma_wait3A_1487 = tpu.memref_slice %arg27[%dma_wait3A_1486] : memref<800xi32, #tpu.memory_space<vmem>> -> memref<80xi32, #tpu.memory_space<vmem>>
      %dma_wait3A_1488 = arith.constant 0 : i32
      %dma_wait3A_1489 = tpu.memref_slice %arg48[%dma_wait3A_1488] : memref<100000xf32, #tpu.memory_space<vmem_shared>> -> memref<100000xf32, #tpu.memory_space<vmem_shared>>
      tpu.wait_indirect_dma semaphore(%arg43 : memref<!tpu.dma_semaphore, #tpu.memory_space<semaphore_mem>>) src(%dma_wait3A_1489 : memref<100000xf32, #tpu.memory_space<vmem_shared>>) dst(%dma_wait3A_1485 : memref<80xf32, #tpu.memory_space<vmem>>)
      %dma_wait3A_1490 = arith.constant 160 : i32
      %dma_wait3A_1491 = tpu.memref_slice %arg37[%dma_wait3A_1490] : memref<800xf32, #tpu.memory_space<vmem>> -> memref<80xf32, #tpu.memory_space<vmem>>
      %dma_wait3A_1492 = arith.constant 160 : i32
      %dma_wait3A_1493 = tpu.memref_slice %arg27[%dma_wait3A_1492] : memref<800xi32, #tpu.memory_space<vmem>> -> memref<80xi32, #tpu.memory_space<vmem>>
      %dma_wait3A_1494 = arith.constant 0 : i32
      %dma_wait3A_1495 = tpu.memref_slice %arg49[%dma_wait3A_1494] : memref<100000xf32, #tpu.memory_space<vmem_shared>> -> memref<100000xf32, #tpu.memory_space<vmem_shared>>
      tpu.wait_indirect_dma semaphore(%arg43 : memref<!tpu.dma_semaphore, #tpu.memory_space<semaphore_mem>>) src(%dma_wait3A_1495 : memref<100000xf32, #tpu.memory_space<vmem_shared>>) dst(%dma_wait3A_1491 : memref<80xf32, #tpu.memory_space<vmem>>)
      %dma_wait3A_1496 = arith.constant 240 : i32
      %dma_wait3A_1497 = tpu.memref_slice %arg31[%dma_wait3A_1496] : memref<800xf32, #tpu.memory_space<vmem>> -> memref<80xf32, #tpu.memory_space<vmem>>
      %dma_wait3A_1498 = arith.constant 240 : i32
      %dma_wait3A_1499 = tpu.memref_slice %arg26[%dma_wait3A_1498] : memref<800xi32, #tpu.memory_space<vmem>> -> memref<80xi32, #tpu.memory_space<vmem>>
      %dma_wait3A_1500 = arith.constant 0 : i32
      %dma_wait3A_1501 = tpu.memref_slice %arg46[%dma_wait3A_1500] : memref<100000xf32, #tpu.memory_space<vmem_shared>> -> memref<100000xf32, #tpu.memory_space<vmem_shared>>
      tpu.wait_indirect_dma semaphore(%arg43 : memref<!tpu.dma_semaphore, #tpu.memory_space<semaphore_mem>>) src(%dma_wait3A_1501 : memref<100000xf32, #tpu.memory_space<vmem_shared>>) dst(%dma_wait3A_1497 : memref<80xf32, #tpu.memory_space<vmem>>)
      %dma_wait3A_1502 = arith.constant 240 : i32
      %dma_wait3A_1503 = tpu.memref_slice %arg32[%dma_wait3A_1502] : memref<800xf32, #tpu.memory_space<vmem>> -> memref<80xf32, #tpu.memory_space<vmem>>
      %dma_wait3A_1504 = arith.constant 240 : i32
      %dma_wait3A_1505 = tpu.memref_slice %arg26[%dma_wait3A_1504] : memref<800xi32, #tpu.memory_space<vmem>> -> memref<80xi32, #tpu.memory_space<vmem>>
      %dma_wait3A_1506 = arith.constant 0 : i32
      %dma_wait3A_1507 = tpu.memref_slice %arg47[%dma_wait3A_1506] : memref<100000xf32, #tpu.memory_space<vmem_shared>> -> memref<100000xf32, #tpu.memory_space<vmem_shared>>
      tpu.wait_indirect_dma semaphore(%arg43 : memref<!tpu.dma_semaphore, #tpu.memory_space<semaphore_mem>>) src(%dma_wait3A_1507 : memref<100000xf32, #tpu.memory_space<vmem_shared>>) dst(%dma_wait3A_1503 : memref<80xf32, #tpu.memory_space<vmem>>)
      %dma_wait3A_1508 = arith.constant 240 : i32
      %dma_wait3A_1509 = tpu.memref_slice %arg33[%dma_wait3A_1508] : memref<800xf32, #tpu.memory_space<vmem>> -> memref<80xf32, #tpu.memory_space<vmem>>
      %dma_wait3A_1510 = arith.constant 240 : i32
      %dma_wait3A_1511 = tpu.memref_slice %arg26[%dma_wait3A_1510] : memref<800xi32, #tpu.memory_space<vmem>> -> memref<80xi32, #tpu.memory_space<vmem>>
      %dma_wait3A_1512 = arith.constant 0 : i32
      %dma_wait3A_1513 = tpu.memref_slice %arg48[%dma_wait3A_1512] : memref<100000xf32, #tpu.memory_space<vmem_shared>> -> memref<100000xf32, #tpu.memory_space<vmem_shared>>
      tpu.wait_indirect_dma semaphore(%arg43 : memref<!tpu.dma_semaphore, #tpu.memory_space<semaphore_mem>>) src(%dma_wait3A_1513 : memref<100000xf32, #tpu.memory_space<vmem_shared>>) dst(%dma_wait3A_1509 : memref<80xf32, #tpu.memory_space<vmem>>)
      %dma_wait3A_1514 = arith.constant 240 : i32
      %dma_wait3A_1515 = tpu.memref_slice %arg34[%dma_wait3A_1514] : memref<800xf32, #tpu.memory_space<vmem>> -> memref<80xf32, #tpu.memory_space<vmem>>
      %dma_wait3A_1516 = arith.constant 240 : i32
      %dma_wait3A_1517 = tpu.memref_slice %arg27[%dma_wait3A_1516] : memref<800xi32, #tpu.memory_space<vmem>> -> memref<80xi32, #tpu.memory_space<vmem>>
      %dma_wait3A_1518 = arith.constant 0 : i32
      %dma_wait3A_1519 = tpu.memref_slice %arg46[%dma_wait3A_1518] : memref<100000xf32, #tpu.memory_space<vmem_shared>> -> memref<100000xf32, #tpu.memory_space<vmem_shared>>
      tpu.wait_indirect_dma semaphore(%arg43 : memref<!tpu.dma_semaphore, #tpu.memory_space<semaphore_mem>>) src(%dma_wait3A_1519 : memref<100000xf32, #tpu.memory_space<vmem_shared>>) dst(%dma_wait3A_1515 : memref<80xf32, #tpu.memory_space<vmem>>)
      %dma_wait3A_1520 = arith.constant 240 : i32
      %dma_wait3A_1521 = tpu.memref_slice %arg35[%dma_wait3A_1520] : memref<800xf32, #tpu.memory_space<vmem>> -> memref<80xf32, #tpu.memory_space<vmem>>
      %dma_wait3A_1522 = arith.constant 240 : i32
      %dma_wait3A_1523 = tpu.memref_slice %arg27[%dma_wait3A_1522] : memref<800xi32, #tpu.memory_space<vmem>> -> memref<80xi32, #tpu.memory_space<vmem>>
      %dma_wait3A_1524 = arith.constant 0 : i32
      %dma_wait3A_1525 = tpu.memref_slice %arg47[%dma_wait3A_1524] : memref<100000xf32, #tpu.memory_space<vmem_shared>> -> memref<100000xf32, #tpu.memory_space<vmem_shared>>
      tpu.wait_indirect_dma semaphore(%arg43 : memref<!tpu.dma_semaphore, #tpu.memory_space<semaphore_mem>>) src(%dma_wait3A_1525 : memref<100000xf32, #tpu.memory_space<vmem_shared>>) dst(%dma_wait3A_1521 : memref<80xf32, #tpu.memory_space<vmem>>)
      %dma_wait3A_1526 = arith.constant 240 : i32
      %dma_wait3A_1527 = tpu.memref_slice %arg36[%dma_wait3A_1526] : memref<800xf32, #tpu.memory_space<vmem>> -> memref<80xf32, #tpu.memory_space<vmem>>
      %dma_wait3A_1528 = arith.constant 240 : i32
      %dma_wait3A_1529 = tpu.memref_slice %arg27[%dma_wait3A_1528] : memref<800xi32, #tpu.memory_space<vmem>> -> memref<80xi32, #tpu.memory_space<vmem>>
      %dma_wait3A_1530 = arith.constant 0 : i32
      %dma_wait3A_1531 = tpu.memref_slice %arg48[%dma_wait3A_1530] : memref<100000xf32, #tpu.memory_space<vmem_shared>> -> memref<100000xf32, #tpu.memory_space<vmem_shared>>
      tpu.wait_indirect_dma semaphore(%arg43 : memref<!tpu.dma_semaphore, #tpu.memory_space<semaphore_mem>>) src(%dma_wait3A_1531 : memref<100000xf32, #tpu.memory_space<vmem_shared>>) dst(%dma_wait3A_1527 : memref<80xf32, #tpu.memory_space<vmem>>)
      %dma_wait3A_1532 = arith.constant 240 : i32
      %dma_wait3A_1533 = tpu.memref_slice %arg37[%dma_wait3A_1532] : memref<800xf32, #tpu.memory_space<vmem>> -> memref<80xf32, #tpu.memory_space<vmem>>
      %dma_wait3A_1534 = arith.constant 240 : i32
      %dma_wait3A_1535 = tpu.memref_slice %arg27[%dma_wait3A_1534] : memref<800xi32, #tpu.memory_space<vmem>> -> memref<80xi32, #tpu.memory_space<vmem>>
      %dma_wait3A_1536 = arith.constant 0 : i32
      %dma_wait3A_1537 = tpu.memref_slice %arg49[%dma_wait3A_1536] : memref<100000xf32, #tpu.memory_space<vmem_shared>> -> memref<100000xf32, #tpu.memory_space<vmem_shared>>
      tpu.wait_indirect_dma semaphore(%arg43 : memref<!tpu.dma_semaphore, #tpu.memory_space<semaphore_mem>>) src(%dma_wait3A_1537 : memref<100000xf32, #tpu.memory_space<vmem_shared>>) dst(%dma_wait3A_1533 : memref<80xf32, #tpu.memory_space<vmem>>)
      %dma_wait3A_1538 = arith.constant 320 : i32
      %dma_wait3A_1539 = tpu.memref_slice %arg31[%dma_wait3A_1538] : memref<800xf32, #tpu.memory_space<vmem>> -> memref<80xf32, #tpu.memory_space<vmem>>
      %dma_wait3A_1540 = arith.constant 320 : i32
      %dma_wait3A_1541 = tpu.memref_slice %arg26[%dma_wait3A_1540] : memref<800xi32, #tpu.memory_space<vmem>> -> memref<80xi32, #tpu.memory_space<vmem>>
      %dma_wait3A_1542 = arith.constant 0 : i32
      %dma_wait3A_1543 = tpu.memref_slice %arg46[%dma_wait3A_1542] : memref<100000xf32, #tpu.memory_space<vmem_shared>> -> memref<100000xf32, #tpu.memory_space<vmem_shared>>
      tpu.wait_indirect_dma semaphore(%arg43 : memref<!tpu.dma_semaphore, #tpu.memory_space<semaphore_mem>>) src(%dma_wait3A_1543 : memref<100000xf32, #tpu.memory_space<vmem_shared>>) dst(%dma_wait3A_1539 : memref<80xf32, #tpu.memory_space<vmem>>)
      %dma_wait3A_1544 = arith.constant 320 : i32
      %dma_wait3A_1545 = tpu.memref_slice %arg32[%dma_wait3A_1544] : memref<800xf32, #tpu.memory_space<vmem>> -> memref<80xf32, #tpu.memory_space<vmem>>
      %dma_wait3A_1546 = arith.constant 320 : i32
      %dma_wait3A_1547 = tpu.memref_slice %arg26[%dma_wait3A_1546] : memref<800xi32, #tpu.memory_space<vmem>> -> memref<80xi32, #tpu.memory_space<vmem>>
      %dma_wait3A_1548 = arith.constant 0 : i32
      %dma_wait3A_1549 = tpu.memref_slice %arg47[%dma_wait3A_1548] : memref<100000xf32, #tpu.memory_space<vmem_shared>> -> memref<100000xf32, #tpu.memory_space<vmem_shared>>
      tpu.wait_indirect_dma semaphore(%arg43 : memref<!tpu.dma_semaphore, #tpu.memory_space<semaphore_mem>>) src(%dma_wait3A_1549 : memref<100000xf32, #tpu.memory_space<vmem_shared>>) dst(%dma_wait3A_1545 : memref<80xf32, #tpu.memory_space<vmem>>)
      %dma_wait3A_1550 = arith.constant 320 : i32
      %dma_wait3A_1551 = tpu.memref_slice %arg33[%dma_wait3A_1550] : memref<800xf32, #tpu.memory_space<vmem>> -> memref<80xf32, #tpu.memory_space<vmem>>
      %dma_wait3A_1552 = arith.constant 320 : i32
      %dma_wait3A_1553 = tpu.memref_slice %arg26[%dma_wait3A_1552] : memref<800xi32, #tpu.memory_space<vmem>> -> memref<80xi32, #tpu.memory_space<vmem>>
      %dma_wait3A_1554 = arith.constant 0 : i32
      %dma_wait3A_1555 = tpu.memref_slice %arg48[%dma_wait3A_1554] : memref<100000xf32, #tpu.memory_space<vmem_shared>> -> memref<100000xf32, #tpu.memory_space<vmem_shared>>
      tpu.wait_indirect_dma semaphore(%arg43 : memref<!tpu.dma_semaphore, #tpu.memory_space<semaphore_mem>>) src(%dma_wait3A_1555 : memref<100000xf32, #tpu.memory_space<vmem_shared>>) dst(%dma_wait3A_1551 : memref<80xf32, #tpu.memory_space<vmem>>)
      %dma_wait3A_1556 = arith.constant 320 : i32
      %dma_wait3A_1557 = tpu.memref_slice %arg34[%dma_wait3A_1556] : memref<800xf32, #tpu.memory_space<vmem>> -> memref<80xf32, #tpu.memory_space<vmem>>
      %dma_wait3A_1558 = arith.constant 320 : i32
      %dma_wait3A_1559 = tpu.memref_slice %arg27[%dma_wait3A_1558] : memref<800xi32, #tpu.memory_space<vmem>> -> memref<80xi32, #tpu.memory_space<vmem>>
      %dma_wait3A_1560 = arith.constant 0 : i32
      %dma_wait3A_1561 = tpu.memref_slice %arg46[%dma_wait3A_1560] : memref<100000xf32, #tpu.memory_space<vmem_shared>> -> memref<100000xf32, #tpu.memory_space<vmem_shared>>
      tpu.wait_indirect_dma semaphore(%arg43 : memref<!tpu.dma_semaphore, #tpu.memory_space<semaphore_mem>>) src(%dma_wait3A_1561 : memref<100000xf32, #tpu.memory_space<vmem_shared>>) dst(%dma_wait3A_1557 : memref<80xf32, #tpu.memory_space<vmem>>)
      %dma_wait3A_1562 = arith.constant 320 : i32
      %dma_wait3A_1563 = tpu.memref_slice %arg35[%dma_wait3A_1562] : memref<800xf32, #tpu.memory_space<vmem>> -> memref<80xf32, #tpu.memory_space<vmem>>
      %dma_wait3A_1564 = arith.constant 320 : i32
      %dma_wait3A_1565 = tpu.memref_slice %arg27[%dma_wait3A_1564] : memref<800xi32, #tpu.memory_space<vmem>> -> memref<80xi32, #tpu.memory_space<vmem>>
      %dma_wait3A_1566 = arith.constant 0 : i32
      %dma_wait3A_1567 = tpu.memref_slice %arg47[%dma_wait3A_1566] : memref<100000xf32, #tpu.memory_space<vmem_shared>> -> memref<100000xf32, #tpu.memory_space<vmem_shared>>
      tpu.wait_indirect_dma semaphore(%arg43 : memref<!tpu.dma_semaphore, #tpu.memory_space<semaphore_mem>>) src(%dma_wait3A_1567 : memref<100000xf32, #tpu.memory_space<vmem_shared>>) dst(%dma_wait3A_1563 : memref<80xf32, #tpu.memory_space<vmem>>)
      %dma_wait3A_1568 = arith.constant 320 : i32
      %dma_wait3A_1569 = tpu.memref_slice %arg36[%dma_wait3A_1568] : memref<800xf32, #tpu.memory_space<vmem>> -> memref<80xf32, #tpu.memory_space<vmem>>
      %dma_wait3A_1570 = arith.constant 320 : i32
      %dma_wait3A_1571 = tpu.memref_slice %arg27[%dma_wait3A_1570] : memref<800xi32, #tpu.memory_space<vmem>> -> memref<80xi32, #tpu.memory_space<vmem>>
      %dma_wait3A_1572 = arith.constant 0 : i32
      %dma_wait3A_1573 = tpu.memref_slice %arg48[%dma_wait3A_1572] : memref<100000xf32, #tpu.memory_space<vmem_shared>> -> memref<100000xf32, #tpu.memory_space<vmem_shared>>
      tpu.wait_indirect_dma semaphore(%arg43 : memref<!tpu.dma_semaphore, #tpu.memory_space<semaphore_mem>>) src(%dma_wait3A_1573 : memref<100000xf32, #tpu.memory_space<vmem_shared>>) dst(%dma_wait3A_1569 : memref<80xf32, #tpu.memory_space<vmem>>)
      %dma_wait3A_1574 = arith.constant 320 : i32
      %dma_wait3A_1575 = tpu.memref_slice %arg37[%dma_wait3A_1574] : memref<800xf32, #tpu.memory_space<vmem>> -> memref<80xf32, #tpu.memory_space<vmem>>
      %dma_wait3A_1576 = arith.constant 320 : i32
      %dma_wait3A_1577 = tpu.memref_slice %arg27[%dma_wait3A_1576] : memref<800xi32, #tpu.memory_space<vmem>> -> memref<80xi32, #tpu.memory_space<vmem>>
      %dma_wait3A_1578 = arith.constant 0 : i32
      %dma_wait3A_1579 = tpu.memref_slice %arg49[%dma_wait3A_1578] : memref<100000xf32, #tpu.memory_space<vmem_shared>> -> memref<100000xf32, #tpu.memory_space<vmem_shared>>
      tpu.wait_indirect_dma semaphore(%arg43 : memref<!tpu.dma_semaphore, #tpu.memory_space<semaphore_mem>>) src(%dma_wait3A_1579 : memref<100000xf32, #tpu.memory_space<vmem_shared>>) dst(%dma_wait3A_1575 : memref<80xf32, #tpu.memory_space<vmem>>)
      %dma_wait3A_1580 = arith.constant 400 : i32
      %dma_wait3A_1581 = tpu.memref_slice %arg31[%dma_wait3A_1580] : memref<800xf32, #tpu.memory_space<vmem>> -> memref<80xf32, #tpu.memory_space<vmem>>
      %dma_wait3A_1582 = arith.constant 400 : i32
      %dma_wait3A_1583 = tpu.memref_slice %arg26[%dma_wait3A_1582] : memref<800xi32, #tpu.memory_space<vmem>> -> memref<80xi32, #tpu.memory_space<vmem>>
      %dma_wait3A_1584 = arith.constant 0 : i32
      %dma_wait3A_1585 = tpu.memref_slice %arg46[%dma_wait3A_1584] : memref<100000xf32, #tpu.memory_space<vmem_shared>> -> memref<100000xf32, #tpu.memory_space<vmem_shared>>
      tpu.wait_indirect_dma semaphore(%arg43 : memref<!tpu.dma_semaphore, #tpu.memory_space<semaphore_mem>>) src(%dma_wait3A_1585 : memref<100000xf32, #tpu.memory_space<vmem_shared>>) dst(%dma_wait3A_1581 : memref<80xf32, #tpu.memory_space<vmem>>)
      %dma_wait3A_1586 = arith.constant 400 : i32
      %dma_wait3A_1587 = tpu.memref_slice %arg32[%dma_wait3A_1586] : memref<800xf32, #tpu.memory_space<vmem>> -> memref<80xf32, #tpu.memory_space<vmem>>
      %dma_wait3A_1588 = arith.constant 400 : i32
      %dma_wait3A_1589 = tpu.memref_slice %arg26[%dma_wait3A_1588] : memref<800xi32, #tpu.memory_space<vmem>> -> memref<80xi32, #tpu.memory_space<vmem>>
      %dma_wait3A_1590 = arith.constant 0 : i32
      %dma_wait3A_1591 = tpu.memref_slice %arg47[%dma_wait3A_1590] : memref<100000xf32, #tpu.memory_space<vmem_shared>> -> memref<100000xf32, #tpu.memory_space<vmem_shared>>
      tpu.wait_indirect_dma semaphore(%arg43 : memref<!tpu.dma_semaphore, #tpu.memory_space<semaphore_mem>>) src(%dma_wait3A_1591 : memref<100000xf32, #tpu.memory_space<vmem_shared>>) dst(%dma_wait3A_1587 : memref<80xf32, #tpu.memory_space<vmem>>)
      %dma_wait3A_1592 = arith.constant 400 : i32
      %dma_wait3A_1593 = tpu.memref_slice %arg33[%dma_wait3A_1592] : memref<800xf32, #tpu.memory_space<vmem>> -> memref<80xf32, #tpu.memory_space<vmem>>
      %dma_wait3A_1594 = arith.constant 400 : i32
      %dma_wait3A_1595 = tpu.memref_slice %arg26[%dma_wait3A_1594] : memref<800xi32, #tpu.memory_space<vmem>> -> memref<80xi32, #tpu.memory_space<vmem>>
      %dma_wait3A_1596 = arith.constant 0 : i32
      %dma_wait3A_1597 = tpu.memref_slice %arg48[%dma_wait3A_1596] : memref<100000xf32, #tpu.memory_space<vmem_shared>> -> memref<100000xf32, #tpu.memory_space<vmem_shared>>
      tpu.wait_indirect_dma semaphore(%arg43 : memref<!tpu.dma_semaphore, #tpu.memory_space<semaphore_mem>>) src(%dma_wait3A_1597 : memref<100000xf32, #tpu.memory_space<vmem_shared>>) dst(%dma_wait3A_1593 : memref<80xf32, #tpu.memory_space<vmem>>)
      %dma_wait3A_1598 = arith.constant 400 : i32
      %dma_wait3A_1599 = tpu.memref_slice %arg34[%dma_wait3A_1598] : memref<800xf32, #tpu.memory_space<vmem>> -> memref<80xf32, #tpu.memory_space<vmem>>
      %dma_wait3A_1600 = arith.constant 400 : i32
      %dma_wait3A_1601 = tpu.memref_slice %arg27[%dma_wait3A_1600] : memref<800xi32, #tpu.memory_space<vmem>> -> memref<80xi32, #tpu.memory_space<vmem>>
      %dma_wait3A_1602 = arith.constant 0 : i32
      %dma_wait3A_1603 = tpu.memref_slice %arg46[%dma_wait3A_1602] : memref<100000xf32, #tpu.memory_space<vmem_shared>> -> memref<100000xf32, #tpu.memory_space<vmem_shared>>
      tpu.wait_indirect_dma semaphore(%arg43 : memref<!tpu.dma_semaphore, #tpu.memory_space<semaphore_mem>>) src(%dma_wait3A_1603 : memref<100000xf32, #tpu.memory_space<vmem_shared>>) dst(%dma_wait3A_1599 : memref<80xf32, #tpu.memory_space<vmem>>)
      %dma_wait3A_1604 = arith.constant 400 : i32
      %dma_wait3A_1605 = tpu.memref_slice %arg35[%dma_wait3A_1604] : memref<800xf32, #tpu.memory_space<vmem>> -> memref<80xf32, #tpu.memory_space<vmem>>
      %dma_wait3A_1606 = arith.constant 400 : i32
      %dma_wait3A_1607 = tpu.memref_slice %arg27[%dma_wait3A_1606] : memref<800xi32, #tpu.memory_space<vmem>> -> memref<80xi32, #tpu.memory_space<vmem>>
      %dma_wait3A_1608 = arith.constant 0 : i32
      %dma_wait3A_1609 = tpu.memref_slice %arg47[%dma_wait3A_1608] : memref<100000xf32, #tpu.memory_space<vmem_shared>> -> memref<100000xf32, #tpu.memory_space<vmem_shared>>
      tpu.wait_indirect_dma semaphore(%arg43 : memref<!tpu.dma_semaphore, #tpu.memory_space<semaphore_mem>>) src(%dma_wait3A_1609 : memref<100000xf32, #tpu.memory_space<vmem_shared>>) dst(%dma_wait3A_1605 : memref<80xf32, #tpu.memory_space<vmem>>)
      %dma_wait3A_1610 = arith.constant 400 : i32
      %dma_wait3A_1611 = tpu.memref_slice %arg36[%dma_wait3A_1610] : memref<800xf32, #tpu.memory_space<vmem>> -> memref<80xf32, #tpu.memory_space<vmem>>
      %dma_wait3A_1612 = arith.constant 400 : i32
      %dma_wait3A_1613 = tpu.memref_slice %arg27[%dma_wait3A_1612] : memref<800xi32, #tpu.memory_space<vmem>> -> memref<80xi32, #tpu.memory_space<vmem>>
      %dma_wait3A_1614 = arith.constant 0 : i32
      %dma_wait3A_1615 = tpu.memref_slice %arg48[%dma_wait3A_1614] : memref<100000xf32, #tpu.memory_space<vmem_shared>> -> memref<100000xf32, #tpu.memory_space<vmem_shared>>
      tpu.wait_indirect_dma semaphore(%arg43 : memref<!tpu.dma_semaphore, #tpu.memory_space<semaphore_mem>>) src(%dma_wait3A_1615 : memref<100000xf32, #tpu.memory_space<vmem_shared>>) dst(%dma_wait3A_1611 : memref<80xf32, #tpu.memory_space<vmem>>)
      %dma_wait3A_1616 = arith.constant 400 : i32
      %dma_wait3A_1617 = tpu.memref_slice %arg37[%dma_wait3A_1616] : memref<800xf32, #tpu.memory_space<vmem>> -> memref<80xf32, #tpu.memory_space<vmem>>
      %dma_wait3A_1618 = arith.constant 400 : i32
      %dma_wait3A_1619 = tpu.memref_slice %arg27[%dma_wait3A_1618] : memref<800xi32, #tpu.memory_space<vmem>> -> memref<80xi32, #tpu.memory_space<vmem>>
      %dma_wait3A_1620 = arith.constant 0 : i32
      %dma_wait3A_1621 = tpu.memref_slice %arg49[%dma_wait3A_1620] : memref<100000xf32, #tpu.memory_space<vmem_shared>> -> memref<100000xf32, #tpu.memory_space<vmem_shared>>
      tpu.wait_indirect_dma semaphore(%arg43 : memref<!tpu.dma_semaphore, #tpu.memory_space<semaphore_mem>>) src(%dma_wait3A_1621 : memref<100000xf32, #tpu.memory_space<vmem_shared>>) dst(%dma_wait3A_1617 : memref<80xf32, #tpu.memory_space<vmem>>)
      %dma_wait3A_1622 = arith.constant 480 : i32
      %dma_wait3A_1623 = tpu.memref_slice %arg31[%dma_wait3A_1622] : memref<800xf32, #tpu.memory_space<vmem>> -> memref<80xf32, #tpu.memory_space<vmem>>
      %dma_wait3A_1624 = arith.constant 480 : i32
      %dma_wait3A_1625 = tpu.memref_slice %arg26[%dma_wait3A_1624] : memref<800xi32, #tpu.memory_space<vmem>> -> memref<80xi32, #tpu.memory_space<vmem>>
      %dma_wait3A_1626 = arith.constant 0 : i32
      %dma_wait3A_1627 = tpu.memref_slice %arg46[%dma_wait3A_1626] : memref<100000xf32, #tpu.memory_space<vmem_shared>> -> memref<100000xf32, #tpu.memory_space<vmem_shared>>
      tpu.wait_indirect_dma semaphore(%arg43 : memref<!tpu.dma_semaphore, #tpu.memory_space<semaphore_mem>>) src(%dma_wait3A_1627 : memref<100000xf32, #tpu.memory_space<vmem_shared>>) dst(%dma_wait3A_1623 : memref<80xf32, #tpu.memory_space<vmem>>)
      %dma_wait3A_1628 = arith.constant 480 : i32
      %dma_wait3A_1629 = tpu.memref_slice %arg32[%dma_wait3A_1628] : memref<800xf32, #tpu.memory_space<vmem>> -> memref<80xf32, #tpu.memory_space<vmem>>
      %dma_wait3A_1630 = arith.constant 480 : i32
      %dma_wait3A_1631 = tpu.memref_slice %arg26[%dma_wait3A_1630] : memref<800xi32, #tpu.memory_space<vmem>> -> memref<80xi32, #tpu.memory_space<vmem>>
      %dma_wait3A_1632 = arith.constant 0 : i32
      %dma_wait3A_1633 = tpu.memref_slice %arg47[%dma_wait3A_1632] : memref<100000xf32, #tpu.memory_space<vmem_shared>> -> memref<100000xf32, #tpu.memory_space<vmem_shared>>
      tpu.wait_indirect_dma semaphore(%arg43 : memref<!tpu.dma_semaphore, #tpu.memory_space<semaphore_mem>>) src(%dma_wait3A_1633 : memref<100000xf32, #tpu.memory_space<vmem_shared>>) dst(%dma_wait3A_1629 : memref<80xf32, #tpu.memory_space<vmem>>)
      %dma_wait3A_1634 = arith.constant 480 : i32
      %dma_wait3A_1635 = tpu.memref_slice %arg33[%dma_wait3A_1634] : memref<800xf32, #tpu.memory_space<vmem>> -> memref<80xf32, #tpu.memory_space<vmem>>
      %dma_wait3A_1636 = arith.constant 480 : i32
      %dma_wait3A_1637 = tpu.memref_slice %arg26[%dma_wait3A_1636] : memref<800xi32, #tpu.memory_space<vmem>> -> memref<80xi32, #tpu.memory_space<vmem>>
      %dma_wait3A_1638 = arith.constant 0 : i32
      %dma_wait3A_1639 = tpu.memref_slice %arg48[%dma_wait3A_1638] : memref<100000xf32, #tpu.memory_space<vmem_shared>> -> memref<100000xf32, #tpu.memory_space<vmem_shared>>
      tpu.wait_indirect_dma semaphore(%arg43 : memref<!tpu.dma_semaphore, #tpu.memory_space<semaphore_mem>>) src(%dma_wait3A_1639 : memref<100000xf32, #tpu.memory_space<vmem_shared>>) dst(%dma_wait3A_1635 : memref<80xf32, #tpu.memory_space<vmem>>)
      %dma_wait3A_1640 = arith.constant 480 : i32
      %dma_wait3A_1641 = tpu.memref_slice %arg34[%dma_wait3A_1640] : memref<800xf32, #tpu.memory_space<vmem>> -> memref<80xf32, #tpu.memory_space<vmem>>
      %dma_wait3A_1642 = arith.constant 480 : i32
      %dma_wait3A_1643 = tpu.memref_slice %arg27[%dma_wait3A_1642] : memref<800xi32, #tpu.memory_space<vmem>> -> memref<80xi32, #tpu.memory_space<vmem>>
      %dma_wait3A_1644 = arith.constant 0 : i32
      %dma_wait3A_1645 = tpu.memref_slice %arg46[%dma_wait3A_1644] : memref<100000xf32, #tpu.memory_space<vmem_shared>> -> memref<100000xf32, #tpu.memory_space<vmem_shared>>
      tpu.wait_indirect_dma semaphore(%arg43 : memref<!tpu.dma_semaphore, #tpu.memory_space<semaphore_mem>>) src(%dma_wait3A_1645 : memref<100000xf32, #tpu.memory_space<vmem_shared>>) dst(%dma_wait3A_1641 : memref<80xf32, #tpu.memory_space<vmem>>)
      %dma_wait3A_1646 = arith.constant 480 : i32
      %dma_wait3A_1647 = tpu.memref_slice %arg35[%dma_wait3A_1646] : memref<800xf32, #tpu.memory_space<vmem>> -> memref<80xf32, #tpu.memory_space<vmem>>
      %dma_wait3A_1648 = arith.constant 480 : i32
      %dma_wait3A_1649 = tpu.memref_slice %arg27[%dma_wait3A_1648] : memref<800xi32, #tpu.memory_space<vmem>> -> memref<80xi32, #tpu.memory_space<vmem>>
      %dma_wait3A_1650 = arith.constant 0 : i32
      %dma_wait3A_1651 = tpu.memref_slice %arg47[%dma_wait3A_1650] : memref<100000xf32, #tpu.memory_space<vmem_shared>> -> memref<100000xf32, #tpu.memory_space<vmem_shared>>
      tpu.wait_indirect_dma semaphore(%arg43 : memref<!tpu.dma_semaphore, #tpu.memory_space<semaphore_mem>>) src(%dma_wait3A_1651 : memref<100000xf32, #tpu.memory_space<vmem_shared>>) dst(%dma_wait3A_1647 : memref<80xf32, #tpu.memory_space<vmem>>)
      %dma_wait3A_1652 = arith.constant 480 : i32
      %dma_wait3A_1653 = tpu.memref_slice %arg36[%dma_wait3A_1652] : memref<800xf32, #tpu.memory_space<vmem>> -> memref<80xf32, #tpu.memory_space<vmem>>
      %dma_wait3A_1654 = arith.constant 480 : i32
      %dma_wait3A_1655 = tpu.memref_slice %arg27[%dma_wait3A_1654] : memref<800xi32, #tpu.memory_space<vmem>> -> memref<80xi32, #tpu.memory_space<vmem>>
      %dma_wait3A_1656 = arith.constant 0 : i32
      %dma_wait3A_1657 = tpu.memref_slice %arg48[%dma_wait3A_1656] : memref<100000xf32, #tpu.memory_space<vmem_shared>> -> memref<100000xf32, #tpu.memory_space<vmem_shared>>
      tpu.wait_indirect_dma semaphore(%arg43 : memref<!tpu.dma_semaphore, #tpu.memory_space<semaphore_mem>>) src(%dma_wait3A_1657 : memref<100000xf32, #tpu.memory_space<vmem_shared>>) dst(%dma_wait3A_1653 : memref<80xf32, #tpu.memory_space<vmem>>)
      %dma_wait3A_1658 = arith.constant 480 : i32
      %dma_wait3A_1659 = tpu.memref_slice %arg37[%dma_wait3A_1658] : memref<800xf32, #tpu.memory_space<vmem>> -> memref<80xf32, #tpu.memory_space<vmem>>
      %dma_wait3A_1660 = arith.constant 480 : i32
      %dma_wait3A_1661 = tpu.memref_slice %arg27[%dma_wait3A_1660] : memref<800xi32, #tpu.memory_space<vmem>> -> memref<80xi32, #tpu.memory_space<vmem>>
      %dma_wait3A_1662 = arith.constant 0 : i32
      %dma_wait3A_1663 = tpu.memref_slice %arg49[%dma_wait3A_1662] : memref<100000xf32, #tpu.memory_space<vmem_shared>> -> memref<100000xf32, #tpu.memory_space<vmem_shared>>
      tpu.wait_indirect_dma semaphore(%arg43 : memref<!tpu.dma_semaphore, #tpu.memory_space<semaphore_mem>>) src(%dma_wait3A_1663 : memref<100000xf32, #tpu.memory_space<vmem_shared>>) dst(%dma_wait3A_1659 : memref<80xf32, #tpu.memory_space<vmem>>)
      %dma_wait3A_1664 = arith.constant 560 : i32
      %dma_wait3A_1665 = tpu.memref_slice %arg31[%dma_wait3A_1664] : memref<800xf32, #tpu.memory_space<vmem>> -> memref<80xf32, #tpu.memory_space<vmem>>
      %dma_wait3A_1666 = arith.constant 560 : i32
      %dma_wait3A_1667 = tpu.memref_slice %arg26[%dma_wait3A_1666] : memref<800xi32, #tpu.memory_space<vmem>> -> memref<80xi32, #tpu.memory_space<vmem>>
      %dma_wait3A_1668 = arith.constant 0 : i32
      %dma_wait3A_1669 = tpu.memref_slice %arg46[%dma_wait3A_1668] : memref<100000xf32, #tpu.memory_space<vmem_shared>> -> memref<100000xf32, #tpu.memory_space<vmem_shared>>
      tpu.wait_indirect_dma semaphore(%arg43 : memref<!tpu.dma_semaphore, #tpu.memory_space<semaphore_mem>>) src(%dma_wait3A_1669 : memref<100000xf32, #tpu.memory_space<vmem_shared>>) dst(%dma_wait3A_1665 : memref<80xf32, #tpu.memory_space<vmem>>)
      %dma_wait3A_1670 = arith.constant 560 : i32
      %dma_wait3A_1671 = tpu.memref_slice %arg32[%dma_wait3A_1670] : memref<800xf32, #tpu.memory_space<vmem>> -> memref<80xf32, #tpu.memory_space<vmem>>
      %dma_wait3A_1672 = arith.constant 560 : i32
      %dma_wait3A_1673 = tpu.memref_slice %arg26[%dma_wait3A_1672] : memref<800xi32, #tpu.memory_space<vmem>> -> memref<80xi32, #tpu.memory_space<vmem>>
      %dma_wait3A_1674 = arith.constant 0 : i32
      %dma_wait3A_1675 = tpu.memref_slice %arg47[%dma_wait3A_1674] : memref<100000xf32, #tpu.memory_space<vmem_shared>> -> memref<100000xf32, #tpu.memory_space<vmem_shared>>
      tpu.wait_indirect_dma semaphore(%arg43 : memref<!tpu.dma_semaphore, #tpu.memory_space<semaphore_mem>>) src(%dma_wait3A_1675 : memref<100000xf32, #tpu.memory_space<vmem_shared>>) dst(%dma_wait3A_1671 : memref<80xf32, #tpu.memory_space<vmem>>)
      %dma_wait3A_1676 = arith.constant 560 : i32
      %dma_wait3A_1677 = tpu.memref_slice %arg33[%dma_wait3A_1676] : memref<800xf32, #tpu.memory_space<vmem>> -> memref<80xf32, #tpu.memory_space<vmem>>
      %dma_wait3A_1678 = arith.constant 560 : i32
      %dma_wait3A_1679 = tpu.memref_slice %arg26[%dma_wait3A_1678] : memref<800xi32, #tpu.memory_space<vmem>> -> memref<80xi32, #tpu.memory_space<vmem>>
      %dma_wait3A_1680 = arith.constant 0 : i32
      %dma_wait3A_1681 = tpu.memref_slice %arg48[%dma_wait3A_1680] : memref<100000xf32, #tpu.memory_space<vmem_shared>> -> memref<100000xf32, #tpu.memory_space<vmem_shared>>
      tpu.wait_indirect_dma semaphore(%arg43 : memref<!tpu.dma_semaphore, #tpu.memory_space<semaphore_mem>>) src(%dma_wait3A_1681 : memref<100000xf32, #tpu.memory_space<vmem_shared>>) dst(%dma_wait3A_1677 : memref<80xf32, #tpu.memory_space<vmem>>)
      %dma_wait3A_1682 = arith.constant 560 : i32
      %dma_wait3A_1683 = tpu.memref_slice %arg34[%dma_wait3A_1682] : memref<800xf32, #tpu.memory_space<vmem>> -> memref<80xf32, #tpu.memory_space<vmem>>
      %dma_wait3A_1684 = arith.constant 560 : i32
      %dma_wait3A_1685 = tpu.memref_slice %arg27[%dma_wait3A_1684] : memref<800xi32, #tpu.memory_space<vmem>> -> memref<80xi32, #tpu.memory_space<vmem>>
      %dma_wait3A_1686 = arith.constant 0 : i32
      %dma_wait3A_1687 = tpu.memref_slice %arg46[%dma_wait3A_1686] : memref<100000xf32, #tpu.memory_space<vmem_shared>> -> memref<100000xf32, #tpu.memory_space<vmem_shared>>
      tpu.wait_indirect_dma semaphore(%arg43 : memref<!tpu.dma_semaphore, #tpu.memory_space<semaphore_mem>>) src(%dma_wait3A_1687 : memref<100000xf32, #tpu.memory_space<vmem_shared>>) dst(%dma_wait3A_1683 : memref<80xf32, #tpu.memory_space<vmem>>)
      %dma_wait3A_1688 = arith.constant 560 : i32
      %dma_wait3A_1689 = tpu.memref_slice %arg35[%dma_wait3A_1688] : memref<800xf32, #tpu.memory_space<vmem>> -> memref<80xf32, #tpu.memory_space<vmem>>
      %dma_wait3A_1690 = arith.constant 560 : i32
      %dma_wait3A_1691 = tpu.memref_slice %arg27[%dma_wait3A_1690] : memref<800xi32, #tpu.memory_space<vmem>> -> memref<80xi32, #tpu.memory_space<vmem>>
      %dma_wait3A_1692 = arith.constant 0 : i32
      %dma_wait3A_1693 = tpu.memref_slice %arg47[%dma_wait3A_1692] : memref<100000xf32, #tpu.memory_space<vmem_shared>> -> memref<100000xf32, #tpu.memory_space<vmem_shared>>
      tpu.wait_indirect_dma semaphore(%arg43 : memref<!tpu.dma_semaphore, #tpu.memory_space<semaphore_mem>>) src(%dma_wait3A_1693 : memref<100000xf32, #tpu.memory_space<vmem_shared>>) dst(%dma_wait3A_1689 : memref<80xf32, #tpu.memory_space<vmem>>)
      %dma_wait3A_1694 = arith.constant 560 : i32
      %dma_wait3A_1695 = tpu.memref_slice %arg36[%dma_wait3A_1694] : memref<800xf32, #tpu.memory_space<vmem>> -> memref<80xf32, #tpu.memory_space<vmem>>
      %dma_wait3A_1696 = arith.constant 560 : i32
      %dma_wait3A_1697 = tpu.memref_slice %arg27[%dma_wait3A_1696] : memref<800xi32, #tpu.memory_space<vmem>> -> memref<80xi32, #tpu.memory_space<vmem>>
      %dma_wait3A_1698 = arith.constant 0 : i32
      %dma_wait3A_1699 = tpu.memref_slice %arg48[%dma_wait3A_1698] : memref<100000xf32, #tpu.memory_space<vmem_shared>> -> memref<100000xf32, #tpu.memory_space<vmem_shared>>
      tpu.wait_indirect_dma semaphore(%arg43 : memref<!tpu.dma_semaphore, #tpu.memory_space<semaphore_mem>>) src(%dma_wait3A_1699 : memref<100000xf32, #tpu.memory_space<vmem_shared>>) dst(%dma_wait3A_1695 : memref<80xf32, #tpu.memory_space<vmem>>)
      %dma_wait3A_1700 = arith.constant 560 : i32
      %dma_wait3A_1701 = tpu.memref_slice %arg37[%dma_wait3A_1700] : memref<800xf32, #tpu.memory_space<vmem>> -> memref<80xf32, #tpu.memory_space<vmem>>
      %dma_wait3A_1702 = arith.constant 560 : i32
      %dma_wait3A_1703 = tpu.memref_slice %arg27[%dma_wait3A_1702] : memref<800xi32, #tpu.memory_space<vmem>> -> memref<80xi32, #tpu.memory_space<vmem>>
      %dma_wait3A_1704 = arith.constant 0 : i32
      %dma_wait3A_1705 = tpu.memref_slice %arg49[%dma_wait3A_1704] : memref<100000xf32, #tpu.memory_space<vmem_shared>> -> memref<100000xf32, #tpu.memory_space<vmem_shared>>
      tpu.wait_indirect_dma semaphore(%arg43 : memref<!tpu.dma_semaphore, #tpu.memory_space<semaphore_mem>>) src(%dma_wait3A_1705 : memref<100000xf32, #tpu.memory_space<vmem_shared>>) dst(%dma_wait3A_1701 : memref<80xf32, #tpu.memory_space<vmem>>)
      %dma_wait3A_1706 = arith.constant 640 : i32
      %dma_wait3A_1707 = tpu.memref_slice %arg31[%dma_wait3A_1706] : memref<800xf32, #tpu.memory_space<vmem>> -> memref<80xf32, #tpu.memory_space<vmem>>
      %dma_wait3A_1708 = arith.constant 640 : i32
      %dma_wait3A_1709 = tpu.memref_slice %arg26[%dma_wait3A_1708] : memref<800xi32, #tpu.memory_space<vmem>> -> memref<80xi32, #tpu.memory_space<vmem>>
      %dma_wait3A_1710 = arith.constant 0 : i32
      %dma_wait3A_1711 = tpu.memref_slice %arg46[%dma_wait3A_1710] : memref<100000xf32, #tpu.memory_space<vmem_shared>> -> memref<100000xf32, #tpu.memory_space<vmem_shared>>
      tpu.wait_indirect_dma semaphore(%arg43 : memref<!tpu.dma_semaphore, #tpu.memory_space<semaphore_mem>>) src(%dma_wait3A_1711 : memref<100000xf32, #tpu.memory_space<vmem_shared>>) dst(%dma_wait3A_1707 : memref<80xf32, #tpu.memory_space<vmem>>)
      %dma_wait3A_1712 = arith.constant 640 : i32
      %dma_wait3A_1713 = tpu.memref_slice %arg32[%dma_wait3A_1712] : memref<800xf32, #tpu.memory_space<vmem>> -> memref<80xf32, #tpu.memory_space<vmem>>
      %dma_wait3A_1714 = arith.constant 640 : i32
      %dma_wait3A_1715 = tpu.memref_slice %arg26[%dma_wait3A_1714] : memref<800xi32, #tpu.memory_space<vmem>> -> memref<80xi32, #tpu.memory_space<vmem>>
      %dma_wait3A_1716 = arith.constant 0 : i32
      %dma_wait3A_1717 = tpu.memref_slice %arg47[%dma_wait3A_1716] : memref<100000xf32, #tpu.memory_space<vmem_shared>> -> memref<100000xf32, #tpu.memory_space<vmem_shared>>
      tpu.wait_indirect_dma semaphore(%arg43 : memref<!tpu.dma_semaphore, #tpu.memory_space<semaphore_mem>>) src(%dma_wait3A_1717 : memref<100000xf32, #tpu.memory_space<vmem_shared>>) dst(%dma_wait3A_1713 : memref<80xf32, #tpu.memory_space<vmem>>)
      %dma_wait3A_1718 = arith.constant 640 : i32
      %dma_wait3A_1719 = tpu.memref_slice %arg33[%dma_wait3A_1718] : memref<800xf32, #tpu.memory_space<vmem>> -> memref<80xf32, #tpu.memory_space<vmem>>
      %dma_wait3A_1720 = arith.constant 640 : i32
      %dma_wait3A_1721 = tpu.memref_slice %arg26[%dma_wait3A_1720] : memref<800xi32, #tpu.memory_space<vmem>> -> memref<80xi32, #tpu.memory_space<vmem>>
      %dma_wait3A_1722 = arith.constant 0 : i32
      %dma_wait3A_1723 = tpu.memref_slice %arg48[%dma_wait3A_1722] : memref<100000xf32, #tpu.memory_space<vmem_shared>> -> memref<100000xf32, #tpu.memory_space<vmem_shared>>
      tpu.wait_indirect_dma semaphore(%arg43 : memref<!tpu.dma_semaphore, #tpu.memory_space<semaphore_mem>>) src(%dma_wait3A_1723 : memref<100000xf32, #tpu.memory_space<vmem_shared>>) dst(%dma_wait3A_1719 : memref<80xf32, #tpu.memory_space<vmem>>)
      %dma_wait3A_1724 = arith.constant 640 : i32
      %dma_wait3A_1725 = tpu.memref_slice %arg34[%dma_wait3A_1724] : memref<800xf32, #tpu.memory_space<vmem>> -> memref<80xf32, #tpu.memory_space<vmem>>
      %dma_wait3A_1726 = arith.constant 640 : i32
      %dma_wait3A_1727 = tpu.memref_slice %arg27[%dma_wait3A_1726] : memref<800xi32, #tpu.memory_space<vmem>> -> memref<80xi32, #tpu.memory_space<vmem>>
      %dma_wait3A_1728 = arith.constant 0 : i32
      %dma_wait3A_1729 = tpu.memref_slice %arg46[%dma_wait3A_1728] : memref<100000xf32, #tpu.memory_space<vmem_shared>> -> memref<100000xf32, #tpu.memory_space<vmem_shared>>
      tpu.wait_indirect_dma semaphore(%arg43 : memref<!tpu.dma_semaphore, #tpu.memory_space<semaphore_mem>>) src(%dma_wait3A_1729 : memref<100000xf32, #tpu.memory_space<vmem_shared>>) dst(%dma_wait3A_1725 : memref<80xf32, #tpu.memory_space<vmem>>)
      %dma_wait3A_1730 = arith.constant 640 : i32
      %dma_wait3A_1731 = tpu.memref_slice %arg35[%dma_wait3A_1730] : memref<800xf32, #tpu.memory_space<vmem>> -> memref<80xf32, #tpu.memory_space<vmem>>
      %dma_wait3A_1732 = arith.constant 640 : i32
      %dma_wait3A_1733 = tpu.memref_slice %arg27[%dma_wait3A_1732] : memref<800xi32, #tpu.memory_space<vmem>> -> memref<80xi32, #tpu.memory_space<vmem>>
      %dma_wait3A_1734 = arith.constant 0 : i32
      %dma_wait3A_1735 = tpu.memref_slice %arg47[%dma_wait3A_1734] : memref<100000xf32, #tpu.memory_space<vmem_shared>> -> memref<100000xf32, #tpu.memory_space<vmem_shared>>
      tpu.wait_indirect_dma semaphore(%arg43 : memref<!tpu.dma_semaphore, #tpu.memory_space<semaphore_mem>>) src(%dma_wait3A_1735 : memref<100000xf32, #tpu.memory_space<vmem_shared>>) dst(%dma_wait3A_1731 : memref<80xf32, #tpu.memory_space<vmem>>)
      %dma_wait3A_1736 = arith.constant 640 : i32
      %dma_wait3A_1737 = tpu.memref_slice %arg36[%dma_wait3A_1736] : memref<800xf32, #tpu.memory_space<vmem>> -> memref<80xf32, #tpu.memory_space<vmem>>
      %dma_wait3A_1738 = arith.constant 640 : i32
      %dma_wait3A_1739 = tpu.memref_slice %arg27[%dma_wait3A_1738] : memref<800xi32, #tpu.memory_space<vmem>> -> memref<80xi32, #tpu.memory_space<vmem>>
      %dma_wait3A_1740 = arith.constant 0 : i32
      %dma_wait3A_1741 = tpu.memref_slice %arg48[%dma_wait3A_1740] : memref<100000xf32, #tpu.memory_space<vmem_shared>> -> memref<100000xf32, #tpu.memory_space<vmem_shared>>
      tpu.wait_indirect_dma semaphore(%arg43 : memref<!tpu.dma_semaphore, #tpu.memory_space<semaphore_mem>>) src(%dma_wait3A_1741 : memref<100000xf32, #tpu.memory_space<vmem_shared>>) dst(%dma_wait3A_1737 : memref<80xf32, #tpu.memory_space<vmem>>)
      %dma_wait3A_1742 = arith.constant 640 : i32
      %dma_wait3A_1743 = tpu.memref_slice %arg37[%dma_wait3A_1742] : memref<800xf32, #tpu.memory_space<vmem>> -> memref<80xf32, #tpu.memory_space<vmem>>
      %dma_wait3A_1744 = arith.constant 640 : i32
      %dma_wait3A_1745 = tpu.memref_slice %arg27[%dma_wait3A_1744] : memref<800xi32, #tpu.memory_space<vmem>> -> memref<80xi32, #tpu.memory_space<vmem>>
      %dma_wait3A_1746 = arith.constant 0 : i32
      %dma_wait3A_1747 = tpu.memref_slice %arg49[%dma_wait3A_1746] : memref<100000xf32, #tpu.memory_space<vmem_shared>> -> memref<100000xf32, #tpu.memory_space<vmem_shared>>
      tpu.wait_indirect_dma semaphore(%arg43 : memref<!tpu.dma_semaphore, #tpu.memory_space<semaphore_mem>>) src(%dma_wait3A_1747 : memref<100000xf32, #tpu.memory_space<vmem_shared>>) dst(%dma_wait3A_1743 : memref<80xf32, #tpu.memory_space<vmem>>)
      %dma_wait3A_1748 = arith.constant 720 : i32
      %dma_wait3A_1749 = tpu.memref_slice %arg31[%dma_wait3A_1748] : memref<800xf32, #tpu.memory_space<vmem>> -> memref<80xf32, #tpu.memory_space<vmem>>
      %dma_wait3A_1750 = arith.constant 720 : i32
      %dma_wait3A_1751 = tpu.memref_slice %arg26[%dma_wait3A_1750] : memref<800xi32, #tpu.memory_space<vmem>> -> memref<80xi32, #tpu.memory_space<vmem>>
      %dma_wait3A_1752 = arith.constant 0 : i32
      %dma_wait3A_1753 = tpu.memref_slice %arg46[%dma_wait3A_1752] : memref<100000xf32, #tpu.memory_space<vmem_shared>> -> memref<100000xf32, #tpu.memory_space<vmem_shared>>
      tpu.wait_indirect_dma semaphore(%arg43 : memref<!tpu.dma_semaphore, #tpu.memory_space<semaphore_mem>>) src(%dma_wait3A_1753 : memref<100000xf32, #tpu.memory_space<vmem_shared>>) dst(%dma_wait3A_1749 : memref<80xf32, #tpu.memory_space<vmem>>)
      %dma_wait3A_1754 = arith.constant 720 : i32
      %dma_wait3A_1755 = tpu.memref_slice %arg32[%dma_wait3A_1754] : memref<800xf32, #tpu.memory_space<vmem>> -> memref<80xf32, #tpu.memory_space<vmem>>
      %dma_wait3A_1756 = arith.constant 720 : i32
      %dma_wait3A_1757 = tpu.memref_slice %arg26[%dma_wait3A_1756] : memref<800xi32, #tpu.memory_space<vmem>> -> memref<80xi32, #tpu.memory_space<vmem>>
      %dma_wait3A_1758 = arith.constant 0 : i32
      %dma_wait3A_1759 = tpu.memref_slice %arg47[%dma_wait3A_1758] : memref<100000xf32, #tpu.memory_space<vmem_shared>> -> memref<100000xf32, #tpu.memory_space<vmem_shared>>
      tpu.wait_indirect_dma semaphore(%arg43 : memref<!tpu.dma_semaphore, #tpu.memory_space<semaphore_mem>>) src(%dma_wait3A_1759 : memref<100000xf32, #tpu.memory_space<vmem_shared>>) dst(%dma_wait3A_1755 : memref<80xf32, #tpu.memory_space<vmem>>)
      %dma_wait3A_1760 = arith.constant 720 : i32
      %dma_wait3A_1761 = tpu.memref_slice %arg33[%dma_wait3A_1760] : memref<800xf32, #tpu.memory_space<vmem>> -> memref<80xf32, #tpu.memory_space<vmem>>
      %dma_wait3A_1762 = arith.constant 720 : i32
      %dma_wait3A_1763 = tpu.memref_slice %arg26[%dma_wait3A_1762] : memref<800xi32, #tpu.memory_space<vmem>> -> memref<80xi32, #tpu.memory_space<vmem>>
      %dma_wait3A_1764 = arith.constant 0 : i32
      %dma_wait3A_1765 = tpu.memref_slice %arg48[%dma_wait3A_1764] : memref<100000xf32, #tpu.memory_space<vmem_shared>> -> memref<100000xf32, #tpu.memory_space<vmem_shared>>
      tpu.wait_indirect_dma semaphore(%arg43 : memref<!tpu.dma_semaphore, #tpu.memory_space<semaphore_mem>>) src(%dma_wait3A_1765 : memref<100000xf32, #tpu.memory_space<vmem_shared>>) dst(%dma_wait3A_1761 : memref<80xf32, #tpu.memory_space<vmem>>)
      %dma_wait3A_1766 = arith.constant 720 : i32
      %dma_wait3A_1767 = tpu.memref_slice %arg34[%dma_wait3A_1766] : memref<800xf32, #tpu.memory_space<vmem>> -> memref<80xf32, #tpu.memory_space<vmem>>
      %dma_wait3A_1768 = arith.constant 720 : i32
      %dma_wait3A_1769 = tpu.memref_slice %arg27[%dma_wait3A_1768] : memref<800xi32, #tpu.memory_space<vmem>> -> memref<80xi32, #tpu.memory_space<vmem>>
      %dma_wait3A_1770 = arith.constant 0 : i32
      %dma_wait3A_1771 = tpu.memref_slice %arg46[%dma_wait3A_1770] : memref<100000xf32, #tpu.memory_space<vmem_shared>> -> memref<100000xf32, #tpu.memory_space<vmem_shared>>
      tpu.wait_indirect_dma semaphore(%arg43 : memref<!tpu.dma_semaphore, #tpu.memory_space<semaphore_mem>>) src(%dma_wait3A_1771 : memref<100000xf32, #tpu.memory_space<vmem_shared>>) dst(%dma_wait3A_1767 : memref<80xf32, #tpu.memory_space<vmem>>)
      %dma_wait3A_1772 = arith.constant 720 : i32
      %dma_wait3A_1773 = tpu.memref_slice %arg35[%dma_wait3A_1772] : memref<800xf32, #tpu.memory_space<vmem>> -> memref<80xf32, #tpu.memory_space<vmem>>
      %dma_wait3A_1774 = arith.constant 720 : i32
      %dma_wait3A_1775 = tpu.memref_slice %arg27[%dma_wait3A_1774] : memref<800xi32, #tpu.memory_space<vmem>> -> memref<80xi32, #tpu.memory_space<vmem>>
      %dma_wait3A_1776 = arith.constant 0 : i32
      %dma_wait3A_1777 = tpu.memref_slice %arg47[%dma_wait3A_1776] : memref<100000xf32, #tpu.memory_space<vmem_shared>> -> memref<100000xf32, #tpu.memory_space<vmem_shared>>
      tpu.wait_indirect_dma semaphore(%arg43 : memref<!tpu.dma_semaphore, #tpu.memory_space<semaphore_mem>>) src(%dma_wait3A_1777 : memref<100000xf32, #tpu.memory_space<vmem_shared>>) dst(%dma_wait3A_1773 : memref<80xf32, #tpu.memory_space<vmem>>)
      %dma_wait3A_1778 = arith.constant 720 : i32
      %dma_wait3A_1779 = tpu.memref_slice %arg36[%dma_wait3A_1778] : memref<800xf32, #tpu.memory_space<vmem>> -> memref<80xf32, #tpu.memory_space<vmem>>
      %dma_wait3A_1780 = arith.constant 720 : i32
      %dma_wait3A_1781 = tpu.memref_slice %arg27[%dma_wait3A_1780] : memref<800xi32, #tpu.memory_space<vmem>> -> memref<80xi32, #tpu.memory_space<vmem>>
      %dma_wait3A_1782 = arith.constant 0 : i32
      %dma_wait3A_1783 = tpu.memref_slice %arg48[%dma_wait3A_1782] : memref<100000xf32, #tpu.memory_space<vmem_shared>> -> memref<100000xf32, #tpu.memory_space<vmem_shared>>
      tpu.wait_indirect_dma semaphore(%arg43 : memref<!tpu.dma_semaphore, #tpu.memory_space<semaphore_mem>>) src(%dma_wait3A_1783 : memref<100000xf32, #tpu.memory_space<vmem_shared>>) dst(%dma_wait3A_1779 : memref<80xf32, #tpu.memory_space<vmem>>)
      %dma_wait3A_1784 = arith.constant 720 : i32
      %dma_wait3A_1785 = tpu.memref_slice %arg37[%dma_wait3A_1784] : memref<800xf32, #tpu.memory_space<vmem>> -> memref<80xf32, #tpu.memory_space<vmem>>
      %dma_wait3A_1786 = arith.constant 720 : i32
      %dma_wait3A_1787 = tpu.memref_slice %arg27[%dma_wait3A_1786] : memref<800xi32, #tpu.memory_space<vmem>> -> memref<80xi32, #tpu.memory_space<vmem>>
      %dma_wait3A_1788 = arith.constant 0 : i32
      %dma_wait3A_1789 = tpu.memref_slice %arg49[%dma_wait3A_1788] : memref<100000xf32, #tpu.memory_space<vmem_shared>> -> memref<100000xf32, #tpu.memory_space<vmem_shared>>
      tpu.wait_indirect_dma semaphore(%arg43 : memref<!tpu.dma_semaphore, #tpu.memory_space<semaphore_mem>>) src(%dma_wait3A_1789 : memref<100000xf32, #tpu.memory_space<vmem_shared>>) dst(%dma_wait3A_1785 : memref<80xf32, #tpu.memory_space<vmem>>)
      %ge3A_1790 = arith.constant 1 : i32
      %ge3A_1791 = arith.cmpi sge, %scan3A_483, %ge3A_1790 : i32
      %convert_element_type3A_1792 = arith.extui %ge3A_1791 : i1 to i32
      %cond3A_1793 = arith.constant 0 : i32
      %cond3A_1794 = arith.cmpi ne, %convert_element_type3A_1792, %cond3A_1793 : i32
      scf.if %cond3A_1794 {
        %dma_wait3A_1819 = arith.constant 0 : i32
        %dma_wait3A_1820 = tpu.memref_slice %arg12[%dma_wait3A_1819] : memref<6400000xf32, #tpu.memory_space<hbm>> -> memref<800xf32, #tpu.memory_space<hbm>>
        %dma_wait3A_1821 = arith.constant 0 : i32
        %dma_wait3A_1822 = tpu.memref_slice %arg12[%dma_wait3A_1821] : memref<6400000xf32, #tpu.memory_space<hbm>> -> memref<800xf32, #tpu.memory_space<hbm>>
        tpu.wait_dma2 semaphore(%arg45 : memref<!tpu.dma_semaphore, #tpu.memory_space<semaphore_mem>>) src(%arg38 : memref<800xf32, #tpu.memory_space<vmem>>) dst(%dma_wait3A_1822 : memref<800xf32, #tpu.memory_space<hbm>>)
      } else {
      }
      %lt3A_1795 = arith.constant 124 : i32
      %lt3A_1796 = arith.cmpi slt, %scan3A_483, %lt3A_1795 : i32
      %convert_element_type3A_1797 = arith.extui %lt3A_1796 : i1 to i32
      %cond3A_1798 = arith.constant 0 : i32
      %cond3A_1799 = arith.cmpi ne, %convert_element_type3A_1797, %cond3A_1798 : i32
      scf.if %cond3A_1799 {
        %dma_wait3A_1819 = arith.constant 0 : i32
        %dma_wait3A_1820 = tpu.memref_slice %arg6[%dma_wait3A_1819] : memref<6400000xi32, #tpu.memory_space<hbm>> -> memref<800xi32, #tpu.memory_space<hbm>>
        %dma_wait3A_1821 = arith.constant 0 : i32
        %dma_wait3A_1822 = tpu.memref_slice %arg6[%dma_wait3A_1821] : memref<6400000xi32, #tpu.memory_space<hbm>> -> memref<800xi32, #tpu.memory_space<hbm>>
        tpu.wait_dma2 semaphore(%arg40 : memref<!tpu.dma_semaphore, #tpu.memory_space<semaphore_mem>>) src(%dma_wait3A_1822 : memref<800xi32, #tpu.memory_space<hbm>>) dst(%arg13 : memref<800xi32, #tpu.memory_space<vmem>>)
        %dma_wait3A_1823 = arith.constant 0 : i32
        %dma_wait3A_1824 = tpu.memref_slice %arg7[%dma_wait3A_1823] : memref<6400000xi32, #tpu.memory_space<hbm>> -> memref<800xi32, #tpu.memory_space<hbm>>
        %dma_wait3A_1825 = arith.constant 0 : i32
        %dma_wait3A_1826 = tpu.memref_slice %arg7[%dma_wait3A_1825] : memref<6400000xi32, #tpu.memory_space<hbm>> -> memref<800xi32, #tpu.memory_space<hbm>>
        tpu.wait_dma2 semaphore(%arg40 : memref<!tpu.dma_semaphore, #tpu.memory_space<semaphore_mem>>) src(%dma_wait3A_1826 : memref<800xi32, #tpu.memory_space<hbm>>) dst(%arg14 : memref<800xi32, #tpu.memory_space<vmem>>)
        %dma_wait3A_1827 = arith.constant 0 : i32
        %dma_wait3A_1828 = tpu.memref_slice %arg8[%dma_wait3A_1827] : memref<6400000xf32, #tpu.memory_space<hbm>> -> memref<800xf32, #tpu.memory_space<hbm>>
        %dma_wait3A_1829 = arith.constant 0 : i32
        %dma_wait3A_1830 = tpu.memref_slice %arg8[%dma_wait3A_1829] : memref<6400000xf32, #tpu.memory_space<hbm>> -> memref<800xf32, #tpu.memory_space<hbm>>
        tpu.wait_dma2 semaphore(%arg40 : memref<!tpu.dma_semaphore, #tpu.memory_space<semaphore_mem>>) src(%dma_wait3A_1830 : memref<800xf32, #tpu.memory_space<hbm>>) dst(%arg15 : memref<800xf32, #tpu.memory_space<vmem>>)
        %dma_wait3A_1831 = arith.constant 0 : i32
        %dma_wait3A_1832 = tpu.memref_slice %arg9[%dma_wait3A_1831] : memref<6400000xf32, #tpu.memory_space<hbm>> -> memref<800xf32, #tpu.memory_space<hbm>>
        %dma_wait3A_1833 = arith.constant 0 : i32
        %dma_wait3A_1834 = tpu.memref_slice %arg9[%dma_wait3A_1833] : memref<6400000xf32, #tpu.memory_space<hbm>> -> memref<800xf32, #tpu.memory_space<hbm>>
        tpu.wait_dma2 semaphore(%arg40 : memref<!tpu.dma_semaphore, #tpu.memory_space<semaphore_mem>>) src(%dma_wait3A_1834 : memref<800xf32, #tpu.memory_space<hbm>>) dst(%arg16 : memref<800xf32, #tpu.memory_space<vmem>>)
        %dma_wait3A_1835 = arith.constant 0 : i32
        %dma_wait3A_1836 = tpu.memref_slice %arg10[%dma_wait3A_1835] : memref<6400000xf32, #tpu.memory_space<hbm>> -> memref<800xf32, #tpu.memory_space<hbm>>
        %dma_wait3A_1837 = arith.constant 0 : i32
        %dma_wait3A_1838 = tpu.memref_slice %arg10[%dma_wait3A_1837] : memref<6400000xf32, #tpu.memory_space<hbm>> -> memref<800xf32, #tpu.memory_space<hbm>>
        tpu.wait_dma2 semaphore(%arg40 : memref<!tpu.dma_semaphore, #tpu.memory_space<semaphore_mem>>) src(%dma_wait3A_1838 : memref<800xf32, #tpu.memory_space<hbm>>) dst(%arg17 : memref<800xf32, #tpu.memory_space<vmem>>)
        %dma_start3A_1839 = arith.constant 0 : i32
        %dma_start3A_1840 = tpu.memref_slice %arg18[%dma_start3A_1839] : memref<800xf32, #tpu.memory_space<vmem>> -> memref<80xf32, #tpu.memory_space<vmem>>
        %dma_start3A_1841 = arith.constant 0 : i32
        %dma_start3A_1842 = tpu.memref_slice %arg13[%dma_start3A_1841] : memref<800xi32, #tpu.memory_space<vmem>> -> memref<80xi32, #tpu.memory_space<vmem>>
        %dma_start3A_1843 = arith.constant 0 : i32
        %dma_start3A_1844 = tpu.memref_slice %arg46[%dma_start3A_1843] : memref<100000xf32, #tpu.memory_space<vmem_shared>> -> memref<100000xf32, #tpu.memory_space<vmem_shared>>
        tpu.enqueue_indirect_dma source(%dma_start3A_1844 : memref<100000xf32, #tpu.memory_space<vmem_shared>>) target(%dma_start3A_1840 : memref<80xf32, #tpu.memory_space<vmem>>) offsets(%dma_start3A_1842 : memref<80xi32, #tpu.memory_space<vmem>>) semaphore(%arg42 : memref<!tpu.dma_semaphore, #tpu.memory_space<semaphore_mem>>)
        %dma_start3A_1845 = arith.constant 0 : i32
        %dma_start3A_1846 = tpu.memref_slice %arg19[%dma_start3A_1845] : memref<800xf32, #tpu.memory_space<vmem>> -> memref<80xf32, #tpu.memory_space<vmem>>
        %dma_start3A_1847 = arith.constant 0 : i32
        %dma_start3A_1848 = tpu.memref_slice %arg13[%dma_start3A_1847] : memref<800xi32, #tpu.memory_space<vmem>> -> memref<80xi32, #tpu.memory_space<vmem>>
        %dma_start3A_1849 = arith.constant 0 : i32
        %dma_start3A_1850 = tpu.memref_slice %arg47[%dma_start3A_1849] : memref<100000xf32, #tpu.memory_space<vmem_shared>> -> memref<100000xf32, #tpu.memory_space<vmem_shared>>
        tpu.enqueue_indirect_dma source(%dma_start3A_1850 : memref<100000xf32, #tpu.memory_space<vmem_shared>>) target(%dma_start3A_1846 : memref<80xf32, #tpu.memory_space<vmem>>) offsets(%dma_start3A_1848 : memref<80xi32, #tpu.memory_space<vmem>>) semaphore(%arg42 : memref<!tpu.dma_semaphore, #tpu.memory_space<semaphore_mem>>)
        %dma_start3A_1851 = arith.constant 0 : i32
        %dma_start3A_1852 = tpu.memref_slice %arg20[%dma_start3A_1851] : memref<800xf32, #tpu.memory_space<vmem>> -> memref<80xf32, #tpu.memory_space<vmem>>
        %dma_start3A_1853 = arith.constant 0 : i32
        %dma_start3A_1854 = tpu.memref_slice %arg13[%dma_start3A_1853] : memref<800xi32, #tpu.memory_space<vmem>> -> memref<80xi32, #tpu.memory_space<vmem>>
        %dma_start3A_1855 = arith.constant 0 : i32
        %dma_start3A_1856 = tpu.memref_slice %arg48[%dma_start3A_1855] : memref<100000xf32, #tpu.memory_space<vmem_shared>> -> memref<100000xf32, #tpu.memory_space<vmem_shared>>
        tpu.enqueue_indirect_dma source(%dma_start3A_1856 : memref<100000xf32, #tpu.memory_space<vmem_shared>>) target(%dma_start3A_1852 : memref<80xf32, #tpu.memory_space<vmem>>) offsets(%dma_start3A_1854 : memref<80xi32, #tpu.memory_space<vmem>>) semaphore(%arg42 : memref<!tpu.dma_semaphore, #tpu.memory_space<semaphore_mem>>)
        %dma_start3A_1857 = arith.constant 0 : i32
        %dma_start3A_1858 = tpu.memref_slice %arg21[%dma_start3A_1857] : memref<800xf32, #tpu.memory_space<vmem>> -> memref<80xf32, #tpu.memory_space<vmem>>
        %dma_start3A_1859 = arith.constant 0 : i32
        %dma_start3A_1860 = tpu.memref_slice %arg14[%dma_start3A_1859] : memref<800xi32, #tpu.memory_space<vmem>> -> memref<80xi32, #tpu.memory_space<vmem>>
        %dma_start3A_1861 = arith.constant 0 : i32
        %dma_start3A_1862 = tpu.memref_slice %arg46[%dma_start3A_1861] : memref<100000xf32, #tpu.memory_space<vmem_shared>> -> memref<100000xf32, #tpu.memory_space<vmem_shared>>
        tpu.enqueue_indirect_dma source(%dma_start3A_1862 : memref<100000xf32, #tpu.memory_space<vmem_shared>>) target(%dma_start3A_1858 : memref<80xf32, #tpu.memory_space<vmem>>) offsets(%dma_start3A_1860 : memref<80xi32, #tpu.memory_space<vmem>>) semaphore(%arg42 : memref<!tpu.dma_semaphore, #tpu.memory_space<semaphore_mem>>)
        %dma_start3A_1863 = arith.constant 0 : i32
        %dma_start3A_1864 = tpu.memref_slice %arg22[%dma_start3A_1863] : memref<800xf32, #tpu.memory_space<vmem>> -> memref<80xf32, #tpu.memory_space<vmem>>
        %dma_start3A_1865 = arith.constant 0 : i32
        %dma_start3A_1866 = tpu.memref_slice %arg14[%dma_start3A_1865] : memref<800xi32, #tpu.memory_space<vmem>> -> memref<80xi32, #tpu.memory_space<vmem>>
        %dma_start3A_1867 = arith.constant 0 : i32
        %dma_start3A_1868 = tpu.memref_slice %arg47[%dma_start3A_1867] : memref<100000xf32, #tpu.memory_space<vmem_shared>> -> memref<100000xf32, #tpu.memory_space<vmem_shared>>
        tpu.enqueue_indirect_dma source(%dma_start3A_1868 : memref<100000xf32, #tpu.memory_space<vmem_shared>>) target(%dma_start3A_1864 : memref<80xf32, #tpu.memory_space<vmem>>) offsets(%dma_start3A_1866 : memref<80xi32, #tpu.memory_space<vmem>>) semaphore(%arg42 : memref<!tpu.dma_semaphore, #tpu.memory_space<semaphore_mem>>)
        %dma_start3A_1869 = arith.constant 0 : i32
        %dma_start3A_1870 = tpu.memref_slice %arg23[%dma_start3A_1869] : memref<800xf32, #tpu.memory_space<vmem>> -> memref<80xf32, #tpu.memory_space<vmem>>
        %dma_start3A_1871 = arith.constant 0 : i32
        %dma_start3A_1872 = tpu.memref_slice %arg14[%dma_start3A_1871] : memref<800xi32, #tpu.memory_space<vmem>> -> memref<80xi32, #tpu.memory_space<vmem>>
        %dma_start3A_1873 = arith.constant 0 : i32
        %dma_start3A_1874 = tpu.memref_slice %arg48[%dma_start3A_1873] : memref<100000xf32, #tpu.memory_space<vmem_shared>> -> memref<100000xf32, #tpu.memory_space<vmem_shared>>
        tpu.enqueue_indirect_dma source(%dma_start3A_1874 : memref<100000xf32, #tpu.memory_space<vmem_shared>>) target(%dma_start3A_1870 : memref<80xf32, #tpu.memory_space<vmem>>) offsets(%dma_start3A_1872 : memref<80xi32, #tpu.memory_space<vmem>>) semaphore(%arg42 : memref<!tpu.dma_semaphore, #tpu.memory_space<semaphore_mem>>)
        %dma_start3A_1875 = arith.constant 0 : i32
        %dma_start3A_1876 = tpu.memref_slice %arg24[%dma_start3A_1875] : memref<800xf32, #tpu.memory_space<vmem>> -> memref<80xf32, #tpu.memory_space<vmem>>
        %dma_start3A_1877 = arith.constant 0 : i32
        %dma_start3A_1878 = tpu.memref_slice %arg14[%dma_start3A_1877] : memref<800xi32, #tpu.memory_space<vmem>> -> memref<80xi32, #tpu.memory_space<vmem>>
        %dma_start3A_1879 = arith.constant 0 : i32
        %dma_start3A_1880 = tpu.memref_slice %arg49[%dma_start3A_1879] : memref<100000xf32, #tpu.memory_space<vmem_shared>> -> memref<100000xf32, #tpu.memory_space<vmem_shared>>
        tpu.enqueue_indirect_dma source(%dma_start3A_1880 : memref<100000xf32, #tpu.memory_space<vmem_shared>>) target(%dma_start3A_1876 : memref<80xf32, #tpu.memory_space<vmem>>) offsets(%dma_start3A_1878 : memref<80xi32, #tpu.memory_space<vmem>>) semaphore(%arg42 : memref<!tpu.dma_semaphore, #tpu.memory_space<semaphore_mem>>)
        %dma_start3A_1881 = arith.constant 80 : i32
        %dma_start3A_1882 = tpu.memref_slice %arg18[%dma_start3A_1881] : memref<800xf32, #tpu.memory_space<vmem>> -> memref<80xf32, #tpu.memory_space<vmem>>
        %dma_start3A_1883 = arith.constant 80 : i32
        %dma_start3A_1884 = tpu.memref_slice %arg13[%dma_start3A_1883] : memref<800xi32, #tpu.memory_space<vmem>> -> memref<80xi32, #tpu.memory_space<vmem>>
        %dma_start3A_1885 = arith.constant 0 : i32
        %dma_start3A_1886 = tpu.memref_slice %arg46[%dma_start3A_1885] : memref<100000xf32, #tpu.memory_space<vmem_shared>> -> memref<100000xf32, #tpu.memory_space<vmem_shared>>
        tpu.enqueue_indirect_dma source(%dma_start3A_1886 : memref<100000xf32, #tpu.memory_space<vmem_shared>>) target(%dma_start3A_1882 : memref<80xf32, #tpu.memory_space<vmem>>) offsets(%dma_start3A_1884 : memref<80xi32, #tpu.memory_space<vmem>>) semaphore(%arg42 : memref<!tpu.dma_semaphore, #tpu.memory_space<semaphore_mem>>)
        %dma_start3A_1887 = arith.constant 80 : i32
        %dma_start3A_1888 = tpu.memref_slice %arg19[%dma_start3A_1887] : memref<800xf32, #tpu.memory_space<vmem>> -> memref<80xf32, #tpu.memory_space<vmem>>
        %dma_start3A_1889 = arith.constant 80 : i32
        %dma_start3A_1890 = tpu.memref_slice %arg13[%dma_start3A_1889] : memref<800xi32, #tpu.memory_space<vmem>> -> memref<80xi32, #tpu.memory_space<vmem>>
        %dma_start3A_1891 = arith.constant 0 : i32
        %dma_start3A_1892 = tpu.memref_slice %arg47[%dma_start3A_1891] : memref<100000xf32, #tpu.memory_space<vmem_shared>> -> memref<100000xf32, #tpu.memory_space<vmem_shared>>
        tpu.enqueue_indirect_dma source(%dma_start3A_1892 : memref<100000xf32, #tpu.memory_space<vmem_shared>>) target(%dma_start3A_1888 : memref<80xf32, #tpu.memory_space<vmem>>) offsets(%dma_start3A_1890 : memref<80xi32, #tpu.memory_space<vmem>>) semaphore(%arg42 : memref<!tpu.dma_semaphore, #tpu.memory_space<semaphore_mem>>)
        %dma_start3A_1893 = arith.constant 80 : i32
        %dma_start3A_1894 = tpu.memref_slice %arg20[%dma_start3A_1893] : memref<800xf32, #tpu.memory_space<vmem>> -> memref<80xf32, #tpu.memory_space<vmem>>
        %dma_start3A_1895 = arith.constant 80 : i32
        %dma_start3A_1896 = tpu.memref_slice %arg13[%dma_start3A_1895] : memref<800xi32, #tpu.memory_space<vmem>> -> memref<80xi32, #tpu.memory_space<vmem>>
        %dma_start3A_1897 = arith.constant 0 : i32
        %dma_start3A_1898 = tpu.memref_slice %arg48[%dma_start3A_1897] : memref<100000xf32, #tpu.memory_space<vmem_shared>> -> memref<100000xf32, #tpu.memory_space<vmem_shared>>
        tpu.enqueue_indirect_dma source(%dma_start3A_1898 : memref<100000xf32, #tpu.memory_space<vmem_shared>>) target(%dma_start3A_1894 : memref<80xf32, #tpu.memory_space<vmem>>) offsets(%dma_start3A_1896 : memref<80xi32, #tpu.memory_space<vmem>>) semaphore(%arg42 : memref<!tpu.dma_semaphore, #tpu.memory_space<semaphore_mem>>)
        %dma_start3A_1899 = arith.constant 80 : i32
        %dma_start3A_1900 = tpu.memref_slice %arg21[%dma_start3A_1899] : memref<800xf32, #tpu.memory_space<vmem>> -> memref<80xf32, #tpu.memory_space<vmem>>
        %dma_start3A_1901 = arith.constant 80 : i32
        %dma_start3A_1902 = tpu.memref_slice %arg14[%dma_start3A_1901] : memref<800xi32, #tpu.memory_space<vmem>> -> memref<80xi32, #tpu.memory_space<vmem>>
        %dma_start3A_1903 = arith.constant 0 : i32
        %dma_start3A_1904 = tpu.memref_slice %arg46[%dma_start3A_1903] : memref<100000xf32, #tpu.memory_space<vmem_shared>> -> memref<100000xf32, #tpu.memory_space<vmem_shared>>
        tpu.enqueue_indirect_dma source(%dma_start3A_1904 : memref<100000xf32, #tpu.memory_space<vmem_shared>>) target(%dma_start3A_1900 : memref<80xf32, #tpu.memory_space<vmem>>) offsets(%dma_start3A_1902 : memref<80xi32, #tpu.memory_space<vmem>>) semaphore(%arg42 : memref<!tpu.dma_semaphore, #tpu.memory_space<semaphore_mem>>)
        %dma_start3A_1905 = arith.constant 80 : i32
        %dma_start3A_1906 = tpu.memref_slice %arg22[%dma_start3A_1905] : memref<800xf32, #tpu.memory_space<vmem>> -> memref<80xf32, #tpu.memory_space<vmem>>
        %dma_start3A_1907 = arith.constant 80 : i32
        %dma_start3A_1908 = tpu.memref_slice %arg14[%dma_start3A_1907] : memref<800xi32, #tpu.memory_space<vmem>> -> memref<80xi32, #tpu.memory_space<vmem>>
        %dma_start3A_1909 = arith.constant 0 : i32
        %dma_start3A_1910 = tpu.memref_slice %arg47[%dma_start3A_1909] : memref<100000xf32, #tpu.memory_space<vmem_shared>> -> memref<100000xf32, #tpu.memory_space<vmem_shared>>
        tpu.enqueue_indirect_dma source(%dma_start3A_1910 : memref<100000xf32, #tpu.memory_space<vmem_shared>>) target(%dma_start3A_1906 : memref<80xf32, #tpu.memory_space<vmem>>) offsets(%dma_start3A_1908 : memref<80xi32, #tpu.memory_space<vmem>>) semaphore(%arg42 : memref<!tpu.dma_semaphore, #tpu.memory_space<semaphore_mem>>)
        %dma_start3A_1911 = arith.constant 80 : i32
        %dma_start3A_1912 = tpu.memref_slice %arg23[%dma_start3A_1911] : memref<800xf32, #tpu.memory_space<vmem>> -> memref<80xf32, #tpu.memory_space<vmem>>
        %dma_start3A_1913 = arith.constant 80 : i32
        %dma_start3A_1914 = tpu.memref_slice %arg14[%dma_start3A_1913] : memref<800xi32, #tpu.memory_space<vmem>> -> memref<80xi32, #tpu.memory_space<vmem>>
        %dma_start3A_1915 = arith.constant 0 : i32
        %dma_start3A_1916 = tpu.memref_slice %arg48[%dma_start3A_1915] : memref<100000xf32, #tpu.memory_space<vmem_shared>> -> memref<100000xf32, #tpu.memory_space<vmem_shared>>
        tpu.enqueue_indirect_dma source(%dma_start3A_1916 : memref<100000xf32, #tpu.memory_space<vmem_shared>>) target(%dma_start3A_1912 : memref<80xf32, #tpu.memory_space<vmem>>) offsets(%dma_start3A_1914 : memref<80xi32, #tpu.memory_space<vmem>>) semaphore(%arg42 : memref<!tpu.dma_semaphore, #tpu.memory_space<semaphore_mem>>)
        %dma_start3A_1917 = arith.constant 80 : i32
        %dma_start3A_1918 = tpu.memref_slice %arg24[%dma_start3A_1917] : memref<800xf32, #tpu.memory_space<vmem>> -> memref<80xf32, #tpu.memory_space<vmem>>
        %dma_start3A_1919 = arith.constant 80 : i32
        %dma_start3A_1920 = tpu.memref_slice %arg14[%dma_start3A_1919] : memref<800xi32, #tpu.memory_space<vmem>> -> memref<80xi32, #tpu.memory_space<vmem>>
        %dma_start3A_1921 = arith.constant 0 : i32
        %dma_start3A_1922 = tpu.memref_slice %arg49[%dma_start3A_1921] : memref<100000xf32, #tpu.memory_space<vmem_shared>> -> memref<100000xf32, #tpu.memory_space<vmem_shared>>
        tpu.enqueue_indirect_dma source(%dma_start3A_1922 : memref<100000xf32, #tpu.memory_space<vmem_shared>>) target(%dma_start3A_1918 : memref<80xf32, #tpu.memory_space<vmem>>) offsets(%dma_start3A_1920 : memref<80xi32, #tpu.memory_space<vmem>>) semaphore(%arg42 : memref<!tpu.dma_semaphore, #tpu.memory_space<semaphore_mem>>)
        %dma_start3A_1923 = arith.constant 160 : i32
        %dma_start3A_1924 = tpu.memref_slice %arg18[%dma_start3A_1923] : memref<800xf32, #tpu.memory_space<vmem>> -> memref<80xf32, #tpu.memory_space<vmem>>
        %dma_start3A_1925 = arith.constant 160 : i32
        %dma_start3A_1926 = tpu.memref_slice %arg13[%dma_start3A_1925] : memref<800xi32, #tpu.memory_space<vmem>> -> memref<80xi32, #tpu.memory_space<vmem>>
        %dma_start3A_1927 = arith.constant 0 : i32
        %dma_start3A_1928 = tpu.memref_slice %arg46[%dma_start3A_1927] : memref<100000xf32, #tpu.memory_space<vmem_shared>> -> memref<100000xf32, #tpu.memory_space<vmem_shared>>
        tpu.enqueue_indirect_dma source(%dma_start3A_1928 : memref<100000xf32, #tpu.memory_space<vmem_shared>>) target(%dma_start3A_1924 : memref<80xf32, #tpu.memory_space<vmem>>) offsets(%dma_start3A_1926 : memref<80xi32, #tpu.memory_space<vmem>>) semaphore(%arg42 : memref<!tpu.dma_semaphore, #tpu.memory_space<semaphore_mem>>)
        %dma_start3A_1929 = arith.constant 160 : i32
        %dma_start3A_1930 = tpu.memref_slice %arg19[%dma_start3A_1929] : memref<800xf32, #tpu.memory_space<vmem>> -> memref<80xf32, #tpu.memory_space<vmem>>
        %dma_start3A_1931 = arith.constant 160 : i32
        %dma_start3A_1932 = tpu.memref_slice %arg13[%dma_start3A_1931] : memref<800xi32, #tpu.memory_space<vmem>> -> memref<80xi32, #tpu.memory_space<vmem>>
        %dma_start3A_1933 = arith.constant 0 : i32
        %dma_start3A_1934 = tpu.memref_slice %arg47[%dma_start3A_1933] : memref<100000xf32, #tpu.memory_space<vmem_shared>> -> memref<100000xf32, #tpu.memory_space<vmem_shared>>
        tpu.enqueue_indirect_dma source(%dma_start3A_1934 : memref<100000xf32, #tpu.memory_space<vmem_shared>>) target(%dma_start3A_1930 : memref<80xf32, #tpu.memory_space<vmem>>) offsets(%dma_start3A_1932 : memref<80xi32, #tpu.memory_space<vmem>>) semaphore(%arg42 : memref<!tpu.dma_semaphore, #tpu.memory_space<semaphore_mem>>)
        %dma_start3A_1935 = arith.constant 160 : i32
        %dma_start3A_1936 = tpu.memref_slice %arg20[%dma_start3A_1935] : memref<800xf32, #tpu.memory_space<vmem>> -> memref<80xf32, #tpu.memory_space<vmem>>
        %dma_start3A_1937 = arith.constant 160 : i32
        %dma_start3A_1938 = tpu.memref_slice %arg13[%dma_start3A_1937] : memref<800xi32, #tpu.memory_space<vmem>> -> memref<80xi32, #tpu.memory_space<vmem>>
        %dma_start3A_1939 = arith.constant 0 : i32
        %dma_start3A_1940 = tpu.memref_slice %arg48[%dma_start3A_1939] : memref<100000xf32, #tpu.memory_space<vmem_shared>> -> memref<100000xf32, #tpu.memory_space<vmem_shared>>
        tpu.enqueue_indirect_dma source(%dma_start3A_1940 : memref<100000xf32, #tpu.memory_space<vmem_shared>>) target(%dma_start3A_1936 : memref<80xf32, #tpu.memory_space<vmem>>) offsets(%dma_start3A_1938 : memref<80xi32, #tpu.memory_space<vmem>>) semaphore(%arg42 : memref<!tpu.dma_semaphore, #tpu.memory_space<semaphore_mem>>)
        %dma_start3A_1941 = arith.constant 160 : i32
        %dma_start3A_1942 = tpu.memref_slice %arg21[%dma_start3A_1941] : memref<800xf32, #tpu.memory_space<vmem>> -> memref<80xf32, #tpu.memory_space<vmem>>
        %dma_start3A_1943 = arith.constant 160 : i32
        %dma_start3A_1944 = tpu.memref_slice %arg14[%dma_start3A_1943] : memref<800xi32, #tpu.memory_space<vmem>> -> memref<80xi32, #tpu.memory_space<vmem>>
        %dma_start3A_1945 = arith.constant 0 : i32
        %dma_start3A_1946 = tpu.memref_slice %arg46[%dma_start3A_1945] : memref<100000xf32, #tpu.memory_space<vmem_shared>> -> memref<100000xf32, #tpu.memory_space<vmem_shared>>
        tpu.enqueue_indirect_dma source(%dma_start3A_1946 : memref<100000xf32, #tpu.memory_space<vmem_shared>>) target(%dma_start3A_1942 : memref<80xf32, #tpu.memory_space<vmem>>) offsets(%dma_start3A_1944 : memref<80xi32, #tpu.memory_space<vmem>>) semaphore(%arg42 : memref<!tpu.dma_semaphore, #tpu.memory_space<semaphore_mem>>)
        %dma_start3A_1947 = arith.constant 160 : i32
        %dma_start3A_1948 = tpu.memref_slice %arg22[%dma_start3A_1947] : memref<800xf32, #tpu.memory_space<vmem>> -> memref<80xf32, #tpu.memory_space<vmem>>
        %dma_start3A_1949 = arith.constant 160 : i32
        %dma_start3A_1950 = tpu.memref_slice %arg14[%dma_start3A_1949] : memref<800xi32, #tpu.memory_space<vmem>> -> memref<80xi32, #tpu.memory_space<vmem>>
        %dma_start3A_1951 = arith.constant 0 : i32
        %dma_start3A_1952 = tpu.memref_slice %arg47[%dma_start3A_1951] : memref<100000xf32, #tpu.memory_space<vmem_shared>> -> memref<100000xf32, #tpu.memory_space<vmem_shared>>
        tpu.enqueue_indirect_dma source(%dma_start3A_1952 : memref<100000xf32, #tpu.memory_space<vmem_shared>>) target(%dma_start3A_1948 : memref<80xf32, #tpu.memory_space<vmem>>) offsets(%dma_start3A_1950 : memref<80xi32, #tpu.memory_space<vmem>>) semaphore(%arg42 : memref<!tpu.dma_semaphore, #tpu.memory_space<semaphore_mem>>)
        %dma_start3A_1953 = arith.constant 160 : i32
        %dma_start3A_1954 = tpu.memref_slice %arg23[%dma_start3A_1953] : memref<800xf32, #tpu.memory_space<vmem>> -> memref<80xf32, #tpu.memory_space<vmem>>
        %dma_start3A_1955 = arith.constant 160 : i32
        %dma_start3A_1956 = tpu.memref_slice %arg14[%dma_start3A_1955] : memref<800xi32, #tpu.memory_space<vmem>> -> memref<80xi32, #tpu.memory_space<vmem>>
        %dma_start3A_1957 = arith.constant 0 : i32
        %dma_start3A_1958 = tpu.memref_slice %arg48[%dma_start3A_1957] : memref<100000xf32, #tpu.memory_space<vmem_shared>> -> memref<100000xf32, #tpu.memory_space<vmem_shared>>
        tpu.enqueue_indirect_dma source(%dma_start3A_1958 : memref<100000xf32, #tpu.memory_space<vmem_shared>>) target(%dma_start3A_1954 : memref<80xf32, #tpu.memory_space<vmem>>) offsets(%dma_start3A_1956 : memref<80xi32, #tpu.memory_space<vmem>>) semaphore(%arg42 : memref<!tpu.dma_semaphore, #tpu.memory_space<semaphore_mem>>)
        %dma_start3A_1959 = arith.constant 160 : i32
        %dma_start3A_1960 = tpu.memref_slice %arg24[%dma_start3A_1959] : memref<800xf32, #tpu.memory_space<vmem>> -> memref<80xf32, #tpu.memory_space<vmem>>
        %dma_start3A_1961 = arith.constant 160 : i32
        %dma_start3A_1962 = tpu.memref_slice %arg14[%dma_start3A_1961] : memref<800xi32, #tpu.memory_space<vmem>> -> memref<80xi32, #tpu.memory_space<vmem>>
        %dma_start3A_1963 = arith.constant 0 : i32
        %dma_start3A_1964 = tpu.memref_slice %arg49[%dma_start3A_1963] : memref<100000xf32, #tpu.memory_space<vmem_shared>> -> memref<100000xf32, #tpu.memory_space<vmem_shared>>
        tpu.enqueue_indirect_dma source(%dma_start3A_1964 : memref<100000xf32, #tpu.memory_space<vmem_shared>>) target(%dma_start3A_1960 : memref<80xf32, #tpu.memory_space<vmem>>) offsets(%dma_start3A_1962 : memref<80xi32, #tpu.memory_space<vmem>>) semaphore(%arg42 : memref<!tpu.dma_semaphore, #tpu.memory_space<semaphore_mem>>)
        %dma_start3A_1965 = arith.constant 240 : i32
        %dma_start3A_1966 = tpu.memref_slice %arg18[%dma_start3A_1965] : memref<800xf32, #tpu.memory_space<vmem>> -> memref<80xf32, #tpu.memory_space<vmem>>
        %dma_start3A_1967 = arith.constant 240 : i32
        %dma_start3A_1968 = tpu.memref_slice %arg13[%dma_start3A_1967] : memref<800xi32, #tpu.memory_space<vmem>> -> memref<80xi32, #tpu.memory_space<vmem>>
        %dma_start3A_1969 = arith.constant 0 : i32
        %dma_start3A_1970 = tpu.memref_slice %arg46[%dma_start3A_1969] : memref<100000xf32, #tpu.memory_space<vmem_shared>> -> memref<100000xf32, #tpu.memory_space<vmem_shared>>
        tpu.enqueue_indirect_dma source(%dma_start3A_1970 : memref<100000xf32, #tpu.memory_space<vmem_shared>>) target(%dma_start3A_1966 : memref<80xf32, #tpu.memory_space<vmem>>) offsets(%dma_start3A_1968 : memref<80xi32, #tpu.memory_space<vmem>>) semaphore(%arg42 : memref<!tpu.dma_semaphore, #tpu.memory_space<semaphore_mem>>)
        %dma_start3A_1971 = arith.constant 240 : i32
        %dma_start3A_1972 = tpu.memref_slice %arg19[%dma_start3A_1971] : memref<800xf32, #tpu.memory_space<vmem>> -> memref<80xf32, #tpu.memory_space<vmem>>
        %dma_start3A_1973 = arith.constant 240 : i32
        %dma_start3A_1974 = tpu.memref_slice %arg13[%dma_start3A_1973] : memref<800xi32, #tpu.memory_space<vmem>> -> memref<80xi32, #tpu.memory_space<vmem>>
        %dma_start3A_1975 = arith.constant 0 : i32
        %dma_start3A_1976 = tpu.memref_slice %arg47[%dma_start3A_1975] : memref<100000xf32, #tpu.memory_space<vmem_shared>> -> memref<100000xf32, #tpu.memory_space<vmem_shared>>
        tpu.enqueue_indirect_dma source(%dma_start3A_1976 : memref<100000xf32, #tpu.memory_space<vmem_shared>>) target(%dma_start3A_1972 : memref<80xf32, #tpu.memory_space<vmem>>) offsets(%dma_start3A_1974 : memref<80xi32, #tpu.memory_space<vmem>>) semaphore(%arg42 : memref<!tpu.dma_semaphore, #tpu.memory_space<semaphore_mem>>)
        %dma_start3A_1977 = arith.constant 240 : i32
        %dma_start3A_1978 = tpu.memref_slice %arg20[%dma_start3A_1977] : memref<800xf32, #tpu.memory_space<vmem>> -> memref<80xf32, #tpu.memory_space<vmem>>
        %dma_start3A_1979 = arith.constant 240 : i32
        %dma_start3A_1980 = tpu.memref_slice %arg13[%dma_start3A_1979] : memref<800xi32, #tpu.memory_space<vmem>> -> memref<80xi32, #tpu.memory_space<vmem>>
        %dma_start3A_1981 = arith.constant 0 : i32
        %dma_start3A_1982 = tpu.memref_slice %arg48[%dma_start3A_1981] : memref<100000xf32, #tpu.memory_space<vmem_shared>> -> memref<100000xf32, #tpu.memory_space<vmem_shared>>
        tpu.enqueue_indirect_dma source(%dma_start3A_1982 : memref<100000xf32, #tpu.memory_space<vmem_shared>>) target(%dma_start3A_1978 : memref<80xf32, #tpu.memory_space<vmem>>) offsets(%dma_start3A_1980 : memref<80xi32, #tpu.memory_space<vmem>>) semaphore(%arg42 : memref<!tpu.dma_semaphore, #tpu.memory_space<semaphore_mem>>)
        %dma_start3A_1983 = arith.constant 240 : i32
        %dma_start3A_1984 = tpu.memref_slice %arg21[%dma_start3A_1983] : memref<800xf32, #tpu.memory_space<vmem>> -> memref<80xf32, #tpu.memory_space<vmem>>
        %dma_start3A_1985 = arith.constant 240 : i32
        %dma_start3A_1986 = tpu.memref_slice %arg14[%dma_start3A_1985] : memref<800xi32, #tpu.memory_space<vmem>> -> memref<80xi32, #tpu.memory_space<vmem>>
        %dma_start3A_1987 = arith.constant 0 : i32
        %dma_start3A_1988 = tpu.memref_slice %arg46[%dma_start3A_1987] : memref<100000xf32, #tpu.memory_space<vmem_shared>> -> memref<100000xf32, #tpu.memory_space<vmem_shared>>
        tpu.enqueue_indirect_dma source(%dma_start3A_1988 : memref<100000xf32, #tpu.memory_space<vmem_shared>>) target(%dma_start3A_1984 : memref<80xf32, #tpu.memory_space<vmem>>) offsets(%dma_start3A_1986 : memref<80xi32, #tpu.memory_space<vmem>>) semaphore(%arg42 : memref<!tpu.dma_semaphore, #tpu.memory_space<semaphore_mem>>)
        %dma_start3A_1989 = arith.constant 240 : i32
        %dma_start3A_1990 = tpu.memref_slice %arg22[%dma_start3A_1989] : memref<800xf32, #tpu.memory_space<vmem>> -> memref<80xf32, #tpu.memory_space<vmem>>
        %dma_start3A_1991 = arith.constant 240 : i32
        %dma_start3A_1992 = tpu.memref_slice %arg14[%dma_start3A_1991] : memref<800xi32, #tpu.memory_space<vmem>> -> memref<80xi32, #tpu.memory_space<vmem>>
        %dma_start3A_1993 = arith.constant 0 : i32
        %dma_start3A_1994 = tpu.memref_slice %arg47[%dma_start3A_1993] : memref<100000xf32, #tpu.memory_space<vmem_shared>> -> memref<100000xf32, #tpu.memory_space<vmem_shared>>
        tpu.enqueue_indirect_dma source(%dma_start3A_1994 : memref<100000xf32, #tpu.memory_space<vmem_shared>>) target(%dma_start3A_1990 : memref<80xf32, #tpu.memory_space<vmem>>) offsets(%dma_start3A_1992 : memref<80xi32, #tpu.memory_space<vmem>>) semaphore(%arg42 : memref<!tpu.dma_semaphore, #tpu.memory_space<semaphore_mem>>)
        %dma_start3A_1995 = arith.constant 240 : i32
        %dma_start3A_1996 = tpu.memref_slice %arg23[%dma_start3A_1995] : memref<800xf32, #tpu.memory_space<vmem>> -> memref<80xf32, #tpu.memory_space<vmem>>
        %dma_start3A_1997 = arith.constant 240 : i32
        %dma_start3A_1998 = tpu.memref_slice %arg14[%dma_start3A_1997] : memref<800xi32, #tpu.memory_space<vmem>> -> memref<80xi32, #tpu.memory_space<vmem>>
        %dma_start3A_1999 = arith.constant 0 : i32
        %dma_start3A_2000 = tpu.memref_slice %arg48[%dma_start3A_1999] : memref<100000xf32, #tpu.memory_space<vmem_shared>> -> memref<100000xf32, #tpu.memory_space<vmem_shared>>
        tpu.enqueue_indirect_dma source(%dma_start3A_2000 : memref<100000xf32, #tpu.memory_space<vmem_shared>>) target(%dma_start3A_1996 : memref<80xf32, #tpu.memory_space<vmem>>) offsets(%dma_start3A_1998 : memref<80xi32, #tpu.memory_space<vmem>>) semaphore(%arg42 : memref<!tpu.dma_semaphore, #tpu.memory_space<semaphore_mem>>)
        %dma_start3A_2001 = arith.constant 240 : i32
        %dma_start3A_2002 = tpu.memref_slice %arg24[%dma_start3A_2001] : memref<800xf32, #tpu.memory_space<vmem>> -> memref<80xf32, #tpu.memory_space<vmem>>
        %dma_start3A_2003 = arith.constant 240 : i32
        %dma_start3A_2004 = tpu.memref_slice %arg14[%dma_start3A_2003] : memref<800xi32, #tpu.memory_space<vmem>> -> memref<80xi32, #tpu.memory_space<vmem>>
        %dma_start3A_2005 = arith.constant 0 : i32
        %dma_start3A_2006 = tpu.memref_slice %arg49[%dma_start3A_2005] : memref<100000xf32, #tpu.memory_space<vmem_shared>> -> memref<100000xf32, #tpu.memory_space<vmem_shared>>
        tpu.enqueue_indirect_dma source(%dma_start3A_2006 : memref<100000xf32, #tpu.memory_space<vmem_shared>>) target(%dma_start3A_2002 : memref<80xf32, #tpu.memory_space<vmem>>) offsets(%dma_start3A_2004 : memref<80xi32, #tpu.memory_space<vmem>>) semaphore(%arg42 : memref<!tpu.dma_semaphore, #tpu.memory_space<semaphore_mem>>)
        %dma_start3A_2007 = arith.constant 320 : i32
        %dma_start3A_2008 = tpu.memref_slice %arg18[%dma_start3A_2007] : memref<800xf32, #tpu.memory_space<vmem>> -> memref<80xf32, #tpu.memory_space<vmem>>
        %dma_start3A_2009 = arith.constant 320 : i32
        %dma_start3A_2010 = tpu.memref_slice %arg13[%dma_start3A_2009] : memref<800xi32, #tpu.memory_space<vmem>> -> memref<80xi32, #tpu.memory_space<vmem>>
        %dma_start3A_2011 = arith.constant 0 : i32
        %dma_start3A_2012 = tpu.memref_slice %arg46[%dma_start3A_2011] : memref<100000xf32, #tpu.memory_space<vmem_shared>> -> memref<100000xf32, #tpu.memory_space<vmem_shared>>
        tpu.enqueue_indirect_dma source(%dma_start3A_2012 : memref<100000xf32, #tpu.memory_space<vmem_shared>>) target(%dma_start3A_2008 : memref<80xf32, #tpu.memory_space<vmem>>) offsets(%dma_start3A_2010 : memref<80xi32, #tpu.memory_space<vmem>>) semaphore(%arg42 : memref<!tpu.dma_semaphore, #tpu.memory_space<semaphore_mem>>)
        %dma_start3A_2013 = arith.constant 320 : i32
        %dma_start3A_2014 = tpu.memref_slice %arg19[%dma_start3A_2013] : memref<800xf32, #tpu.memory_space<vmem>> -> memref<80xf32, #tpu.memory_space<vmem>>
        %dma_start3A_2015 = arith.constant 320 : i32
        %dma_start3A_2016 = tpu.memref_slice %arg13[%dma_start3A_2015] : memref<800xi32, #tpu.memory_space<vmem>> -> memref<80xi32, #tpu.memory_space<vmem>>
        %dma_start3A_2017 = arith.constant 0 : i32
        %dma_start3A_2018 = tpu.memref_slice %arg47[%dma_start3A_2017] : memref<100000xf32, #tpu.memory_space<vmem_shared>> -> memref<100000xf32, #tpu.memory_space<vmem_shared>>
        tpu.enqueue_indirect_dma source(%dma_start3A_2018 : memref<100000xf32, #tpu.memory_space<vmem_shared>>) target(%dma_start3A_2014 : memref<80xf32, #tpu.memory_space<vmem>>) offsets(%dma_start3A_2016 : memref<80xi32, #tpu.memory_space<vmem>>) semaphore(%arg42 : memref<!tpu.dma_semaphore, #tpu.memory_space<semaphore_mem>>)
        %dma_start3A_2019 = arith.constant 320 : i32
        %dma_start3A_2020 = tpu.memref_slice %arg20[%dma_start3A_2019] : memref<800xf32, #tpu.memory_space<vmem>> -> memref<80xf32, #tpu.memory_space<vmem>>
        %dma_start3A_2021 = arith.constant 320 : i32
        %dma_start3A_2022 = tpu.memref_slice %arg13[%dma_start3A_2021] : memref<800xi32, #tpu.memory_space<vmem>> -> memref<80xi32, #tpu.memory_space<vmem>>
        %dma_start3A_2023 = arith.constant 0 : i32
        %dma_start3A_2024 = tpu.memref_slice %arg48[%dma_start3A_2023] : memref<100000xf32, #tpu.memory_space<vmem_shared>> -> memref<100000xf32, #tpu.memory_space<vmem_shared>>
        tpu.enqueue_indirect_dma source(%dma_start3A_2024 : memref<100000xf32, #tpu.memory_space<vmem_shared>>) target(%dma_start3A_2020 : memref<80xf32, #tpu.memory_space<vmem>>) offsets(%dma_start3A_2022 : memref<80xi32, #tpu.memory_space<vmem>>) semaphore(%arg42 : memref<!tpu.dma_semaphore, #tpu.memory_space<semaphore_mem>>)
        %dma_start3A_2025 = arith.constant 320 : i32
        %dma_start3A_2026 = tpu.memref_slice %arg21[%dma_start3A_2025] : memref<800xf32, #tpu.memory_space<vmem>> -> memref<80xf32, #tpu.memory_space<vmem>>
        %dma_start3A_2027 = arith.constant 320 : i32
        %dma_start3A_2028 = tpu.memref_slice %arg14[%dma_start3A_2027] : memref<800xi32, #tpu.memory_space<vmem>> -> memref<80xi32, #tpu.memory_space<vmem>>
        %dma_start3A_2029 = arith.constant 0 : i32
        %dma_start3A_2030 = tpu.memref_slice %arg46[%dma_start3A_2029] : memref<100000xf32, #tpu.memory_space<vmem_shared>> -> memref<100000xf32, #tpu.memory_space<vmem_shared>>
        tpu.enqueue_indirect_dma source(%dma_start3A_2030 : memref<100000xf32, #tpu.memory_space<vmem_shared>>) target(%dma_start3A_2026 : memref<80xf32, #tpu.memory_space<vmem>>) offsets(%dma_start3A_2028 : memref<80xi32, #tpu.memory_space<vmem>>) semaphore(%arg42 : memref<!tpu.dma_semaphore, #tpu.memory_space<semaphore_mem>>)
        %dma_start3A_2031 = arith.constant 320 : i32
        %dma_start3A_2032 = tpu.memref_slice %arg22[%dma_start3A_2031] : memref<800xf32, #tpu.memory_space<vmem>> -> memref<80xf32, #tpu.memory_space<vmem>>
        %dma_start3A_2033 = arith.constant 320 : i32
        %dma_start3A_2034 = tpu.memref_slice %arg14[%dma_start3A_2033] : memref<800xi32, #tpu.memory_space<vmem>> -> memref<80xi32, #tpu.memory_space<vmem>>
        %dma_start3A_2035 = arith.constant 0 : i32
        %dma_start3A_2036 = tpu.memref_slice %arg47[%dma_start3A_2035] : memref<100000xf32, #tpu.memory_space<vmem_shared>> -> memref<100000xf32, #tpu.memory_space<vmem_shared>>
        tpu.enqueue_indirect_dma source(%dma_start3A_2036 : memref<100000xf32, #tpu.memory_space<vmem_shared>>) target(%dma_start3A_2032 : memref<80xf32, #tpu.memory_space<vmem>>) offsets(%dma_start3A_2034 : memref<80xi32, #tpu.memory_space<vmem>>) semaphore(%arg42 : memref<!tpu.dma_semaphore, #tpu.memory_space<semaphore_mem>>)
        %dma_start3A_2037 = arith.constant 320 : i32
        %dma_start3A_2038 = tpu.memref_slice %arg23[%dma_start3A_2037] : memref<800xf32, #tpu.memory_space<vmem>> -> memref<80xf32, #tpu.memory_space<vmem>>
        %dma_start3A_2039 = arith.constant 320 : i32
        %dma_start3A_2040 = tpu.memref_slice %arg14[%dma_start3A_2039] : memref<800xi32, #tpu.memory_space<vmem>> -> memref<80xi32, #tpu.memory_space<vmem>>
        %dma_start3A_2041 = arith.constant 0 : i32
        %dma_start3A_2042 = tpu.memref_slice %arg48[%dma_start3A_2041] : memref<100000xf32, #tpu.memory_space<vmem_shared>> -> memref<100000xf32, #tpu.memory_space<vmem_shared>>
        tpu.enqueue_indirect_dma source(%dma_start3A_2042 : memref<100000xf32, #tpu.memory_space<vmem_shared>>) target(%dma_start3A_2038 : memref<80xf32, #tpu.memory_space<vmem>>) offsets(%dma_start3A_2040 : memref<80xi32, #tpu.memory_space<vmem>>) semaphore(%arg42 : memref<!tpu.dma_semaphore, #tpu.memory_space<semaphore_mem>>)
        %dma_start3A_2043 = arith.constant 320 : i32
        %dma_start3A_2044 = tpu.memref_slice %arg24[%dma_start3A_2043] : memref<800xf32, #tpu.memory_space<vmem>> -> memref<80xf32, #tpu.memory_space<vmem>>
        %dma_start3A_2045 = arith.constant 320 : i32
        %dma_start3A_2046 = tpu.memref_slice %arg14[%dma_start3A_2045] : memref<800xi32, #tpu.memory_space<vmem>> -> memref<80xi32, #tpu.memory_space<vmem>>
        %dma_start3A_2047 = arith.constant 0 : i32
        %dma_start3A_2048 = tpu.memref_slice %arg49[%dma_start3A_2047] : memref<100000xf32, #tpu.memory_space<vmem_shared>> -> memref<100000xf32, #tpu.memory_space<vmem_shared>>
        tpu.enqueue_indirect_dma source(%dma_start3A_2048 : memref<100000xf32, #tpu.memory_space<vmem_shared>>) target(%dma_start3A_2044 : memref<80xf32, #tpu.memory_space<vmem>>) offsets(%dma_start3A_2046 : memref<80xi32, #tpu.memory_space<vmem>>) semaphore(%arg42 : memref<!tpu.dma_semaphore, #tpu.memory_space<semaphore_mem>>)
        %dma_start3A_2049 = arith.constant 400 : i32
        %dma_start3A_2050 = tpu.memref_slice %arg18[%dma_start3A_2049] : memref<800xf32, #tpu.memory_space<vmem>> -> memref<80xf32, #tpu.memory_space<vmem>>
        %dma_start3A_2051 = arith.constant 400 : i32
        %dma_start3A_2052 = tpu.memref_slice %arg13[%dma_start3A_2051] : memref<800xi32, #tpu.memory_space<vmem>> -> memref<80xi32, #tpu.memory_space<vmem>>
        %dma_start3A_2053 = arith.constant 0 : i32
        %dma_start3A_2054 = tpu.memref_slice %arg46[%dma_start3A_2053] : memref<100000xf32, #tpu.memory_space<vmem_shared>> -> memref<100000xf32, #tpu.memory_space<vmem_shared>>
        tpu.enqueue_indirect_dma source(%dma_start3A_2054 : memref<100000xf32, #tpu.memory_space<vmem_shared>>) target(%dma_start3A_2050 : memref<80xf32, #tpu.memory_space<vmem>>) offsets(%dma_start3A_2052 : memref<80xi32, #tpu.memory_space<vmem>>) semaphore(%arg42 : memref<!tpu.dma_semaphore, #tpu.memory_space<semaphore_mem>>)
        %dma_start3A_2055 = arith.constant 400 : i32
        %dma_start3A_2056 = tpu.memref_slice %arg19[%dma_start3A_2055] : memref<800xf32, #tpu.memory_space<vmem>> -> memref<80xf32, #tpu.memory_space<vmem>>
        %dma_start3A_2057 = arith.constant 400 : i32
        %dma_start3A_2058 = tpu.memref_slice %arg13[%dma_start3A_2057] : memref<800xi32, #tpu.memory_space<vmem>> -> memref<80xi32, #tpu.memory_space<vmem>>
        %dma_start3A_2059 = arith.constant 0 : i32
        %dma_start3A_2060 = tpu.memref_slice %arg47[%dma_start3A_2059] : memref<100000xf32, #tpu.memory_space<vmem_shared>> -> memref<100000xf32, #tpu.memory_space<vmem_shared>>
        tpu.enqueue_indirect_dma source(%dma_start3A_2060 : memref<100000xf32, #tpu.memory_space<vmem_shared>>) target(%dma_start3A_2056 : memref<80xf32, #tpu.memory_space<vmem>>) offsets(%dma_start3A_2058 : memref<80xi32, #tpu.memory_space<vmem>>) semaphore(%arg42 : memref<!tpu.dma_semaphore, #tpu.memory_space<semaphore_mem>>)
        %dma_start3A_2061 = arith.constant 400 : i32
        %dma_start3A_2062 = tpu.memref_slice %arg20[%dma_start3A_2061] : memref<800xf32, #tpu.memory_space<vmem>> -> memref<80xf32, #tpu.memory_space<vmem>>
        %dma_start3A_2063 = arith.constant 400 : i32
        %dma_start3A_2064 = tpu.memref_slice %arg13[%dma_start3A_2063] : memref<800xi32, #tpu.memory_space<vmem>> -> memref<80xi32, #tpu.memory_space<vmem>>
        %dma_start3A_2065 = arith.constant 0 : i32
        %dma_start3A_2066 = tpu.memref_slice %arg48[%dma_start3A_2065] : memref<100000xf32, #tpu.memory_space<vmem_shared>> -> memref<100000xf32, #tpu.memory_space<vmem_shared>>
        tpu.enqueue_indirect_dma source(%dma_start3A_2066 : memref<100000xf32, #tpu.memory_space<vmem_shared>>) target(%dma_start3A_2062 : memref<80xf32, #tpu.memory_space<vmem>>) offsets(%dma_start3A_2064 : memref<80xi32, #tpu.memory_space<vmem>>) semaphore(%arg42 : memref<!tpu.dma_semaphore, #tpu.memory_space<semaphore_mem>>)
        %dma_start3A_2067 = arith.constant 400 : i32
        %dma_start3A_2068 = tpu.memref_slice %arg21[%dma_start3A_2067] : memref<800xf32, #tpu.memory_space<vmem>> -> memref<80xf32, #tpu.memory_space<vmem>>
        %dma_start3A_2069 = arith.constant 400 : i32
        %dma_start3A_2070 = tpu.memref_slice %arg14[%dma_start3A_2069] : memref<800xi32, #tpu.memory_space<vmem>> -> memref<80xi32, #tpu.memory_space<vmem>>
        %dma_start3A_2071 = arith.constant 0 : i32
        %dma_start3A_2072 = tpu.memref_slice %arg46[%dma_start3A_2071] : memref<100000xf32, #tpu.memory_space<vmem_shared>> -> memref<100000xf32, #tpu.memory_space<vmem_shared>>
        tpu.enqueue_indirect_dma source(%dma_start3A_2072 : memref<100000xf32, #tpu.memory_space<vmem_shared>>) target(%dma_start3A_2068 : memref<80xf32, #tpu.memory_space<vmem>>) offsets(%dma_start3A_2070 : memref<80xi32, #tpu.memory_space<vmem>>) semaphore(%arg42 : memref<!tpu.dma_semaphore, #tpu.memory_space<semaphore_mem>>)
        %dma_start3A_2073 = arith.constant 400 : i32
        %dma_start3A_2074 = tpu.memref_slice %arg22[%dma_start3A_2073] : memref<800xf32, #tpu.memory_space<vmem>> -> memref<80xf32, #tpu.memory_space<vmem>>
        %dma_start3A_2075 = arith.constant 400 : i32
        %dma_start3A_2076 = tpu.memref_slice %arg14[%dma_start3A_2075] : memref<800xi32, #tpu.memory_space<vmem>> -> memref<80xi32, #tpu.memory_space<vmem>>
        %dma_start3A_2077 = arith.constant 0 : i32
        %dma_start3A_2078 = tpu.memref_slice %arg47[%dma_start3A_2077] : memref<100000xf32, #tpu.memory_space<vmem_shared>> -> memref<100000xf32, #tpu.memory_space<vmem_shared>>
        tpu.enqueue_indirect_dma source(%dma_start3A_2078 : memref<100000xf32, #tpu.memory_space<vmem_shared>>) target(%dma_start3A_2074 : memref<80xf32, #tpu.memory_space<vmem>>) offsets(%dma_start3A_2076 : memref<80xi32, #tpu.memory_space<vmem>>) semaphore(%arg42 : memref<!tpu.dma_semaphore, #tpu.memory_space<semaphore_mem>>)
        %dma_start3A_2079 = arith.constant 400 : i32
        %dma_start3A_2080 = tpu.memref_slice %arg23[%dma_start3A_2079] : memref<800xf32, #tpu.memory_space<vmem>> -> memref<80xf32, #tpu.memory_space<vmem>>
        %dma_start3A_2081 = arith.constant 400 : i32
        %dma_start3A_2082 = tpu.memref_slice %arg14[%dma_start3A_2081] : memref<800xi32, #tpu.memory_space<vmem>> -> memref<80xi32, #tpu.memory_space<vmem>>
        %dma_start3A_2083 = arith.constant 0 : i32
        %dma_start3A_2084 = tpu.memref_slice %arg48[%dma_start3A_2083] : memref<100000xf32, #tpu.memory_space<vmem_shared>> -> memref<100000xf32, #tpu.memory_space<vmem_shared>>
        tpu.enqueue_indirect_dma source(%dma_start3A_2084 : memref<100000xf32, #tpu.memory_space<vmem_shared>>) target(%dma_start3A_2080 : memref<80xf32, #tpu.memory_space<vmem>>) offsets(%dma_start3A_2082 : memref<80xi32, #tpu.memory_space<vmem>>) semaphore(%arg42 : memref<!tpu.dma_semaphore, #tpu.memory_space<semaphore_mem>>)
        %dma_start3A_2085 = arith.constant 400 : i32
        %dma_start3A_2086 = tpu.memref_slice %arg24[%dma_start3A_2085] : memref<800xf32, #tpu.memory_space<vmem>> -> memref<80xf32, #tpu.memory_space<vmem>>
        %dma_start3A_2087 = arith.constant 400 : i32
        %dma_start3A_2088 = tpu.memref_slice %arg14[%dma_start3A_2087] : memref<800xi32, #tpu.memory_space<vmem>> -> memref<80xi32, #tpu.memory_space<vmem>>
        %dma_start3A_2089 = arith.constant 0 : i32
        %dma_start3A_2090 = tpu.memref_slice %arg49[%dma_start3A_2089] : memref<100000xf32, #tpu.memory_space<vmem_shared>> -> memref<100000xf32, #tpu.memory_space<vmem_shared>>
        tpu.enqueue_indirect_dma source(%dma_start3A_2090 : memref<100000xf32, #tpu.memory_space<vmem_shared>>) target(%dma_start3A_2086 : memref<80xf32, #tpu.memory_space<vmem>>) offsets(%dma_start3A_2088 : memref<80xi32, #tpu.memory_space<vmem>>) semaphore(%arg42 : memref<!tpu.dma_semaphore, #tpu.memory_space<semaphore_mem>>)
        %dma_start3A_2091 = arith.constant 480 : i32
        %dma_start3A_2092 = tpu.memref_slice %arg18[%dma_start3A_2091] : memref<800xf32, #tpu.memory_space<vmem>> -> memref<80xf32, #tpu.memory_space<vmem>>
        %dma_start3A_2093 = arith.constant 480 : i32
        %dma_start3A_2094 = tpu.memref_slice %arg13[%dma_start3A_2093] : memref<800xi32, #tpu.memory_space<vmem>> -> memref<80xi32, #tpu.memory_space<vmem>>
        %dma_start3A_2095 = arith.constant 0 : i32
        %dma_start3A_2096 = tpu.memref_slice %arg46[%dma_start3A_2095] : memref<100000xf32, #tpu.memory_space<vmem_shared>> -> memref<100000xf32, #tpu.memory_space<vmem_shared>>
        tpu.enqueue_indirect_dma source(%dma_start3A_2096 : memref<100000xf32, #tpu.memory_space<vmem_shared>>) target(%dma_start3A_2092 : memref<80xf32, #tpu.memory_space<vmem>>) offsets(%dma_start3A_2094 : memref<80xi32, #tpu.memory_space<vmem>>) semaphore(%arg42 : memref<!tpu.dma_semaphore, #tpu.memory_space<semaphore_mem>>)
        %dma_start3A_2097 = arith.constant 480 : i32
        %dma_start3A_2098 = tpu.memref_slice %arg19[%dma_start3A_2097] : memref<800xf32, #tpu.memory_space<vmem>> -> memref<80xf32, #tpu.memory_space<vmem>>
        %dma_start3A_2099 = arith.constant 480 : i32
        %dma_start3A_2100 = tpu.memref_slice %arg13[%dma_start3A_2099] : memref<800xi32, #tpu.memory_space<vmem>> -> memref<80xi32, #tpu.memory_space<vmem>>
        %dma_start3A_2101 = arith.constant 0 : i32
        %dma_start3A_2102 = tpu.memref_slice %arg47[%dma_start3A_2101] : memref<100000xf32, #tpu.memory_space<vmem_shared>> -> memref<100000xf32, #tpu.memory_space<vmem_shared>>
        tpu.enqueue_indirect_dma source(%dma_start3A_2102 : memref<100000xf32, #tpu.memory_space<vmem_shared>>) target(%dma_start3A_2098 : memref<80xf32, #tpu.memory_space<vmem>>) offsets(%dma_start3A_2100 : memref<80xi32, #tpu.memory_space<vmem>>) semaphore(%arg42 : memref<!tpu.dma_semaphore, #tpu.memory_space<semaphore_mem>>)
        %dma_start3A_2103 = arith.constant 480 : i32
        %dma_start3A_2104 = tpu.memref_slice %arg20[%dma_start3A_2103] : memref<800xf32, #tpu.memory_space<vmem>> -> memref<80xf32, #tpu.memory_space<vmem>>
        %dma_start3A_2105 = arith.constant 480 : i32
        %dma_start3A_2106 = tpu.memref_slice %arg13[%dma_start3A_2105] : memref<800xi32, #tpu.memory_space<vmem>> -> memref<80xi32, #tpu.memory_space<vmem>>
        %dma_start3A_2107 = arith.constant 0 : i32
        %dma_start3A_2108 = tpu.memref_slice %arg48[%dma_start3A_2107] : memref<100000xf32, #tpu.memory_space<vmem_shared>> -> memref<100000xf32, #tpu.memory_space<vmem_shared>>
        tpu.enqueue_indirect_dma source(%dma_start3A_2108 : memref<100000xf32, #tpu.memory_space<vmem_shared>>) target(%dma_start3A_2104 : memref<80xf32, #tpu.memory_space<vmem>>) offsets(%dma_start3A_2106 : memref<80xi32, #tpu.memory_space<vmem>>) semaphore(%arg42 : memref<!tpu.dma_semaphore, #tpu.memory_space<semaphore_mem>>)
        %dma_start3A_2109 = arith.constant 480 : i32
        %dma_start3A_2110 = tpu.memref_slice %arg21[%dma_start3A_2109] : memref<800xf32, #tpu.memory_space<vmem>> -> memref<80xf32, #tpu.memory_space<vmem>>
        %dma_start3A_2111 = arith.constant 480 : i32
        %dma_start3A_2112 = tpu.memref_slice %arg14[%dma_start3A_2111] : memref<800xi32, #tpu.memory_space<vmem>> -> memref<80xi32, #tpu.memory_space<vmem>>
        %dma_start3A_2113 = arith.constant 0 : i32
        %dma_start3A_2114 = tpu.memref_slice %arg46[%dma_start3A_2113] : memref<100000xf32, #tpu.memory_space<vmem_shared>> -> memref<100000xf32, #tpu.memory_space<vmem_shared>>
        tpu.enqueue_indirect_dma source(%dma_start3A_2114 : memref<100000xf32, #tpu.memory_space<vmem_shared>>) target(%dma_start3A_2110 : memref<80xf32, #tpu.memory_space<vmem>>) offsets(%dma_start3A_2112 : memref<80xi32, #tpu.memory_space<vmem>>) semaphore(%arg42 : memref<!tpu.dma_semaphore, #tpu.memory_space<semaphore_mem>>)
        %dma_start3A_2115 = arith.constant 480 : i32
        %dma_start3A_2116 = tpu.memref_slice %arg22[%dma_start3A_2115] : memref<800xf32, #tpu.memory_space<vmem>> -> memref<80xf32, #tpu.memory_space<vmem>>
        %dma_start3A_2117 = arith.constant 480 : i32
        %dma_start3A_2118 = tpu.memref_slice %arg14[%dma_start3A_2117] : memref<800xi32, #tpu.memory_space<vmem>> -> memref<80xi32, #tpu.memory_space<vmem>>
        %dma_start3A_2119 = arith.constant 0 : i32
        %dma_start3A_2120 = tpu.memref_slice %arg47[%dma_start3A_2119] : memref<100000xf32, #tpu.memory_space<vmem_shared>> -> memref<100000xf32, #tpu.memory_space<vmem_shared>>
        tpu.enqueue_indirect_dma source(%dma_start3A_2120 : memref<100000xf32, #tpu.memory_space<vmem_shared>>) target(%dma_start3A_2116 : memref<80xf32, #tpu.memory_space<vmem>>) offsets(%dma_start3A_2118 : memref<80xi32, #tpu.memory_space<vmem>>) semaphore(%arg42 : memref<!tpu.dma_semaphore, #tpu.memory_space<semaphore_mem>>)
        %dma_start3A_2121 = arith.constant 480 : i32
        %dma_start3A_2122 = tpu.memref_slice %arg23[%dma_start3A_2121] : memref<800xf32, #tpu.memory_space<vmem>> -> memref<80xf32, #tpu.memory_space<vmem>>
        %dma_start3A_2123 = arith.constant 480 : i32
        %dma_start3A_2124 = tpu.memref_slice %arg14[%dma_start3A_2123] : memref<800xi32, #tpu.memory_space<vmem>> -> memref<80xi32, #tpu.memory_space<vmem>>
        %dma_start3A_2125 = arith.constant 0 : i32
        %dma_start3A_2126 = tpu.memref_slice %arg48[%dma_start3A_2125] : memref<100000xf32, #tpu.memory_space<vmem_shared>> -> memref<100000xf32, #tpu.memory_space<vmem_shared>>
        tpu.enqueue_indirect_dma source(%dma_start3A_2126 : memref<100000xf32, #tpu.memory_space<vmem_shared>>) target(%dma_start3A_2122 : memref<80xf32, #tpu.memory_space<vmem>>) offsets(%dma_start3A_2124 : memref<80xi32, #tpu.memory_space<vmem>>) semaphore(%arg42 : memref<!tpu.dma_semaphore, #tpu.memory_space<semaphore_mem>>)
        %dma_start3A_2127 = arith.constant 480 : i32
        %dma_start3A_2128 = tpu.memref_slice %arg24[%dma_start3A_2127] : memref<800xf32, #tpu.memory_space<vmem>> -> memref<80xf32, #tpu.memory_space<vmem>>
        %dma_start3A_2129 = arith.constant 480 : i32
        %dma_start3A_2130 = tpu.memref_slice %arg14[%dma_start3A_2129] : memref<800xi32, #tpu.memory_space<vmem>> -> memref<80xi32, #tpu.memory_space<vmem>>
        %dma_start3A_2131 = arith.constant 0 : i32
        %dma_start3A_2132 = tpu.memref_slice %arg49[%dma_start3A_2131] : memref<100000xf32, #tpu.memory_space<vmem_shared>> -> memref<100000xf32, #tpu.memory_space<vmem_shared>>
        tpu.enqueue_indirect_dma source(%dma_start3A_2132 : memref<100000xf32, #tpu.memory_space<vmem_shared>>) target(%dma_start3A_2128 : memref<80xf32, #tpu.memory_space<vmem>>) offsets(%dma_start3A_2130 : memref<80xi32, #tpu.memory_space<vmem>>) semaphore(%arg42 : memref<!tpu.dma_semaphore, #tpu.memory_space<semaphore_mem>>)
        %dma_start3A_2133 = arith.constant 560 : i32
        %dma_start3A_2134 = tpu.memref_slice %arg18[%dma_start3A_2133] : memref<800xf32, #tpu.memory_space<vmem>> -> memref<80xf32, #tpu.memory_space<vmem>>
        %dma_start3A_2135 = arith.constant 560 : i32
        %dma_start3A_2136 = tpu.memref_slice %arg13[%dma_start3A_2135] : memref<800xi32, #tpu.memory_space<vmem>> -> memref<80xi32, #tpu.memory_space<vmem>>
        %dma_start3A_2137 = arith.constant 0 : i32
        %dma_start3A_2138 = tpu.memref_slice %arg46[%dma_start3A_2137] : memref<100000xf32, #tpu.memory_space<vmem_shared>> -> memref<100000xf32, #tpu.memory_space<vmem_shared>>
        tpu.enqueue_indirect_dma source(%dma_start3A_2138 : memref<100000xf32, #tpu.memory_space<vmem_shared>>) target(%dma_start3A_2134 : memref<80xf32, #tpu.memory_space<vmem>>) offsets(%dma_start3A_2136 : memref<80xi32, #tpu.memory_space<vmem>>) semaphore(%arg42 : memref<!tpu.dma_semaphore, #tpu.memory_space<semaphore_mem>>)
        %dma_start3A_2139 = arith.constant 560 : i32
        %dma_start3A_2140 = tpu.memref_slice %arg19[%dma_start3A_2139] : memref<800xf32, #tpu.memory_space<vmem>> -> memref<80xf32, #tpu.memory_space<vmem>>
        %dma_start3A_2141 = arith.constant 560 : i32
        %dma_start3A_2142 = tpu.memref_slice %arg13[%dma_start3A_2141] : memref<800xi32, #tpu.memory_space<vmem>> -> memref<80xi32, #tpu.memory_space<vmem>>
        %dma_start3A_2143 = arith.constant 0 : i32
        %dma_start3A_2144 = tpu.memref_slice %arg47[%dma_start3A_2143] : memref<100000xf32, #tpu.memory_space<vmem_shared>> -> memref<100000xf32, #tpu.memory_space<vmem_shared>>
        tpu.enqueue_indirect_dma source(%dma_start3A_2144 : memref<100000xf32, #tpu.memory_space<vmem_shared>>) target(%dma_start3A_2140 : memref<80xf32, #tpu.memory_space<vmem>>) offsets(%dma_start3A_2142 : memref<80xi32, #tpu.memory_space<vmem>>) semaphore(%arg42 : memref<!tpu.dma_semaphore, #tpu.memory_space<semaphore_mem>>)
        %dma_start3A_2145 = arith.constant 560 : i32
        %dma_start3A_2146 = tpu.memref_slice %arg20[%dma_start3A_2145] : memref<800xf32, #tpu.memory_space<vmem>> -> memref<80xf32, #tpu.memory_space<vmem>>
        %dma_start3A_2147 = arith.constant 560 : i32
        %dma_start3A_2148 = tpu.memref_slice %arg13[%dma_start3A_2147] : memref<800xi32, #tpu.memory_space<vmem>> -> memref<80xi32, #tpu.memory_space<vmem>>
        %dma_start3A_2149 = arith.constant 0 : i32
        %dma_start3A_2150 = tpu.memref_slice %arg48[%dma_start3A_2149] : memref<100000xf32, #tpu.memory_space<vmem_shared>> -> memref<100000xf32, #tpu.memory_space<vmem_shared>>
        tpu.enqueue_indirect_dma source(%dma_start3A_2150 : memref<100000xf32, #tpu.memory_space<vmem_shared>>) target(%dma_start3A_2146 : memref<80xf32, #tpu.memory_space<vmem>>) offsets(%dma_start3A_2148 : memref<80xi32, #tpu.memory_space<vmem>>) semaphore(%arg42 : memref<!tpu.dma_semaphore, #tpu.memory_space<semaphore_mem>>)
        %dma_start3A_2151 = arith.constant 560 : i32
        %dma_start3A_2152 = tpu.memref_slice %arg21[%dma_start3A_2151] : memref<800xf32, #tpu.memory_space<vmem>> -> memref<80xf32, #tpu.memory_space<vmem>>
        %dma_start3A_2153 = arith.constant 560 : i32
        %dma_start3A_2154 = tpu.memref_slice %arg14[%dma_start3A_2153] : memref<800xi32, #tpu.memory_space<vmem>> -> memref<80xi32, #tpu.memory_space<vmem>>
        %dma_start3A_2155 = arith.constant 0 : i32
        %dma_start3A_2156 = tpu.memref_slice %arg46[%dma_start3A_2155] : memref<100000xf32, #tpu.memory_space<vmem_shared>> -> memref<100000xf32, #tpu.memory_space<vmem_shared>>
        tpu.enqueue_indirect_dma source(%dma_start3A_2156 : memref<100000xf32, #tpu.memory_space<vmem_shared>>) target(%dma_start3A_2152 : memref<80xf32, #tpu.memory_space<vmem>>) offsets(%dma_start3A_2154 : memref<80xi32, #tpu.memory_space<vmem>>) semaphore(%arg42 : memref<!tpu.dma_semaphore, #tpu.memory_space<semaphore_mem>>)
        %dma_start3A_2157 = arith.constant 560 : i32
        %dma_start3A_2158 = tpu.memref_slice %arg22[%dma_start3A_2157] : memref<800xf32, #tpu.memory_space<vmem>> -> memref<80xf32, #tpu.memory_space<vmem>>
        %dma_start3A_2159 = arith.constant 560 : i32
        %dma_start3A_2160 = tpu.memref_slice %arg14[%dma_start3A_2159] : memref<800xi32, #tpu.memory_space<vmem>> -> memref<80xi32, #tpu.memory_space<vmem>>
        %dma_start3A_2161 = arith.constant 0 : i32
        %dma_start3A_2162 = tpu.memref_slice %arg47[%dma_start3A_2161] : memref<100000xf32, #tpu.memory_space<vmem_shared>> -> memref<100000xf32, #tpu.memory_space<vmem_shared>>
        tpu.enqueue_indirect_dma source(%dma_start3A_2162 : memref<100000xf32, #tpu.memory_space<vmem_shared>>) target(%dma_start3A_2158 : memref<80xf32, #tpu.memory_space<vmem>>) offsets(%dma_start3A_2160 : memref<80xi32, #tpu.memory_space<vmem>>) semaphore(%arg42 : memref<!tpu.dma_semaphore, #tpu.memory_space<semaphore_mem>>)
        %dma_start3A_2163 = arith.constant 560 : i32
        %dma_start3A_2164 = tpu.memref_slice %arg23[%dma_start3A_2163] : memref<800xf32, #tpu.memory_space<vmem>> -> memref<80xf32, #tpu.memory_space<vmem>>
        %dma_start3A_2165 = arith.constant 560 : i32
        %dma_start3A_2166 = tpu.memref_slice %arg14[%dma_start3A_2165] : memref<800xi32, #tpu.memory_space<vmem>> -> memref<80xi32, #tpu.memory_space<vmem>>
        %dma_start3A_2167 = arith.constant 0 : i32
        %dma_start3A_2168 = tpu.memref_slice %arg48[%dma_start3A_2167] : memref<100000xf32, #tpu.memory_space<vmem_shared>> -> memref<100000xf32, #tpu.memory_space<vmem_shared>>
        tpu.enqueue_indirect_dma source(%dma_start3A_2168 : memref<100000xf32, #tpu.memory_space<vmem_shared>>) target(%dma_start3A_2164 : memref<80xf32, #tpu.memory_space<vmem>>) offsets(%dma_start3A_2166 : memref<80xi32, #tpu.memory_space<vmem>>) semaphore(%arg42 : memref<!tpu.dma_semaphore, #tpu.memory_space<semaphore_mem>>)
        %dma_start3A_2169 = arith.constant 560 : i32
        %dma_start3A_2170 = tpu.memref_slice %arg24[%dma_start3A_2169] : memref<800xf32, #tpu.memory_space<vmem>> -> memref<80xf32, #tpu.memory_space<vmem>>
        %dma_start3A_2171 = arith.constant 560 : i32
        %dma_start3A_2172 = tpu.memref_slice %arg14[%dma_start3A_2171] : memref<800xi32, #tpu.memory_space<vmem>> -> memref<80xi32, #tpu.memory_space<vmem>>
        %dma_start3A_2173 = arith.constant 0 : i32
        %dma_start3A_2174 = tpu.memref_slice %arg49[%dma_start3A_2173] : memref<100000xf32, #tpu.memory_space<vmem_shared>> -> memref<100000xf32, #tpu.memory_space<vmem_shared>>
        tpu.enqueue_indirect_dma source(%dma_start3A_2174 : memref<100000xf32, #tpu.memory_space<vmem_shared>>) target(%dma_start3A_2170 : memref<80xf32, #tpu.memory_space<vmem>>) offsets(%dma_start3A_2172 : memref<80xi32, #tpu.memory_space<vmem>>) semaphore(%arg42 : memref<!tpu.dma_semaphore, #tpu.memory_space<semaphore_mem>>)
        %dma_start3A_2175 = arith.constant 640 : i32
        %dma_start3A_2176 = tpu.memref_slice %arg18[%dma_start3A_2175] : memref<800xf32, #tpu.memory_space<vmem>> -> memref<80xf32, #tpu.memory_space<vmem>>
        %dma_start3A_2177 = arith.constant 640 : i32
        %dma_start3A_2178 = tpu.memref_slice %arg13[%dma_start3A_2177] : memref<800xi32, #tpu.memory_space<vmem>> -> memref<80xi32, #tpu.memory_space<vmem>>
        %dma_start3A_2179 = arith.constant 0 : i32
        %dma_start3A_2180 = tpu.memref_slice %arg46[%dma_start3A_2179] : memref<100000xf32, #tpu.memory_space<vmem_shared>> -> memref<100000xf32, #tpu.memory_space<vmem_shared>>
        tpu.enqueue_indirect_dma source(%dma_start3A_2180 : memref<100000xf32, #tpu.memory_space<vmem_shared>>) target(%dma_start3A_2176 : memref<80xf32, #tpu.memory_space<vmem>>) offsets(%dma_start3A_2178 : memref<80xi32, #tpu.memory_space<vmem>>) semaphore(%arg42 : memref<!tpu.dma_semaphore, #tpu.memory_space<semaphore_mem>>)
        %dma_start3A_2181 = arith.constant 640 : i32
        %dma_start3A_2182 = tpu.memref_slice %arg19[%dma_start3A_2181] : memref<800xf32, #tpu.memory_space<vmem>> -> memref<80xf32, #tpu.memory_space<vmem>>
        %dma_start3A_2183 = arith.constant 640 : i32
        %dma_start3A_2184 = tpu.memref_slice %arg13[%dma_start3A_2183] : memref<800xi32, #tpu.memory_space<vmem>> -> memref<80xi32, #tpu.memory_space<vmem>>
        %dma_start3A_2185 = arith.constant 0 : i32
        %dma_start3A_2186 = tpu.memref_slice %arg47[%dma_start3A_2185] : memref<100000xf32, #tpu.memory_space<vmem_shared>> -> memref<100000xf32, #tpu.memory_space<vmem_shared>>
        tpu.enqueue_indirect_dma source(%dma_start3A_2186 : memref<100000xf32, #tpu.memory_space<vmem_shared>>) target(%dma_start3A_2182 : memref<80xf32, #tpu.memory_space<vmem>>) offsets(%dma_start3A_2184 : memref<80xi32, #tpu.memory_space<vmem>>) semaphore(%arg42 : memref<!tpu.dma_semaphore, #tpu.memory_space<semaphore_mem>>)
        %dma_start3A_2187 = arith.constant 640 : i32
        %dma_start3A_2188 = tpu.memref_slice %arg20[%dma_start3A_2187] : memref<800xf32, #tpu.memory_space<vmem>> -> memref<80xf32, #tpu.memory_space<vmem>>
        %dma_start3A_2189 = arith.constant 640 : i32
        %dma_start3A_2190 = tpu.memref_slice %arg13[%dma_start3A_2189] : memref<800xi32, #tpu.memory_space<vmem>> -> memref<80xi32, #tpu.memory_space<vmem>>
        %dma_start3A_2191 = arith.constant 0 : i32
        %dma_start3A_2192 = tpu.memref_slice %arg48[%dma_start3A_2191] : memref<100000xf32, #tpu.memory_space<vmem_shared>> -> memref<100000xf32, #tpu.memory_space<vmem_shared>>
        tpu.enqueue_indirect_dma source(%dma_start3A_2192 : memref<100000xf32, #tpu.memory_space<vmem_shared>>) target(%dma_start3A_2188 : memref<80xf32, #tpu.memory_space<vmem>>) offsets(%dma_start3A_2190 : memref<80xi32, #tpu.memory_space<vmem>>) semaphore(%arg42 : memref<!tpu.dma_semaphore, #tpu.memory_space<semaphore_mem>>)
        %dma_start3A_2193 = arith.constant 640 : i32
        %dma_start3A_2194 = tpu.memref_slice %arg21[%dma_start3A_2193] : memref<800xf32, #tpu.memory_space<vmem>> -> memref<80xf32, #tpu.memory_space<vmem>>
        %dma_start3A_2195 = arith.constant 640 : i32
        %dma_start3A_2196 = tpu.memref_slice %arg14[%dma_start3A_2195] : memref<800xi32, #tpu.memory_space<vmem>> -> memref<80xi32, #tpu.memory_space<vmem>>
        %dma_start3A_2197 = arith.constant 0 : i32
        %dma_start3A_2198 = tpu.memref_slice %arg46[%dma_start3A_2197] : memref<100000xf32, #tpu.memory_space<vmem_shared>> -> memref<100000xf32, #tpu.memory_space<vmem_shared>>
        tpu.enqueue_indirect_dma source(%dma_start3A_2198 : memref<100000xf32, #tpu.memory_space<vmem_shared>>) target(%dma_start3A_2194 : memref<80xf32, #tpu.memory_space<vmem>>) offsets(%dma_start3A_2196 : memref<80xi32, #tpu.memory_space<vmem>>) semaphore(%arg42 : memref<!tpu.dma_semaphore, #tpu.memory_space<semaphore_mem>>)
        %dma_start3A_2199 = arith.constant 640 : i32
        %dma_start3A_2200 = tpu.memref_slice %arg22[%dma_start3A_2199] : memref<800xf32, #tpu.memory_space<vmem>> -> memref<80xf32, #tpu.memory_space<vmem>>
        %dma_start3A_2201 = arith.constant 640 : i32
        %dma_start3A_2202 = tpu.memref_slice %arg14[%dma_start3A_2201] : memref<800xi32, #tpu.memory_space<vmem>> -> memref<80xi32, #tpu.memory_space<vmem>>
        %dma_start3A_2203 = arith.constant 0 : i32
        %dma_start3A_2204 = tpu.memref_slice %arg47[%dma_start3A_2203] : memref<100000xf32, #tpu.memory_space<vmem_shared>> -> memref<100000xf32, #tpu.memory_space<vmem_shared>>
        tpu.enqueue_indirect_dma source(%dma_start3A_2204 : memref<100000xf32, #tpu.memory_space<vmem_shared>>) target(%dma_start3A_2200 : memref<80xf32, #tpu.memory_space<vmem>>) offsets(%dma_start3A_2202 : memref<80xi32, #tpu.memory_space<vmem>>) semaphore(%arg42 : memref<!tpu.dma_semaphore, #tpu.memory_space<semaphore_mem>>)
        %dma_start3A_2205 = arith.constant 640 : i32
        %dma_start3A_2206 = tpu.memref_slice %arg23[%dma_start3A_2205] : memref<800xf32, #tpu.memory_space<vmem>> -> memref<80xf32, #tpu.memory_space<vmem>>
        %dma_start3A_2207 = arith.constant 640 : i32
        %dma_start3A_2208 = tpu.memref_slice %arg14[%dma_start3A_2207] : memref<800xi32, #tpu.memory_space<vmem>> -> memref<80xi32, #tpu.memory_space<vmem>>
        %dma_start3A_2209 = arith.constant 0 : i32
        %dma_start3A_2210 = tpu.memref_slice %arg48[%dma_start3A_2209] : memref<100000xf32, #tpu.memory_space<vmem_shared>> -> memref<100000xf32, #tpu.memory_space<vmem_shared>>
        tpu.enqueue_indirect_dma source(%dma_start3A_2210 : memref<100000xf32, #tpu.memory_space<vmem_shared>>) target(%dma_start3A_2206 : memref<80xf32, #tpu.memory_space<vmem>>) offsets(%dma_start3A_2208 : memref<80xi32, #tpu.memory_space<vmem>>) semaphore(%arg42 : memref<!tpu.dma_semaphore, #tpu.memory_space<semaphore_mem>>)
        %dma_start3A_2211 = arith.constant 640 : i32
        %dma_start3A_2212 = tpu.memref_slice %arg24[%dma_start3A_2211] : memref<800xf32, #tpu.memory_space<vmem>> -> memref<80xf32, #tpu.memory_space<vmem>>
        %dma_start3A_2213 = arith.constant 640 : i32
        %dma_start3A_2214 = tpu.memref_slice %arg14[%dma_start3A_2213] : memref<800xi32, #tpu.memory_space<vmem>> -> memref<80xi32, #tpu.memory_space<vmem>>
        %dma_start3A_2215 = arith.constant 0 : i32
        %dma_start3A_2216 = tpu.memref_slice %arg49[%dma_start3A_2215] : memref<100000xf32, #tpu.memory_space<vmem_shared>> -> memref<100000xf32, #tpu.memory_space<vmem_shared>>
        tpu.enqueue_indirect_dma source(%dma_start3A_2216 : memref<100000xf32, #tpu.memory_space<vmem_shared>>) target(%dma_start3A_2212 : memref<80xf32, #tpu.memory_space<vmem>>) offsets(%dma_start3A_2214 : memref<80xi32, #tpu.memory_space<vmem>>) semaphore(%arg42 : memref<!tpu.dma_semaphore, #tpu.memory_space<semaphore_mem>>)
        %dma_start3A_2217 = arith.constant 720 : i32
        %dma_start3A_2218 = tpu.memref_slice %arg18[%dma_start3A_2217] : memref<800xf32, #tpu.memory_space<vmem>> -> memref<80xf32, #tpu.memory_space<vmem>>
        %dma_start3A_2219 = arith.constant 720 : i32
        %dma_start3A_2220 = tpu.memref_slice %arg13[%dma_start3A_2219] : memref<800xi32, #tpu.memory_space<vmem>> -> memref<80xi32, #tpu.memory_space<vmem>>
        %dma_start3A_2221 = arith.constant 0 : i32
        %dma_start3A_2222 = tpu.memref_slice %arg46[%dma_start3A_2221] : memref<100000xf32, #tpu.memory_space<vmem_shared>> -> memref<100000xf32, #tpu.memory_space<vmem_shared>>
        tpu.enqueue_indirect_dma source(%dma_start3A_2222 : memref<100000xf32, #tpu.memory_space<vmem_shared>>) target(%dma_start3A_2218 : memref<80xf32, #tpu.memory_space<vmem>>) offsets(%dma_start3A_2220 : memref<80xi32, #tpu.memory_space<vmem>>) semaphore(%arg42 : memref<!tpu.dma_semaphore, #tpu.memory_space<semaphore_mem>>)
        %dma_start3A_2223 = arith.constant 720 : i32
        %dma_start3A_2224 = tpu.memref_slice %arg19[%dma_start3A_2223] : memref<800xf32, #tpu.memory_space<vmem>> -> memref<80xf32, #tpu.memory_space<vmem>>
        %dma_start3A_2225 = arith.constant 720 : i32
        %dma_start3A_2226 = tpu.memref_slice %arg13[%dma_start3A_2225] : memref<800xi32, #tpu.memory_space<vmem>> -> memref<80xi32, #tpu.memory_space<vmem>>
        %dma_start3A_2227 = arith.constant 0 : i32
        %dma_start3A_2228 = tpu.memref_slice %arg47[%dma_start3A_2227] : memref<100000xf32, #tpu.memory_space<vmem_shared>> -> memref<100000xf32, #tpu.memory_space<vmem_shared>>
        tpu.enqueue_indirect_dma source(%dma_start3A_2228 : memref<100000xf32, #tpu.memory_space<vmem_shared>>) target(%dma_start3A_2224 : memref<80xf32, #tpu.memory_space<vmem>>) offsets(%dma_start3A_2226 : memref<80xi32, #tpu.memory_space<vmem>>) semaphore(%arg42 : memref<!tpu.dma_semaphore, #tpu.memory_space<semaphore_mem>>)
        %dma_start3A_2229 = arith.constant 720 : i32
        %dma_start3A_2230 = tpu.memref_slice %arg20[%dma_start3A_2229] : memref<800xf32, #tpu.memory_space<vmem>> -> memref<80xf32, #tpu.memory_space<vmem>>
        %dma_start3A_2231 = arith.constant 720 : i32
        %dma_start3A_2232 = tpu.memref_slice %arg13[%dma_start3A_2231] : memref<800xi32, #tpu.memory_space<vmem>> -> memref<80xi32, #tpu.memory_space<vmem>>
        %dma_start3A_2233 = arith.constant 0 : i32
        %dma_start3A_2234 = tpu.memref_slice %arg48[%dma_start3A_2233] : memref<100000xf32, #tpu.memory_space<vmem_shared>> -> memref<100000xf32, #tpu.memory_space<vmem_shared>>
        tpu.enqueue_indirect_dma source(%dma_start3A_2234 : memref<100000xf32, #tpu.memory_space<vmem_shared>>) target(%dma_start3A_2230 : memref<80xf32, #tpu.memory_space<vmem>>) offsets(%dma_start3A_2232 : memref<80xi32, #tpu.memory_space<vmem>>) semaphore(%arg42 : memref<!tpu.dma_semaphore, #tpu.memory_space<semaphore_mem>>)
        %dma_start3A_2235 = arith.constant 720 : i32
        %dma_start3A_2236 = tpu.memref_slice %arg21[%dma_start3A_2235] : memref<800xf32, #tpu.memory_space<vmem>> -> memref<80xf32, #tpu.memory_space<vmem>>
        %dma_start3A_2237 = arith.constant 720 : i32
        %dma_start3A_2238 = tpu.memref_slice %arg14[%dma_start3A_2237] : memref<800xi32, #tpu.memory_space<vmem>> -> memref<80xi32, #tpu.memory_space<vmem>>
        %dma_start3A_2239 = arith.constant 0 : i32
        %dma_start3A_2240 = tpu.memref_slice %arg46[%dma_start3A_2239] : memref<100000xf32, #tpu.memory_space<vmem_shared>> -> memref<100000xf32, #tpu.memory_space<vmem_shared>>
        tpu.enqueue_indirect_dma source(%dma_start3A_2240 : memref<100000xf32, #tpu.memory_space<vmem_shared>>) target(%dma_start3A_2236 : memref<80xf32, #tpu.memory_space<vmem>>) offsets(%dma_start3A_2238 : memref<80xi32, #tpu.memory_space<vmem>>) semaphore(%arg42 : memref<!tpu.dma_semaphore, #tpu.memory_space<semaphore_mem>>)
        %dma_start3A_2241 = arith.constant 720 : i32
        %dma_start3A_2242 = tpu.memref_slice %arg22[%dma_start3A_2241] : memref<800xf32, #tpu.memory_space<vmem>> -> memref<80xf32, #tpu.memory_space<vmem>>
        %dma_start3A_2243 = arith.constant 720 : i32
        %dma_start3A_2244 = tpu.memref_slice %arg14[%dma_start3A_2243] : memref<800xi32, #tpu.memory_space<vmem>> -> memref<80xi32, #tpu.memory_space<vmem>>
        %dma_start3A_2245 = arith.constant 0 : i32
        %dma_start3A_2246 = tpu.memref_slice %arg47[%dma_start3A_2245] : memref<100000xf32, #tpu.memory_space<vmem_shared>> -> memref<100000xf32, #tpu.memory_space<vmem_shared>>
        tpu.enqueue_indirect_dma source(%dma_start3A_2246 : memref<100000xf32, #tpu.memory_space<vmem_shared>>) target(%dma_start3A_2242 : memref<80xf32, #tpu.memory_space<vmem>>) offsets(%dma_start3A_2244 : memref<80xi32, #tpu.memory_space<vmem>>) semaphore(%arg42 : memref<!tpu.dma_semaphore, #tpu.memory_space<semaphore_mem>>)
        %dma_start3A_2247 = arith.constant 720 : i32
        %dma_start3A_2248 = tpu.memref_slice %arg23[%dma_start3A_2247] : memref<800xf32, #tpu.memory_space<vmem>> -> memref<80xf32, #tpu.memory_space<vmem>>
        %dma_start3A_2249 = arith.constant 720 : i32
        %dma_start3A_2250 = tpu.memref_slice %arg14[%dma_start3A_2249] : memref<800xi32, #tpu.memory_space<vmem>> -> memref<80xi32, #tpu.memory_space<vmem>>
        %dma_start3A_2251 = arith.constant 0 : i32
        %dma_start3A_2252 = tpu.memref_slice %arg48[%dma_start3A_2251] : memref<100000xf32, #tpu.memory_space<vmem_shared>> -> memref<100000xf32, #tpu.memory_space<vmem_shared>>
        tpu.enqueue_indirect_dma source(%dma_start3A_2252 : memref<100000xf32, #tpu.memory_space<vmem_shared>>) target(%dma_start3A_2248 : memref<80xf32, #tpu.memory_space<vmem>>) offsets(%dma_start3A_2250 : memref<80xi32, #tpu.memory_space<vmem>>) semaphore(%arg42 : memref<!tpu.dma_semaphore, #tpu.memory_space<semaphore_mem>>)
        %dma_start3A_2253 = arith.constant 720 : i32
        %dma_start3A_2254 = tpu.memref_slice %arg24[%dma_start3A_2253] : memref<800xf32, #tpu.memory_space<vmem>> -> memref<80xf32, #tpu.memory_space<vmem>>
        %dma_start3A_2255 = arith.constant 720 : i32
        %dma_start3A_2256 = tpu.memref_slice %arg14[%dma_start3A_2255] : memref<800xi32, #tpu.memory_space<vmem>> -> memref<80xi32, #tpu.memory_space<vmem>>
        %dma_start3A_2257 = arith.constant 0 : i32
        %dma_start3A_2258 = tpu.memref_slice %arg49[%dma_start3A_2257] : memref<100000xf32, #tpu.memory_space<vmem_shared>> -> memref<100000xf32, #tpu.memory_space<vmem_shared>>
        tpu.enqueue_indirect_dma source(%dma_start3A_2258 : memref<100000xf32, #tpu.memory_space<vmem_shared>>) target(%dma_start3A_2254 : memref<80xf32, #tpu.memory_space<vmem>>) offsets(%dma_start3A_2256 : memref<80xi32, #tpu.memory_space<vmem>>) semaphore(%arg42 : memref<!tpu.dma_semaphore, #tpu.memory_space<semaphore_mem>>)
      } else {
      }
      %scan3A_1800 = arith.constant 0 : i32
      %scan3A_1801 = arith.constant 0 : i32
      %scan3A_1802 = arith.constant 25 : i32
      %scan3A_1803 = arith.addi %scan3A_1801, %scan3A_1802 : i32
      %scan3A_1804 = arith.constant 1 : i32
      scf.for %scan3A_1819 = %scan3A_1801 to %scan3A_1803 step %scan3A_1804  : i32 {
        %mul3A_1820 = arith.constant 32 : i32
        %mul3A_1821 = arith.muli %scan3A_1819, %mul3A_1820 : i32
        %get3A = arith.index_cast %mul3A_1821 : i32 to index
        %get3A_1822 = tpu.vector_load %arg31[%get3A] {strides = array<i32>} : memref<800xf32, #tpu.memory_space<vmem>>, vector<16xf32>,
        %get3A_1823 = arith.index_cast %mul3A_1821 : i32 to index
        %get3A_1824 = tpu.vector_load %arg32[%get3A_1823] {strides = array<i32>} : memref<800xf32, #tpu.memory_space<vmem>>, vector<16xf32>,
        %get3A_1825 = arith.index_cast %mul3A_1821 : i32 to index
        %get3A_1826 = tpu.vector_load %arg33[%get3A_1825] {strides = array<i32>} : memref<800xf32, #tpu.memory_space<vmem>>, vector<16xf32>,
        %get3A_1827 = arith.index_cast %mul3A_1821 : i32 to index
        %get3A_1828 = tpu.vector_load %arg34[%get3A_1827] {strides = array<i32>} : memref<800xf32, #tpu.memory_space<vmem>>, vector<16xf32>,
        %get3A_1829 = arith.index_cast %mul3A_1821 : i32 to index
        %get3A_1830 = tpu.vector_load %arg35[%get3A_1829] {strides = array<i32>} : memref<800xf32, #tpu.memory_space<vmem>>, vector<16xf32>,
        %get3A_1831 = arith.index_cast %mul3A_1821 : i32 to index
        %get3A_1832 = tpu.vector_load %arg36[%get3A_1831] {strides = array<i32>} : memref<800xf32, #tpu.memory_space<vmem>>, vector<16xf32>,
        %get3A_1833 = arith.index_cast %mul3A_1821 : i32 to index
        %get3A_1834 = tpu.vector_load %arg37[%get3A_1833] {strides = array<i32>} : memref<800xf32, #tpu.memory_space<vmem>>, vector<16xf32>,
        %bitcast_convert_type3A = tpu.bitcast %get3A_1834 : vector<16xf32> -> vector<16xi32>
        %mul3A_1835 = arith.constant 9 : i32
        %mul3A_1836 = vector.broadcast %mul3A_1835 : i32 to vector<16xi32>
        %mul3A_1837 = arith.muli %bitcast_convert_type3A, %mul3A_1836 : vector<16xi32>
        %get3A_1838 = arith.index_cast %mul3A_1821 : i32 to index
        %get3A_1839 = tpu.vector_load %arg28[%get3A_1838] {strides = array<i32>} : memref<800xf32, #tpu.memory_space<vmem>>, vector<16xf32>,
        %get3A_1840 = arith.index_cast %mul3A_1821 : i32 to index
        %get3A_1841 = tpu.vector_load %arg29[%get3A_1840] {strides = array<i32>} : memref<800xf32, #tpu.memory_space<vmem>>, vector<16xf32>,
        %get3A_1842 = arith.index_cast %mul3A_1821 : i32 to index
        %get3A_1843 = tpu.vector_load %arg30[%get3A_1842] {strides = array<i32>} : memref<800xf32, #tpu.memory_space<vmem>>, vector<16xf32>,
        %gather3A = tpu.vector_load_idx %arg39[%mul3A_1837] : memref<576xf32, #tpu.memory_space<vmem>>[vector<16xi32>], vector<16xf32>,
        %add3A_1844 = arith.constant 1 : i32
        %add3A_1845 = vector.broadcast %add3A_1844 : i32 to vector<16xi32>
        %add3A_1846 = arith.addi %mul3A_1837, %add3A_1845 : vector<16xi32>
        %gather3A_1847 = tpu.vector_load_idx %arg39[%add3A_1846] : memref<576xf32, #tpu.memory_space<vmem>>[vector<16xi32>], vector<16xf32>,
        %add3A_1848 = arith.constant 2 : i32
        %add3A_1849 = vector.broadcast %add3A_1848 : i32 to vector<16xi32>
        %add3A_1850 = arith.addi %mul3A_1837, %add3A_1849 : vector<16xi32>
        %gather3A_1851 = tpu.vector_load_idx %arg39[%add3A_1850] : memref<576xf32, #tpu.memory_space<vmem>>[vector<16xi32>], vector<16xf32>,
        %add3A_1852 = arith.constant 3 : i32
        %add3A_1853 = vector.broadcast %add3A_1852 : i32 to vector<16xi32>
        %add3A_1854 = arith.addi %mul3A_1837, %add3A_1853 : vector<16xi32>
        %gather3A_1855 = tpu.vector_load_idx %arg39[%add3A_1854] : memref<576xf32, #tpu.memory_space<vmem>>[vector<16xi32>], vector<16xf32>,
        %add3A_1856 = arith.constant 4 : i32
        %add3A_1857 = vector.broadcast %add3A_1856 : i32 to vector<16xi32>
        %add3A_1858 = arith.addi %mul3A_1837, %add3A_1857 : vector<16xi32>
        %gather3A_1859 = tpu.vector_load_idx %arg39[%add3A_1858] : memref<576xf32, #tpu.memory_space<vmem>>[vector<16xi32>], vector<16xf32>,
        %add3A_1860 = arith.constant 5 : i32
        %add3A_1861 = vector.broadcast %add3A_1860 : i32 to vector<16xi32>
        %add3A_1862 = arith.addi %mul3A_1837, %add3A_1861 : vector<16xi32>
        %gather3A_1863 = tpu.vector_load_idx %arg39[%add3A_1862] : memref<576xf32, #tpu.memory_space<vmem>>[vector<16xi32>], vector<16xf32>,
        %add3A_1864 = arith.constant 6 : i32
        %add3A_1865 = vector.broadcast %add3A_1864 : i32 to vector<16xi32>
        %add3A_1866 = arith.addi %mul3A_1837, %add3A_1865 : vector<16xi32>
        %gather3A_1867 = tpu.vector_load_idx %arg39[%add3A_1866] : memref<576xf32, #tpu.memory_space<vmem>>[vector<16xi32>], vector<16xf32>,
        %add3A_1868 = arith.constant 7 : i32
        %add3A_1869 = vector.broadcast %add3A_1868 : i32 to vector<16xi32>
        %add3A_1870 = arith.addi %mul3A_1837, %add3A_1869 : vector<16xi32>
        %gather3A_1871 = tpu.vector_load_idx %arg39[%add3A_1870] : memref<576xf32, #tpu.memory_space<vmem>>[vector<16xi32>], vector<16xf32>,
        %add3A_1872 = arith.constant 8 : i32
        %add3A_1873 = vector.broadcast %add3A_1872 : i32 to vector<16xi32>
        %add3A_1874 = arith.addi %mul3A_1837, %add3A_1873 : vector<16xi32>
        %gather3A_1875 = tpu.vector_load_idx %arg39[%add3A_1874] : memref<576xf32, #tpu.memory_space<vmem>>[vector<16xi32>], vector<16xf32>,
        %sub3A = arith.subf %get3A_1822, %get3A_1828 : vector<16xf32>
        %mul3A_1876 = arith.mulf %get3A_1839, %gather3A : vector<16xf32>
        %add3A_1877 = arith.addf %sub3A, %mul3A_1876 : vector<16xf32>
        %mul3A_1878 = arith.mulf %get3A_1841, %gather3A_1855 : vector<16xf32>
        %add3A_1879 = arith.addf %add3A_1877, %mul3A_1878 : vector<16xf32>
        %mul3A_1880 = arith.mulf %get3A_1843, %gather3A_1867 : vector<16xf32>
        %add3A_1881 = arith.addf %add3A_1879, %mul3A_1880 : vector<16xf32>
        %sub3A_1882 = arith.subf %get3A_1824, %get3A_1830 : vector<16xf32>
        %mul3A_1883 = arith.mulf %get3A_1839, %gather3A_1847 : vector<16xf32>
        %add3A_1884 = arith.addf %sub3A_1882, %mul3A_1883 : vector<16xf32>
        %mul3A_1885 = arith.mulf %get3A_1841, %gather3A_1859 : vector<16xf32>
        %add3A_1886 = arith.addf %add3A_1884, %mul3A_1885 : vector<16xf32>
        %mul3A_1887 = arith.mulf %get3A_1843, %gather3A_1871 : vector<16xf32>
        %add3A_1888 = arith.addf %add3A_1886, %mul3A_1887 : vector<16xf32>
        %sub3A_1889 = arith.subf %get3A_1826, %get3A_1832 : vector<16xf32>
        %mul3A_1890 = arith.mulf %get3A_1839, %gather3A_1851 : vector<16xf32>
        %add3A_1891 = arith.addf %sub3A_1889, %mul3A_1890 : vector<16xf32>
        %mul3A_1892 = arith.mulf %get3A_1841, %gather3A_1863 : vector<16xf32>
        %add3A_1893 = arith.addf %add3A_1891, %mul3A_1892 : vector<16xf32>
        %mul3A_1894 = arith.mulf %get3A_1843, %gather3A_1875 : vector<16xf32>
        %add3A_1895 = arith.addf %add3A_1893, %mul3A_1894 : vector<16xf32>
        %mul3A_1896 = arith.mulf %add3A_1881, %add3A_1881 : vector<16xf32>
        %mul3A_1897 = arith.mulf %add3A_1888, %add3A_1888 : vector<16xf32>
        %add3A_1898 = arith.addf %mul3A_1896, %mul3A_1897 : vector<16xf32>
        %mul3A_1899 = arith.mulf %add3A_1895, %add3A_1895 : vector<16xf32>
        %add3A_1900 = arith.addf %add3A_1898, %mul3A_1899 : vector<16xf32>
        %max3A = arith.constant 1.000000e-30 : f32
        %max3A_1901 = vector.broadcast %max3A : f32 to vector<16xf32>
        %max3A_1902 = arith.maximumf %add3A_1900, %max3A_1901 : vector<16xf32>
        %bitcast_convert_type3A_1903 = tpu.bitcast %max3A_1902 : vector<16xf32> -> vector<16xi32>
        %shift_right_logical3A = arith.constant 1 : i32
        %shift_right_logical3A_1904 = vector.broadcast %shift_right_logical3A : i32 to vector<16xi32>
        %shift_right_logical3A_1905 = arith.shrui %bitcast_convert_type3A_1903, %shift_right_logical3A_1904 : vector<16xi32>
        %sub3A_1906 = arith.constant 1597463007 : i32
        %sub3A_1907 = vector.broadcast %sub3A_1906 : i32 to vector<16xi32>
        %sub3A_1908 = arith.subi %sub3A_1907, %shift_right_logical3A_1905 : vector<16xi32>
        %bitcast_convert_type3A_1909 = tpu.bitcast %sub3A_1908 : vector<16xi32> -> vector<16xf32>
        %mul3A_1910 = arith.constant 5.000000e-01 : f32
        %mul3A_1911 = vector.broadcast %mul3A_1910 : f32 to vector<16xf32>
        %mul3A_1912 = arith.mulf %mul3A_1911, %max3A_1902 : vector<16xf32>
        %mul3A_1913 = arith.mulf %mul3A_1912, %bitcast_convert_type3A_1909 : vector<16xf32>
        %mul3A_1914 = arith.mulf %mul3A_1913, %bitcast_convert_type3A_1909 : vector<16xf32>
        %sub3A_1915 = arith.constant 1.500000e+00 : f32
        %sub3A_1916 = vector.broadcast %sub3A_1915 : f32 to vector<16xf32>
        %sub3A_1917 = arith.subf %sub3A_1916, %mul3A_1914 : vector<16xf32>
        %mul3A_1918 = arith.mulf %bitcast_convert_type3A_1909, %sub3A_1917 : vector<16xf32>
        %mul3A_1919 = arith.constant 5.000000e-01 : f32
        %mul3A_1920 = vector.broadcast %mul3A_1919 : f32 to vector<16xf32>
        %mul3A_1921 = arith.mulf %mul3A_1920, %max3A_1902 : vector<16xf32>
        %mul3A_1922 = arith.mulf %mul3A_1921, %mul3A_1918 : vector<16xf32>
        %mul3A_1923 = arith.mulf %mul3A_1922, %mul3A_1918 : vector<16xf32>
        %sub3A_1924 = arith.constant 1.500000e+00 : f32
        %sub3A_1925 = vector.broadcast %sub3A_1924 : f32 to vector<16xf32>
        %sub3A_1926 = arith.subf %sub3A_1925, %mul3A_1923 : vector<16xf32>
        %mul3A_1927 = arith.mulf %mul3A_1918, %sub3A_1926 : vector<16xf32>
        %mul3A_1928 = arith.mulf %max3A_1902, %mul3A_1927 : vector<16xf32>
        %swap3A = arith.index_cast %mul3A_1821 : i32 to index
        %swap3A_1929 = tpu.vector_load %arg38[%swap3A] {strides = array<i32>} : memref<800xf32, #tpu.memory_space<vmem>>, vector<16xf32>,
        tpu.vector_store %arg38[%swap3A], %mul3A_1928 {strides = array<i32>} : memref<800xf32, #tpu.memory_space<vmem>>, vector<16xf32>,
        %add3A_1930 = arith.constant 16 : i32
        %add3A_1931 = arith.addi %mul3A_1821, %add3A_1930 : i32
        %get3A_1932 = arith.index_cast %add3A_1931 : i32 to index
        %get3A_1933 = tpu.vector_load %arg31[%get3A_1932] {strides = array<i32>} : memref<800xf32, #tpu.memory_space<vmem>>, vector<16xf32>,
        %get3A_1934 = arith.index_cast %add3A_1931 : i32 to index
        %get3A_1935 = tpu.vector_load %arg32[%get3A_1934] {strides = array<i32>} : memref<800xf32, #tpu.memory_space<vmem>>, vector<16xf32>,
        %get3A_1936 = arith.index_cast %add3A_1931 : i32 to index
        %get3A_1937 = tpu.vector_load %arg33[%get3A_1936] {strides = array<i32>} : memref<800xf32, #tpu.memory_space<vmem>>, vector<16xf32>,
        %get3A_1938 = arith.index_cast %add3A_1931 : i32 to index
        %get3A_1939 = tpu.vector_load %arg34[%get3A_1938] {strides = array<i32>} : memref<800xf32, #tpu.memory_space<vmem>>, vector<16xf32>,
        %get3A_1940 = arith.index_cast %add3A_1931 : i32 to index
        %get3A_1941 = tpu.vector_load %arg35[%get3A_1940] {strides = array<i32>} : memref<800xf32, #tpu.memory_space<vmem>>, vector<16xf32>,
        %get3A_1942 = arith.index_cast %add3A_1931 : i32 to index
        %get3A_1943 = tpu.vector_load %arg36[%get3A_1942] {strides = array<i32>} : memref<800xf32, #tpu.memory_space<vmem>>, vector<16xf32>,
        %get3A_1944 = arith.index_cast %add3A_1931 : i32 to index
        %get3A_1945 = tpu.vector_load %arg37[%get3A_1944] {strides = array<i32>} : memref<800xf32, #tpu.memory_space<vmem>>, vector<16xf32>,
        %bitcast_convert_type3A_1946 = tpu.bitcast %get3A_1945 : vector<16xf32> -> vector<16xi32>
        %mul3A_1947 = arith.constant 9 : i32
        %mul3A_1948 = vector.broadcast %mul3A_1947 : i32 to vector<16xi32>
        %mul3A_1949 = arith.muli %bitcast_convert_type3A_1946, %mul3A_1948 : vector<16xi32>
        %get3A_1950 = arith.index_cast %add3A_1931 : i32 to index
        %get3A_1951 = tpu.vector_load %arg28[%get3A_1950] {strides = array<i32>} : memref<800xf32, #tpu.memory_space<vmem>>, vector<16xf32>,
        %get3A_1952 = arith.index_cast %add3A_1931 : i32 to index
        %get3A_1953 = tpu.vector_load %arg29[%get3A_1952] {strides = array<i32>} : memref<800xf32, #tpu.memory_space<vmem>>, vector<16xf32>,
        %get3A_1954 = arith.index_cast %add3A_1931 : i32 to index
        %get3A_1955 = tpu.vector_load %arg30[%get3A_1954] {strides = array<i32>} : memref<800xf32, #tpu.memory_space<vmem>>, vector<16xf32>,
        %gather3A_1956 = tpu.vector_load_idx %arg39[%mul3A_1949] : memref<576xf32, #tpu.memory_space<vmem>>[vector<16xi32>], vector<16xf32>,
        %add3A_1957 = arith.constant 1 : i32
        %add3A_1958 = vector.broadcast %add3A_1957 : i32 to vector<16xi32>
        %add3A_1959 = arith.addi %mul3A_1949, %add3A_1958 : vector<16xi32>
        %gather3A_1960 = tpu.vector_load_idx %arg39[%add3A_1959] : memref<576xf32, #tpu.memory_space<vmem>>[vector<16xi32>], vector<16xf32>,
        %add3A_1961 = arith.constant 2 : i32
        %add3A_1962 = vector.broadcast %add3A_1961 : i32 to vector<16xi32>
        %add3A_1963 = arith.addi %mul3A_1949, %add3A_1962 : vector<16xi32>
        %gather3A_1964 = tpu.vector_load_idx %arg39[%add3A_1963] : memref<576xf32, #tpu.memory_space<vmem>>[vector<16xi32>], vector<16xf32>,
        %add3A_1965 = arith.constant 3 : i32
        %add3A_1966 = vector.broadcast %add3A_1965 : i32 to vector<16xi32>
        %add3A_1967 = arith.addi %mul3A_1949, %add3A_1966 : vector<16xi32>
        %gather3A_1968 = tpu.vector_load_idx %arg39[%add3A_1967] : memref<576xf32, #tpu.memory_space<vmem>>[vector<16xi32>], vector<16xf32>,
        %add3A_1969 = arith.constant 4 : i32
        %add3A_1970 = vector.broadcast %add3A_1969 : i32 to vector<16xi32>
        %add3A_1971 = arith.addi %mul3A_1949, %add3A_1970 : vector<16xi32>
        %gather3A_1972 = tpu.vector_load_idx %arg39[%add3A_1971] : memref<576xf32, #tpu.memory_space<vmem>>[vector<16xi32>], vector<16xf32>,
        %add3A_1973 = arith.constant 5 : i32
        %add3A_1974 = vector.broadcast %add3A_1973 : i32 to vector<16xi32>
        %add3A_1975 = arith.addi %mul3A_1949, %add3A_1974 : vector<16xi32>
        %gather3A_1976 = tpu.vector_load_idx %arg39[%add3A_1975] : memref<576xf32, #tpu.memory_space<vmem>>[vector<16xi32>], vector<16xf32>,
        %add3A_1977 = arith.constant 6 : i32
        %add3A_1978 = vector.broadcast %add3A_1977 : i32 to vector<16xi32>
        %add3A_1979 = arith.addi %mul3A_1949, %add3A_1978 : vector<16xi32>
        %gather3A_1980 = tpu.vector_load_idx %arg39[%add3A_1979] : memref<576xf32, #tpu.memory_space<vmem>>[vector<16xi32>], vector<16xf32>,
        %add3A_1981 = arith.constant 7 : i32
        %add3A_1982 = vector.broadcast %add3A_1981 : i32 to vector<16xi32>
        %add3A_1983 = arith.addi %mul3A_1949, %add3A_1982 : vector<16xi32>
        %gather3A_1984 = tpu.vector_load_idx %arg39[%add3A_1983] : memref<576xf32, #tpu.memory_space<vmem>>[vector<16xi32>], vector<16xf32>,
        %add3A_1985 = arith.constant 8 : i32
        %add3A_1986 = vector.broadcast %add3A_1985 : i32 to vector<16xi32>
        %add3A_1987 = arith.addi %mul3A_1949, %add3A_1986 : vector<16xi32>
        %gather3A_1988 = tpu.vector_load_idx %arg39[%add3A_1987] : memref<576xf32, #tpu.memory_space<vmem>>[vector<16xi32>], vector<16xf32>,
        %sub3A_1989 = arith.subf %get3A_1933, %get3A_1939 : vector<16xf32>
        %mul3A_1990 = arith.mulf %get3A_1951, %gather3A_1956 : vector<16xf32>
        %add3A_1991 = arith.addf %sub3A_1989, %mul3A_1990 : vector<16xf32>
        %mul3A_1992 = arith.mulf %get3A_1953, %gather3A_1968 : vector<16xf32>
        %add3A_1993 = arith.addf %add3A_1991, %mul3A_1992 : vector<16xf32>
        %mul3A_1994 = arith.mulf %get3A_1955, %gather3A_1980 : vector<16xf32>
        %add3A_1995 = arith.addf %add3A_1993, %mul3A_1994 : vector<16xf32>
        %sub3A_1996 = arith.subf %get3A_1935, %get3A_1941 : vector<16xf32>
        %mul3A_1997 = arith.mulf %get3A_1951, %gather3A_1960 : vector<16xf32>
        %add3A_1998 = arith.addf %sub3A_1996, %mul3A_1997 : vector<16xf32>
        %mul3A_1999 = arith.mulf %get3A_1953, %gather3A_1972 : vector<16xf32>
        %add3A_2000 = arith.addf %add3A_1998, %mul3A_1999 : vector<16xf32>
        %mul3A_2001 = arith.mulf %get3A_1955, %gather3A_1984 : vector<16xf32>
        %add3A_2002 = arith.addf %add3A_2000, %mul3A_2001 : vector<16xf32>
        %sub3A_2003 = arith.subf %get3A_1937, %get3A_1943 : vector<16xf32>
        %mul3A_2004 = arith.mulf %get3A_1951, %gather3A_1964 : vector<16xf32>
        %add3A_2005 = arith.addf %sub3A_2003, %mul3A_2004 : vector<16xf32>
        %mul3A_2006 = arith.mulf %get3A_1953, %gather3A_1976 : vector<16xf32>
        %add3A_2007 = arith.addf %add3A_2005, %mul3A_2006 : vector<16xf32>
        %mul3A_2008 = arith.mulf %get3A_1955, %gather3A_1988 : vector<16xf32>
        %add3A_2009 = arith.addf %add3A_2007, %mul3A_2008 : vector<16xf32>
        %mul3A_2010 = arith.mulf %add3A_1995, %add3A_1995 : vector<16xf32>
        %mul3A_2011 = arith.mulf %add3A_2002, %add3A_2002 : vector<16xf32>
        %add3A_2012 = arith.addf %mul3A_2010, %mul3A_2011 : vector<16xf32>
        %mul3A_2013 = arith.mulf %add3A_2009, %add3A_2009 : vector<16xf32>
        %add3A_2014 = arith.addf %add3A_2012, %mul3A_2013 : vector<16xf32>
        %max3A_2015 = arith.constant 1.000000e-30 : f32
        %max3A_2016 = vector.broadcast %max3A_2015 : f32 to vector<16xf32>
        %max3A_2017 = arith.maximumf %add3A_2014, %max3A_2016 : vector<16xf32>
        %bitcast_convert_type3A_2018 = tpu.bitcast %max3A_2017 : vector<16xf32> -> vector<16xi32>
        %shift_right_logical3A_2019 = arith.constant 1 : i32
        %shift_right_logical3A_2020 = vector.broadcast %shift_right_logical3A_2019 : i32 to vector<16xi32>
        %shift_right_logical3A_2021 = arith.shrui %bitcast_convert_type3A_2018, %shift_right_logical3A_2020 : vector<16xi32>
        %sub3A_2022 = arith.constant 1597463007 : i32
        %sub3A_2023 = vector.broadcast %sub3A_2022 : i32 to vector<16xi32>
        %sub3A_2024 = arith.subi %sub3A_2023, %shift_right_logical3A_2021 : vector<16xi32>
        %bitcast_convert_type3A_2025 = tpu.bitcast %sub3A_2024 : vector<16xi32> -> vector<16xf32>
        %mul3A_2026 = arith.constant 5.000000e-01 : f32
        %mul3A_2027 = vector.broadcast %mul3A_2026 : f32 to vector<16xf32>
        %mul3A_2028 = arith.mulf %mul3A_2027, %max3A_2017 : vector<16xf32>
        %mul3A_2029 = arith.mulf %mul3A_2028, %bitcast_convert_type3A_2025 : vector<16xf32>
        %mul3A_2030 = arith.mulf %mul3A_2029, %bitcast_convert_type3A_2025 : vector<16xf32>
        %sub3A_2031 = arith.constant 1.500000e+00 : f32
        %sub3A_2032 = vector.broadcast %sub3A_2031 : f32 to vector<16xf32>
        %sub3A_2033 = arith.subf %sub3A_2032, %mul3A_2030 : vector<16xf32>
        %mul3A_2034 = arith.mulf %bitcast_convert_type3A_2025, %sub3A_2033 : vector<16xf32>
        %mul3A_2035 = arith.constant 5.000000e-01 : f32
        %mul3A_2036 = vector.broadcast %mul3A_2035 : f32 to vector<16xf32>
        %mul3A_2037 = arith.mulf %mul3A_2036, %max3A_2017 : vector<16xf32>
        %mul3A_2038 = arith.mulf %mul3A_2037, %mul3A_2034 : vector<16xf32>
        %mul3A_2039 = arith.mulf %mul3A_2038, %mul3A_2034 : vector<16xf32>
        %sub3A_2040 = arith.constant 1.500000e+00 : f32
        %sub3A_2041 = vector.broadcast %sub3A_2040 : f32 to vector<16xf32>
        %sub3A_2042 = arith.subf %sub3A_2041, %mul3A_2039 : vector<16xf32>
        %mul3A_2043 = arith.mulf %mul3A_2034, %sub3A_2042 : vector<16xf32>
        %mul3A_2044 = arith.mulf %max3A_2017, %mul3A_2043 : vector<16xf32>
        %swap3A_2045 = arith.index_cast %add3A_1931 : i32 to index
        %swap3A_2046 = tpu.vector_load %arg38[%swap3A_2045] {strides = array<i32>} : memref<800xf32, #tpu.memory_space<vmem>>, vector<16xf32>,
        tpu.vector_store %arg38[%swap3A_2045], %mul3A_2044 {strides = array<i32>} : memref<800xf32, #tpu.memory_space<vmem>>, vector<16xf32>,
      }
      %scan3A_1805 = arith.constant 25 : i32
      %mul3A_1806 = arith.constant 200000 : i32
      %mul3A_1807 = arith.muli %add3A, %mul3A_1806 : i32
      %mul3A_1808 = arith.constant 800 : i32
      %mul3A_1809 = arith.muli %add3A_1369, %mul3A_1808 : i32
      %add3A_1810 = arith.addi %mul3A_1807, %mul3A_1809 : i32
      %multiple_of3A_1811 = tpu.assume_multiple %add3A_1810, 800 : i32
      %dma_start3A_1812 = tpu.memref_slice %arg12[%multiple_of3A_1811] : memref<6400000xf32, #tpu.memory_space<hbm>> -> memref<800xf32, #tpu.memory_space<hbm>>
      %dma_start3A_1813 = tpu.memref_slice %arg12[%multiple_of3A_1811] : memref<6400000xf32, #tpu.memory_space<hbm>> -> memref<800xf32, #tpu.memory_space<hbm>>
      tpu.enqueue_dma source(%arg38 : memref<800xf32, #tpu.memory_space<vmem>>) target(%dma_start3A_1813 : memref<800xf32, #tpu.memory_space<hbm>>) target_semaphore(%arg45 : memref<!tpu.dma_semaphore, #tpu.memory_space<semaphore_mem>>)
      %lt3A_1814 = arith.constant 124 : i32
      %lt3A_1815 = arith.cmpi slt, %scan3A_483, %lt3A_1814 : i32
      %convert_element_type3A_1816 = arith.extui %lt3A_1815 : i1 to i32
      %cond3A_1817 = arith.constant 0 : i32
      %cond3A_1818 = arith.cmpi ne, %convert_element_type3A_1816, %cond3A_1817 : i32
      scf.if %cond3A_1818 {
        %add3A_1819 = arith.constant 2 : i32
        %add3A_1820 = arith.addi %add3A_1369, %add3A_1819 : i32
        %mul3A_1821 = arith.constant 200000 : i32
        %mul3A_1822 = arith.muli %add3A, %mul3A_1821 : i32
        %mul3A_1823 = arith.constant 800 : i32
        %mul3A_1824 = arith.muli %add3A_1820, %mul3A_1823 : i32
        %add3A_1825 = arith.addi %mul3A_1822, %mul3A_1824 : i32
        %multiple_of3A_1826 = tpu.assume_multiple %add3A_1825, 800 : i32
        %dma_start3A_1827 = tpu.memref_slice %arg6[%multiple_of3A_1826] : memref<6400000xi32, #tpu.memory_space<hbm>> -> memref<800xi32, #tpu.memory_space<hbm>>
        %dma_start3A_1828 = tpu.memref_slice %arg6[%multiple_of3A_1826] : memref<6400000xi32, #tpu.memory_space<hbm>> -> memref<800xi32, #tpu.memory_space<hbm>>
        tpu.enqueue_dma source(%dma_start3A_1828 : memref<800xi32, #tpu.memory_space<hbm>>) target(%arg26 : memref<800xi32, #tpu.memory_space<vmem>>) target_semaphore(%arg41 : memref<!tpu.dma_semaphore, #tpu.memory_space<semaphore_mem>>)
        %dma_start3A_1829 = tpu.memref_slice %arg7[%multiple_of3A_1826] : memref<6400000xi32, #tpu.memory_space<hbm>> -> memref<800xi32, #tpu.memory_space<hbm>>
        %dma_start3A_1830 = tpu.memref_slice %arg7[%multiple_of3A_1826] : memref<6400000xi32, #tpu.memory_space<hbm>> -> memref<800xi32, #tpu.memory_space<hbm>>
        tpu.enqueue_dma source(%dma_start3A_1830 : memref<800xi32, #tpu.memory_space<hbm>>) target(%arg27 : memref<800xi32, #tpu.memory_space<vmem>>) target_semaphore(%arg41 : memref<!tpu.dma_semaphore, #tpu.memory_space<semaphore_mem>>)
        %dma_start3A_1831 = tpu.memref_slice %arg8[%multiple_of3A_1826] : memref<6400000xf32, #tpu.memory_space<hbm>> -> memref<800xf32, #tpu.memory_space<hbm>>
        %dma_start3A_1832 = tpu.memref_slice %arg8[%multiple_of3A_1826] : memref<6400000xf32, #tpu.memory_space<hbm>> -> memref<800xf32, #tpu.memory_space<hbm>>
        tpu.enqueue_dma source(%dma_start3A_1832 : memref<800xf32, #tpu.memory_space<hbm>>) target(%arg28 : memref<800xf32, #tpu.memory_space<vmem>>) target_semaphore(%arg41 : memref<!tpu.dma_semaphore, #tpu.memory_space<semaphore_mem>>)
        %dma_start3A_1833 = tpu.memref_slice %arg9[%multiple_of3A_1826] : memref<6400000xf32, #tpu.memory_space<hbm>> -> memref<800xf32, #tpu.memory_space<hbm>>
        %dma_start3A_1834 = tpu.memref_slice %arg9[%multiple_of3A_1826] : memref<6400000xf32, #tpu.memory_space<hbm>> -> memref<800xf32, #tpu.memory_space<hbm>>
        tpu.enqueue_dma source(%dma_start3A_1834 : memref<800xf32, #tpu.memory_space<hbm>>) target(%arg29 : memref<800xf32, #tpu.memory_space<vmem>>) target_semaphore(%arg41 : memref<!tpu.dma_semaphore, #tpu.memory_space<semaphore_mem>>)
        %dma_start3A_1835 = tpu.memref_slice %arg10[%multiple_of3A_1826] : memref<6400000xf32, #tpu.memory_space<hbm>> -> memref<800xf32, #tpu.memory_space<hbm>>
        %dma_start3A_1836 = tpu.memref_slice %arg10[%multiple_of3A_1826] : memref<6400000xf32, #tpu.memory_space<hbm>> -> memref<800xf32, #tpu.memory_space<hbm>>
        tpu.enqueue_dma source(%dma_start3A_1836 : memref<800xf32, #tpu.memory_space<hbm>>) target(%arg30 : memref<800xf32, #tpu.memory_space<vmem>>) target_semaphore(%arg41 : memref<!tpu.dma_semaphore, #tpu.memory_space<semaphore_mem>>)
      } else {
      }
    }
    %scan3A_474 = arith.constant 125 : i32
    %dma_wait3A_475 = arith.constant 0 : i32
    %dma_wait3A_476 = tpu.memref_slice %arg12[%dma_wait3A_475] : memref<6400000xf32, #tpu.memory_space<hbm>> -> memref<800xf32, #tpu.memory_space<hbm>>
    %dma_wait3A_477 = arith.constant 0 : i32
    %dma_wait3A_478 = tpu.memref_slice %arg12[%dma_wait3A_477] : memref<6400000xf32, #tpu.memory_space<hbm>> -> memref<800xf32, #tpu.memory_space<hbm>>
    tpu.wait_dma2 semaphore(%arg44 : memref<!tpu.dma_semaphore, #tpu.memory_space<semaphore_mem>>) src(%arg25 : memref<800xf32, #tpu.memory_space<vmem>>) dst(%dma_wait3A_478 : memref<800xf32, #tpu.memory_space<hbm>>)
    %dma_wait3A_479 = arith.constant 0 : i32
    %dma_wait3A_480 = tpu.memref_slice %arg12[%dma_wait3A_479] : memref<6400000xf32, #tpu.memory_space<hbm>> -> memref<800xf32, #tpu.memory_space<hbm>>
    %dma_wait3A_481 = arith.constant 0 : i32
    %dma_wait3A_482 = tpu.memref_slice %arg12[%dma_wait3A_481] : memref<6400000xf32, #tpu.memory_space<hbm>> -> memref<800xf32, #tpu.memory_space<hbm>>
    tpu.wait_dma2 semaphore(%arg45 : memref<!tpu.dma_semaphore, #tpu.memory_space<semaphore_mem>>) src(%arg38 : memref<800xf32, #tpu.memory_space<vmem>>) dst(%dma_wait3A_482 : memref<800xf32, #tpu.memory_space<hbm>>)
    return
  }
}

</mosaic_0001>

<sc_bundles>
// kernel: kernel.3.cloned.1.call-start
scs
__scs_entry_jumppad:
0x0: {  	(pc) =	sbr.rel $0x88, $3  }
0x1: {  	(tag) =	ssettag $0x0;
	lr =	simm.s32 $0x1  }
0x2: {  	[smem:$0x3F9C] =	sst lr;
	_ =	strace $0xD0000000  }
0x3: {  	_ = 	snop  }
0x4: {  	_ = 	snop  }
0x5: {  	_ = 	snop  }
0x6: {  	_ = 	snop  }
0x7: {  	_ = 	snop  }
__scs_overlays_trampoline_lowered:
0x8: {  	[smem:$0x3FAB] =	sst s0  }
0x9: {  	[smem:$0x3FAC] =	sst s1  }
0xa: {  	[smem:$0x3FAD] =	sst s2  }
0xb: {  	[smem:$0x3FAE] =	sst s3  }
0xc: {  	[smem:$0x3FAF] =	sst s4  }
0xd: {  	[smem:$0x3FB0] =	sst s5  }
0xe: {  	[smem:$0x3FB1] =	sst s6  }
0xf: {  	[smem:$0x3FB2] =	sst s7  }
0x10: {  	[smem:$0x3FB3] =	sst s8  }
0x11: {  	[smem:$0x3FB4] =	sst s9;
	s0 =	simm.s32 @!p0 $0x0  }
0x12: {  	s1 =	sld [smem:$0x3F9A];
	s0 =	simm.s32 @p0 $0x1  }
0x13: {  	[smem:$0x3FB5] =	sst s0;
	s0 =	simm.s32 @!p1 $0x0  }
0x14: {  	s2 =	sld [smem:$0x3F99];
	s0 =	simm.s32 @p1 $0x1  }
0x15: {  	[smem:$0x3FB6] =	sst s0;
	s0 =	simm.s32 @!p2 $0x0  }
0x16: {  	s3 =	sld [smem:$0x3FDB];
	s0 =	simm.s32 @p2 $0x1  }
0x17: {  	s4 =	simm.s32 $0x1BF5;
	[smem:$0x3FB8] =	sst s0  }
0x18: {  	s0 =	sld [smem:$0x3F9B];
	_ =	swait.ge [sflag:s4], $0x0  }
0x19: {  	s7 =	sld [smem:$0x3F9C]  }
0x1a: {  	s8 =	sadd.s32 $0xFFFFE003, lr  }
0x1b: {  	s9 =	sadd.s32 $0xFFFFFEF7, lr;
	s5 =	simm.s32 $0xFFFFFFFF;
	p2 =	slt.u32 s8, $0xFFFFF086  }
0x1c: {  	p1 =	slt.u32 s9, $0xF7A;
	s5 =	simm.s32 @!p2 $0x0  }
0x1d: {  	s5 =	simm.s32 @p1 $0x1;
	p0 =	seq.s32 s7, s2  }
0x1e: {  	s7 =	smul.u32 @!p0 $0xF7A, s2;
	p2 =	seq.s32 @!p0 s5, $0x0  }
0x1f: {  	s9 =	smul.u32 $0xF7A, s1;
	s8 =	simm.s32 @!p0 $0x1BF5;
	p2 =	por !p2, p0  }
0x20: {  	[sflag:s8] =	ssyncset.s32 @!p0 $0xFFFFF086;
	s6 =	sadd.s32 @!p0 s3, s7;
	s7 =	simm.s32 @!p0 $0x108  }
0x21: {  	s3 =	sadd.s32 s3, s9;
	s6 =	sadd.s32 @!p0 $0x88, s6;
	s7 =	simm.s32 @p2 $0x1082  }
0x22: {  	[simem:s7], [sflag:s8] =	dma.local @!p0 [hbm:s6], $0xF7A  }
0x23: {  	s9 =	sor.u32 $0xD0000000, s2;
	s6 =	simm.s32 $0x108;
	_ =	swait.ge @!p0 [sflag:s8], $0x0  }
0x24: {  	s3 =	sadd.s32 $0x88, s3;
	s6 =	simm.s32 @!p1 $0x1082;
	[sflag:s4] =	ssyncset.s32 $0xFFFFF086  }
0x25: {  	[simem:s6], [sflag:s4] =	dma.local [hbm:s3], $0xF7A  }
0x26: {  	[smem:$0x3F9C] =	sst s1;
	(tag) =	ssettag s2;
	_ =	strace s9  }
0x27: {  	s1 =	sld [smem:$0x3FAC]  }
0x28: {  	s2 =	sld [smem:$0x3FAD]  }
0x29: {  	s4 =	sld [smem:$0x3FAF]  }
0x2a: {  	p0 =	seq.s32 s5, $0x0;
	s5 =	sld [smem:$0x3FB0]  }
0x2b: {  	s6 =	sld [smem:$0x3FB1]  }
0x2c: {  	s7 =	sld [smem:$0x3FB2]  }
0x2d: {  	s3 =	simm.s32 $0x108;
	s8 =	sld [smem:$0x3FB3]  }
0x2e: {  	s3 =	simm.s32 @!p0 $0x1082;
	s9 =	sld [smem:$0x3FB4]  }
0x2f: {  	lr =	sadd.s32 s0, s3;
	s0 =	sld [smem:$0x3FAB]  }
0x30: {  	s3 =	sld [smem:$0x3FAE]  }
0x31: {  	[smem:$0x3FB7] =	sst s10  }
0x32: {  	s10 =	sld [smem:$0x3FB5];
	_ =	sdelay $0x3  }
0x33: {  	p0 =	seq.s32 s10, $0x1;
	s10 =	sld [smem:$0x3FB7];
	_ =	sdelay $0x3  }
0x34: {  	[smem:$0x3FB7] =	sst s10  }
0x35: {  	s10 =	sld [smem:$0x3FB6];
	_ =	sdelay $0x3  }
0x36: {  	p1 =	seq.s32 s10, $0x1;
	s10 =	sld [smem:$0x3FB7];
	_ =	sdelay $0x3  }
0x37: {  	[smem:$0x3FB7] =	sst s10  }
0x38: {  	s10 =	sld [smem:$0x3FB8]  }
0x39: {  	_ = 	snop;
	(pc) =	sbr.ind lr, $3  }
0x3a: {  	_ = 	snop  }
0x3b: {  	_ = 	snop  }
0x3c: {  	p2 =	seq.s32 s10, $0x1;
	s10 =	sld [smem:$0x3FB7]  }
0x3d: {  	_ =	shalt  }
0x3e: {  	_ =	shalt  }
0x3f: {  	_ =	shalt  }
0x40: {  	_ =	shalt  }
0x41: {  	_ =	shalt  }
0x42: {  	_ =	shalt  }
0x43: {  	_ =	shalt  }
0x44: {  	_ =	shalt  }
0x45: {  	_ =	shalt  }
0x46: {  	_ =	shalt  }
0x47: {  	_ =	shalt  }
0x48: {  	_ =	shalt  }
0x49: {  	_ =	shalt  }
0x4a: {  	_ =	shalt  }
0x4b: {  	_ =	shalt  }
0x4c: {  	_ =	shalt  }
0x4d: {  	_ =	shalt  }
0x4e: {  	_ =	shalt  }
0x4f: {  	_ =	shalt  }
0x50: {  	_ =	shalt  }
0x51: {  	_ =	shalt  }
0x52: {  	_ =	shalt  }
0x53: {  	_ =	shalt  }
0x54: {  	_ =	shalt  }
0x55: {  	_ =	shalt  }
0x56: {  	_ =	shalt  }
0x57: {  	_ =	shalt  }
0x58: {  	_ =	shalt  }
0x59: {  	_ =	shalt  }
0x5a: {  	_ =	shalt  }
0x5b: {  	_ =	shalt  }
0x5c: {  	_ =	shalt  }
0x5d: {  	_ =	shalt  }
0x5e: {  	_ =	shalt  }
0x5f: {  	_ =	shalt  }
0x60: {  	_ =	shalt  }
0x61: {  	_ =	shalt  }
0x62: {  	_ =	shalt  }
0x63: {  	_ =	shalt  }
0x64: {  	_ =	shalt  }
0x65: {  	_ =	shalt  }
0x66: {  	_ =	shalt  }
0x67: {  	_ =	shalt  }
0x68: {  	_ =	shalt  }
0x69: {  	_ =	shalt  }
0x6a: {  	_ =	shalt  }
0x6b: {  	_ =	shalt  }
0x6c: {  	_ =	shalt  }
0x6d: {  	_ =	shalt  }
0x6e: {  	_ =	shalt  }
0x6f: {  	_ =	shalt  }
0x70: {  	_ =	shalt  }
0x71: {  	_ =	shalt  }
0x72: {  	_ =	shalt  }
0x73: {  	_ =	shalt  }
0x74: {  	_ =	shalt  }
0x75: {  	_ =	shalt  }
0x76: {  	_ =	shalt  }
0x77: {  	_ =	shalt  }
0x78: {  	_ =	shalt  }
0x79: {  	_ =	shalt  }
0x7a: {  	_ =	shalt  }
0x7b: {  	_ =	shalt  }
0x7c: {  	_ =	shalt  }
0x7d: {  	_ =	shalt  }
0x7e: {  	_ =	shalt  }
0x7f: {  	_ =	shalt  }
0x80: {  	_ =	shalt  }
0x81: {  	_ =	shalt  }
0x82: {  	_ =	shalt  }
0x83: {  	_ =	shalt  }
0x84: {  	_ =	shalt  }
0x85: {  	_ =	shalt  }
0x86: {  	_ =	shalt  }
0x87: {  	_ =	shalt  }
.Lfunc_end0:
.L_simem_size_0:
called_computation_lowered:
.L_overlay_start_0:
0x88: {  	s2 =	sld [smem:$0x3FD9]  }
0x89: {  	s3 =	sld [smem:$0x3FFE];
	_ =	sdelay $0x1  }
0x8a: {  	s1 =	srdreg.scid  }
0x8b: {  	s0 =	sand.u32 $0x1, s1  }
0x8c: {  	s17 =	sshll.u32 s0, $0xA;
	s2 =	sadd.s32 s3, s2  }
0x8d: {  	s2 =	sadd.s32 s2, s17  }
0x8e: {  	[smem:$0x3FC3] =	sst s2  }
0x8f: {  	_ = 	snop  }
0x90: {  	s2 =	sld [smem:$0x3FD0];
	(tm) =	ssettm $0x1  }
0x91: {  	s18 =	sld [smem:$0x3FFB];
	_ =	sdelay $0x3  }
0x92: {  	_ =	strace s18  }
0x93: {  	s3 =	sld [smem:$0x3FFC];
	_ =	sdelay $0x3  }
0x94: {  	_ =	strace s3  }
0x95: {  	s3 =	sld [smem:$0x3FFD];
	_ =	sdelay $0x3  }
0x96: {  	_ =	strace s3  }
0x97: {  	_ =	strace $0x8FFFFFFF  }
0x98: {  	s19 =	sld [smem:$0x3FDB];
	_ =	sdelay $0x1  }
0x99: {  	s4 =	simm.s32 $_scs_section_size  }
0x9a: {  	s5 =	simm.s32 $_size__tile_overlayer_lowered;
	s6 =	simm.s32 $_tile_overlayer_lowered  }
0x9b: {  	s22 =	simm.s32 $0x1BFF;
	s21 =	sshll.u32 s6, $0x1;
	s3 =	sadd.s32 s4, s19  }
0x9c: {  	s7 =	simm.s32 $0x0;
	s20 =	sshll.u32 s5, $0x1;
	s5 =	sadd.s32 s21, s3  }
0x9d: {  	[timem:s7], [sflag:s22] =	dma.local [hbm:s5], s20  }
0x9e: {  	_ =	swait.ge [sflag:s22], s20  }
0x9f: {  	s4 =	ssub.s32 $0x0, s20;
	[sflag:s22] =	ssyncset.done $0x0  }
0xa0: {  	[sflag:s22] =	ssyncadd.s32 s4;
	_ =	sdelay $0x1  }
0xa1: {  	s23 =	simm.s32 $0x1B8B  }
0xa2: {  	_ =	swait.ge [sflag:s23], $0x1  }
0xa3: {  	[sflag:s23] =	ssyncset.done $0x0  }
0xa4: {  	s25 =	simm.s32 $0x1B8E;
	s24 =	sld [smem:$0x3FFE];
	[sflag:s23] =	ssyncadd.s32 $0xFFFFFFFF  }
0xa5: {  	s26 =	simm.s32 $execute0_lowered;
	[smem:$0x3FD2] =	sst s25  }
0xa6: {  	s5 =	sshll.u32 s26, $0x1;
	_ =	strace $0x80000046;
	[dreg:$0x1] =	wrdreg $0xFFFFFFFF  }
0xa7: {  	s28 =	simm.s32 $_size_execute0_lowered;
	s3 =	sadd.s32 s3, s5;
	[dreg:$0x0] =	wrdreg $0x0  }
0xa8: {  	s5 =	sshll.u32 s28, $0x1;
	[dreg:$0x2] =	wrdreg s3  }
0xa9: {  	[dreg:$0x3] =	wrdreg s5  }
0xaa: {  	[dreg:$0x4] =	wrdreg $0xC0  }
0xab: {  	_ =	task [dreg:s7], $0x5FFFF  }
0xac: {  	[dreg:$0x1] =	wrdreg $0xFFFFFFFF  }
0xad: {  	[dreg:$0x0] =	wrdreg $0x60  }
0xae: {  	[dreg:$0x2] =	wrdreg s24  }
0xaf: {  	[dreg:$0x3] =	wrdreg s2  }
0xb0: {  	[dreg:$0x4] =	wrdreg $0x5D800  }
0xb1: {  	[dreg:$0x5] =	wrdreg $0x75F00  }
0xb2: {  	[dreg:$0x6] =	wrdreg $0x8E600  }
0xb3: {  	[dreg:$0x7] =	wrdreg $0xA6D00  }
0xb4: {  	[dreg:$0x8] =	wrdreg $0x9  }
0xb5: {  	_ =	task.clear_ibuf [dreg:s7], $0x9FFFF;
	_ =	strace $0x90000046  }
0xb6: {  	s29 =	simm.s32 $0x9;
	_ =	strace $0x80000048  }
0xb7: {  	_ =	swait.ge [sflag:s29], $0x1  }
0xb8: {  	[sflag:s29] =	ssyncadd.s32 $0xFFFFFFFF  }
0xb9: {  	_ =	strace $0x90000048  }
0xba: {  	_ =	sfence  }
0xbb: {  	s30 =	sld [smem:$0x0];
	_ =	sdelay $0x2  }
0xbc: {  	s31 =	sshll.u32 s1, $0xD;
	s1 =	sshrl.u32 s1, $0x2  }
0xbd: {  	s3 =	sand.u32 $0x4000, s31;
	s1 =	sadd.s32 s1, s30  }
0xbe: {  	s0 =	sor.u32 s3, s0;
	s1 =	sshll.u32 s1, $0x11  }
0xbf: {  	s0 =	sor.u32 s1, s0  }
0xc0: {  	s0 =	sadd.s32 $0x8F2B, s0  }
0xc1: {  	[sflag:s0] =	ssyncadd.remote.s32 $0x1  }
0xc2: {  	_ =	sfence.sel $0xFFFF  }
0xc3: {  	[dreg:$0x0] =	wrdreg $0xFFFFFFFF;
	(pc) =	sbr.abs _section_cstart, $3  }
0xc4: {  	[dreg:$0x1] =	wrdreg $0xFFFFFFFF  }
0xc5: {  	_ =	task.clear_ibuf [dreg:s7], $0x2FFFF;
	_ =	strace $0x9FFFFFFF  }
0xc6: {  	(tm) =	ssettm $0x7FFFFFFF  }
0xc7: {  	_ =	shalt  }
tec
execute0_lowered:
.L_overlay_start_1:
0x0: {  	(tag) =	ssettag $0x1  }
0x1: {  	s9 =	rddreg [dreg:$0x0]  }
0x2: {  	s3 =	rddreg [dreg:$0x2]  }
0x3: {  	s4 =	rddreg [dreg:$0x3]  }
0x4: {  	s5 =	rddreg [dreg:$0x4]  }
0x5: {  	s6 =	rddreg [dreg:$0x5]  }
0x6: {  	s7 =	simm.s32 $0x0;
	s0 =	srdreg.scid;
	s1 =	stileid.u32  }
0x7: {  	s31 =	simm.s32 $0x31A0;
	s29 =	simm.s32 $0x32E0;
	s30 =	simm.s32 $0x4  }
0x8: {  	[smem:$0x7FF] =	sst s7;
	s0 =	sand.u32 $0x1, s0;
	s2 =	sshll.u32 s1, $0x1  }
0x9: {  	s10 =	sadd.s32 $0xD0000, s9;
	s14 =	sadd.s32 $0xCA00, s9;
	s16 =	sadd.s32 $0x31A200, s9  }
0xa: {  	s17 =	sadd.s32 $0x256C00, s9;
	_ =	strace $0x80000047;
	[dreg:$0x8] =	wrdreg s10  }
0xb: {  	s22 =	sadd.s32 $0x9800, s9;
	s23 =	sadd.s32 $0x6600, s9;
	[dreg:$0x9] =	wrdreg s14  }
0xc: {  	s2 =	sor.u32 s0, s2;
	s0 =	ssub.s32 $0x2, s0;
	[dreg:$0x16] =	wrdreg s22  }
0xd: {  	s18 =	sadd.s32 $0x193600, s9;
	[dreg:$0x17] =	wrdreg s23;
	s24 =	sshrl.u32 s0, $0x1  }
0xe: {  	s15 =	smul.u32 $0x30D40, s2;
	s0 =	ssub.s32 s0, s24;
	s24 =	sadd.s32 $0x3400, s9  }
0xf: {  	p0 =	sne.s32 s1, $0x0;
	s1 =	simm.s32 $0x2;
	[dreg:$0x18] =	wrdreg s24  }
0x10: {  	s22 =	simm.s32 $0x1;
	s28 =	sadd.s32 $0x320, s15;
	[dreg:$0x7] =	wrdreg s15  }
0x11: {  	s25 =	sshrl.u32 s15, $0x3;
	s0 =	smax.u32 s0, $0x1;
	[dreg:$0xc] =	wrdreg s28  }
0x12: {  	s23 =	simm.s32 $0x50;
	s8 =	sadd.s32 s10, s25;
	[dreg:$0x15] =	wrdreg s0  }
0x13: {  	s24 =	simm.s32 $0x3;
	s26 =	sadd.s32 s14, s25;
	[dreg:$0xa] =	wrdreg s8  }
0x14: {  	s11 =	sadd.s32 s16, s25;
	s12 =	sadd.s32 s17, s25;
	[dreg:$0xb] =	wrdreg s26  }
0x15: {  	s2 =	sadd.s32 s18, s25;
	s25 =	sadd.s32 $0x200, s9;
	[dreg:$0xd] =	wrdreg s11  }
0x16: {  	s0 =	simm.s32 $0x5B00;
	s9 =	simm.s32 $0x0;
	[dreg:$0xe] =	wrdreg s12  }
0x17: {  	s8 =	sshrl.u32 s28, $0x3;
	[dreg:$0xf] =	wrdreg s2;
	s11 =	smov.u32 s17  }
0x18: {  	s12 =	smov.u32 s18;
	[dreg:$0x19] =	wrdreg s25;
	s26 =	sadd.s32 $0x640, s15  }
0x19: {  	s28 =	sadd.s32 $0x960, s15;
	s15 =	simm.s32 $0x31F0;
	[dreg:$0x1a] =	wrdreg s26  }
0x1a: {  	s13 =	sadd.s32 s10, s8;
	s14 =	sadd.s32 s14, s8;
	[dreg:$0x1b] =	wrdreg s28  }
0x1b: {  	s19 =	sadd.s32 s16, s8;
	s20 =	sadd.s32 s17, s8;
	[dreg:$0x10] =	wrdreg s13  }
.Ltmp0:
0x1c: {  	s21 =	sadd.s32 s18, s8;
	[dreg:$0x11] =	wrdreg s14;
	(pc) =	sbr.rel .LBB2_1-.Ltmp0, $4  }
0x1d: {  	s17 =	simm.s32 $0x2D80;
	s18 =	simm.s32 $0x3100;
	[dreg:$0x12] =	wrdreg s19  }
0x1e: {  	s10 =	simm.s32 $0x3150;
	s26 =	simm.s32 $0x3240;
	[dreg:$0x13] =	wrdreg s20  }
0x1f: {  	s13 =	smov.u32 s16;
	[dreg:$0x14] =	wrdreg s21;
	s20 =	simm.s32 $0x3290  }
0x20: {  	s19 =	simm.s32 $0x3330;
	s16 =	simm.s32 $0x3380;
	s14 =	simm.s32 $0x33D0  }
.LBB2_10:
0x21: {  	s2 =	simm.s32 $0x5  }
0x22: {  	_ =	swait.ge [sflag:s2], $0x320  }
0x23: {  	[sflag:s2] =	ssyncset.done $0x0  }
0x24: {  	s8 =	simm.s32 $0x6;
	[sflag:s2] =	ssyncadd.s32 $0xFFFFFCE0  }
0x25: {  	_ =	swait.ge [sflag:s8], $0x320  }
0x26: {  	s9 =	rddreg [dreg:$0x1c]  }
0x27: {  	s28 =	rddreg [dreg:$0x15];
	s9 =	sadd.s32 $0x1, s9  }
0x28: {  	p1 =	sne.s32 s9, s28  }
.Ltmp1:
0x29: {  	_ = 	snop;
	(pc) =	sbr.rel @!p1 .LBB2_11-.Ltmp1, $3  }
0x2a: {  	_ =	sdelay $0x1  }
0x2b: {  	[sflag:s8] =	ssyncset.done $0x0  }
0x2c: {  	[sflag:s8] =	ssyncadd.s32 $0xFFFFFCE0  }
.LBB2_1:
0x2d: {  	[dreg:$0x1c] =	wrdreg s9  }
0x2e: {  	s2 =	rddreg [dreg:$0x0];
	s21 =	simm.s32 $0x7  }
0x2f: {  	[tilespmem:s0], [sflag:$0x7] =	stream.linear.gather [hbm4b:s2+s7], $0x280, $0x38;
	[tilespmem:$0xBF40] =	vst v63  }
0x30: {  	_ =	swait.ge [sflag:s21], $0x280  }
0x31: {  	s8 =	simm.s32 @!p0 $0x1C07;
	[sflag:s21] =	ssyncset.done $0x0  }
0x32: {  	s2 =	sshrl.u32 @!p0 s3, $0x3;
	s9 =	rddreg [dreg:$0x16];
	[sflag:s21] =	ssyncadd.s32 $0xFFFFFD80  }
0x33: {  	[spmem:s2], [sflag:s8] =	dma.local @!p0 [hbm:s9], $0x30E0  }
0x34: {  	s2 =	simm.s32 @!p0 $0x7  }
0x35: {  	_ =	swait.ge @!p0 [sflag:s2], $0x30E0  }
0x36: {  	[sflag:s2] =	ssyncset.done @!p0 $0x0  }
0x37: {  	s9 =	sshrl.u32 @!p0 s4, $0x3;
	s21 =	rddreg [dreg:$0x17];
	[sflag:s2] =	ssyncadd.s32 @!p0 $0xFFFFCF20  }
0x38: {  	[spmem:s9], [sflag:s8] =	dma.local @!p0 [hbm:s21], $0x30E0  }
0x39: {  	_ =	swait.ge @!p0 [sflag:s2], $0x30E0  }
0x3a: {  	[sflag:s2] =	ssyncset.done @!p0 $0x0  }
0x3b: {  	s9 =	sshrl.u32 @!p0 s5, $0x3;
	s21 =	rddreg [dreg:$0x18];
	[sflag:s2] =	ssyncadd.s32 @!p0 $0xFFFFCF20  }
0x3c: {  	[spmem:s9], [sflag:s8] =	dma.local @!p0 [hbm:s21], $0x30E0  }
0x3d: {  	_ =	swait.ge @!p0 [sflag:s2], $0x30E0  }
0x3e: {  	[sflag:s2] =	ssyncset.done @!p0 $0x0  }
0x3f: {  	s9 =	sshrl.u32 @!p0 s6, $0x3;
	s21 =	rddreg [dreg:$0x19];
	[sflag:s2] =	ssyncadd.s32 @!p0 $0xFFFFCF20  }
0x40: {  	[spmem:s9], [sflag:s8] =	dma.local @!p0 [hbm:s21], $0x30E0  }
0x41: {  	_ =	swait.ge @!p0 [sflag:s2], $0x30E0  }
0x42: {  	[sflag:s2] =	ssyncset.done @!p0 $0x0  }
0x43: {  	[sflag:s2] =	ssyncadd.s32 @!p0 $0xFFFFCF20  }
0x44: {  	[bflag:$0x0] =	sbarrier.arrive $0xFFFF  }
0x45: {  	s25 =	rddreg [dreg:$0xa]  }
0x46: {  	[tilespmem:s7], [sflag:$0x1] =	stream.linear.gather [hbm4b:s25+s7], $0x320, $0x38;
	[tilespmem:$0xBF40] =	vst v63  }
0x47: {  	s8 =	simm.s32 $0x380;
	s28 =	rddreg [dreg:$0xb]  }
0x48: {  	[tilespmem:s8], [sflag:$0x1] =	stream.linear.gather [hbm4b:s28+s7], $0x320, $0x38;
	[tilespmem:$0xBF40] =	vst v63  }
0x49: {  	s21 =	simm.s32 $0x700;
	s9 =	rddreg [dreg:$0xd]  }
0x4a: {  	[tilespmem:s21], [sflag:$0x1] =	stream.linear.gather [hbm4b:s9+s7], $0x320, $0x38;
	[tilespmem:$0xBF40] =	vst v63  }
0x4b: {  	s25 =	rddreg [dreg:$0xe];
	s28 =	simm.s32 $0xA80  }
0x4c: {  	[tilespmem:s28], [sflag:$0x1] =	stream.linear.gather [hbm4b:s25+s7], $0x320, $0x38;
	[tilespmem:$0xBF40] =	vst v63  }
0x4d: {  	s9 =	rddreg [dreg:$0xf];
	s21 =	simm.s32 $0xE00  }
0x4e: {  	[tilespmem:s21], [sflag:$0x1] =	stream.linear.gather [hbm4b:s9+s7], $0x320, $0x38;
	[tilespmem:$0xBF40] =	vst v63  }
0x4f: {  	s25 =	rddreg [dreg:$0x10]  }
0x50: {  	[tilespmem:s17], [sflag:$0x2] =	stream.linear.gather [hbm4b:s25+s7], $0x320, $0x38;
	[tilespmem:$0xBF40] =	vst v63  }
0x51: {  	s28 =	rddreg [dreg:$0x11]  }
0x52: {  	[tilespmem:s18], [sflag:$0x2] =	stream.linear.gather [hbm4b:s28+s7], $0x320, $0x38;
	[tilespmem:$0xBF40] =	vst v63  }
0x53: {  	s9 =	rddreg [dreg:$0x12];
	s21 =	simm.s32 $0x3480  }
0x54: {  	[tilespmem:s21], [sflag:$0x2] =	stream.linear.gather [hbm4b:s9+s7], $0x320, $0x38;
	[tilespmem:$0xBF40] =	vst v63  }
0x55: {  	s25 =	rddreg [dreg:$0x13];
	s28 =	simm.s32 $0x3800  }
0x56: {  	[tilespmem:s28], [sflag:$0x2] =	stream.linear.gather [hbm4b:s25+s7], $0x320, $0x38;
	[tilespmem:$0xBF40] =	vst v63  }
0x57: {  	s21 =	rddreg [dreg:$0x14];
	s25 =	simm.s32 $0x3B80  }
0x58: {  	[tilespmem:s25], [sflag:$0x2] =	stream.linear.gather [hbm4b:s21+s7], $0x320, $0x38;
	[tilespmem:$0xBF40] =	vst v63  }
0x59: {  	_ =	swait.ge [sflag:s22], $0x320  }
0x5a: {  	[sflag:s22] =	ssyncset.done $0x0  }
0x5b: {  	[sflag:s22] =	ssyncadd.s32 $0xFFFFFCE0  }
0x5c: {  	_ =	swait.ge [sflag:s22], $0x320  }
0x5d: {  	[sflag:s22] =	ssyncset.done $0x0  }
0x5e: {  	[sflag:s22] =	ssyncadd.s32 $0xFFFFFCE0  }
0x5f: {  	_ =	swait.ge [sflag:s22], $0x320  }
0x60: {  	[sflag:s22] =	ssyncset.done $0x0  }
0x61: {  	[sflag:s22] =	ssyncadd.s32 $0xFFFFFCE0  }
0x62: {  	_ =	swait.ge [sflag:s22], $0x320  }
0x63: {  	[sflag:s22] =	ssyncset.done $0x0  }
0x64: {  	[sflag:s22] =	ssyncadd.s32 $0xFFFFFCE0  }
0x65: {  	_ =	swait.ge [sflag:s22], $0x320  }
0x66: {  	[sflag:s22] =	ssyncset.done $0x0  }
0x67: {  	s28 =	simm.s32 $0x1180;
	[sflag:s22] =	ssyncadd.s32 $0xFFFFFCE0  }
0x68: {  	[tilespmem:s28], [sflag:$0x3] =	stream.indirect.gather [spmem:s3], $0x1, s7, s23, $0xb8;
	[tilespmem:$0xBF40] =	vst v63  }
0x69: {  	s9 =	simm.s32 $0x1500  }
0x6a: {  	[tilespmem:s9], [sflag:$0x3] =	stream.indirect.gather [spmem:s4], $0x1, s7, s23, $0xb8;
	[tilespmem:$0xBF40] =	vst v63  }
0x6b: {  	s21 =	simm.s32 $0x1880  }
0x6c: {  	[tilespmem:s21], [sflag:$0x3] =	stream.indirect.gather [spmem:s5], $0x1, s7, s23, $0xb8;
	[tilespmem:$0xBF40] =	vst v63  }
0x6d: {  	s25 =	simm.s32 $0x1C00  }
0x6e: {  	[tilespmem:s25], [sflag:$0x3] =	stream.indirect.gather [spmem:s3], $0x1, s8, s23, $0xb8;
	[tilespmem:$0xBF40] =	vst v63  }
0x6f: {  	s28 =	simm.s32 $0x1F80  }
0x70: {  	[tilespmem:s28], [sflag:$0x3] =	stream.indirect.gather [spmem:s4], $0x1, s8, s23, $0xb8;
	[tilespmem:$0xBF40] =	vst v63  }
0x71: {  	s9 =	simm.s32 $0x2300  }
0x72: {  	[tilespmem:s9], [sflag:$0x3] =	stream.indirect.gather [spmem:s5], $0x1, s8, s23, $0xb8;
	[tilespmem:$0xBF40] =	vst v63  }
0x73: {  	s21 =	simm.s32 $0x2680  }
0x74: {  	[tilespmem:s21], [sflag:$0x3] =	stream.indirect.gather [spmem:s6], $0x1, s8, s23, $0xb8;
	[tilespmem:$0xBF40] =	vst v63  }
0x75: {  	s25 =	simm.s32 $0x11D0  }
0x76: {  	[tilespmem:s25], [sflag:$0x3] =	stream.indirect.gather [spmem:s3], $0x1, s23, s23, $0xb8;
	[tilespmem:$0xBF40] =	vst v63  }
0x77: {  	s28 =	simm.s32 $0x1550  }
0x78: {  	[tilespmem:s28], [sflag:$0x3] =	stream.indirect.gather [spmem:s4], $0x1, s23, s23, $0xb8;
	[tilespmem:$0xBF40] =	vst v63  }
0x79: {  	s8 =	simm.s32 $0x18D0  }
0x7a: {  	[tilespmem:s8], [sflag:$0x3] =	stream.indirect.gather [spmem:s5], $0x1, s23, s23, $0xb8;
	[tilespmem:$0xBF40] =	vst v63  }
0x7b: {  	s2 =	simm.s32 $0x3D0;
	s9 =	simm.s32 $0x1C50  }
0x7c: {  	[tilespmem:s9], [sflag:$0x3] =	stream.indirect.gather [spmem:s3], $0x1, s2, s23, $0xb8;
	[tilespmem:$0xBF40] =	vst v63  }
0x7d: {  	s21 =	simm.s32 $0x1FD0  }
0x7e: {  	[tilespmem:s21], [sflag:$0x3] =	stream.indirect.gather [spmem:s4], $0x1, s2, s23, $0xb8;
	[tilespmem:$0xBF40] =	vst v63  }
0x7f: {  	s25 =	simm.s32 $0x2350  }
0x80: {  	[tilespmem:s25], [sflag:$0x3] =	stream.indirect.gather [spmem:s5], $0x1, s2, s23, $0xb8;
	[tilespmem:$0xBF40] =	vst v63  }
0x81: {  	s28 =	simm.s32 $0x26D0  }
0x82: {  	[tilespmem:s28], [sflag:$0x3] =	stream.indirect.gather [spmem:s6], $0x1, s2, s23, $0xb8;
	[tilespmem:$0xBF40] =	vst v63  }
0x83: {  	s9 =	simm.s32 $0xA0;
	s21 =	simm.s32 $0x1220  }
0x84: {  	[tilespmem:s21], [sflag:$0x3] =	stream.indirect.gather [spmem:s3], $0x1, s9, s23, $0xb8;
	[tilespmem:$0xBF40] =	vst v63  }
0x85: {  	s25 =	simm.s32 $0x15A0  }
0x86: {  	[tilespmem:s25], [sflag:$0x3] =	stream.indirect.gather [spmem:s4], $0x1, s9, s23, $0xb8;
	[tilespmem:$0xBF40] =	vst v63  }
0x87: {  	s28 =	simm.s32 $0x1920  }
0x88: {  	[tilespmem:s28], [sflag:$0x3] =	stream.indirect.gather [spmem:s5], $0x1, s9, s23, $0xb8;
	[tilespmem:$0xBF40] =	vst v63  }
0x89: {  	s2 =	simm.s32 $0x420;
	s9 =	simm.s32 $0x1CA0  }
0x8a: {  	[tilespmem:s9], [sflag:$0x3] =	stream.indirect.gather [spmem:s3], $0x1, s2, s23, $0xb8;
	[tilespmem:$0xBF40] =	vst v63  }
0x8b: {  	s21 =	simm.s32 $0x2020  }
0x8c: {  	[tilespmem:s21], [sflag:$0x3] =	stream.indirect.gather [spmem:s4], $0x1, s2, s23, $0xb8;
	[tilespmem:$0xBF40] =	vst v63  }
0x8d: {  	s25 =	simm.s32 $0x23A0  }
0x8e: {  	[tilespmem:s25], [sflag:$0x3] =	stream.indirect.gather [spmem:s5], $0x1, s2, s23, $0xb8;
	[tilespmem:$0xBF40] =	vst v63  }
0x8f: {  	s28 =	simm.s32 $0x2720  }
0x90: {  	[tilespmem:s28], [sflag:$0x3] =	stream.indirect.gather [spmem:s6], $0x1, s2, s23, $0xb8;
	[tilespmem:$0xBF40] =	vst v63  }
0x91: {  	s9 =	simm.s32 $0xF0;
	s21 =	simm.s32 $0x1270  }
0x92: {  	[tilespmem:s21], [sflag:$0x3] =	stream.indirect.gather [spmem:s3], $0x1, s9, s23, $0xb8;
	[tilespmem:$0xBF40] =	vst v63  }
0x93: {  	s25 =	simm.s32 $0x15F0  }
0x94: {  	[tilespmem:s25], [sflag:$0x3] =	stream.indirect.gather [spmem:s4], $0x1, s9, s23, $0xb8;
	[tilespmem:$0xBF40] =	vst v63  }
0x95: {  	s28 =	simm.s32 $0x1970  }
0x96: {  	[tilespmem:s28], [sflag:$0x3] =	stream.indirect.gather [spmem:s5], $0x1, s9, s23, $0xb8;
	[tilespmem:$0xBF40] =	vst v63  }
0x97: {  	s2 =	simm.s32 $0x470;
	s9 =	simm.s32 $0x1CF0  }
0x98: {  	[tilespmem:s9], [sflag:$0x3] =	stream.indirect.gather [spmem:s3], $0x1, s2, s23, $0xb8;
	[tilespmem:$0xBF40] =	vst v63  }
0x99: {  	s21 =	simm.s32 $0x2070  }
0x9a: {  	[tilespmem:s21], [sflag:$0x3] =	stream.indirect.gather [spmem:s4], $0x1, s2, s23, $0xb8;
	[tilespmem:$0xBF40] =	vst v63  }
0x9b: {  	s25 =	simm.s32 $0x23F0  }
0x9c: {  	[tilespmem:s25], [sflag:$0x3] =	stream.indirect.gather [spmem:s5], $0x1, s2, s23, $0xb8;
	[tilespmem:$0xBF40] =	vst v63  }
0x9d: {  	s28 =	simm.s32 $0x2770  }
0x9e: {  	[tilespmem:s28], [sflag:$0x3] =	stream.indirect.gather [spmem:s6], $0x1, s2, s23, $0xb8;
	[tilespmem:$0xBF40] =	vst v63  }
0x9f: {  	s9 =	simm.s32 $0x140;
	s21 =	simm.s32 $0x12C0  }
0xa0: {  	[tilespmem:s21], [sflag:$0x3] =	stream.indirect.gather [spmem:s3], $0x1, s9, s23, $0xb8;
	[tilespmem:$0xBF40] =	vst v63  }
0xa1: {  	s25 =	simm.s32 $0x1640  }
0xa2: {  	[tilespmem:s25], [sflag:$0x3] =	stream.indirect.gather [spmem:s4], $0x1, s9, s23, $0xb8;
	[tilespmem:$0xBF40] =	vst v63  }
0xa3: {  	s28 =	simm.s32 $0x19C0  }
0xa4: {  	[tilespmem:s28], [sflag:$0x3] =	stream.indirect.gather [spmem:s5], $0x1, s9, s23, $0xb8;
	[tilespmem:$0xBF40] =	vst v63  }
0xa5: {  	s2 =	simm.s32 $0x4C0;
	s9 =	simm.s32 $0x1D40  }
0xa6: {  	[tilespmem:s9], [sflag:$0x3] =	stream.indirect.gather [spmem:s3], $0x1, s2, s23, $0xb8;
	[tilespmem:$0xBF40] =	vst v63  }
0xa7: {  	s21 =	simm.s32 $0x20C0  }
0xa8: {  	[tilespmem:s21], [sflag:$0x3] =	stream.indirect.gather [spmem:s4], $0x1, s2, s23, $0xb8;
	[tilespmem:$0xBF40] =	vst v63  }
0xa9: {  	s25 =	simm.s32 $0x2440  }
0xaa: {  	[tilespmem:s25], [sflag:$0x3] =	stream.indirect.gather [spmem:s5], $0x1, s2, s23, $0xb8;
	[tilespmem:$0xBF40] =	vst v63  }
0xab: {  	s28 =	simm.s32 $0x27C0  }
0xac: {  	[tilespmem:s28], [sflag:$0x3] =	stream.indirect.gather [spmem:s6], $0x1, s2, s23, $0xb8;
	[tilespmem:$0xBF40] =	vst v63  }
0xad: {  	s9 =	simm.s32 $0x190;
	s21 =	simm.s32 $0x1310  }
0xae: {  	[tilespmem:s21], [sflag:$0x3] =	stream.indirect.gather [spmem:s3], $0x1, s9, s23, $0xb8;
	[tilespmem:$0xBF40] =	vst v63  }
0xaf: {  	s25 =	simm.s32 $0x1690  }
0xb0: {  	[tilespmem:s25], [sflag:$0x3] =	stream.indirect.gather [spmem:s4], $0x1, s9, s23, $0xb8;
	[tilespmem:$0xBF40] =	vst v63  }
0xb1: {  	s28 =	simm.s32 $0x1A10  }
0xb2: {  	[tilespmem:s28], [sflag:$0x3] =	stream.indirect.gather [spmem:s5], $0x1, s9, s23, $0xb8;
	[tilespmem:$0xBF40] =	vst v63  }
0xb3: {  	s2 =	simm.s32 $0x510;
	s9 =	simm.s32 $0x1D90  }
0xb4: {  	[tilespmem:s9], [sflag:$0x3] =	stream.indirect.gather [spmem:s3], $0x1, s2, s23, $0xb8;
	[tilespmem:$0xBF40] =	vst v63  }
0xb5: {  	s21 =	simm.s32 $0x2110  }
0xb6: {  	[tilespmem:s21], [sflag:$0x3] =	stream.indirect.gather [spmem:s4], $0x1, s2, s23, $0xb8;
	[tilespmem:$0xBF40] =	vst v63  }
0xb7: {  	s25 =	simm.s32 $0x2490  }
0xb8: {  	[tilespmem:s25], [sflag:$0x3] =	stream.indirect.gather [spmem:s5], $0x1, s2, s23, $0xb8;
	[tilespmem:$0xBF40] =	vst v63  }
0xb9: {  	s28 =	simm.s32 $0x2810  }
0xba: {  	[tilespmem:s28], [sflag:$0x3] =	stream.indirect.gather [spmem:s6], $0x1, s2, s23, $0xb8;
	[tilespmem:$0xBF40] =	vst v63  }
0xbb: {  	s9 =	simm.s32 $0x1E0;
	s21 =	simm.s32 $0x1360  }
0xbc: {  	[tilespmem:s21], [sflag:$0x3] =	stream.indirect.gather [spmem:s3], $0x1, s9, s23, $0xb8;
	[tilespmem:$0xBF40] =	vst v63  }
0xbd: {  	s25 =	simm.s32 $0x16E0  }
0xbe: {  	[tilespmem:s25], [sflag:$0x3] =	stream.indirect.gather [spmem:s4], $0x1, s9, s23, $0xb8;
	[tilespmem:$0xBF40] =	vst v63  }
0xbf: {  	s28 =	simm.s32 $0x1A60  }
0xc0: {  	[tilespmem:s28], [sflag:$0x3] =	stream.indirect.gather [spmem:s5], $0x1, s9, s23, $0xb8;
	[tilespmem:$0xBF40] =	vst v63  }
0xc1: {  	s2 =	simm.s32 $0x560;
	s9 =	simm.s32 $0x1DE0  }
0xc2: {  	[tilespmem:s9], [sflag:$0x3] =	stream.indirect.gather [spmem:s3], $0x1, s2, s23, $0xb8;
	[tilespmem:$0xBF40] =	vst v63  }
0xc3: {  	s21 =	simm.s32 $0x2160  }
0xc4: {  	[tilespmem:s21], [sflag:$0x3] =	stream.indirect.gather [spmem:s4], $0x1, s2, s23, $0xb8;
	[tilespmem:$0xBF40] =	vst v63  }
0xc5: {  	s25 =	simm.s32 $0x24E0  }
0xc6: {  	[tilespmem:s25], [sflag:$0x3] =	stream.indirect.gather [spmem:s5], $0x1, s2, s23, $0xb8;
	[tilespmem:$0xBF40] =	vst v63  }
0xc7: {  	s28 =	simm.s32 $0x2860  }
0xc8: {  	[tilespmem:s28], [sflag:$0x3] =	stream.indirect.gather [spmem:s6], $0x1, s2, s23, $0xb8;
	[tilespmem:$0xBF40] =	vst v63  }
0xc9: {  	s9 =	simm.s32 $0x230;
	s21 =	simm.s32 $0x13B0  }
0xca: {  	[tilespmem:s21], [sflag:$0x3] =	stream.indirect.gather [spmem:s3], $0x1, s9, s23, $0xb8;
	[tilespmem:$0xBF40] =	vst v63  }
0xcb: {  	s25 =	simm.s32 $0x1730  }
0xcc: {  	[tilespmem:s25], [sflag:$0x3] =	stream.indirect.gather [spmem:s4], $0x1, s9, s23, $0xb8;
	[tilespmem:$0xBF40] =	vst v63  }
0xcd: {  	s28 =	simm.s32 $0x1AB0  }
0xce: {  	[tilespmem:s28], [sflag:$0x3] =	stream.indirect.gather [spmem:s5], $0x1, s9, s23, $0xb8;
	[tilespmem:$0xBF40] =	vst v63  }
0xcf: {  	s2 =	simm.s32 $0x5B0;
	s9 =	simm.s32 $0x1E30  }
0xd0: {  	[tilespmem:s9], [sflag:$0x3] =	stream.indirect.gather [spmem:s3], $0x1, s2, s23, $0xb8;
	[tilespmem:$0xBF40] =	vst v63  }
0xd1: {  	s21 =	simm.s32 $0x21B0  }
0xd2: {  	[tilespmem:s21], [sflag:$0x3] =	stream.indirect.gather [spmem:s4], $0x1, s2, s23, $0xb8;
	[tilespmem:$0xBF40] =	vst v63  }
0xd3: {  	s25 =	simm.s32 $0x2530  }
0xd4: {  	[tilespmem:s25], [sflag:$0x3] =	stream.indirect.gather [spmem:s5], $0x1, s2, s23, $0xb8;
	[tilespmem:$0xBF40] =	vst v63  }
0xd5: {  	s28 =	simm.s32 $0x28B0  }
0xd6: {  	[tilespmem:s28], [sflag:$0x3] =	stream.indirect.gather [spmem:s6], $0x1, s2, s23, $0xb8;
	[tilespmem:$0xBF40] =	vst v63  }
0xd7: {  	s9 =	simm.s32 $0x280;
	s21 =	simm.s32 $0x1400  }
0xd8: {  	[tilespmem:s21], [sflag:$0x3] =	stream.indirect.gather [spmem:s3], $0x1, s9, s23, $0xb8;
	[tilespmem:$0xBF40] =	vst v63  }
0xd9: {  	s25 =	simm.s32 $0x1780  }
0xda: {  	[tilespmem:s25], [sflag:$0x3] =	stream.indirect.gather [spmem:s4], $0x1, s9, s23, $0xb8;
	[tilespmem:$0xBF40] =	vst v63  }
0xdb: {  	s28 =	simm.s32 $0x1B00  }
0xdc: {  	[tilespmem:s28], [sflag:$0x3] =	stream.indirect.gather [spmem:s5], $0x1, s9, s23, $0xb8;
	[tilespmem:$0xBF40] =	vst v63  }
0xdd: {  	s2 =	simm.s32 $0x600;
	s9 =	simm.s32 $0x1E80  }
0xde: {  	[tilespmem:s9], [sflag:$0x3] =	stream.indirect.gather [spmem:s3], $0x1, s2, s23, $0xb8;
	[tilespmem:$0xBF40] =	vst v63  }
0xdf: {  	s21 =	simm.s32 $0x2200  }
0xe0: {  	[tilespmem:s21], [sflag:$0x3] =	stream.indirect.gather [spmem:s4], $0x1, s2, s23, $0xb8;
	[tilespmem:$0xBF40] =	vst v63  }
0xe1: {  	s25 =	simm.s32 $0x2580  }
0xe2: {  	[tilespmem:s25], [sflag:$0x3] =	stream.indirect.gather [spmem:s5], $0x1, s2, s23, $0xb8;
	[tilespmem:$0xBF40] =	vst v63  }
0xe3: {  	s28 =	simm.s32 $0x2900  }
0xe4: {  	[tilespmem:s28], [sflag:$0x3] =	stream.indirect.gather [spmem:s6], $0x1, s2, s23, $0xb8;
	[tilespmem:$0xBF40] =	vst v63  }
0xe5: {  	s9 =	simm.s32 $0x2D0;
	s21 =	simm.s32 $0x1450  }
0xe6: {  	[tilespmem:s21], [sflag:$0x3] =	stream.indirect.gather [spmem:s3], $0x1, s9, s23, $0xb8;
	[tilespmem:$0xBF40] =	vst v63  }
0xe7: {  	s25 =	simm.s32 $0x17D0  }
0xe8: {  	[tilespmem:s25], [sflag:$0x3] =	stream.indirect.gather [spmem:s4], $0x1, s9, s23, $0xb8;
	[tilespmem:$0xBF40] =	vst v63  }
0xe9: {  	s28 =	simm.s32 $0x1B50  }
0xea: {  	[tilespmem:s28], [sflag:$0x3] =	stream.indirect.gather [spmem:s5], $0x1, s9, s23, $0xb8;
	[tilespmem:$0xBF40] =	vst v63  }
0xeb: {  	s2 =	simm.s32 $0x650;
	s9 =	simm.s32 $0x1ED0  }
0xec: {  	[tilespmem:s9], [sflag:$0x3] =	stream.indirect.gather [spmem:s3], $0x1, s2, s23, $0xb8;
	[tilespmem:$0xBF40] =	vst v63  }
0xed: {  	s21 =	simm.s32 $0x2250  }
0xee: {  	[tilespmem:s21], [sflag:$0x3] =	stream.indirect.gather [spmem:s4], $0x1, s2, s23, $0xb8;
	[tilespmem:$0xBF40] =	vst v63  }
0xef: {  	s25 =	simm.s32 $0x25D0  }
0xf0: {  	[tilespmem:s25], [sflag:$0x3] =	stream.indirect.gather [spmem:s5], $0x1, s2, s23, $0xb8;
	[tilespmem:$0xBF40] =	vst v63  }
0xf1: {  	s28 =	simm.s32 $0x2950;
	s25 =	simm.s32 $0x0  }
0xf2: {  	[tilespmem:s28], [sflag:$0x3] =	stream.indirect.gather [spmem:s6], $0x1, s2, s23, $0xb8;
	[tilespmem:$0xBF40] =	vst v63  }
.LBB2_2:
0xf3: {  	_ =	swait.ge [sflag:s24], $0x50  }
0xf4: {  	[sflag:s24] =	ssyncset.done $0x0  }
0xf5: {  	[sflag:s24] =	ssyncadd.s32 $0xFFFFFFB0  }
0xf6: {  	_ =	swait.ge [sflag:s24], $0x50  }
0xf7: {  	[sflag:s24] =	ssyncset.done $0x0  }
0xf8: {  	[sflag:s24] =	ssyncadd.s32 $0xFFFFFFB0  }
0xf9: {  	_ =	swait.ge [sflag:s24], $0x50  }
0xfa: {  	[sflag:s24] =	ssyncset.done $0x0  }
0xfb: {  	[sflag:s24] =	ssyncadd.s32 $0xFFFFFFB0  }
0xfc: {  	_ =	swait.ge [sflag:s24], $0x50  }
0xfd: {  	[sflag:s24] =	ssyncset.done $0x0  }
0xfe: {  	[sflag:s24] =	ssyncadd.s32 $0xFFFFFFB0  }
0xff: {  	_ =	swait.ge [sflag:s24], $0x50  }
0x100: {  	[sflag:s24] =	ssyncset.done $0x0  }
0x101: {  	[sflag:s24] =	ssyncadd.s32 $0xFFFFFFB0  }
0x102: {  	_ =	swait.ge [sflag:s24], $0x50  }
0x103: {  	[sflag:s24] =	ssyncset.done $0x0  }
0x104: {  	[sflag:s24] =	ssyncadd.s32 $0xFFFFFFB0  }
0x105: {  	_ =	swait.ge [sflag:s24], $0x50  }
0x106: {  	[sflag:s24] =	ssyncset.done $0x0  }
0x107: {  	[sflag:s24] =	ssyncadd.s32 $0xFFFFFFB0  }
0x108: {  	_ =	swait.ge [sflag:s24], $0x50  }
0x109: {  	[sflag:s24] =	ssyncset.done $0x0  }
0x10a: {  	[sflag:s24] =	ssyncadd.s32 $0xFFFFFFB0  }
0x10b: {  	_ =	swait.ge [sflag:s24], $0x50  }
0x10c: {  	[sflag:s24] =	ssyncset.done $0x0  }
0x10d: {  	[sflag:s24] =	ssyncadd.s32 $0xFFFFFFB0  }
0x10e: {  	_ =	swait.ge [sflag:s24], $0x50  }
0x10f: {  	[sflag:s24] =	ssyncset.done $0x0  }
0x110: {  	[sflag:s24] =	ssyncadd.s32 $0xFFFFFFB0  }
0x111: {  	_ =	swait.ge [sflag:s24], $0x50  }
0x112: {  	[sflag:s24] =	ssyncset.done $0x0  }
0x113: {  	[sflag:s24] =	ssyncadd.s32 $0xFFFFFFB0  }
0x114: {  	_ =	swait.ge [sflag:s24], $0x50  }
0x115: {  	[sflag:s24] =	ssyncset.done $0x0  }
0x116: {  	[sflag:s24] =	ssyncadd.s32 $0xFFFFFFB0  }
0x117: {  	_ =	swait.ge [sflag:s24], $0x50  }
0x118: {  	[sflag:s24] =	ssyncset.done $0x0  }
0x119: {  	[sflag:s24] =	ssyncadd.s32 $0xFFFFFFB0  }
0x11a: {  	_ =	swait.ge [sflag:s24], $0x50  }
0x11b: {  	[sflag:s24] =	ssyncset.done $0x0  }
0x11c: {  	[sflag:s24] =	ssyncadd.s32 $0xFFFFFFB0  }
0x11d: {  	_ =	swait.ge [sflag:s24], $0x50  }
0x11e: {  	[sflag:s24] =	ssyncset.done $0x0  }
0x11f: {  	[sflag:s24] =	ssyncadd.s32 $0xFFFFFFB0  }
0x120: {  	_ =	swait.ge [sflag:s24], $0x50  }
0x121: {  	[sflag:s24] =	ssyncset.done $0x0  }
0x122: {  	[sflag:s24] =	ssyncadd.s32 $0xFFFFFFB0  }
0x123: {  	_ =	swait.ge [sflag:s24], $0x50  }
0x124: {  	[sflag:s24] =	ssyncset.done $0x0  }
0x125: {  	[sflag:s24] =	ssyncadd.s32 $0xFFFFFFB0  }
0x126: {  	_ =	swait.ge [sflag:s24], $0x50  }
0x127: {  	[sflag:s24] =	ssyncset.done $0x0  }
0x128: {  	[sflag:s24] =	ssyncadd.s32 $0xFFFFFFB0  }
0x129: {  	_ =	swait.ge [sflag:s24], $0x50  }
0x12a: {  	[sflag:s24] =	ssyncset.done $0x0  }
0x12b: {  	[sflag:s24] =	ssyncadd.s32 $0xFFFFFFB0  }
0x12c: {  	_ =	swait.ge [sflag:s24], $0x50  }
0x12d: {  	[sflag:s24] =	ssyncset.done $0x0  }
0x12e: {  	[sflag:s24] =	ssyncadd.s32 $0xFFFFFFB0  }
0x12f: {  	_ =	swait.ge [sflag:s24], $0x50  }
0x130: {  	[sflag:s24] =	ssyncset.done $0x0  }
0x131: {  	[sflag:s24] =	ssyncadd.s32 $0xFFFFFFB0  }
0x132: {  	_ =	swait.ge [sflag:s24], $0x50  }
0x133: {  	[sflag:s24] =	ssyncset.done $0x0  }
0x134: {  	[sflag:s24] =	ssyncadd.s32 $0xFFFFFFB0  }
0x135: {  	_ =	swait.ge [sflag:s24], $0x50  }
0x136: {  	[sflag:s24] =	ssyncset.done $0x0  }
0x137: {  	[sflag:s24] =	ssyncadd.s32 $0xFFFFFFB0  }
0x138: {  	_ =	swait.ge [sflag:s24], $0x50  }
0x139: {  	[sflag:s24] =	ssyncset.done $0x0  }
0x13a: {  	[sflag:s24] =	ssyncadd.s32 $0xFFFFFFB0  }
0x13b: {  	_ =	swait.ge [sflag:s24], $0x50  }
0x13c: {  	[sflag:s24] =	ssyncset.done $0x0  }
0x13d: {  	[sflag:s24] =	ssyncadd.s32 $0xFFFFFFB0  }
0x13e: {  	_ =	swait.ge [sflag:s24], $0x50  }
0x13f: {  	[sflag:s24] =	ssyncset.done $0x0  }
0x140: {  	[sflag:s24] =	ssyncadd.s32 $0xFFFFFFB0  }
0x141: {  	_ =	swait.ge [sflag:s24], $0x50  }
0x142: {  	[sflag:s24] =	ssyncset.done $0x0  }
0x143: {  	[sflag:s24] =	ssyncadd.s32 $0xFFFFFFB0  }
0x144: {  	_ =	swait.ge [sflag:s24], $0x50  }
0x145: {  	[sflag:s24] =	ssyncset.done $0x0  }
0x146: {  	[sflag:s24] =	ssyncadd.s32 $0xFFFFFFB0  }
0x147: {  	_ =	swait.ge [sflag:s24], $0x50  }
0x148: {  	[sflag:s24] =	ssyncset.done $0x0  }
0x149: {  	[sflag:s24] =	ssyncadd.s32 $0xFFFFFFB0  }
0x14a: {  	_ =	swait.ge [sflag:s24], $0x50  }
0x14b: {  	[sflag:s24] =	ssyncset.done $0x0  }
0x14c: {  	[sflag:s24] =	ssyncadd.s32 $0xFFFFFFB0  }
0x14d: {  	_ =	swait.ge [sflag:s24], $0x50  }
0x14e: {  	[sflag:s24] =	ssyncset.done $0x0  }
0x14f: {  	[sflag:s24] =	ssyncadd.s32 $0xFFFFFFB0  }
0x150: {  	_ =	swait.ge [sflag:s24], $0x50  }
0x151: {  	[sflag:s24] =	ssyncset.done $0x0  }
0x152: {  	[sflag:s24] =	ssyncadd.s32 $0xFFFFFFB0  }
0x153: {  	_ =	swait.ge [sflag:s24], $0x50  }
0x154: {  	[sflag:s24] =	ssyncset.done $0x0  }
0x155: {  	[sflag:s24] =	ssyncadd.s32 $0xFFFFFFB0  }
0x156: {  	_ =	swait.ge [sflag:s24], $0x50  }
0x157: {  	[sflag:s24] =	ssyncset.done $0x0  }
0x158: {  	[sflag:s24] =	ssyncadd.s32 $0xFFFFFFB0  }
0x159: {  	_ =	swait.ge [sflag:s24], $0x50  }
0x15a: {  	[sflag:s24] =	ssyncset.done $0x0  }
0x15b: {  	[sflag:s24] =	ssyncadd.s32 $0xFFFFFFB0  }
0x15c: {  	_ =	swait.ge [sflag:s24], $0x50  }
0x15d: {  	[sflag:s24] =	ssyncset.done $0x0  }
0x15e: {  	[sflag:s24] =	ssyncadd.s32 $0xFFFFFFB0  }
0x15f: {  	_ =	swait.ge [sflag:s24], $0x50  }
0x160: {  	[sflag:s24] =	ssyncset.done $0x0  }
0x161: {  	[sflag:s24] =	ssyncadd.s32 $0xFFFFFFB0  }
0x162: {  	_ =	swait.ge [sflag:s24], $0x50  }
0x163: {  	[sflag:s24] =	ssyncset.done $0x0  }
0x164: {  	[sflag:s24] =	ssyncadd.s32 $0xFFFFFFB0  }
0x165: {  	_ =	swait.ge [sflag:s24], $0x50  }
0x166: {  	[sflag:s24] =	ssyncset.done $0x0  }
0x167: {  	[sflag:s24] =	ssyncadd.s32 $0xFFFFFFB0  }
0x168: {  	_ =	swait.ge [sflag:s24], $0x50  }
0x169: {  	[sflag:s24] =	ssyncset.done $0x0  }
0x16a: {  	[sflag:s24] =	ssyncadd.s32 $0xFFFFFFB0  }
0x16b: {  	_ =	swait.ge [sflag:s24], $0x50  }
0x16c: {  	[sflag:s24] =	ssyncset.done $0x0  }
0x16d: {  	[sflag:s24] =	ssyncadd.s32 $0xFFFFFFB0  }
0x16e: {  	_ =	swait.ge [sflag:s24], $0x50  }
0x16f: {  	[sflag:s24] =	ssyncset.done $0x0  }
0x170: {  	[sflag:s24] =	ssyncadd.s32 $0xFFFFFFB0  }
0x171: {  	_ =	swait.ge [sflag:s24], $0x50  }
0x172: {  	[sflag:s24] =	ssyncset.done $0x0  }
0x173: {  	[sflag:s24] =	ssyncadd.s32 $0xFFFFFFB0  }
0x174: {  	_ =	swait.ge [sflag:s24], $0x50  }
0x175: {  	[sflag:s24] =	ssyncset.done $0x0  }
0x176: {  	[sflag:s24] =	ssyncadd.s32 $0xFFFFFFB0  }
0x177: {  	_ =	swait.ge [sflag:s24], $0x50  }
0x178: {  	[sflag:s24] =	ssyncset.done $0x0  }
0x179: {  	[sflag:s24] =	ssyncadd.s32 $0xFFFFFFB0  }
0x17a: {  	_ =	swait.ge [sflag:s24], $0x50  }
0x17b: {  	[sflag:s24] =	ssyncset.done $0x0  }
0x17c: {  	[sflag:s24] =	ssyncadd.s32 $0xFFFFFFB0  }
0x17d: {  	_ =	swait.ge [sflag:s24], $0x50  }
0x17e: {  	[sflag:s24] =	ssyncset.done $0x0  }
0x17f: {  	[sflag:s24] =	ssyncadd.s32 $0xFFFFFFB0  }
0x180: {  	_ =	swait.ge [sflag:s24], $0x50  }
0x181: {  	[sflag:s24] =	ssyncset.done $0x0  }
0x182: {  	[sflag:s24] =	ssyncadd.s32 $0xFFFFFFB0  }
0x183: {  	_ =	swait.ge [sflag:s24], $0x50  }
0x184: {  	[sflag:s24] =	ssyncset.done $0x0  }
0x185: {  	[sflag:s24] =	ssyncadd.s32 $0xFFFFFFB0  }
0x186: {  	_ =	swait.ge [sflag:s24], $0x50  }
0x187: {  	[sflag:s24] =	ssyncset.done $0x0  }
0x188: {  	[sflag:s24] =	ssyncadd.s32 $0xFFFFFFB0  }
0x189: {  	_ =	swait.ge [sflag:s24], $0x50  }
0x18a: {  	[sflag:s24] =	ssyncset.done $0x0  }
0x18b: {  	[sflag:s24] =	ssyncadd.s32 $0xFFFFFFB0  }
0x18c: {  	_ =	swait.ge [sflag:s24], $0x50  }
0x18d: {  	[sflag:s24] =	ssyncset.done $0x0  }
0x18e: {  	[sflag:s24] =	ssyncadd.s32 $0xFFFFFFB0  }
0x18f: {  	_ =	swait.ge [sflag:s24], $0x50  }
0x190: {  	[sflag:s24] =	ssyncset.done $0x0  }
0x191: {  	[sflag:s24] =	ssyncadd.s32 $0xFFFFFFB0  }
0x192: {  	_ =	swait.ge [sflag:s24], $0x50  }
0x193: {  	[sflag:s24] =	ssyncset.done $0x0  }
0x194: {  	[sflag:s24] =	ssyncadd.s32 $0xFFFFFFB0  }
0x195: {  	_ =	swait.ge [sflag:s24], $0x50  }
0x196: {  	[sflag:s24] =	ssyncset.done $0x0  }
0x197: {  	[sflag:s24] =	ssyncadd.s32 $0xFFFFFFB0  }
0x198: {  	_ =	swait.ge [sflag:s24], $0x50  }
0x199: {  	[sflag:s24] =	ssyncset.done $0x0  }
0x19a: {  	[sflag:s24] =	ssyncadd.s32 $0xFFFFFFB0  }
0x19b: {  	_ =	swait.ge [sflag:s24], $0x50  }
0x19c: {  	[sflag:s24] =	ssyncset.done $0x0  }
0x19d: {  	[sflag:s24] =	ssyncadd.s32 $0xFFFFFFB0  }
0x19e: {  	_ =	swait.ge [sflag:s24], $0x50  }
0x19f: {  	[sflag:s24] =	ssyncset.done $0x0  }
0x1a0: {  	[sflag:s24] =	ssyncadd.s32 $0xFFFFFFB0  }
0x1a1: {  	_ =	swait.ge [sflag:s24], $0x50  }
0x1a2: {  	[sflag:s24] =	ssyncset.done $0x0  }
0x1a3: {  	[sflag:s24] =	ssyncadd.s32 $0xFFFFFFB0  }
0x1a4: {  	_ =	swait.ge [sflag:s24], $0x50  }
0x1a5: {  	[sflag:s24] =	ssyncset.done $0x0  }
0x1a6: {  	[sflag:s24] =	ssyncadd.s32 $0xFFFFFFB0  }
0x1a7: {  	_ =	swait.ge [sflag:s24], $0x50  }
0x1a8: {  	[sflag:s24] =	ssyncset.done $0x0  }
0x1a9: {  	[sflag:s24] =	ssyncadd.s32 $0xFFFFFFB0  }
0x1aa: {  	_ =	swait.ge [sflag:s24], $0x50  }
0x1ab: {  	[sflag:s24] =	ssyncset.done $0x0  }
0x1ac: {  	[sflag:s24] =	ssyncadd.s32 $0xFFFFFFB0  }
0x1ad: {  	_ =	swait.ge [sflag:s24], $0x50  }
0x1ae: {  	[sflag:s24] =	ssyncset.done $0x0  }
0x1af: {  	[sflag:s24] =	ssyncadd.s32 $0xFFFFFFB0  }
0x1b0: {  	_ =	swait.ge [sflag:s24], $0x50  }
0x1b1: {  	[sflag:s24] =	ssyncset.done $0x0  }
0x1b2: {  	[sflag:s24] =	ssyncadd.s32 $0xFFFFFFB0  }
0x1b3: {  	_ =	swait.ge [sflag:s24], $0x50  }
0x1b4: {  	[sflag:s24] =	ssyncset.done $0x0  }
0x1b5: {  	[sflag:s24] =	ssyncadd.s32 $0xFFFFFFB0  }
0x1b6: {  	_ =	swait.ge [sflag:s24], $0x50  }
0x1b7: {  	[sflag:s24] =	ssyncset.done $0x0  }
0x1b8: {  	[sflag:s24] =	ssyncadd.s32 $0xFFFFFFB0  }
0x1b9: {  	_ =	swait.ge [sflag:s24], $0x50  }
0x1ba: {  	[sflag:s24] =	ssyncset.done $0x0  }
0x1bb: {  	[sflag:s24] =	ssyncadd.s32 $0xFFFFFFB0  }
0x1bc: {  	_ =	swait.ge [sflag:s24], $0x50  }
0x1bd: {  	[sflag:s24] =	ssyncset.done $0x0  }
0x1be: {  	[sflag:s24] =	ssyncadd.s32 $0xFFFFFFB0  }
0x1bf: {  	_ =	swait.ge [sflag:s24], $0x50  }
0x1c0: {  	[sflag:s24] =	ssyncset.done $0x0  }
0x1c1: {  	[sflag:s24] =	ssyncadd.s32 $0xFFFFFFB0  }
0x1c2: {  	_ =	swait.ge [sflag:s24], $0x50  }
0x1c3: {  	p1 =	seq.s32 s25, $0x0;
	[sflag:s24] =	ssyncset.done $0x0  }
0x1c4: {  	s2 =	simm.s32 @!p1 $0x5;
	[sflag:s24] =	ssyncadd.s32 $0xFFFFFFB0  }
0x1c5: {  	_ =	swait.ge @!p1 [sflag:s2], $0x320  }
0x1c6: {  	[sflag:s2] =	ssyncset.done @!p1 $0x0  }
0x1c7: {  	[sflag:s2] =	ssyncadd.s32 @!p1 $0xFFFFFCE0  }
0x1c8: {  	_ =	swait.ge [sflag:s1], $0x320  }
0x1c9: {  	[sflag:s1] =	ssyncset.done $0x0  }
0x1ca: {  	[sflag:s1] =	ssyncadd.s32 $0xFFFFFCE0  }
0x1cb: {  	_ =	swait.ge [sflag:s1], $0x320  }
0x1cc: {  	[sflag:s1] =	ssyncset.done $0x0  }
0x1cd: {  	[sflag:s1] =	ssyncadd.s32 $0xFFFFFCE0  }
0x1ce: {  	_ =	swait.ge [sflag:s1], $0x320  }
0x1cf: {  	[sflag:s1] =	ssyncset.done $0x0  }
0x1d0: {  	[sflag:s1] =	ssyncadd.s32 $0xFFFFFCE0  }
0x1d1: {  	_ =	swait.ge [sflag:s1], $0x320  }
0x1d2: {  	[sflag:s1] =	ssyncset.done $0x0  }
0x1d3: {  	[sflag:s1] =	ssyncadd.s32 $0xFFFFFCE0  }
0x1d4: {  	_ =	swait.ge [sflag:s1], $0x320  }
0x1d5: {  	[sflag:s1] =	ssyncset.done $0x0  }
0x1d6: {  	s8 =	simm.s32 $0x3F00;
	[sflag:s1] =	ssyncadd.s32 $0xFFFFFCE0  }
0x1d7: {  	[tilespmem:s8], [sflag:$0x4] =	stream.indirect.gather [spmem:s3], $0x1, s17, s23, $0xb8;
	[tilespmem:$0xBF40] =	vst v63  }
0x1d8: {  	s9 =	simm.s32 $0x4280  }
0x1d9: {  	[tilespmem:s9], [sflag:$0x4] =	stream.indirect.gather [spmem:s4], $0x1, s17, s23, $0xb8;
	[tilespmem:$0xBF40] =	vst v63  }
0x1da: {  	s21 =	simm.s32 $0x4600  }
0x1db: {  	[tilespmem:s21], [sflag:$0x4] =	stream.indirect.gather [spmem:s5], $0x1, s17, s23, $0xb8;
	[tilespmem:$0xBF40] =	vst v63  }
0x1dc: {  	s8 =	simm.s32 $0x4980  }
0x1dd: {  	[tilespmem:s8], [sflag:$0x4] =	stream.indirect.gather [spmem:s3], $0x1, s18, s23, $0xb8;
	[tilespmem:$0xBF40] =	vst v63  }
0x1de: {  	s9 =	simm.s32 $0x4D00  }
0x1df: {  	[tilespmem:s9], [sflag:$0x4] =	stream.indirect.gather [spmem:s4], $0x1, s18, s23, $0xb8;
	[tilespmem:$0xBF40] =	vst v63  }
0x1e0: {  	s21 =	simm.s32 $0x5080  }
0x1e1: {  	[tilespmem:s21], [sflag:$0x4] =	stream.indirect.gather [spmem:s5], $0x1, s18, s23, $0xb8;
	[tilespmem:$0xBF40] =	vst v63  }
0x1e2: {  	s8 =	simm.s32 $0x5400  }
0x1e3: {  	[tilespmem:s8], [sflag:$0x4] =	stream.indirect.gather [spmem:s6], $0x1, s18, s23, $0xb8;
	[tilespmem:$0xBF40] =	vst v63  }
0x1e4: {  	s2 =	simm.s32 $0x2DD0;
	s8 =	simm.s32 $0x3F50  }
0x1e5: {  	[tilespmem:s8], [sflag:$0x4] =	stream.indirect.gather [spmem:s3], $0x1, s2, s23, $0xb8;
	[tilespmem:$0xBF40] =	vst v63  }
0x1e6: {  	s9 =	simm.s32 $0x42D0  }
0x1e7: {  	[tilespmem:s9], [sflag:$0x4] =	stream.indirect.gather [spmem:s4], $0x1, s2, s23, $0xb8;
	[tilespmem:$0xBF40] =	vst v63  }
0x1e8: {  	s21 =	simm.s32 $0x4650  }
0x1e9: {  	[tilespmem:s21], [sflag:$0x4] =	stream.indirect.gather [spmem:s5], $0x1, s2, s23, $0xb8;
	[tilespmem:$0xBF40] =	vst v63  }
0x1ea: {  	s9 =	simm.s32 $0x49D0  }
0x1eb: {  	[tilespmem:s9], [sflag:$0x4] =	stream.indirect.gather [spmem:s3], $0x1, s10, s23, $0xb8;
	[tilespmem:$0xBF40] =	vst v63  }
0x1ec: {  	s21 =	simm.s32 $0x4D50  }
0x1ed: {  	[tilespmem:s21], [sflag:$0x4] =	stream.indirect.gather [spmem:s4], $0x1, s10, s23, $0xb8;
	[tilespmem:$0xBF40] =	vst v63  }
0x1ee: {  	s8 =	simm.s32 $0x50D0  }
0x1ef: {  	[tilespmem:s8], [sflag:$0x4] =	stream.indirect.gather [spmem:s5], $0x1, s10, s23, $0xb8;
	[tilespmem:$0xBF40] =	vst v63  }
0x1f0: {  	s9 =	simm.s32 $0x5450  }
0x1f1: {  	[tilespmem:s9], [sflag:$0x4] =	stream.indirect.gather [spmem:s6], $0x1, s10, s23, $0xb8;
	[tilespmem:$0xBF40] =	vst v63  }
0x1f2: {  	s2 =	simm.s32 $0x2E20;
	s21 =	simm.s32 $0x3FA0  }
0x1f3: {  	[tilespmem:s21], [sflag:$0x4] =	stream.indirect.gather [spmem:s3], $0x1, s2, s23, $0xb8;
	[tilespmem:$0xBF40] =	vst v63  }
0x1f4: {  	s9 =	simm.s32 $0x4320  }
0x1f5: {  	[tilespmem:s9], [sflag:$0x4] =	stream.indirect.gather [spmem:s4], $0x1, s2, s23, $0xb8;
	[tilespmem:$0xBF40] =	vst v63  }
0x1f6: {  	s21 =	simm.s32 $0x46A0  }
0x1f7: {  	[tilespmem:s21], [sflag:$0x4] =	stream.indirect.gather [spmem:s5], $0x1, s2, s23, $0xb8;
	[tilespmem:$0xBF40] =	vst v63  }
0x1f8: {  	s9 =	simm.s32 $0x4A20  }
0x1f9: {  	[tilespmem:s9], [sflag:$0x4] =	stream.indirect.gather [spmem:s3], $0x1, s31, s23, $0xb8;
	[tilespmem:$0xBF40] =	vst v63  }
0x1fa: {  	s21 =	simm.s32 $0x4DA0  }
0x1fb: {  	[tilespmem:s21], [sflag:$0x4] =	stream.indirect.gather [spmem:s4], $0x1, s31, s23, $0xb8;
	[tilespmem:$0xBF40] =	vst v63  }
0x1fc: {  	s8 =	simm.s32 $0x5120  }
0x1fd: {  	[tilespmem:s8], [sflag:$0x4] =	stream.indirect.gather [spmem:s5], $0x1, s31, s23, $0xb8;
	[tilespmem:$0xBF40] =	vst v63  }
0x1fe: {  	s9 =	simm.s32 $0x54A0  }
0x1ff: {  	[tilespmem:s9], [sflag:$0x4] =	stream.indirect.gather [spmem:s6], $0x1, s31, s23, $0xb8;
	[tilespmem:$0xBF40] =	vst v63  }
0x200: {  	s2 =	simm.s32 $0x2E70;
	s21 =	simm.s32 $0x3FF0  }
0x201: {  	[tilespmem:s21], [sflag:$0x4] =	stream.indirect.gather [spmem:s3], $0x1, s2, s23, $0xb8;
	[tilespmem:$0xBF40] =	vst v63  }
0x202: {  	s9 =	simm.s32 $0x4370  }
0x203: {  	[tilespmem:s9], [sflag:$0x4] =	stream.indirect.gather [spmem:s4], $0x1, s2, s23, $0xb8;
	[tilespmem:$0xBF40] =	vst v63  }
0x204: {  	s21 =	simm.s32 $0x46F0  }
0x205: {  	[tilespmem:s21], [sflag:$0x4] =	stream.indirect.gather [spmem:s5], $0x1, s2, s23, $0xb8;
	[tilespmem:$0xBF40] =	vst v63  }
0x206: {  	s9 =	simm.s32 $0x4A70  }
0x207: {  	[tilespmem:s9], [sflag:$0x4] =	stream.indirect.gather [spmem:s3], $0x1, s15, s23, $0xb8;
	[tilespmem:$0xBF40] =	vst v63  }
0x208: {  	s21 =	simm.s32 $0x4DF0  }
0x209: {  	[tilespmem:s21], [sflag:$0x4] =	stream.indirect.gather [spmem:s4], $0x1, s15, s23, $0xb8;
	[tilespmem:$0xBF40] =	vst v63  }
0x20a: {  	s8 =	simm.s32 $0x5170  }
0x20b: {  	[tilespmem:s8], [sflag:$0x4] =	stream.indirect.gather [spmem:s5], $0x1, s15, s23, $0xb8;
	[tilespmem:$0xBF40] =	vst v63  }
0x20c: {  	s9 =	simm.s32 $0x54F0  }
0x20d: {  	[tilespmem:s9], [sflag:$0x4] =	stream.indirect.gather [spmem:s6], $0x1, s15, s23, $0xb8;
	[tilespmem:$0xBF40] =	vst v63  }
0x20e: {  	s2 =	simm.s32 $0x2EC0;
	s21 =	simm.s32 $0x4040  }
0x20f: {  	[tilespmem:s21], [sflag:$0x4] =	stream.indirect.gather [spmem:s3], $0x1, s2, s23, $0xb8;
	[tilespmem:$0xBF40] =	vst v63  }
0x210: {  	s9 =	simm.s32 $0x43C0  }
0x211: {  	[tilespmem:s9], [sflag:$0x4] =	stream.indirect.gather [spmem:s4], $0x1, s2, s23, $0xb8;
	[tilespmem:$0xBF40] =	vst v63  }
0x212: {  	s21 =	simm.s32 $0x4740  }
0x213: {  	[tilespmem:s21], [sflag:$0x4] =	stream.indirect.gather [spmem:s5], $0x1, s2, s23, $0xb8;
	[tilespmem:$0xBF40] =	vst v63  }
0x214: {  	s9 =	simm.s32 $0x4AC0  }
0x215: {  	[tilespmem:s9], [sflag:$0x4] =	stream.indirect.gather [spmem:s3], $0x1, s26, s23, $0xb8;
	[tilespmem:$0xBF40] =	vst v63  }
0x216: {  	s21 =	simm.s32 $0x4E40  }
0x217: {  	[tilespmem:s21], [sflag:$0x4] =	stream.indirect.gather [spmem:s4], $0x1, s26, s23, $0xb8;
	[tilespmem:$0xBF40] =	vst v63  }
0x218: {  	s8 =	simm.s32 $0x51C0  }
0x219: {  	[tilespmem:s8], [sflag:$0x4] =	stream.indirect.gather [spmem:s5], $0x1, s26, s23, $0xb8;
	[tilespmem:$0xBF40] =	vst v63  }
0x21a: {  	s9 =	simm.s32 $0x5540  }
0x21b: {  	[tilespmem:s9], [sflag:$0x4] =	stream.indirect.gather [spmem:s6], $0x1, s26, s23, $0xb8;
	[tilespmem:$0xBF40] =	vst v63  }
0x21c: {  	s2 =	simm.s32 $0x2F10;
	s21 =	simm.s32 $0x4090  }
0x21d: {  	[tilespmem:s21], [sflag:$0x4] =	stream.indirect.gather [spmem:s3], $0x1, s2, s23, $0xb8;
	[tilespmem:$0xBF40] =	vst v63  }
0x21e: {  	s9 =	simm.s32 $0x4410  }
0x21f: {  	[tilespmem:s9], [sflag:$0x4] =	stream.indirect.gather [spmem:s4], $0x1, s2, s23, $0xb8;
	[tilespmem:$0xBF40] =	vst v63  }
0x220: {  	s21 =	simm.s32 $0x4790  }
0x221: {  	[tilespmem:s21], [sflag:$0x4] =	stream.indirect.gather [spmem:s5], $0x1, s2, s23, $0xb8;
	[tilespmem:$0xBF40] =	vst v63  }
0x222: {  	s9 =	simm.s32 $0x4B10  }
0x223: {  	[tilespmem:s9], [sflag:$0x4] =	stream.indirect.gather [spmem:s3], $0x1, s20, s23, $0xb8;
	[tilespmem:$0xBF40] =	vst v63  }
0x224: {  	s21 =	simm.s32 $0x4E90  }
0x225: {  	[tilespmem:s21], [sflag:$0x4] =	stream.indirect.gather [spmem:s4], $0x1, s20, s23, $0xb8;
	[tilespmem:$0xBF40] =	vst v63  }
0x226: {  	s8 =	simm.s32 $0x5210  }
0x227: {  	[tilespmem:s8], [sflag:$0x4] =	stream.indirect.gather [spmem:s5], $0x1, s20, s23, $0xb8;
	[tilespmem:$0xBF40] =	vst v63  }
0x228: {  	s9 =	simm.s32 $0x5590  }
0x229: {  	[tilespmem:s9], [sflag:$0x4] =	stream.indirect.gather [spmem:s6], $0x1, s20, s23, $0xb8;
	[tilespmem:$0xBF40] =	vst v63  }
0x22a: {  	s2 =	simm.s32 $0x2F60;
	s21 =	simm.s32 $0x40E0  }
0x22b: {  	[tilespmem:s21], [sflag:$0x4] =	stream.indirect.gather [spmem:s3], $0x1, s2, s23, $0xb8;
	[tilespmem:$0xBF40] =	vst v63  }
0x22c: {  	s9 =	simm.s32 $0x4460  }
0x22d: {  	[tilespmem:s9], [sflag:$0x4] =	stream.indirect.gather [spmem:s4], $0x1, s2, s23, $0xb8;
	[tilespmem:$0xBF40] =	vst v63  }
0x22e: {  	s21 =	simm.s32 $0x47E0  }
0x22f: {  	[tilespmem:s21], [sflag:$0x4] =	stream.indirect.gather [spmem:s5], $0x1, s2, s23, $0xb8;
	[tilespmem:$0xBF40] =	vst v63  }
0x230: {  	s9 =	simm.s32 $0x4B60  }
0x231: {  	[tilespmem:s9], [sflag:$0x4] =	stream.indirect.gather [spmem:s3], $0x1, s29, s23, $0xb8;
	[tilespmem:$0xBF40] =	vst v63  }
0x232: {  	s21 =	simm.s32 $0x4EE0  }
0x233: {  	[tilespmem:s21], [sflag:$0x4] =	stream.indirect.gather [spmem:s4], $0x1, s29, s23, $0xb8;
	[tilespmem:$0xBF40] =	vst v63  }
0x234: {  	s8 =	simm.s32 $0x5260  }
0x235: {  	[tilespmem:s8], [sflag:$0x4] =	stream.indirect.gather [spmem:s5], $0x1, s29, s23, $0xb8;
	[tilespmem:$0xBF40] =	vst v63  }
0x236: {  	s9 =	simm.s32 $0x55E0  }
0x237: {  	[tilespmem:s9], [sflag:$0x4] =	stream.indirect.gather [spmem:s6], $0x1, s29, s23, $0xb8;
	[tilespmem:$0xBF40] =	vst v63  }
0x238: {  	s2 =	simm.s32 $0x2FB0;
	s21 =	simm.s32 $0x4130  }
0x239: {  	[tilespmem:s21], [sflag:$0x4] =	stream.indirect.gather [spmem:s3], $0x1, s2, s23, $0xb8;
	[tilespmem:$0xBF40] =	vst v63  }
0x23a: {  	s9 =	simm.s32 $0x44B0  }
0x23b: {  	[tilespmem:s9], [sflag:$0x4] =	stream.indirect.gather [spmem:s4], $0x1, s2, s23, $0xb8;
	[tilespmem:$0xBF40] =	vst v63  }
0x23c: {  	s21 =	simm.s32 $0x4830  }
0x23d: {  	[tilespmem:s21], [sflag:$0x4] =	stream.indirect.gather [spmem:s5], $0x1, s2, s23, $0xb8;
	[tilespmem:$0xBF40] =	vst v63  }
0x23e: {  	s9 =	simm.s32 $0x4BB0  }
0x23f: {  	[tilespmem:s9], [sflag:$0x4] =	stream.indirect.gather [spmem:s3], $0x1, s19, s23, $0xb8;
	[tilespmem:$0xBF40] =	vst v63  }
0x240: {  	s21 =	simm.s32 $0x4F30  }
0x241: {  	[tilespmem:s21], [sflag:$0x4] =	stream.indirect.gather [spmem:s4], $0x1, s19, s23, $0xb8;
	[tilespmem:$0xBF40] =	vst v63  }
0x242: {  	s8 =	simm.s32 $0x52B0  }
0x243: {  	[tilespmem:s8], [sflag:$0x4] =	stream.indirect.gather [spmem:s5], $0x1, s19, s23, $0xb8;
	[tilespmem:$0xBF40] =	vst v63  }
0x244: {  	s9 =	simm.s32 $0x5630  }
0x245: {  	[tilespmem:s9], [sflag:$0x4] =	stream.indirect.gather [spmem:s6], $0x1, s19, s23, $0xb8;
	[tilespmem:$0xBF40] =	vst v63  }
0x246: {  	s2 =	simm.s32 $0x3000;
	s21 =	simm.s32 $0x4180  }
0x247: {  	[tilespmem:s21], [sflag:$0x4] =	stream.indirect.gather [spmem:s3], $0x1, s2, s23, $0xb8;
	[tilespmem:$0xBF40] =	vst v63  }
0x248: {  	s9 =	simm.s32 $0x4500  }
0x249: {  	[tilespmem:s9], [sflag:$0x4] =	stream.indirect.gather [spmem:s4], $0x1, s2, s23, $0xb8;
	[tilespmem:$0xBF40] =	vst v63  }
0x24a: {  	s21 =	simm.s32 $0x4880  }
0x24b: {  	[tilespmem:s21], [sflag:$0x4] =	stream.indirect.gather [spmem:s5], $0x1, s2, s23, $0xb8;
	[tilespmem:$0xBF40] =	vst v63  }
0x24c: {  	s8 =	simm.s32 $0x4C00  }
0x24d: {  	[tilespmem:s8], [sflag:$0x4] =	stream.indirect.gather [spmem:s3], $0x1, s16, s23, $0xb8;
	[tilespmem:$0xBF40] =	vst v63  }
0x24e: {  	s9 =	simm.s32 $0x4F80  }
0x24f: {  	[tilespmem:s9], [sflag:$0x4] =	stream.indirect.gather [spmem:s4], $0x1, s16, s23, $0xb8;
	[tilespmem:$0xBF40] =	vst v63  }
0x250: {  	s21 =	simm.s32 $0x5300  }
0x251: {  	[tilespmem:s21], [sflag:$0x4] =	stream.indirect.gather [spmem:s5], $0x1, s16, s23, $0xb8;
	[tilespmem:$0xBF40] =	vst v63  }
0x252: {  	s8 =	simm.s32 $0x5680  }
0x253: {  	[tilespmem:s8], [sflag:$0x4] =	stream.indirect.gather [spmem:s6], $0x1, s16, s23, $0xb8;
	[tilespmem:$0xBF40] =	vst v63  }
0x254: {  	s2 =	simm.s32 $0x3050;
	s9 =	simm.s32 $0x41D0  }
0x255: {  	[tilespmem:s9], [sflag:$0x4] =	stream.indirect.gather [spmem:s3], $0x1, s2, s23, $0xb8;
	[tilespmem:$0xBF40] =	vst v63  }
0x256: {  	s21 =	simm.s32 $0x4550  }
0x257: {  	[tilespmem:s21], [sflag:$0x4] =	stream.indirect.gather [spmem:s4], $0x1, s2, s23, $0xb8;
	[tilespmem:$0xBF40] =	vst v63  }
0x258: {  	s9 =	simm.s32 $0x48D0  }
0x259: {  	[tilespmem:s9], [sflag:$0x4] =	stream.indirect.gather [spmem:s5], $0x1, s2, s23, $0xb8;
	[tilespmem:$0xBF40] =	vst v63  }
0x25a: {  	s21 =	simm.s32 $0x4C50  }
0x25b: {  	[tilespmem:s21], [sflag:$0x4] =	stream.indirect.gather [spmem:s3], $0x1, s14, s23, $0xb8;
	[tilespmem:$0xBF40] =	vst v63  }
0x25c: {  	s8 =	simm.s32 $0x4FD0  }
0x25d: {  	[tilespmem:s8], [sflag:$0x4] =	stream.indirect.gather [spmem:s4], $0x1, s14, s23, $0xb8;
	[tilespmem:$0xBF40] =	vst v63  }
0x25e: {  	s9 =	simm.s32 $0x5350  }
0x25f: {  	[tilespmem:s9], [sflag:$0x4] =	stream.indirect.gather [spmem:s5], $0x1, s14, s23, $0xb8;
	[tilespmem:$0xBF40] =	vst v63  }
0x260: {  	s21 =	simm.s32 $0x56D0  }
0x261: {  	[tilespmem:s21], [sflag:$0x4] =	stream.indirect.gather [spmem:s6], $0x1, s14, s23, $0xb8;
	[tilespmem:$0xBF40] =	vst v63  }
0x262: {  	s21 =	simm.s32 $0x0  }
0x263: {  	v0 =	vld [tilespmem:s21+$0x2680]  }
0x264: {  	v4 =	vld [tilespmem:s21+$0x1880]  }
0x265: {  	v5 =	vld [tilespmem:s21+$0x1500]  }
0x266: {  	v6 =	vld [tilespmem:s21+$0x1F80]  }
0x267: {  	v8 =	vld [tilespmem:s21+$0x1180]  }
0x268: {  	v9 =	vld [tilespmem:s21+$0x1C00]  }
0x269: {  	v3 =	vld [tilespmem:s21+$0x2690]  }
0x26a: {  	v2 =	vld [tilespmem:s21+$0x1190]  }
0x26b: {  	v12 =	vld [tilespmem:s21+$0x1C10]  }
0x26c: {  	v1 =	vld [tilespmem:s21+$0x1510]  }
0x26d: {  	v16 =	vld [tilespmem:s21+$0xE00];
	v7 =	vmul.u32 $0x9, v0  }
0x26e: {  	v17 =	vld [tilespmem:s21+$0xA80]  }
0x26f: {  	s2 =	simm.s32 $0x20;
	v18 =	vld [tilespmem:s21+$0x700];
	v13 =	vadd.s32 $0x2, v7  }
0x270: {  	v15 =	vld [tilespmem:s2+$0x2680];
	v22 =	vadd.s32 $0x1, v7  }
0x271: {  	v14 =	vld [tilespmem:s2+$0x1880];
	v11 =	vadd.s32 $0x4, v7  }
0x272: {  	v19 =	vld [tilespmem:s21+$0x2300]  }
0x273: {  	v0 =	vld [tilespmem:s21+$0x1890];
	v20 =	vadd.s32 $0x5, v7  }
0x274: {  	v21 =	vadd.s32 $0x3, v7;
	v13 =	vld.idx.msk [tilespmem:v13+s0+$0x0], $0xffff  }
0x275: {  	s28 =	simm.s32 $0x100;
	v2 =	vsub.f32 v2, v12;
	v10 =	vadd.s32 $0x6, v7;
	v12 =	vld.idx.msk [tilespmem:v22+s0+$0x0], $0xffff;
	v22 =	vadd.s32 $0x7, v7  }
.LBB2_3:
0x276: {  	p2 =	sne.s32 s28, $0xC00;
	v23 =	vld.idx.msk [tilespmem:v11+s0+$0x0], $0xffff;
	s8 =	smov.u32 s28;
	s28 =	sadd.s32 $0x80, s28  }
0x277: {  	v24 =	vld.idx.msk [tilespmem:v7+s0+$0x0], $0xffff  }
0x278: {  	v25 =	vadd.s32 $0x8, v7;
	v20 =	vld.idx.msk [tilespmem:v20+s0+$0x0], $0xffff  }
0x279: {  	v21 =	vld.idx.msk [tilespmem:v21+s0+$0x0], $0xffff  }
0x27a: {  	v7 =	vmul.u32 $0x9, v15;
	v11 =	vsub.f32 v4, v19;
	v4 =	vmovc v14;
	v19 =	vmul.f32 v13, v18;
	v15 =	vld.idx.msk [tilespmem:v22+s0+$0x0], $0xffff  }
0x27b: {  	v9 =	vsub.f32 v8, v9;
	v8 =	vsub.f32 v5, v6;
	v22 =	vmul.f32 v12, v18;
	v14 =	vld.idx.msk [tilespmem:v10+s0+$0x0], $0xffff  }
0x27c: {  	v13 =	vadd.s32 $0x2, v7;
	v12 =	vadd.s32 $0x1, v7;
	v19 =	vadd.f32 v19, v11;
	v5 =	vld [tilespmem:s2+$0x1500]  }
0x27d: {  	v11 =	vadd.s32 $0x4, v7;
	v10 =	vadd.s32 $0x6, v7;
	v18 =	vmul.f32 v24, v18;
	v25 =	vld.idx.msk [tilespmem:v25+s0+$0x0], $0xffff  }
0x27e: {  	v23 =	vmul.f32 v23, v17;
	v22 =	vadd.f32 v22, v8;
	v20 =	vmul.f32 v20, v17;
	v6 =	vld [tilespmem:s2+$0x1F80]  }
0x27f: {  	v18 =	vadd.f32 v18, v9;
	v17 =	vmul.f32 v21, v17;
	v8 =	vld [tilespmem:s2+$0x1180]  }
0x280: {  	v21 =	vadd.f32 v23, v22;
	v15 =	vmul.f32 v15, v16;
	v19 =	vadd.f32 v20, v19;
	v9 =	vld [tilespmem:s2+$0x1C00]  }
0x281: {  	v17 =	vadd.f32 v17, v18;
	v14 =	vmul.f32 v14, v16;
	v20 =	vld [tilespmem:s2+$0x2690]  }
0x282: {  	v15 =	vadd.f32 v15, v21;
	v18 =	vld [tilespmem:s2+$0x1190]  }
0x283: {  	v14 =	vadd.f32 v14, v17;
	v16 =	vmul.f32 v25, v16;
	v21 =	vld [tilespmem:s2+$0x1C10]  }
0x284: {  	v17 =	vld [tilespmem:s2+$0x1510]  }
0x285: {  	v15 =	vmul.f32 v15, v15;
	v16 =	vadd.f32 v16, v19;
	v14 =	vmul.f32 v14, v14;
	v22 =	vld [tilespmem:s2+$0x1890];
	_ =	sdelay $0x1  }
0x286: {  	v14 =	vadd.f32 v15, v14;
	v15 =	vmul.f32 v16, v16  }
0x287: {  	v16 =	vsub.f32 v18, v21  }
0x288: {  	v14 =	vadd.f32 v15, v14;
	_ =	sdelay $0x1  }
0x289: {  	v14 =	vmax.f32 v14, $1.000000000e-30  }
0x28a: {  	v15 =	vshrl.u32 v14, $0x1;
	v18 =	vmul.f32 $5.000000000e-01, v14  }
0x28b: {  	v15 =	vsub.s32 $0x5F3759DF, v15  }
0x28c: {  	v19 =	vmul.f32 v15, v18;
	_ =	sdelay $0x1  }
0x28d: {  	v19 =	vmul.f32 v15, v19;
	_ =	sdelay $0x1  }
0x28e: {  	v19 =	vsub.f32 $1.500000000e+00, v19;
	_ =	sdelay $0x1  }
0x28f: {  	v15 =	vmul.f32 v15, v19;
	_ =	sdelay $0x1  }
0x290: {  	v18 =	vmul.f32 v15, v18;
	_ =	sdelay $0x1  }
0x291: {  	v18 =	vmul.f32 v18, v15;
	_ =	sdelay $0x1  }
0x292: {  	v18 =	vsub.f32 $1.500000000e+00, v18  }
0x293: {  	v19 =	vmul.u32 $0x9, v3;
	v3 =	vmov v20  }
0x294: {  	v15 =	vmul.f32 v18, v15;
	v18 =	vld [tilespmem:s21+$0x2310]  }
0x295: {  	v21 =	vadd.s32 $0x4, v19;
	v20 =	vld [tilespmem:s21+$0xE10]  }
0x296: {  	v23 =	vadd.s32 $0x3, v19;
	v14 =	vmul.f32 v15, v14;
	v15 =	vld [tilespmem:s21+$0x1F90]  }
0x297: {  	v25 =	vadd.s32 $0x1, v19;
	v24 =	vld [tilespmem:s21+$0xA90]  }
0x298: {  	v26 =	vadd.s32 $0x6, v19;
	[tilespmem:s21+$0x2A00] =	vst v14;
	v14 =	vld [tilespmem:s21+$0x710]  }
0x299: {  	v28 =	vadd.s32 $0x2, v19;
	v27 =	vld.idx.msk [tilespmem:v19+s0+$0x0], $0xffff  }
0x29a: {  	v29 =	vadd.s32 $0x7, v19;
	v21 =	vld.idx.msk [tilespmem:v21+s0+$0x0], $0xffff  }
0x29b: {  	v30 =	vadd.s32 $0x5, v19;
	v23 =	vld.idx.msk [tilespmem:v23+s0+$0x0], $0xffff  }
0x29c: {  	v25 =	vld.idx.msk [tilespmem:v25+s0+$0x0], $0xffff  }
0x29d: {  	v19 =	vadd.s32 $0x8, v19;
	v26 =	vld.idx.msk [tilespmem:v26+s0+$0x0], $0xffff  }
0x29e: {  	v28 =	vld.idx.msk [tilespmem:v28+s0+$0x0], $0xffff  }
0x29f: {  	v27 =	vmul.f32 v27, v14;
	v29 =	vld.idx.msk [tilespmem:v29+s0+$0x0], $0xffff  }
0x2a0: {  	v30 =	vld.idx.msk [tilespmem:v30+s0+$0x0], $0xffff  }
0x2a1: {  	v27 =	vadd.f32 v27, v2;
	v23 =	vmul.f32 v23, v24;
	v2 =	vmov v16  }
0x2a2: {  	v15 =	vsub.f32 v1, v15;
	v1 =	vmov v17;
	v16 =	vld.idx.msk [tilespmem:v19+s0+$0x0], $0xffff;
	v19 =	vmul.f32 v25, v14  }
0x2a3: {  	v18 =	vsub.f32 v0, v18;
	v0 =	vmovc v22;
	v17 =	vadd.f32 v23, v27;
	v23 =	vmul.f32 v26, v20  }
0x2a4: {  	v14 =	vmul.f32 v28, v14;
	v15 =	vadd.f32 v19, v15;
	v19 =	vmul.f32 v21, v24  }
0x2a5: {  	v17 =	vadd.f32 v23, v17;
	v21 =	vmul.f32 v29, v20  }
0x2a6: {  	v14 =	vadd.f32 v14, v18;
	v18 =	vmul.f32 v30, v24;
	v15 =	vadd.f32 v19, v15;
	_ =	sdelay $0x1  }
0x2a7: {  	v14 =	vadd.f32 v18, v14;
	v16 =	vmul.f32 v16, v20;
	v15 =	vadd.f32 v21, v15;
	_ =	sdelay $0x1  }
0x2a8: {  	v14 =	vadd.f32 v16, v14;
	v16 =	vmul.f32 v17, v17;
	v15 =	vmul.f32 v15, v15;
	_ =	sdelay $0x1  }
0x2a9: {  	v14 =	vmul.f32 v14, v14;
	v15 =	vadd.f32 v15, v16;
	_ =	sdelay $0x1  }
0x2aa: {  	v14 =	vadd.f32 v14, v15;
	_ =	sdelay $0x1  }
0x2ab: {  	v14 =	vmax.f32 v14, $1.000000000e-30  }
0x2ac: {  	v15 =	vshrl.u32 v14, $0x1;
	v16 =	vmul.f32 $5.000000000e-01, v14  }
0x2ad: {  	v15 =	vsub.s32 $0x5F3759DF, v15  }
0x2ae: {  	v17 =	vmul.f32 v15, v16;
	_ =	sdelay $0x1  }
0x2af: {  	v17 =	vmul.f32 v15, v17;
	_ =	sdelay $0x1  }
0x2b0: {  	v17 =	vsub.f32 $1.500000000e+00, v17;
	_ =	sdelay $0x1  }
0x2b1: {  	v15 =	vmul.f32 v15, v17;
	_ =	sdelay $0x1  }
0x2b2: {  	v16 =	vmul.f32 v15, v16;
	_ =	sdelay $0x1  }
0x2b3: {  	v16 =	vmul.f32 v16, v15;
	_ =	sdelay $0x1  }
0x2b4: {  	v18 =	vsub.f32 $1.500000000e+00, v16  }
0x2b5: {  	v16 =	vld [tilespmem:s2+$0xE00]  }
0x2b6: {  	v17 =	vld [tilespmem:s2+$0xA80];
	v19 =	vmul.f32 v18, v15  }
0x2b7: {  	s8 =	sshra.s32 s8, $0x2;
	v18 =	vld [tilespmem:s2+$0x700]  }
.Ltmp2:
0x2b8: {  	v15 =	vld [tilespmem:s8+$0x2680];
	v21 =	vmul.f32 v19, v14;
	(pc) =	sbr.rel @p2 .LBB2_3-.Ltmp2, $4  }
0x2b9: {  	v14 =	vld [tilespmem:s8+$0x1880]  }
0x2ba: {  	v20 =	vadd.s32 $0x5, v7;
	v19 =	vld [tilespmem:s2+$0x2300];
	[tilespmem:s21+$0x2A10] =	vst v21;
	s21 =	smov.u32 s2;
	s2 =	smov.u32 s8  }
0x2bb: {  	v21 =	vadd.s32 $0x3, v7;
	v13 =	vld.idx.msk [tilespmem:v13+s0+$0x0], $0xffff  }
0x2bc: {  	v22 =	vadd.s32 $0x7, v7;
	v12 =	vld.idx.msk [tilespmem:v12+s0+$0x0], $0xffff  }
0x2bd: {  	_ =	sdelay $0x3  }
0x2be: {  	v11 =	vld.idx.msk [tilespmem:v11+s0+$0x0], $0xffff  }
0x2bf: {  	v23 =	vld.idx.msk [tilespmem:v7+s0+$0x0], $0xffff  }
0x2c0: {  	v20 =	vld.idx.msk [tilespmem:v20+s0+$0x0], $0xffff;
	v61 =	vadd.s32 $0x8, v7  }
0x2c1: {  	v21 =	vld.idx.msk [tilespmem:v21+s0+$0x0], $0xffff  }
0x2c2: {  	v22 =	vld.idx.msk [tilespmem:v22+s0+$0x0], $0xffff  }
0x2c3: {  	v10 =	vld.idx.msk [tilespmem:v10+s0+$0x0], $0xffff;
	v5 =	vsub.f32 v5, v6  }
0x2c4: {  	v8 =	vsub.f32 v8, v9;
	v62 =	vmul.f32 v12, v18;
	v63 =	vmul.f32 v23, v18  }
0x2c5: {  	v4 =	vsub.f32 v4, v19;
	v18 =	vmul.f32 v13, v18;
	v7 =	vld.idx.msk [tilespmem:v61+s0+$0x0], $0xffff;
	v19 =	vmul.f32 v11, v17  }
0x2c6: {  	v21 =	vmul.f32 v21, v17;
	v5 =	vadd.f32 v62, v5;
	v8 =	vadd.f32 v63, v8  }
0x2c7: {  	v23 =	vmul.f32 v20, v17;
	v24 =	vmul.f32 v22, v16;
	v4 =	vadd.f32 v18, v4  }
0x2c8: {  	v25 =	vmul.f32 v10, v16;
	v5 =	vadd.f32 v19, v5;
	v8 =	vadd.f32 v21, v8  }
0x2c9: {  	v4 =	vadd.f32 v23, v4  }
0x2ca: {  	v5 =	vadd.f32 v24, v5;
	v7 =	vmul.f32 v7, v16;
	v26 =	vadd.f32 v25, v8;
	_ =	sdelay $0x1  }
0x2cb: {  	v4 =	vadd.f32 v7, v4;
	v5 =	vmul.f32 v5, v5;
	v6 =	vmul.f32 v26, v26;
	_ =	sdelay $0x1  }
0x2cc: {  	v4 =	vmul.f32 v4, v4;
	v5 =	vadd.f32 v5, v6;
	_ =	sdelay $0x1  }
0x2cd: {  	v4 =	vadd.f32 v4, v5;
	_ =	sdelay $0x1  }
0x2ce: {  	v27 =	vmax.f32 v4, $1.000000000e-30  }
0x2cf: {  	v4 =	vshrl.u32 v27, $0x1;
	v28 =	vmul.f32 $5.000000000e-01, v27  }
0x2d0: {  	v4 =	vsub.s32 $0x5F3759DF, v4  }
0x2d1: {  	v29 =	vmul.f32 v4, v28;
	_ =	sdelay $0x1  }
0x2d2: {  	v6 =	vmul.f32 v4, v29;
	_ =	sdelay $0x1  }
0x2d3: {  	v6 =	vsub.f32 $1.500000000e+00, v6  }
0x2d4: {  	v30 =	vld [tilespmem:s2+$0x1F80]  }
0x2d5: {  	v32 =	vld [tilespmem:s2+$0x1180];
	v31 =	vmul.f32 v4, v6  }
0x2d6: {  	v33 =	vld [tilespmem:s2+$0x1C00]  }
0x2d7: {  	v35 =	vld [tilespmem:s21+$0x2310];
	v4 =	vmul.f32 v31, v28  }
0x2d8: {  	v36 =	vld [tilespmem:s21+$0xE10]  }
0x2d9: {  	v38 =	vld [tilespmem:s21+$0x1F90];
	v4 =	vmul.f32 v4, v31  }
0x2da: {  	v40 =	vld [tilespmem:s21+$0xA90]  }
0x2db: {  	v42 =	vld [tilespmem:s21+$0x710];
	v34 =	vsub.f32 $1.500000000e+00, v4  }
0x2dc: {  	v3 =	vmul.u32 $0x9, v3;
	v10 =	vld [tilespmem:s2+$0x1500]  }
0x2dd: {  	v8 =	vld [tilespmem:s2+$0x2690];
	v12 =	vmul.f32 v34, v31  }
0x2de: {  	v37 =	vadd.s32 $0x4, v3;
	v7 =	vld [tilespmem:s2+$0x1C10]  }
0x2df: {  	v39 =	vadd.s32 $0x3, v3;
	v5 =	vld [tilespmem:s2+$0x1190];
	v9 =	vmul.f32 v12, v27  }
0x2e0: {  	v41 =	vadd.s32 $0x1, v3;
	v6 =	vld [tilespmem:s2+$0x1510]  }
0x2e1: {  	v25 =	vadd.s32 $0x2, v3;
	v4 =	vld [tilespmem:s2+$0x1890];
	[tilespmem:s21+$0x2A00] =	vst v9  }
0x2e2: {  	v43 =	vadd.s32 $0x6, v3;
	v24 =	vld.idx.msk [tilespmem:v3+s0+$0x0], $0xffff  }
0x2e3: {  	v27 =	vadd.s32 $0x5, v3;
	v19 =	vld.idx.msk [tilespmem:v37+s0+$0x0], $0xffff  }
0x2e4: {  	v26 =	vadd.s32 $0x7, v3;
	v20 =	vld.idx.msk [tilespmem:v39+s0+$0x0], $0xffff  }
0x2e5: {  	v22 =	vld.idx.msk [tilespmem:v41+s0+$0x0], $0xffff  }
0x2e6: {  	v3 =	vadd.s32 $0x8, v3;
	v25 =	vld.idx.msk [tilespmem:v25+s0+$0x0], $0xffff  }
0x2e7: {  	v23 =	vld.idx.msk [tilespmem:v43+s0+$0x0], $0xffff  }
0x2e8: {  	v27 =	vld.idx.msk [tilespmem:v27+s0+$0x0], $0xffff  }
0x2e9: {  	v26 =	vld.idx.msk [tilespmem:v26+s0+$0x0], $0xffff  }
0x2ea: {  	v1 =	vsub.f32 v1, v38;
	v24 =	vmul.f32 v24, v42;
	v44 =	vmul.f32 v22, v42  }
0x2eb: {  	v0 =	vsub.f32 v0, v35;
	v20 =	vmul.f32 v20, v40;
	v3 =	vld.idx.msk [tilespmem:v3+s0+$0x0], $0xffff;
	v9 =	vmul.f32 v25, v42  }
0x2ec: {  	v45 =	vmul.f32 v19, v40;
	v2 =	vadd.f32 v24, v2;
	v1 =	vadd.f32 v44, v1  }
0x2ed: {  	v46 =	vmul.f32 v23, v36;
	v0 =	vadd.f32 v9, v0;
	v48 =	vmul.f32 v27, v40  }
0x2ee: {  	v47 =	vmul.f32 v26, v36;
	v2 =	vadd.f32 v20, v2;
	v1 =	vadd.f32 v45, v1  }
0x2ef: {  	v0 =	vadd.f32 v48, v0  }
0x2f0: {  	v3 =	vmul.f32 v3, v36;
	v2 =	vadd.f32 v46, v2;
	v1 =	vadd.f32 v47, v1;
	_ =	sdelay $0x1  }
0x2f1: {  	v0 =	vadd.f32 v3, v0;
	v2 =	vmul.f32 v2, v2;
	v1 =	vmul.f32 v1, v1;
	_ =	sdelay $0x1  }
0x2f2: {  	v0 =	vmul.f32 v0, v0;
	v1 =	vadd.f32 v1, v2;
	_ =	sdelay $0x1  }
0x2f3: {  	v0 =	vadd.f32 v0, v1;
	_ =	sdelay $0x1  }
0x2f4: {  	v0 =	vmax.f32 v0, $1.000000000e-30  }
0x2f5: {  	v49 =	vshrl.u32 v0, $0x1;
	v50 =	vmul.f32 $5.000000000e-01, v0  }
0x2f6: {  	v1 =	vsub.s32 $0x5F3759DF, v49  }
0x2f7: {  	v51 =	vmul.f32 v1, v50;
	_ =	sdelay $0x1  }
0x2f8: {  	v3 =	vmul.f32 v1, v51;
	_ =	sdelay $0x1  }
0x2f9: {  	v3 =	vsub.f32 $1.500000000e+00, v3;
	_ =	sdelay $0x1  }
0x2fa: {  	v1 =	vmul.f32 v1, v3;
	_ =	sdelay $0x1  }
0x2fb: {  	v2 =	vmul.f32 v1, v50;
	_ =	sdelay $0x1  }
0x2fc: {  	v2 =	vmul.f32 v2, v1;
	_ =	sdelay $0x1  }
0x2fd: {  	v52 =	vmul.u32 $0x9, v15;
	v2 =	vsub.f32 $1.500000000e+00, v2;
	_ =	sdelay $0x1  }
0x2fe: {  	v53 =	vadd.s32 $0x2, v52;
	v1 =	vmul.f32 v2, v1  }
0x2ff: {  	v55 =	vadd.s32 $0x1, v52;
	v54 =	vld [tilespmem:s2+$0xE00]  }
0x300: {  	v57 =	vadd.s32 $0x4, v52;
	v56 =	vld [tilespmem:s2+$0xA80];
	v0 =	vmul.f32 v1, v0  }
0x301: {  	v58 =	vld [tilespmem:s2+$0x700]  }
0x302: {  	v60 =	vadd.s32 $0x5, v52;
	v59 =	vld [tilespmem:s2+$0x2300];
	[tilespmem:s21+$0x2A10] =	vst v0  }
0x303: {  	v61 =	vadd.s32 $0x3, v52;
	v0 =	vld.idx.msk [tilespmem:v53+s0+$0x0], $0xffff  }
0x304: {  	v62 =	vadd.s32 $0x7, v52;
	v2 =	vld.idx.msk [tilespmem:v55+s0+$0x0], $0xffff  }
0x305: {  	v63 =	vadd.s32 $0x6, v52;
	v17 =	vld.idx.msk [tilespmem:v57+s0+$0x0], $0xffff  }
0x306: {  	v24 =	vld.idx.msk [tilespmem:v52+s0+$0x0], $0xffff  }
0x307: {  	v3 =	vadd.s32 $0x8, v52;
	v19 =	vld.idx.msk [tilespmem:v60+s0+$0x0], $0xffff  }
0x308: {  	v9 =	vld.idx.msk [tilespmem:v61+s0+$0x0], $0xffff  }
0x309: {  	v20 =	vld.idx.msk [tilespmem:v62+s0+$0x0], $0xffff  }
0x30a: {  	v10 =	vsub.f32 v10, v30;
	v21 =	vld.idx.msk [tilespmem:v63+s0+$0x0], $0xffff  }
0x30b: {  	v25 =	vsub.f32 v32, v33;
	v2 =	vmul.f32 v2, v58;
	v26 =	vmul.f32 v24, v58  }
0x30c: {  	v1 =	vsub.f32 v14, v59;
	v3 =	vld.idx.msk [tilespmem:v3+s0+$0x0], $0xffff;
	v0 =	vmul.f32 v0, v58;
	v27 =	vmul.f32 v17, v56  }
0x30d: {  	v9 =	vmul.f32 v9, v56;
	v2 =	vadd.f32 v2, v10;
	v11 =	vadd.f32 v26, v25  }
0x30e: {  	v28 =	vmul.f32 v19, v56;
	v29 =	vmul.f32 v20, v54;
	v0 =	vadd.f32 v0, v1  }
0x30f: {  	v30 =	vmul.f32 v21, v54;
	v2 =	vadd.f32 v27, v2;
	v9 =	vadd.f32 v9, v11  }
0x310: {  	v0 =	vadd.f32 v28, v0  }
0x311: {  	v3 =	vmul.f32 v3, v54;
	v31 =	vadd.f32 v29, v2;
	v32 =	vadd.f32 v30, v9;
	_ =	sdelay $0x1  }
0x312: {  	v0 =	vadd.f32 v3, v0;
	v2 =	vmul.f32 v32, v32;
	v1 =	vmul.f32 v31, v31;
	_ =	sdelay $0x1  }
0x313: {  	v0 =	vmul.f32 v0, v0;
	v1 =	vadd.f32 v1, v2;
	_ =	sdelay $0x1  }
0x314: {  	v0 =	vadd.f32 v0, v1;
	_ =	sdelay $0x1  }
0x315: {  	v0 =	vmax.f32 v0, $1.000000000e-30  }
0x316: {  	v33 =	vshrl.u32 v0, $0x1;
	v34 =	vmul.f32 $5.000000000e-01, v0  }
0x317: {  	v1 =	vsub.s32 $0x5F3759DF, v33  }
0x318: {  	v35 =	vmul.f32 v1, v34;
	_ =	sdelay $0x1  }
0x319: {  	v3 =	vmul.f32 v1, v35;
	_ =	sdelay $0x1  }
0x31a: {  	v3 =	vsub.f32 $1.500000000e+00, v3;
	_ =	sdelay $0x1  }
0x31b: {  	v1 =	vmul.f32 v1, v3;
	_ =	sdelay $0x1  }
0x31c: {  	v2 =	vmul.f32 v1, v34;
	_ =	sdelay $0x1  }
0x31d: {  	v2 =	vmul.f32 v2, v1;
	_ =	sdelay $0x1  }
0x31e: {  	v2 =	vsub.f32 $1.500000000e+00, v2  }
0x31f: {  	v36 =	vmul.u32 $0x9, v8  }
0x320: {  	v37 =	vld [tilespmem:s2+$0x2310];
	v1 =	vmul.f32 v2, v1  }
0x321: {  	v39 =	vadd.s32 $0x4, v36;
	v38 =	vld [tilespmem:s2+$0xE10]  }
0x322: {  	v41 =	vadd.s32 $0x3, v36;
	v40 =	vld [tilespmem:s2+$0x1F90];
	v0 =	vmul.f32 v1, v0  }
0x323: {  	v43 =	vadd.s32 $0x1, v36;
	v42 =	vld [tilespmem:s2+$0xA90]  }
0x324: {  	v47 =	vadd.s32 $0x2, v36;
	v44 =	vld [tilespmem:s2+$0x710];
	[tilespmem:s2+$0x2A00] =	vst v0  }
0x325: {  	v45 =	vadd.s32 $0x6, v36;
	v46 =	vld.idx.msk [tilespmem:v36+s0+$0x0], $0xffff  }
0x326: {  	v49 =	vadd.s32 $0x5, v36;
	v9 =	vld.idx.msk [tilespmem:v39+s0+$0x0], $0xffff  }
0x327: {  	v48 =	vadd.s32 $0x7, v36;
	v10 =	vld.idx.msk [tilespmem:v41+s0+$0x0], $0xffff  }
0x328: {  	v12 =	vld.idx.msk [tilespmem:v43+s0+$0x0], $0xffff  }
0x329: {  	v3 =	vadd.s32 $0x8, v36;
	v15 =	vld.idx.msk [tilespmem:v47+s0+$0x0], $0xffff  }
0x32a: {  	v13 =	vld.idx.msk [tilespmem:v45+s0+$0x0], $0xffff  }
0x32b: {  	v51 =	vld.idx.msk [tilespmem:v49+s0+$0x0], $0xffff  }
0x32c: {  	v5 =	vsub.f32 v5, v7;
	v16 =	vld.idx.msk [tilespmem:v48+s0+$0x0], $0xffff  }
0x32d: {  	v1 =	vsub.f32 v6, v40;
	v50 =	vmul.f32 v46, v44;
	v52 =	vmul.f32 v12, v44  }
0x32e: {  	v2 =	vsub.f32 v4, v37;
	v3 =	vld.idx.msk [tilespmem:v3+s0+$0x0], $0xffff;
	v53 =	vmul.f32 v10, v42;
	v0 =	vmul.f32 v15, v44  }
0x32f: {  	v54 =	vmul.f32 v9, v42;
	v5 =	vadd.f32 v50, v5;
	v1 =	vadd.f32 v52, v1  }
0x330: {  	v55 =	vmul.f32 v13, v38;
	v57 =	vmul.f32 v51, v42;
	v0 =	vadd.f32 v0, v2  }
0x331: {  	v56 =	vmul.f32 v16, v38;
	v5 =	vadd.f32 v53, v5;
	v1 =	vadd.f32 v54, v1  }
0x332: {  	v0 =	vadd.f32 v57, v0  }
0x333: {  	v59 =	vmul.f32 v3, v38;
	v58 =	vadd.f32 v55, v5;
	v1 =	vadd.f32 v56, v1;
	_ =	sdelay $0x1  }
0x334: {  	v0 =	vadd.f32 v59, v0;
	v60 =	vmul.f32 v58, v58;
	v1 =	vmul.f32 v1, v1;
	_ =	sdelay $0x1  }
0x335: {  	v0 =	vmul.f32 v0, v0;
	v1 =	vadd.f32 v1, v60;
	_ =	sdelay $0x1  }
0x336: {  	v0 =	vadd.f32 v0, v1;
	_ =	sdelay $0x1  }
0x337: {  	v0 =	vmax.f32 v0, $1.000000000e-30  }
0x338: {  	v61 =	vshrl.u32 v0, $0x1;
	v62 =	vmul.f32 $5.000000000e-01, v0  }
0x339: {  	v1 =	vsub.s32 $0x5F3759DF, v61  }
0x33a: {  	v63 =	vmul.f32 v1, v62;
	_ =	sdelay $0x1  }
0x33b: {  	v3 =	vmul.f32 v1, v63;
	_ =	sdelay $0x1  }
0x33c: {  	v3 =	vsub.f32 $1.500000000e+00, v3;
	_ =	sdelay $0x1  }
0x33d: {  	v1 =	vmul.f32 v1, v3;
	_ =	sdelay $0x1  }
0x33e: {  	v2 =	vmul.f32 v1, v62;
	_ =	sdelay $0x1  }
0x33f: {  	v2 =	vmul.f32 v2, v1;
	_ =	sdelay $0x1  }
0x340: {  	v2 =	vsub.f32 $1.500000000e+00, v2;
	_ =	sdelay $0x1  }
0x341: {  	s21 =	smul.u32 $0x640, s25;
	v1 =	vmul.f32 v2, v1  }
0x342: {  	s8 =	rddreg [dreg:$0x7]  }
0x343: {  	s8 =	sadd.s32 s8, s21;
	v0 =	vmul.f32 v1, v0  }
0x344: {  	s9 =	rddreg [dreg:$0x1];
	s8 =	sshrl.u32 s8, $0x3  }
0x345: {  	s28 =	simm.s32 $0x2A00;
	[tilespmem:s2+$0x2A10] =	vst v0;
	s2 =	sadd.s32 s9, s8  }
0x346: {  	[hbm4b:s2+s7] =	stream.linear.scatter [tilespmem:s28], [sflag:$0x5], $0x320, $0x38;
	[tilespmem:$0xBF40] =	vst v63  }
0x347: {  	p2 =	seq.s32 s25, $0x7C;
	s2 =	rddreg [dreg:$0x1a]  }
0x348: {  	s2 =	sadd.s32 @!p2 s21, s2  }
0x349: {  	s8 =	rddreg [dreg:$0x8];
	s2 =	sshrl.u32 @!p2 s2, $0x3  }
0x34a: {  	s9 =	simm.s32 @!p2 $0x0;
	s8 =	sadd.s32 @!p2 s8, s2  }
0x34b: {  	[tilespmem:s9], [sflag:$0x1] =	stream.linear.gather @!p2 [hbm4b:s8+s9], $0x320, $0x38;
	[tilespmem:$0xBF40] =	vst v63  }
0x34c: {  	s8 =	rddreg [dreg:$0x9]  }
0x34d: {  	s28 =	simm.s32 @!p2 $0x380;
	s8 =	sadd.s32 @!p2 s8, s2  }
0x34e: {  	[tilespmem:s28], [sflag:$0x1] =	stream.linear.gather @!p2 [hbm4b:s8+s9], $0x320, $0x38;
	[tilespmem:$0xBF40] =	vst v63  }
0x34f: {  	s8 =	sadd.s32 @!p2 s13, s2;
	s28 =	simm.s32 @!p2 $0x700  }
0x350: {  	[tilespmem:s28], [sflag:$0x1] =	stream.linear.gather @!p2 [hbm4b:s8+s9], $0x320, $0x38;
	[tilespmem:$0xBF40] =	vst v63  }
0x351: {  	s8 =	sadd.s32 @!p2 s11, s2;
	s28 =	simm.s32 @!p2 $0xA80  }
0x352: {  	[tilespmem:s28], [sflag:$0x1] =	stream.linear.gather @!p2 [hbm4b:s8+s9], $0x320, $0x38;
	[tilespmem:$0xBF40] =	vst v63  }
0x353: {  	s2 =	sadd.s32 @!p2 s12, s2;
	s8 =	simm.s32 @!p2 $0xE00  }
0x354: {  	[tilespmem:s8], [sflag:$0x1] =	stream.linear.gather @!p2 [hbm4b:s2+s9], $0x320, $0x38;
	[tilespmem:$0xBF40] =	vst v63  }
0x355: {  	_ =	swait.ge [sflag:s30], $0x50  }
0x356: {  	[sflag:s30] =	ssyncset.done $0x0  }
0x357: {  	[sflag:s30] =	ssyncadd.s32 $0xFFFFFFB0  }
0x358: {  	_ =	swait.ge [sflag:s30], $0x50  }
0x359: {  	[sflag:s30] =	ssyncset.done $0x0  }
0x35a: {  	[sflag:s30] =	ssyncadd.s32 $0xFFFFFFB0  }
0x35b: {  	_ =	swait.ge [sflag:s30], $0x50  }
0x35c: {  	[sflag:s30] =	ssyncset.done $0x0  }
0x35d: {  	[sflag:s30] =	ssyncadd.s32 $0xFFFFFFB0  }
0x35e: {  	_ =	swait.ge [sflag:s30], $0x50  }
0x35f: {  	[sflag:s30] =	ssyncset.done $0x0  }
0x360: {  	[sflag:s30] =	ssyncadd.s32 $0xFFFFFFB0  }
0x361: {  	_ =	swait.ge [sflag:s30], $0x50  }
0x362: {  	[sflag:s30] =	ssyncset.done $0x0  }
0x363: {  	[sflag:s30] =	ssyncadd.s32 $0xFFFFFFB0  }
0x364: {  	_ =	swait.ge [sflag:s30], $0x50  }
0x365: {  	[sflag:s30] =	ssyncset.done $0x0  }
0x366: {  	[sflag:s30] =	ssyncadd.s32 $0xFFFFFFB0  }
0x367: {  	_ =	swait.ge [sflag:s30], $0x50  }
0x368: {  	[sflag:s30] =	ssyncset.done $0x0  }
0x369: {  	[sflag:s30] =	ssyncadd.s32 $0xFFFFFFB0  }
0x36a: {  	_ =	swait.ge [sflag:s30], $0x50  }
0x36b: {  	[sflag:s30] =	ssyncset.done $0x0  }
0x36c: {  	[sflag:s30] =	ssyncadd.s32 $0xFFFFFFB0  }
0x36d: {  	_ =	swait.ge [sflag:s30], $0x50  }
0x36e: {  	[sflag:s30] =	ssyncset.done $0x0  }
0x36f: {  	[sflag:s30] =	ssyncadd.s32 $0xFFFFFFB0  }
0x370: {  	_ =	swait.ge [sflag:s30], $0x50  }
0x371: {  	[sflag:s30] =	ssyncset.done $0x0  }
0x372: {  	[sflag:s30] =	ssyncadd.s32 $0xFFFFFFB0  }
0x373: {  	_ =	swait.ge [sflag:s30], $0x50  }
0x374: {  	[sflag:s30] =	ssyncset.done $0x0  }
0x375: {  	[sflag:s30] =	ssyncadd.s32 $0xFFFFFFB0  }
0x376: {  	_ =	swait.ge [sflag:s30], $0x50  }
0x377: {  	[sflag:s30] =	ssyncset.done $0x0  }
0x378: {  	[sflag:s30] =	ssyncadd.s32 $0xFFFFFFB0  }
0x379: {  	_ =	swait.ge [sflag:s30], $0x50  }
0x37a: {  	[sflag:s30] =	ssyncset.done $0x0  }
0x37b: {  	[sflag:s30] =	ssyncadd.s32 $0xFFFFFFB0  }
0x37c: {  	_ =	swait.ge [sflag:s30], $0x50  }
0x37d: {  	[sflag:s30] =	ssyncset.done $0x0  }
0x37e: {  	[sflag:s30] =	ssyncadd.s32 $0xFFFFFFB0  }
0x37f: {  	_ =	swait.ge [sflag:s30], $0x50  }
0x380: {  	[sflag:s30] =	ssyncset.done $0x0  }
0x381: {  	[sflag:s30] =	ssyncadd.s32 $0xFFFFFFB0  }
0x382: {  	_ =	swait.ge [sflag:s30], $0x50  }
0x383: {  	[sflag:s30] =	ssyncset.done $0x0  }
0x384: {  	[sflag:s30] =	ssyncadd.s32 $0xFFFFFFB0  }
0x385: {  	_ =	swait.ge [sflag:s30], $0x50  }
0x386: {  	[sflag:s30] =	ssyncset.done $0x0  }
0x387: {  	[sflag:s30] =	ssyncadd.s32 $0xFFFFFFB0  }
0x388: {  	_ =	swait.ge [sflag:s30], $0x50  }
0x389: {  	[sflag:s30] =	ssyncset.done $0x0  }
0x38a: {  	[sflag:s30] =	ssyncadd.s32 $0xFFFFFFB0  }
0x38b: {  	_ =	swait.ge [sflag:s30], $0x50  }
0x38c: {  	[sflag:s30] =	ssyncset.done $0x0  }
0x38d: {  	[sflag:s30] =	ssyncadd.s32 $0xFFFFFFB0  }
0x38e: {  	_ =	swait.ge [sflag:s30], $0x50  }
0x38f: {  	[sflag:s30] =	ssyncset.done $0x0  }
0x390: {  	[sflag:s30] =	ssyncadd.s32 $0xFFFFFFB0  }
0x391: {  	_ =	swait.ge [sflag:s30], $0x50  }
0x392: {  	[sflag:s30] =	ssyncset.done $0x0  }
0x393: {  	[sflag:s30] =	ssyncadd.s32 $0xFFFFFFB0  }
0x394: {  	_ =	swait.ge [sflag:s30], $0x50  }
0x395: {  	[sflag:s30] =	ssyncset.done $0x0  }
0x396: {  	[sflag:s30] =	ssyncadd.s32 $0xFFFFFFB0  }
0x397: {  	_ =	swait.ge [sflag:s30], $0x50  }
0x398: {  	[sflag:s30] =	ssyncset.done $0x0  }
0x399: {  	[sflag:s30] =	ssyncadd.s32 $0xFFFFFFB0  }
0x39a: {  	_ =	swait.ge [sflag:s30], $0x50  }
0x39b: {  	[sflag:s30] =	ssyncset.done $0x0  }
0x39c: {  	[sflag:s30] =	ssyncadd.s32 $0xFFFFFFB0  }
0x39d: {  	_ =	swait.ge [sflag:s30], $0x50  }
0x39e: {  	[sflag:s30] =	ssyncset.done $0x0  }
0x39f: {  	[sflag:s30] =	ssyncadd.s32 $0xFFFFFFB0  }
0x3a0: {  	_ =	swait.ge [sflag:s30], $0x50  }
0x3a1: {  	[sflag:s30] =	ssyncset.done $0x0  }
0x3a2: {  	[sflag:s30] =	ssyncadd.s32 $0xFFFFFFB0  }
0x3a3: {  	_ =	swait.ge [sflag:s30], $0x50  }
0x3a4: {  	[sflag:s30] =	ssyncset.done $0x0  }
0x3a5: {  	[sflag:s30] =	ssyncadd.s32 $0xFFFFFFB0  }
0x3a6: {  	_ =	swait.ge [sflag:s30], $0x50  }
0x3a7: {  	[sflag:s30] =	ssyncset.done $0x0  }
0x3a8: {  	[sflag:s30] =	ssyncadd.s32 $0xFFFFFFB0  }
0x3a9: {  	_ =	swait.ge [sflag:s30], $0x50  }
0x3aa: {  	[sflag:s30] =	ssyncset.done $0x0  }
0x3ab: {  	[sflag:s30] =	ssyncadd.s32 $0xFFFFFFB0  }
0x3ac: {  	_ =	swait.ge [sflag:s30], $0x50  }
0x3ad: {  	[sflag:s30] =	ssyncset.done $0x0  }
0x3ae: {  	[sflag:s30] =	ssyncadd.s32 $0xFFFFFFB0  }
0x3af: {  	_ =	swait.ge [sflag:s30], $0x50  }
0x3b0: {  	[sflag:s30] =	ssyncset.done $0x0  }
0x3b1: {  	[sflag:s30] =	ssyncadd.s32 $0xFFFFFFB0  }
0x3b2: {  	_ =	swait.ge [sflag:s30], $0x50  }
0x3b3: {  	[sflag:s30] =	ssyncset.done $0x0  }
0x3b4: {  	[sflag:s30] =	ssyncadd.s32 $0xFFFFFFB0  }
0x3b5: {  	_ =	swait.ge [sflag:s30], $0x50  }
0x3b6: {  	[sflag:s30] =	ssyncset.done $0x0  }
0x3b7: {  	[sflag:s30] =	ssyncadd.s32 $0xFFFFFFB0  }
0x3b8: {  	_ =	swait.ge [sflag:s30], $0x50  }
0x3b9: {  	[sflag:s30] =	ssyncset.done $0x0  }
0x3ba: {  	[sflag:s30] =	ssyncadd.s32 $0xFFFFFFB0  }
0x3bb: {  	_ =	swait.ge [sflag:s30], $0x50  }
0x3bc: {  	[sflag:s30] =	ssyncset.done $0x0  }
0x3bd: {  	[sflag:s30] =	ssyncadd.s32 $0xFFFFFFB0  }
0x3be: {  	_ =	swait.ge [sflag:s30], $0x50  }
0x3bf: {  	[sflag:s30] =	ssyncset.done $0x0  }
0x3c0: {  	[sflag:s30] =	ssyncadd.s32 $0xFFFFFFB0  }
0x3c1: {  	_ =	swait.ge [sflag:s30], $0x50  }
0x3c2: {  	[sflag:s30] =	ssyncset.done $0x0  }
0x3c3: {  	[sflag:s30] =	ssyncadd.s32 $0xFFFFFFB0  }
0x3c4: {  	_ =	swait.ge [sflag:s30], $0x50  }
0x3c5: {  	[sflag:s30] =	ssyncset.done $0x0  }
0x3c6: {  	[sflag:s30] =	ssyncadd.s32 $0xFFFFFFB0  }
0x3c7: {  	_ =	swait.ge [sflag:s30], $0x50  }
0x3c8: {  	[sflag:s30] =	ssyncset.done $0x0  }
0x3c9: {  	[sflag:s30] =	ssyncadd.s32 $0xFFFFFFB0  }
0x3ca: {  	_ =	swait.ge [sflag:s30], $0x50  }
0x3cb: {  	[sflag:s30] =	ssyncset.done $0x0  }
0x3cc: {  	[sflag:s30] =	ssyncadd.s32 $0xFFFFFFB0  }
0x3cd: {  	_ =	swait.ge [sflag:s30], $0x50  }
0x3ce: {  	[sflag:s30] =	ssyncset.done $0x0  }
0x3cf: {  	[sflag:s30] =	ssyncadd.s32 $0xFFFFFFB0  }
0x3d0: {  	_ =	swait.ge [sflag:s30], $0x50  }
0x3d1: {  	[sflag:s30] =	ssyncset.done $0x0  }
0x3d2: {  	[sflag:s30] =	ssyncadd.s32 $0xFFFFFFB0  }
0x3d3: {  	_ =	swait.ge [sflag:s30], $0x50  }
0x3d4: {  	[sflag:s30] =	ssyncset.done $0x0  }
0x3d5: {  	[sflag:s30] =	ssyncadd.s32 $0xFFFFFFB0  }
0x3d6: {  	_ =	swait.ge [sflag:s30], $0x50  }
0x3d7: {  	[sflag:s30] =	ssyncset.done $0x0  }
0x3d8: {  	[sflag:s30] =	ssyncadd.s32 $0xFFFFFFB0  }
0x3d9: {  	_ =	swait.ge [sflag:s30], $0x50  }
0x3da: {  	[sflag:s30] =	ssyncset.done $0x0  }
0x3db: {  	[sflag:s30] =	ssyncadd.s32 $0xFFFFFFB0  }
0x3dc: {  	_ =	swait.ge [sflag:s30], $0x50  }
0x3dd: {  	[sflag:s30] =	ssyncset.done $0x0  }
0x3de: {  	[sflag:s30] =	ssyncadd.s32 $0xFFFFFFB0  }
0x3df: {  	_ =	swait.ge [sflag:s30], $0x50  }
0x3e0: {  	[sflag:s30] =	ssyncset.done $0x0  }
0x3e1: {  	[sflag:s30] =	ssyncadd.s32 $0xFFFFFFB0  }
0x3e2: {  	_ =	swait.ge [sflag:s30], $0x50  }
0x3e3: {  	[sflag:s30] =	ssyncset.done $0x0  }
0x3e4: {  	[sflag:s30] =	ssyncadd.s32 $0xFFFFFFB0  }
0x3e5: {  	_ =	swait.ge [sflag:s30], $0x50  }
0x3e6: {  	[sflag:s30] =	ssyncset.done $0x0  }
0x3e7: {  	[sflag:s30] =	ssyncadd.s32 $0xFFFFFFB0  }
0x3e8: {  	_ =	swait.ge [sflag:s30], $0x50  }
0x3e9: {  	[sflag:s30] =	ssyncset.done $0x0  }
0x3ea: {  	[sflag:s30] =	ssyncadd.s32 $0xFFFFFFB0  }
0x3eb: {  	_ =	swait.ge [sflag:s30], $0x50  }
0x3ec: {  	[sflag:s30] =	ssyncset.done $0x0  }
0x3ed: {  	[sflag:s30] =	ssyncadd.s32 $0xFFFFFFB0  }
0x3ee: {  	_ =	swait.ge [sflag:s30], $0x50  }
0x3ef: {  	[sflag:s30] =	ssyncset.done $0x0  }
0x3f0: {  	[sflag:s30] =	ssyncadd.s32 $0xFFFFFFB0  }
0x3f1: {  	_ =	swait.ge [sflag:s30], $0x50  }
0x3f2: {  	[sflag:s30] =	ssyncset.done $0x0  }
0x3f3: {  	[sflag:s30] =	ssyncadd.s32 $0xFFFFFFB0  }
0x3f4: {  	_ =	swait.ge [sflag:s30], $0x50  }
0x3f5: {  	[sflag:s30] =	ssyncset.done $0x0  }
0x3f6: {  	[sflag:s30] =	ssyncadd.s32 $0xFFFFFFB0  }
0x3f7: {  	_ =	swait.ge [sflag:s30], $0x50  }
0x3f8: {  	[sflag:s30] =	ssyncset.done $0x0  }
0x3f9: {  	[sflag:s30] =	ssyncadd.s32 $0xFFFFFFB0  }
0x3fa: {  	_ =	swait.ge [sflag:s30], $0x50  }
0x3fb: {  	[sflag:s30] =	ssyncset.done $0x0  }
0x3fc: {  	[sflag:s30] =	ssyncadd.s32 $0xFFFFFFB0  }
0x3fd: {  	_ =	swait.ge [sflag:s30], $0x50  }
0x3fe: {  	[sflag:s30] =	ssyncset.done $0x0  }
0x3ff: {  	[sflag:s30] =	ssyncadd.s32 $0xFFFFFFB0  }
0x400: {  	_ =	swait.ge [sflag:s30], $0x50  }
0x401: {  	[sflag:s30] =	ssyncset.done $0x0  }
0x402: {  	[sflag:s30] =	ssyncadd.s32 $0xFFFFFFB0  }
0x403: {  	_ =	swait.ge [sflag:s30], $0x50  }
0x404: {  	[sflag:s30] =	ssyncset.done $0x0  }
0x405: {  	[sflag:s30] =	ssyncadd.s32 $0xFFFFFFB0  }
0x406: {  	_ =	swait.ge [sflag:s30], $0x50  }
0x407: {  	[sflag:s30] =	ssyncset.done $0x0  }
0x408: {  	[sflag:s30] =	ssyncadd.s32 $0xFFFFFFB0  }
0x409: {  	_ =	swait.ge [sflag:s30], $0x50  }
0x40a: {  	[sflag:s30] =	ssyncset.done $0x0  }
0x40b: {  	[sflag:s30] =	ssyncadd.s32 $0xFFFFFFB0  }
0x40c: {  	_ =	swait.ge [sflag:s30], $0x50  }
0x40d: {  	[sflag:s30] =	ssyncset.done $0x0  }
0x40e: {  	[sflag:s30] =	ssyncadd.s32 $0xFFFFFFB0  }
0x40f: {  	_ =	swait.ge [sflag:s30], $0x50  }
0x410: {  	[sflag:s30] =	ssyncset.done $0x0  }
0x411: {  	[sflag:s30] =	ssyncadd.s32 $0xFFFFFFB0  }
0x412: {  	_ =	swait.ge [sflag:s30], $0x50  }
0x413: {  	[sflag:s30] =	ssyncset.done $0x0  }
0x414: {  	[sflag:s30] =	ssyncadd.s32 $0xFFFFFFB0  }
0x415: {  	_ =	swait.ge [sflag:s30], $0x50  }
0x416: {  	[sflag:s30] =	ssyncset.done $0x0  }
0x417: {  	[sflag:s30] =	ssyncadd.s32 $0xFFFFFFB0  }
0x418: {  	_ =	swait.ge [sflag:s30], $0x50  }
0x419: {  	[sflag:s30] =	ssyncset.done $0x0  }
0x41a: {  	[sflag:s30] =	ssyncadd.s32 $0xFFFFFFB0  }
0x41b: {  	_ =	swait.ge [sflag:s30], $0x50  }
0x41c: {  	[sflag:s30] =	ssyncset.done $0x0  }
0x41d: {  	[sflag:s30] =	ssyncadd.s32 $0xFFFFFFB0  }
0x41e: {  	_ =	swait.ge [sflag:s30], $0x50  }
0x41f: {  	[sflag:s30] =	ssyncset.done $0x0  }
0x420: {  	[sflag:s30] =	ssyncadd.s32 $0xFFFFFFB0  }
0x421: {  	_ =	swait.ge [sflag:s30], $0x50  }
0x422: {  	[sflag:s30] =	ssyncset.done $0x0  }
0x423: {  	p3 =	seq.s32 @!p1 s25, $0x7C;
	[sflag:s30] =	ssyncadd.s32 $0xFFFFFFB0  }
0x424: {  	p3 =	por p1, !p3;
	_ =	swait.ge [sflag:s30], $0x50  }
.Ltmp3:
0x425: {  	[sflag:s30] =	ssyncset.done $0x0;
	(pc) =	sbr.rel @!p3 .LBB2_6-.Ltmp3, $4  }
0x426: {  	s2 =	simm.s32 @!p1 $0x6;
	[sflag:s30] =	ssyncadd.s32 $0xFFFFFFB0  }
0x427: {  	_ =	swait.ge @!p1 [sflag:s2], $0x320  }
0x428: {  	[sflag:s2] =	ssyncset.done @!p1 $0x0  }
0x429: {  	[sflag:s2] =	ssyncadd.s32 @!p1 $0xFFFFFCE0  }
0x42a: {  	_ =	swait.ge [sflag:s22], $0x320  }
0x42b: {  	[sflag:s22] =	ssyncset.done $0x0  }
0x42c: {  	[sflag:s22] =	ssyncadd.s32 $0xFFFFFCE0  }
0x42d: {  	_ =	swait.ge [sflag:s22], $0x320  }
0x42e: {  	[sflag:s22] =	ssyncset.done $0x0  }
0x42f: {  	[sflag:s22] =	ssyncadd.s32 $0xFFFFFCE0  }
0x430: {  	_ =	swait.ge [sflag:s22], $0x320  }
0x431: {  	[sflag:s22] =	ssyncset.done $0x0  }
0x432: {  	[sflag:s22] =	ssyncadd.s32 $0xFFFFFCE0  }
0x433: {  	_ =	swait.ge [sflag:s22], $0x320  }
0x434: {  	[sflag:s22] =	ssyncset.done $0x0  }
0x435: {  	[sflag:s22] =	ssyncadd.s32 $0xFFFFFCE0  }
0x436: {  	_ =	swait.ge [sflag:s22], $0x320  }
0x437: {  	[sflag:s22] =	ssyncset.done $0x0  }
0x438: {  	s2 =	simm.s32 $0x1180;
	[sflag:s22] =	ssyncadd.s32 $0xFFFFFCE0  }
0x439: {  	[tilespmem:s2], [sflag:$0x3] =	stream.indirect.gather [spmem:s3], $0x1, s7, s23, $0xb8;
	[tilespmem:$0xBF40] =	vst v63  }
0x43a: {  	s8 =	simm.s32 $0x1500  }
0x43b: {  	[tilespmem:s8], [sflag:$0x3] =	stream.indirect.gather [spmem:s4], $0x1, s7, s23, $0xb8;
	[tilespmem:$0xBF40] =	vst v63  }
0x43c: {  	s9 =	simm.s32 $0x1880  }
0x43d: {  	[tilespmem:s9], [sflag:$0x3] =	stream.indirect.gather [spmem:s5], $0x1, s7, s23, $0xb8;
	[tilespmem:$0xBF40] =	vst v63  }
0x43e: {  	s2 =	simm.s32 $0x380;
	s8 =	simm.s32 $0x1C00  }
0x43f: {  	[tilespmem:s8], [sflag:$0x3] =	stream.indirect.gather [spmem:s3], $0x1, s2, s23, $0xb8;
	[tilespmem:$0xBF40] =	vst v63  }
0x440: {  	s28 =	simm.s32 $0x1F80  }
0x441: {  	[tilespmem:s28], [sflag:$0x3] =	stream.indirect.gather [spmem:s4], $0x1, s2, s23, $0xb8;
	[tilespmem:$0xBF40] =	vst v63  }
0x442: {  	s9 =	simm.s32 $0x2300  }
0x443: {  	[tilespmem:s9], [sflag:$0x3] =	stream.indirect.gather [spmem:s5], $0x1, s2, s23, $0xb8;
	[tilespmem:$0xBF40] =	vst v63  }
0x444: {  	s28 =	simm.s32 $0x2680  }
0x445: {  	[tilespmem:s28], [sflag:$0x3] =	stream.indirect.gather [spmem:s6], $0x1, s2, s23, $0xb8;
	[tilespmem:$0xBF40] =	vst v63  }
0x446: {  	s9 =	simm.s32 $0x11D0  }
0x447: {  	[tilespmem:s9], [sflag:$0x3] =	stream.indirect.gather [spmem:s3], $0x1, s23, s23, $0xb8;
	[tilespmem:$0xBF40] =	vst v63  }
0x448: {  	s28 =	simm.s32 $0x1550  }
0x449: {  	[tilespmem:s28], [sflag:$0x3] =	stream.indirect.gather [spmem:s4], $0x1, s23, s23, $0xb8;
	[tilespmem:$0xBF40] =	vst v63  }
0x44a: {  	s8 =	simm.s32 $0x18D0  }
0x44b: {  	[tilespmem:s8], [sflag:$0x3] =	stream.indirect.gather [spmem:s5], $0x1, s23, s23, $0xb8;
	[tilespmem:$0xBF40] =	vst v63  }
0x44c: {  	s2 =	simm.s32 $0x3D0;
	s9 =	simm.s32 $0x1C50  }
0x44d: {  	[tilespmem:s9], [sflag:$0x3] =	stream.indirect.gather [spmem:s3], $0x1, s2, s23, $0xb8;
	[tilespmem:$0xBF40] =	vst v63  }
0x44e: {  	s28 =	simm.s32 $0x1FD0  }
0x44f: {  	[tilespmem:s28], [sflag:$0x3] =	stream.indirect.gather [spmem:s4], $0x1, s2, s23, $0xb8;
	[tilespmem:$0xBF40] =	vst v63  }
0x450: {  	s9 =	simm.s32 $0x2350  }
0x451: {  	[tilespmem:s9], [sflag:$0x3] =	stream.indirect.gather [spmem:s5], $0x1, s2, s23, $0xb8;
	[tilespmem:$0xBF40] =	vst v63  }
0x452: {  	s28 =	simm.s32 $0x26D0  }
0x453: {  	[tilespmem:s28], [sflag:$0x3] =	stream.indirect.gather [spmem:s6], $0x1, s2, s23, $0xb8;
	[tilespmem:$0xBF40] =	vst v63  }
0x454: {  	s9 =	simm.s32 $0x1220;
	s2 =	simm.s32 $0xA0  }
0x455: {  	[tilespmem:s9], [sflag:$0x3] =	stream.indirect.gather [spmem:s3], $0x1, s2, s23, $0xb8;
	[tilespmem:$0xBF40] =	vst v63  }
0x456: {  	s28 =	simm.s32 $0x15A0  }
0x457: {  	[tilespmem:s28], [sflag:$0x3] =	stream.indirect.gather [spmem:s4], $0x1, s2, s23, $0xb8;
	[tilespmem:$0xBF40] =	vst v63  }
0x458: {  	s9 =	simm.s32 $0x1920  }
0x459: {  	[tilespmem:s9], [sflag:$0x3] =	stream.indirect.gather [spmem:s5], $0x1, s2, s23, $0xb8;
	[tilespmem:$0xBF40] =	vst v63  }
0x45a: {  	s28 =	simm.s32 $0x1CA0;
	s2 =	simm.s32 $0x420  }
0x45b: {  	[tilespmem:s28], [sflag:$0x3] =	stream.indirect.gather [spmem:s3], $0x1, s2, s23, $0xb8;
	[tilespmem:$0xBF40] =	vst v63  }
0x45c: {  	s9 =	simm.s32 $0x2020  }
0x45d: {  	[tilespmem:s9], [sflag:$0x3] =	stream.indirect.gather [spmem:s4], $0x1, s2, s23, $0xb8;
	[tilespmem:$0xBF40] =	vst v63  }
0x45e: {  	s28 =	simm.s32 $0x23A0  }
0x45f: {  	[tilespmem:s28], [sflag:$0x3] =	stream.indirect.gather [spmem:s5], $0x1, s2, s23, $0xb8;
	[tilespmem:$0xBF40] =	vst v63  }
0x460: {  	s9 =	simm.s32 $0x2720  }
0x461: {  	[tilespmem:s9], [sflag:$0x3] =	stream.indirect.gather [spmem:s6], $0x1, s2, s23, $0xb8;
	[tilespmem:$0xBF40] =	vst v63  }
0x462: {  	s28 =	simm.s32 $0x1270;
	s2 =	simm.s32 $0xF0  }
0x463: {  	[tilespmem:s28], [sflag:$0x3] =	stream.indirect.gather [spmem:s3], $0x1, s2, s23, $0xb8;
	[tilespmem:$0xBF40] =	vst v63  }
0x464: {  	s9 =	simm.s32 $0x15F0  }
0x465: {  	[tilespmem:s9], [sflag:$0x3] =	stream.indirect.gather [spmem:s4], $0x1, s2, s23, $0xb8;
	[tilespmem:$0xBF40] =	vst v63  }
0x466: {  	s28 =	simm.s32 $0x1970  }
0x467: {  	[tilespmem:s28], [sflag:$0x3] =	stream.indirect.gather [spmem:s5], $0x1, s2, s23, $0xb8;
	[tilespmem:$0xBF40] =	vst v63  }
0x468: {  	s9 =	simm.s32 $0x1CF0;
	s2 =	simm.s32 $0x470  }
0x469: {  	[tilespmem:s9], [sflag:$0x3] =	stream.indirect.gather [spmem:s3], $0x1, s2, s23, $0xb8;
	[tilespmem:$0xBF40] =	vst v63  }
0x46a: {  	s28 =	simm.s32 $0x2070  }
0x46b: {  	[tilespmem:s28], [sflag:$0x3] =	stream.indirect.gather [spmem:s4], $0x1, s2, s23, $0xb8;
	[tilespmem:$0xBF40] =	vst v63  }
0x46c: {  	s9 =	simm.s32 $0x23F0  }
0x46d: {  	[tilespmem:s9], [sflag:$0x3] =	stream.indirect.gather [spmem:s5], $0x1, s2, s23, $0xb8;
	[tilespmem:$0xBF40] =	vst v63  }
0x46e: {  	s28 =	simm.s32 $0x2770  }
0x46f: {  	[tilespmem:s28], [sflag:$0x3] =	stream.indirect.gather [spmem:s6], $0x1, s2, s23, $0xb8;
	[tilespmem:$0xBF40] =	vst v63  }
0x470: {  	s9 =	simm.s32 $0x12C0;
	s2 =	simm.s32 $0x140  }
0x471: {  	[tilespmem:s9], [sflag:$0x3] =	stream.indirect.gather [spmem:s3], $0x1, s2, s23, $0xb8;
	[tilespmem:$0xBF40] =	vst v63  }
0x472: {  	s28 =	simm.s32 $0x1640  }
0x473: {  	[tilespmem:s28], [sflag:$0x3] =	stream.indirect.gather [spmem:s4], $0x1, s2, s23, $0xb8;
	[tilespmem:$0xBF40] =	vst v63  }
0x474: {  	s9 =	simm.s32 $0x19C0  }
0x475: {  	[tilespmem:s9], [sflag:$0x3] =	stream.indirect.gather [spmem:s5], $0x1, s2, s23, $0xb8;
	[tilespmem:$0xBF40] =	vst v63  }
0x476: {  	s28 =	simm.s32 $0x1D40;
	s2 =	simm.s32 $0x4C0  }
0x477: {  	[tilespmem:s28], [sflag:$0x3] =	stream.indirect.gather [spmem:s3], $0x1, s2, s23, $0xb8;
	[tilespmem:$0xBF40] =	vst v63  }
0x478: {  	s9 =	simm.s32 $0x20C0  }
0x479: {  	[tilespmem:s9], [sflag:$0x3] =	stream.indirect.gather [spmem:s4], $0x1, s2, s23, $0xb8;
	[tilespmem:$0xBF40] =	vst v63  }
0x47a: {  	s28 =	simm.s32 $0x2440  }
0x47b: {  	[tilespmem:s28], [sflag:$0x3] =	stream.indirect.gather [spmem:s5], $0x1, s2, s23, $0xb8;
	[tilespmem:$0xBF40] =	vst v63  }
0x47c: {  	s9 =	simm.s32 $0x27C0  }
0x47d: {  	[tilespmem:s9], [sflag:$0x3] =	stream.indirect.gather [spmem:s6], $0x1, s2, s23, $0xb8;
	[tilespmem:$0xBF40] =	vst v63  }
0x47e: {  	s28 =	simm.s32 $0x1310;
	s2 =	simm.s32 $0x190  }
0x47f: {  	[tilespmem:s28], [sflag:$0x3] =	stream.indirect.gather [spmem:s3], $0x1, s2, s23, $0xb8;
	[tilespmem:$0xBF40] =	vst v63  }
0x480: {  	s9 =	simm.s32 $0x1690  }
0x481: {  	[tilespmem:s9], [sflag:$0x3] =	stream.indirect.gather [spmem:s4], $0x1, s2, s23, $0xb8;
	[tilespmem:$0xBF40] =	vst v63  }
0x482: {  	s28 =	simm.s32 $0x1A10  }
0x483: {  	[tilespmem:s28], [sflag:$0x3] =	stream.indirect.gather [spmem:s5], $0x1, s2, s23, $0xb8;
	[tilespmem:$0xBF40] =	vst v63  }
0x484: {  	s9 =	simm.s32 $0x1D90;
	s2 =	simm.s32 $0x510  }
0x485: {  	[tilespmem:s9], [sflag:$0x3] =	stream.indirect.gather [spmem:s3], $0x1, s2, s23, $0xb8;
	[tilespmem:$0xBF40] =	vst v63  }
0x486: {  	s28 =	simm.s32 $0x2110  }
0x487: {  	[tilespmem:s28], [sflag:$0x3] =	stream.indirect.gather [spmem:s4], $0x1, s2, s23, $0xb8;
	[tilespmem:$0xBF40] =	vst v63  }
0x488: {  	s9 =	simm.s32 $0x2490  }
0x489: {  	[tilespmem:s9], [sflag:$0x3] =	stream.indirect.gather [spmem:s5], $0x1, s2, s23, $0xb8;
	[tilespmem:$0xBF40] =	vst v63  }
0x48a: {  	s28 =	simm.s32 $0x2810  }
0x48b: {  	[tilespmem:s28], [sflag:$0x3] =	stream.indirect.gather [spmem:s6], $0x1, s2, s23, $0xb8;
	[tilespmem:$0xBF40] =	vst v63  }
0x48c: {  	s9 =	simm.s32 $0x1360;
	s2 =	simm.s32 $0x1E0  }
0x48d: {  	[tilespmem:s9], [sflag:$0x3] =	stream.indirect.gather [spmem:s3], $0x1, s2, s23, $0xb8;
	[tilespmem:$0xBF40] =	vst v63  }
0x48e: {  	s28 =	simm.s32 $0x16E0  }
0x48f: {  	[tilespmem:s28], [sflag:$0x3] =	stream.indirect.gather [spmem:s4], $0x1, s2, s23, $0xb8;
	[tilespmem:$0xBF40] =	vst v63  }
0x490: {  	s9 =	simm.s32 $0x1A60  }
0x491: {  	[tilespmem:s9], [sflag:$0x3] =	stream.indirect.gather [spmem:s5], $0x1, s2, s23, $0xb8;
	[tilespmem:$0xBF40] =	vst v63  }
0x492: {  	s28 =	simm.s32 $0x1DE0;
	s2 =	simm.s32 $0x560  }
0x493: {  	[tilespmem:s28], [sflag:$0x3] =	stream.indirect.gather [spmem:s3], $0x1, s2, s23, $0xb8;
	[tilespmem:$0xBF40] =	vst v63  }
0x494: {  	s9 =	simm.s32 $0x2160  }
0x495: {  	[tilespmem:s9], [sflag:$0x3] =	stream.indirect.gather [spmem:s4], $0x1, s2, s23, $0xb8;
	[tilespmem:$0xBF40] =	vst v63  }
0x496: {  	s28 =	simm.s32 $0x24E0  }
0x497: {  	[tilespmem:s28], [sflag:$0x3] =	stream.indirect.gather [spmem:s5], $0x1, s2, s23, $0xb8;
	[tilespmem:$0xBF40] =	vst v63  }
0x498: {  	s9 =	simm.s32 $0x2860  }
0x499: {  	[tilespmem:s9], [sflag:$0x3] =	stream.indirect.gather [spmem:s6], $0x1, s2, s23, $0xb8;
	[tilespmem:$0xBF40] =	vst v63  }
0x49a: {  	s28 =	simm.s32 $0x13B0;
	s2 =	simm.s32 $0x230  }
0x49b: {  	[tilespmem:s28], [sflag:$0x3] =	stream.indirect.gather [spmem:s3], $0x1, s2, s23, $0xb8;
	[tilespmem:$0xBF40] =	vst v63  }
0x49c: {  	s9 =	simm.s32 $0x1730  }
0x49d: {  	[tilespmem:s9], [sflag:$0x3] =	stream.indirect.gather [spmem:s4], $0x1, s2, s23, $0xb8;
	[tilespmem:$0xBF40] =	vst v63  }
0x49e: {  	s28 =	simm.s32 $0x1AB0  }
0x49f: {  	[tilespmem:s28], [sflag:$0x3] =	stream.indirect.gather [spmem:s5], $0x1, s2, s23, $0xb8;
	[tilespmem:$0xBF40] =	vst v63  }
0x4a0: {  	s9 =	simm.s32 $0x1E30;
	s2 =	simm.s32 $0x5B0  }
0x4a1: {  	[tilespmem:s9], [sflag:$0x3] =	stream.indirect.gather [spmem:s3], $0x1, s2, s23, $0xb8;
	[tilespmem:$0xBF40] =	vst v63  }
0x4a2: {  	s28 =	simm.s32 $0x21B0  }
0x4a3: {  	[tilespmem:s28], [sflag:$0x3] =	stream.indirect.gather [spmem:s4], $0x1, s2, s23, $0xb8;
	[tilespmem:$0xBF40] =	vst v63  }
0x4a4: {  	s9 =	simm.s32 $0x2530  }
0x4a5: {  	[tilespmem:s9], [sflag:$0x3] =	stream.indirect.gather [spmem:s5], $0x1, s2, s23, $0xb8;
	[tilespmem:$0xBF40] =	vst v63  }
0x4a6: {  	s28 =	simm.s32 $0x28B0  }
0x4a7: {  	[tilespmem:s28], [sflag:$0x3] =	stream.indirect.gather [spmem:s6], $0x1, s2, s23, $0xb8;
	[tilespmem:$0xBF40] =	vst v63  }
0x4a8: {  	s9 =	simm.s32 $0x1400;
	s2 =	simm.s32 $0x280  }
0x4a9: {  	[tilespmem:s9], [sflag:$0x3] =	stream.indirect.gather [spmem:s3], $0x1, s2, s23, $0xb8;
	[tilespmem:$0xBF40] =	vst v63  }
0x4aa: {  	s28 =	simm.s32 $0x1780  }
0x4ab: {  	[tilespmem:s28], [sflag:$0x3] =	stream.indirect.gather [spmem:s4], $0x1, s2, s23, $0xb8;
	[tilespmem:$0xBF40] =	vst v63  }
0x4ac: {  	s9 =	simm.s32 $0x1B00  }
0x4ad: {  	[tilespmem:s9], [sflag:$0x3] =	stream.indirect.gather [spmem:s5], $0x1, s2, s23, $0xb8;
	[tilespmem:$0xBF40] =	vst v63  }
0x4ae: {  	s28 =	simm.s32 $0x1E80;
	s2 =	simm.s32 $0x600  }
0x4af: {  	[tilespmem:s28], [sflag:$0x3] =	stream.indirect.gather [spmem:s3], $0x1, s2, s23, $0xb8;
	[tilespmem:$0xBF40] =	vst v63  }
0x4b0: {  	s9 =	simm.s32 $0x2200  }
0x4b1: {  	[tilespmem:s9], [sflag:$0x3] =	stream.indirect.gather [spmem:s4], $0x1, s2, s23, $0xb8;
	[tilespmem:$0xBF40] =	vst v63  }
0x4b2: {  	s28 =	simm.s32 $0x2580  }
0x4b3: {  	[tilespmem:s28], [sflag:$0x3] =	stream.indirect.gather [spmem:s5], $0x1, s2, s23, $0xb8;
	[tilespmem:$0xBF40] =	vst v63  }
0x4b4: {  	s9 =	simm.s32 $0x2900  }
0x4b5: {  	[tilespmem:s9], [sflag:$0x3] =	stream.indirect.gather [spmem:s6], $0x1, s2, s23, $0xb8;
	[tilespmem:$0xBF40] =	vst v63  }
0x4b6: {  	s28 =	simm.s32 $0x1450;
	s2 =	simm.s32 $0x2D0  }
0x4b7: {  	[tilespmem:s28], [sflag:$0x3] =	stream.indirect.gather [spmem:s3], $0x1, s2, s23, $0xb8;
	[tilespmem:$0xBF40] =	vst v63  }
0x4b8: {  	s9 =	simm.s32 $0x17D0  }
0x4b9: {  	[tilespmem:s9], [sflag:$0x3] =	stream.indirect.gather [spmem:s4], $0x1, s2, s23, $0xb8;
	[tilespmem:$0xBF40] =	vst v63  }
0x4ba: {  	s28 =	simm.s32 $0x1B50  }
0x4bb: {  	[tilespmem:s28], [sflag:$0x3] =	stream.indirect.gather [spmem:s5], $0x1, s2, s23, $0xb8;
	[tilespmem:$0xBF40] =	vst v63  }
0x4bc: {  	s9 =	simm.s32 $0x1ED0;
	s2 =	simm.s32 $0x650  }
0x4bd: {  	[tilespmem:s9], [sflag:$0x3] =	stream.indirect.gather [spmem:s3], $0x1, s2, s23, $0xb8;
	[tilespmem:$0xBF40] =	vst v63  }
0x4be: {  	s28 =	simm.s32 $0x2250  }
0x4bf: {  	[tilespmem:s28], [sflag:$0x3] =	stream.indirect.gather [spmem:s4], $0x1, s2, s23, $0xb8;
	[tilespmem:$0xBF40] =	vst v63  }
0x4c0: {  	s9 =	simm.s32 $0x25D0  }
0x4c1: {  	[tilespmem:s9], [sflag:$0x3] =	stream.indirect.gather [spmem:s5], $0x1, s2, s23, $0xb8;
	[tilespmem:$0xBF40] =	vst v63  }
0x4c2: {  	s28 =	simm.s32 $0x2950  }
0x4c3: {  	[tilespmem:s28], [sflag:$0x3] =	stream.indirect.gather [spmem:s6], $0x1, s2, s23, $0xb8;
	[tilespmem:$0xBF40] =	vst v63  }
.LBB2_6:
0x4c4: {  	s28 =	simm.s32 $0x0  }
0x4c5: {  	v0 =	vld [tilespmem:s28+$0x5400]  }
0x4c6: {  	v4 =	vld [tilespmem:s28+$0x4600]  }
0x4c7: {  	v5 =	vld [tilespmem:s28+$0x4280]  }
0x4c8: {  	v6 =	vld [tilespmem:s28+$0x4D00]  }
0x4c9: {  	v8 =	vld [tilespmem:s28+$0x3F00]  }
0x4ca: {  	v9 =	vld [tilespmem:s28+$0x4980]  }
0x4cb: {  	v3 =	vld [tilespmem:s28+$0x5410]  }
0x4cc: {  	v2 =	vld [tilespmem:s28+$0x3F10]  }
0x4cd: {  	v12 =	vld [tilespmem:s28+$0x4990]  }
0x4ce: {  	v1 =	vld [tilespmem:s28+$0x4290]  }
0x4cf: {  	v16 =	vld [tilespmem:s28+$0x3B80];
	v7 =	vmul.u32 $0x9, v0  }
0x4d0: {  	v17 =	vld [tilespmem:s28+$0x3800]  }
0x4d1: {  	s2 =	simm.s32 $0x20;
	v18 =	vld [tilespmem:s28+$0x3480];
	v13 =	vadd.s32 $0x2, v7  }
0x4d2: {  	v15 =	vld [tilespmem:s2+$0x5400];
	v22 =	vadd.s32 $0x1, v7  }
0x4d3: {  	v14 =	vld [tilespmem:s2+$0x4600];
	v11 =	vadd.s32 $0x4, v7  }
0x4d4: {  	v19 =	vld [tilespmem:s28+$0x5080]  }
0x4d5: {  	v0 =	vld [tilespmem:s28+$0x4610];
	v20 =	vadd.s32 $0x5, v7  }
0x4d6: {  	v21 =	vadd.s32 $0x3, v7;
	v13 =	vld.idx.msk [tilespmem:v13+s0+$0x0], $0xffff  }
0x4d7: {  	s8 =	simm.s32 $0x100;
	v2 =	vsub.f32 v2, v12;
	v10 =	vadd.s32 $0x6, v7;
	v12 =	vld.idx.msk [tilespmem:v22+s0+$0x0], $0xffff;
	v22 =	vadd.s32 $0x7, v7  }
.LBB2_7:
0x4d8: {  	p1 =	sne.s32 s8, $0xC00;
	v23 =	vld.idx.msk [tilespmem:v11+s0+$0x0], $0xffff;
	s9 =	smov.u32 s8;
	s8 =	sadd.s32 $0x80, s8  }
0x4d9: {  	v24 =	vld.idx.msk [tilespmem:v7+s0+$0x0], $0xffff  }
0x4da: {  	v25 =	vadd.s32 $0x8, v7;
	v20 =	vld.idx.msk [tilespmem:v20+s0+$0x0], $0xffff  }
0x4db: {  	v21 =	vld.idx.msk [tilespmem:v21+s0+$0x0], $0xffff  }
0x4dc: {  	v7 =	vmul.u32 $0x9, v15;
	v11 =	vsub.f32 v4, v19;
	v4 =	vmovc v14;
	v19 =	vmul.f32 v13, v18;
	v15 =	vld.idx.msk [tilespmem:v22+s0+$0x0], $0xffff  }
0x4dd: {  	v9 =	vsub.f32 v8, v9;
	v8 =	vsub.f32 v5, v6;
	v22 =	vmul.f32 v12, v18;
	v14 =	vld.idx.msk [tilespmem:v10+s0+$0x0], $0xffff  }
0x4de: {  	v13 =	vadd.s32 $0x2, v7;
	v12 =	vadd.s32 $0x1, v7;
	v19 =	vadd.f32 v19, v11;
	v5 =	vld [tilespmem:s2+$0x4280]  }
0x4df: {  	v11 =	vadd.s32 $0x4, v7;
	v10 =	vadd.s32 $0x6, v7;
	v18 =	vmul.f32 v24, v18;
	v25 =	vld.idx.msk [tilespmem:v25+s0+$0x0], $0xffff  }
0x4e0: {  	v23 =	vmul.f32 v23, v17;
	v22 =	vadd.f32 v22, v8;
	v20 =	vmul.f32 v20, v17;
	v6 =	vld [tilespmem:s2+$0x4D00]  }
0x4e1: {  	v18 =	vadd.f32 v18, v9;
	v17 =	vmul.f32 v21, v17;
	v8 =	vld [tilespmem:s2+$0x3F00]  }
0x4e2: {  	v21 =	vadd.f32 v23, v22;
	v15 =	vmul.f32 v15, v16;
	v19 =	vadd.f32 v20, v19;
	v9 =	vld [tilespmem:s2+$0x4980]  }
0x4e3: {  	v17 =	vadd.f32 v17, v18;
	v14 =	vmul.f32 v14, v16;
	v20 =	vld [tilespmem:s2+$0x5410]  }
0x4e4: {  	v15 =	vadd.f32 v15, v21;
	v18 =	vld [tilespmem:s2+$0x3F10]  }
0x4e5: {  	v14 =	vadd.f32 v14, v17;
	v16 =	vmul.f32 v25, v16;
	v21 =	vld [tilespmem:s2+$0x4990]  }
0x4e6: {  	v17 =	vld [tilespmem:s2+$0x4290]  }
0x4e7: {  	v15 =	vmul.f32 v15, v15;
	v16 =	vadd.f32 v16, v19;
	v14 =	vmul.f32 v14, v14;
	v22 =	vld [tilespmem:s2+$0x4610];
	_ =	sdelay $0x1  }
0x4e8: {  	v14 =	vadd.f32 v15, v14;
	v15 =	vmul.f32 v16, v16  }
0x4e9: {  	v16 =	vsub.f32 v18, v21  }
0x4ea: {  	v14 =	vadd.f32 v15, v14;
	_ =	sdelay $0x1  }
0x4eb: {  	v14 =	vmax.f32 v14, $1.000000000e-30  }
0x4ec: {  	v15 =	vshrl.u32 v14, $0x1;
	v18 =	vmul.f32 $5.000000000e-01, v14  }
0x4ed: {  	v15 =	vsub.s32 $0x5F3759DF, v15  }
0x4ee: {  	v19 =	vmul.f32 v15, v18;
	_ =	sdelay $0x1  }
0x4ef: {  	v19 =	vmul.f32 v15, v19;
	_ =	sdelay $0x1  }
0x4f0: {  	v19 =	vsub.f32 $1.500000000e+00, v19;
	_ =	sdelay $0x1  }
0x4f1: {  	v15 =	vmul.f32 v15, v19;
	_ =	sdelay $0x1  }
0x4f2: {  	v18 =	vmul.f32 v15, v18;
	_ =	sdelay $0x1  }
0x4f3: {  	v18 =	vmul.f32 v18, v15;
	_ =	sdelay $0x1  }
0x4f4: {  	v18 =	vsub.f32 $1.500000000e+00, v18  }
0x4f5: {  	v19 =	vmul.u32 $0x9, v3;
	v3 =	vmov v20  }
0x4f6: {  	v15 =	vmul.f32 v18, v15;
	v18 =	vld [tilespmem:s28+$0x5090]  }
0x4f7: {  	v21 =	vadd.s32 $0x4, v19;
	v20 =	vld [tilespmem:s28+$0x3B90]  }
0x4f8: {  	v23 =	vadd.s32 $0x3, v19;
	v14 =	vmul.f32 v15, v14;
	v15 =	vld [tilespmem:s28+$0x4D10]  }
0x4f9: {  	v25 =	vadd.s32 $0x1, v19;
	v24 =	vld [tilespmem:s28+$0x3810]  }
0x4fa: {  	v26 =	vadd.s32 $0x6, v19;
	[tilespmem:s28+$0x5780] =	vst v14;
	v14 =	vld [tilespmem:s28+$0x3490]  }
0x4fb: {  	v28 =	vadd.s32 $0x2, v19;
	v27 =	vld.idx.msk [tilespmem:v19+s0+$0x0], $0xffff  }
0x4fc: {  	v29 =	vadd.s32 $0x7, v19;
	v21 =	vld.idx.msk [tilespmem:v21+s0+$0x0], $0xffff  }
0x4fd: {  	v30 =	vadd.s32 $0x5, v19;
	v23 =	vld.idx.msk [tilespmem:v23+s0+$0x0], $0xffff  }
0x4fe: {  	v25 =	vld.idx.msk [tilespmem:v25+s0+$0x0], $0xffff  }
0x4ff: {  	v19 =	vadd.s32 $0x8, v19;
	v26 =	vld.idx.msk [tilespmem:v26+s0+$0x0], $0xffff  }
0x500: {  	v28 =	vld.idx.msk [tilespmem:v28+s0+$0x0], $0xffff  }
0x501: {  	v27 =	vmul.f32 v27, v14;
	v29 =	vld.idx.msk [tilespmem:v29+s0+$0x0], $0xffff  }
0x502: {  	v30 =	vld.idx.msk [tilespmem:v30+s0+$0x0], $0xffff  }
0x503: {  	v27 =	vadd.f32 v27, v2;
	v23 =	vmul.f32 v23, v24;
	v2 =	vmov v16  }
0x504: {  	v15 =	vsub.f32 v1, v15;
	v1 =	vmov v17;
	v16 =	vld.idx.msk [tilespmem:v19+s0+$0x0], $0xffff;
	v19 =	vmul.f32 v25, v14  }
0x505: {  	v18 =	vsub.f32 v0, v18;
	v0 =	vmovc v22;
	v17 =	vadd.f32 v23, v27;
	v23 =	vmul.f32 v26, v20  }
0x506: {  	v14 =	vmul.f32 v28, v14;
	v15 =	vadd.f32 v19, v15;
	v19 =	vmul.f32 v21, v24  }
0x507: {  	v17 =	vadd.f32 v23, v17;
	v21 =	vmul.f32 v29, v20  }
0x508: {  	v14 =	vadd.f32 v14, v18;
	v18 =	vmul.f32 v30, v24;
	v15 =	vadd.f32 v19, v15;
	_ =	sdelay $0x1  }
0x509: {  	v14 =	vadd.f32 v18, v14;
	v16 =	vmul.f32 v16, v20;
	v15 =	vadd.f32 v21, v15;
	_ =	sdelay $0x1  }
0x50a: {  	v14 =	vadd.f32 v16, v14;
	v16 =	vmul.f32 v17, v17;
	v15 =	vmul.f32 v15, v15;
	_ =	sdelay $0x1  }
0x50b: {  	v14 =	vmul.f32 v14, v14;
	v15 =	vadd.f32 v15, v16;
	_ =	sdelay $0x1  }
0x50c: {  	v14 =	vadd.f32 v14, v15;
	_ =	sdelay $0x1  }
0x50d: {  	v14 =	vmax.f32 v14, $1.000000000e-30  }
0x50e: {  	v15 =	vshrl.u32 v14, $0x1;
	v16 =	vmul.f32 $5.000000000e-01, v14  }
0x50f: {  	v15 =	vsub.s32 $0x5F3759DF, v15  }
0x510: {  	v17 =	vmul.f32 v15, v16;
	_ =	sdelay $0x1  }
0x511: {  	v17 =	vmul.f32 v15, v17;
	_ =	sdelay $0x1  }
0x512: {  	v17 =	vsub.f32 $1.500000000e+00, v17;
	_ =	sdelay $0x1  }
0x513: {  	v15 =	vmul.f32 v15, v17;
	_ =	sdelay $0x1  }
0x514: {  	v16 =	vmul.f32 v15, v16;
	_ =	sdelay $0x1  }
0x515: {  	v16 =	vmul.f32 v16, v15;
	_ =	sdelay $0x1  }
0x516: {  	v18 =	vsub.f32 $1.500000000e+00, v16  }
0x517: {  	v16 =	vld [tilespmem:s2+$0x3B80]  }
0x518: {  	v17 =	vld [tilespmem:s2+$0x3800];
	v19 =	vmul.f32 v18, v15  }
0x519: {  	s9 =	sshra.s32 s9, $0x2;
	v18 =	vld [tilespmem:s2+$0x3480]  }
.Ltmp4:
0x51a: {  	v15 =	vld [tilespmem:s9+$0x5400];
	v21 =	vmul.f32 v19, v14;
	(pc) =	sbr.rel @p1 .LBB2_7-.Ltmp4, $4  }
0x51b: {  	v14 =	vld [tilespmem:s9+$0x4600]  }
0x51c: {  	v20 =	vadd.s32 $0x5, v7;
	v19 =	vld [tilespmem:s2+$0x5080];
	[tilespmem:s28+$0x5790] =	vst v21;
	s28 =	smov.u32 s2;
	s2 =	smov.u32 s9  }
0x51d: {  	v21 =	vadd.s32 $0x3, v7;
	v13 =	vld.idx.msk [tilespmem:v13+s0+$0x0], $0xffff  }
0x51e: {  	v22 =	vadd.s32 $0x7, v7;
	v12 =	vld.idx.msk [tilespmem:v12+s0+$0x0], $0xffff  }
0x51f: {  	_ =	sdelay $0x3  }
0x520: {  	v11 =	vld.idx.msk [tilespmem:v11+s0+$0x0], $0xffff  }
0x521: {  	v23 =	vld.idx.msk [tilespmem:v7+s0+$0x0], $0xffff  }
0x522: {  	v20 =	vld.idx.msk [tilespmem:v20+s0+$0x0], $0xffff;
	v61 =	vadd.s32 $0x8, v7  }
0x523: {  	v21 =	vld.idx.msk [tilespmem:v21+s0+$0x0], $0xffff  }
0x524: {  	v22 =	vld.idx.msk [tilespmem:v22+s0+$0x0], $0xffff  }
0x525: {  	v10 =	vld.idx.msk [tilespmem:v10+s0+$0x0], $0xffff;
	v5 =	vsub.f32 v5, v6  }
0x526: {  	v8 =	vsub.f32 v8, v9;
	v62 =	vmul.f32 v12, v18;
	v63 =	vmul.f32 v23, v18  }
0x527: {  	v4 =	vsub.f32 v4, v19;
	v18 =	vmul.f32 v13, v18;
	v7 =	vld.idx.msk [tilespmem:v61+s0+$0x0], $0xffff;
	v19 =	vmul.f32 v11, v17  }
0x528: {  	v21 =	vmul.f32 v21, v17;
	v5 =	vadd.f32 v62, v5;
	v8 =	vadd.f32 v63, v8  }
0x529: {  	v23 =	vmul.f32 v20, v17;
	v24 =	vmul.f32 v22, v16;
	v4 =	vadd.f32 v18, v4  }
0x52a: {  	v25 =	vmul.f32 v10, v16;
	v5 =	vadd.f32 v19, v5;
	v8 =	vadd.f32 v21, v8  }
0x52b: {  	v4 =	vadd.f32 v23, v4  }
0x52c: {  	v5 =	vadd.f32 v24, v5;
	v7 =	vmul.f32 v7, v16;
	v26 =	vadd.f32 v25, v8;
	_ =	sdelay $0x1  }
0x52d: {  	v4 =	vadd.f32 v7, v4;
	v5 =	vmul.f32 v5, v5;
	v6 =	vmul.f32 v26, v26;
	_ =	sdelay $0x1  }
0x52e: {  	v4 =	vmul.f32 v4, v4;
	v5 =	vadd.f32 v5, v6;
	_ =	sdelay $0x1  }
0x52f: {  	v4 =	vadd.f32 v4, v5;
	_ =	sdelay $0x1  }
0x530: {  	v27 =	vmax.f32 v4, $1.000000000e-30  }
0x531: {  	v4 =	vshrl.u32 v27, $0x1;
	v28 =	vmul.f32 $5.000000000e-01, v27  }
0x532: {  	v4 =	vsub.s32 $0x5F3759DF, v4  }
0x533: {  	v29 =	vmul.f32 v4, v28;
	_ =	sdelay $0x1  }
0x534: {  	v6 =	vmul.f32 v4, v29;
	_ =	sdelay $0x1  }
0x535: {  	v6 =	vsub.f32 $1.500000000e+00, v6  }
0x536: {  	v30 =	vld [tilespmem:s2+$0x4D00]  }
0x537: {  	v32 =	vld [tilespmem:s2+$0x3F00];
	v31 =	vmul.f32 v4, v6  }
0x538: {  	v33 =	vld [tilespmem:s2+$0x4980]  }
0x539: {  	v35 =	vld [tilespmem:s28+$0x5090];
	v4 =	vmul.f32 v31, v28  }
0x53a: {  	v36 =	vld [tilespmem:s28+$0x3B90]  }
0x53b: {  	v38 =	vld [tilespmem:s28+$0x4D10];
	v4 =	vmul.f32 v4, v31  }
0x53c: {  	v40 =	vld [tilespmem:s28+$0x3810]  }
0x53d: {  	v42 =	vld [tilespmem:s28+$0x3490];
	v34 =	vsub.f32 $1.500000000e+00, v4  }
0x53e: {  	v3 =	vmul.u32 $0x9, v3;
	v10 =	vld [tilespmem:s2+$0x4280]  }
0x53f: {  	v8 =	vld [tilespmem:s2+$0x5410];
	v12 =	vmul.f32 v34, v31  }
0x540: {  	v37 =	vadd.s32 $0x4, v3;
	v7 =	vld [tilespmem:s2+$0x4990]  }
0x541: {  	v39 =	vadd.s32 $0x3, v3;
	v5 =	vld [tilespmem:s2+$0x3F10];
	v9 =	vmul.f32 v12, v27  }
0x542: {  	v41 =	vadd.s32 $0x1, v3;
	v6 =	vld [tilespmem:s2+$0x4290]  }
0x543: {  	v25 =	vadd.s32 $0x2, v3;
	v4 =	vld [tilespmem:s2+$0x4610];
	[tilespmem:s28+$0x5780] =	vst v9  }
0x544: {  	v43 =	vadd.s32 $0x6, v3;
	v24 =	vld.idx.msk [tilespmem:v3+s0+$0x0], $0xffff  }
0x545: {  	v27 =	vadd.s32 $0x5, v3;
	v19 =	vld.idx.msk [tilespmem:v37+s0+$0x0], $0xffff  }
0x546: {  	v26 =	vadd.s32 $0x7, v3;
	v20 =	vld.idx.msk [tilespmem:v39+s0+$0x0], $0xffff  }
0x547: {  	v22 =	vld.idx.msk [tilespmem:v41+s0+$0x0], $0xffff  }
0x548: {  	v3 =	vadd.s32 $0x8, v3;
	v25 =	vld.idx.msk [tilespmem:v25+s0+$0x0], $0xffff  }
0x549: {  	v23 =	vld.idx.msk [tilespmem:v43+s0+$0x0], $0xffff  }
0x54a: {  	v27 =	vld.idx.msk [tilespmem:v27+s0+$0x0], $0xffff  }
0x54b: {  	v26 =	vld.idx.msk [tilespmem:v26+s0+$0x0], $0xffff  }
0x54c: {  	v1 =	vsub.f32 v1, v38;
	v24 =	vmul.f32 v24, v42;
	v44 =	vmul.f32 v22, v42  }
0x54d: {  	v0 =	vsub.f32 v0, v35;
	v20 =	vmul.f32 v20, v40;
	v3 =	vld.idx.msk [tilespmem:v3+s0+$0x0], $0xffff;
	v9 =	vmul.f32 v25, v42  }
0x54e: {  	v45 =	vmul.f32 v19, v40;
	v2 =	vadd.f32 v24, v2;
	v1 =	vadd.f32 v44, v1  }
0x54f: {  	v46 =	vmul.f32 v23, v36;
	v0 =	vadd.f32 v9, v0;
	v48 =	vmul.f32 v27, v40  }
0x550: {  	v47 =	vmul.f32 v26, v36;
	v2 =	vadd.f32 v20, v2;
	v1 =	vadd.f32 v45, v1  }
0x551: {  	v0 =	vadd.f32 v48, v0  }
0x552: {  	v3 =	vmul.f32 v3, v36;
	v2 =	vadd.f32 v46, v2;
	v1 =	vadd.f32 v47, v1;
	_ =	sdelay $0x1  }
0x553: {  	v0 =	vadd.f32 v3, v0;
	v2 =	vmul.f32 v2, v2;
	v1 =	vmul.f32 v1, v1;
	_ =	sdelay $0x1  }
0x554: {  	v0 =	vmul.f32 v0, v0;
	v1 =	vadd.f32 v1, v2;
	_ =	sdelay $0x1  }
0x555: {  	v0 =	vadd.f32 v0, v1;
	_ =	sdelay $0x1  }
0x556: {  	v0 =	vmax.f32 v0, $1.000000000e-30  }
0x557: {  	v49 =	vshrl.u32 v0, $0x1;
	v50 =	vmul.f32 $5.000000000e-01, v0  }
0x558: {  	v1 =	vsub.s32 $0x5F3759DF, v49  }
0x559: {  	v51 =	vmul.f32 v1, v50;
	_ =	sdelay $0x1  }
0x55a: {  	v3 =	vmul.f32 v1, v51;
	_ =	sdelay $0x1  }
0x55b: {  	v3 =	vsub.f32 $1.500000000e+00, v3;
	_ =	sdelay $0x1  }
0x55c: {  	v1 =	vmul.f32 v1, v3;
	_ =	sdelay $0x1  }
0x55d: {  	v2 =	vmul.f32 v1, v50;
	_ =	sdelay $0x1  }
0x55e: {  	v2 =	vmul.f32 v2, v1;
	_ =	sdelay $0x1  }
0x55f: {  	v52 =	vmul.u32 $0x9, v15;
	v2 =	vsub.f32 $1.500000000e+00, v2;
	_ =	sdelay $0x1  }
0x560: {  	v53 =	vadd.s32 $0x2, v52;
	v1 =	vmul.f32 v2, v1  }
0x561: {  	v55 =	vadd.s32 $0x1, v52;
	v54 =	vld [tilespmem:s2+$0x3B80]  }
0x562: {  	v57 =	vadd.s32 $0x4, v52;
	v56 =	vld [tilespmem:s2+$0x3800];
	v0 =	vmul.f32 v1, v0  }
0x563: {  	v58 =	vld [tilespmem:s2+$0x3480]  }
0x564: {  	v60 =	vadd.s32 $0x5, v52;
	v59 =	vld [tilespmem:s2+$0x5080];
	[tilespmem:s28+$0x5790] =	vst v0  }
0x565: {  	v61 =	vadd.s32 $0x3, v52;
	v0 =	vld.idx.msk [tilespmem:v53+s0+$0x0], $0xffff  }
0x566: {  	v62 =	vadd.s32 $0x7, v52;
	v2 =	vld.idx.msk [tilespmem:v55+s0+$0x0], $0xffff  }
0x567: {  	v63 =	vadd.s32 $0x6, v52;
	v17 =	vld.idx.msk [tilespmem:v57+s0+$0x0], $0xffff  }
0x568: {  	v24 =	vld.idx.msk [tilespmem:v52+s0+$0x0], $0xffff  }
0x569: {  	v3 =	vadd.s32 $0x8, v52;
	v19 =	vld.idx.msk [tilespmem:v60+s0+$0x0], $0xffff  }
0x56a: {  	v9 =	vld.idx.msk [tilespmem:v61+s0+$0x0], $0xffff  }
0x56b: {  	v20 =	vld.idx.msk [tilespmem:v62+s0+$0x0], $0xffff  }
0x56c: {  	v10 =	vsub.f32 v10, v30;
	v21 =	vld.idx.msk [tilespmem:v63+s0+$0x0], $0xffff  }
0x56d: {  	v25 =	vsub.f32 v32, v33;
	v2 =	vmul.f32 v2, v58;
	v26 =	vmul.f32 v24, v58  }
0x56e: {  	v1 =	vsub.f32 v14, v59;
	v3 =	vld.idx.msk [tilespmem:v3+s0+$0x0], $0xffff;
	v0 =	vmul.f32 v0, v58;
	v27 =	vmul.f32 v17, v56  }
0x56f: {  	v9 =	vmul.f32 v9, v56;
	v2 =	vadd.f32 v2, v10;
	v11 =	vadd.f32 v26, v25  }
0x570: {  	v28 =	vmul.f32 v19, v56;
	v29 =	vmul.f32 v20, v54;
	v0 =	vadd.f32 v0, v1  }
0x571: {  	v30 =	vmul.f32 v21, v54;
	v2 =	vadd.f32 v27, v2;
	v9 =	vadd.f32 v9, v11  }
0x572: {  	v0 =	vadd.f32 v28, v0  }
0x573: {  	v3 =	vmul.f32 v3, v54;
	v31 =	vadd.f32 v29, v2;
	v32 =	vadd.f32 v30, v9;
	_ =	sdelay $0x1  }
0x574: {  	v0 =	vadd.f32 v3, v0;
	v2 =	vmul.f32 v32, v32;
	v1 =	vmul.f32 v31, v31;
	_ =	sdelay $0x1  }
0x575: {  	v0 =	vmul.f32 v0, v0;
	v1 =	vadd.f32 v1, v2;
	_ =	sdelay $0x1  }
0x576: {  	v0 =	vadd.f32 v0, v1;
	_ =	sdelay $0x1  }
0x577: {  	v0 =	vmax.f32 v0, $1.000000000e-30  }
0x578: {  	v33 =	vshrl.u32 v0, $0x1;
	v34 =	vmul.f32 $5.000000000e-01, v0  }
0x579: {  	v1 =	vsub.s32 $0x5F3759DF, v33  }
0x57a: {  	v35 =	vmul.f32 v1, v34;
	_ =	sdelay $0x1  }
0x57b: {  	v3 =	vmul.f32 v1, v35;
	_ =	sdelay $0x1  }
0x57c: {  	v3 =	vsub.f32 $1.500000000e+00, v3;
	_ =	sdelay $0x1  }
0x57d: {  	v1 =	vmul.f32 v1, v3;
	_ =	sdelay $0x1  }
0x57e: {  	v2 =	vmul.f32 v1, v34;
	_ =	sdelay $0x1  }
0x57f: {  	v2 =	vmul.f32 v2, v1;
	_ =	sdelay $0x1  }
0x580: {  	v2 =	vsub.f32 $1.500000000e+00, v2  }
0x581: {  	v36 =	vmul.u32 $0x9, v8  }
0x582: {  	v37 =	vld [tilespmem:s2+$0x5090];
	v1 =	vmul.f32 v2, v1  }
0x583: {  	v39 =	vadd.s32 $0x4, v36;
	v38 =	vld [tilespmem:s2+$0x3B90]  }
0x584: {  	v41 =	vadd.s32 $0x3, v36;
	v40 =	vld [tilespmem:s2+$0x4D10];
	v0 =	vmul.f32 v1, v0  }
0x585: {  	v43 =	vadd.s32 $0x1, v36;
	v42 =	vld [tilespmem:s2+$0x3810]  }
0x586: {  	v47 =	vadd.s32 $0x2, v36;
	v44 =	vld [tilespmem:s2+$0x3490];
	[tilespmem:s2+$0x5780] =	vst v0  }
0x587: {  	v45 =	vadd.s32 $0x6, v36;
	v46 =	vld.idx.msk [tilespmem:v36+s0+$0x0], $0xffff  }
0x588: {  	v49 =	vadd.s32 $0x5, v36;
	v9 =	vld.idx.msk [tilespmem:v39+s0+$0x0], $0xffff  }
0x589: {  	v48 =	vadd.s32 $0x7, v36;
	v10 =	vld.idx.msk [tilespmem:v41+s0+$0x0], $0xffff  }
0x58a: {  	v12 =	vld.idx.msk [tilespmem:v43+s0+$0x0], $0xffff  }
0x58b: {  	v3 =	vadd.s32 $0x8, v36;
	v15 =	vld.idx.msk [tilespmem:v47+s0+$0x0], $0xffff  }
0x58c: {  	v13 =	vld.idx.msk [tilespmem:v45+s0+$0x0], $0xffff  }
0x58d: {  	v51 =	vld.idx.msk [tilespmem:v49+s0+$0x0], $0xffff  }
0x58e: {  	v5 =	vsub.f32 v5, v7;
	v16 =	vld.idx.msk [tilespmem:v48+s0+$0x0], $0xffff  }
0x58f: {  	v1 =	vsub.f32 v6, v40;
	v50 =	vmul.f32 v46, v44;
	v52 =	vmul.f32 v12, v44  }
0x590: {  	v2 =	vsub.f32 v4, v37;
	v3 =	vld.idx.msk [tilespmem:v3+s0+$0x0], $0xffff;
	v53 =	vmul.f32 v10, v42;
	v0 =	vmul.f32 v15, v44  }
0x591: {  	v54 =	vmul.f32 v9, v42;
	v5 =	vadd.f32 v50, v5;
	v1 =	vadd.f32 v52, v1  }
0x592: {  	v55 =	vmul.f32 v13, v38;
	v57 =	vmul.f32 v51, v42;
	v0 =	vadd.f32 v0, v2  }
0x593: {  	v56 =	vmul.f32 v16, v38;
	v5 =	vadd.f32 v53, v5;
	v1 =	vadd.f32 v54, v1  }
0x594: {  	v0 =	vadd.f32 v57, v0  }
0x595: {  	v59 =	vmul.f32 v3, v38;
	v58 =	vadd.f32 v55, v5;
	v1 =	vadd.f32 v56, v1;
	_ =	sdelay $0x1  }
0x596: {  	v0 =	vadd.f32 v59, v0;
	v60 =	vmul.f32 v58, v58;
	v1 =	vmul.f32 v1, v1;
	_ =	sdelay $0x1  }
0x597: {  	v0 =	vmul.f32 v0, v0;
	v1 =	vadd.f32 v1, v60;
	_ =	sdelay $0x1  }
0x598: {  	v0 =	vadd.f32 v0, v1;
	_ =	sdelay $0x1  }
0x599: {  	v0 =	vmax.f32 v0, $1.000000000e-30  }
0x59a: {  	v61 =	vshrl.u32 v0, $0x1;
	v62 =	vmul.f32 $5.000000000e-01, v0  }
0x59b: {  	v1 =	vsub.s32 $0x5F3759DF, v61  }
0x59c: {  	v63 =	vmul.f32 v1, v62;
	_ =	sdelay $0x1  }
0x59d: {  	v3 =	vmul.f32 v1, v63;
	_ =	sdelay $0x1  }
0x59e: {  	v3 =	vsub.f32 $1.500000000e+00, v3;
	_ =	sdelay $0x1  }
0x59f: {  	v1 =	vmul.f32 v1, v3;
	_ =	sdelay $0x1  }
0x5a0: {  	v2 =	vmul.f32 v1, v62;
	_ =	sdelay $0x1  }
0x5a1: {  	v2 =	vmul.f32 v2, v1;
	_ =	sdelay $0x1  }
0x5a2: {  	v2 =	vsub.f32 $1.500000000e+00, v2;
	_ =	sdelay $0x1  }
0x5a3: {  	v1 =	vmul.f32 v2, v1  }
.Ltmp5:
0x5a4: {  	s8 =	rddreg [dreg:$0xc];
	(pc) =	sbr.rel @p2 .LBB2_10-.Ltmp5, $4  }
0x5a5: {  	s8 =	sadd.s32 s21, s8;
	v0 =	vmul.f32 v1, v0  }
0x5a6: {  	s9 =	rddreg [dreg:$0x1];
	s8 =	sshrl.u32 s8, $0x3  }
0x5a7: {  	s28 =	simm.s32 $0x5780;
	[tilespmem:s2+$0x5790] =	vst v0;
	s2 =	sadd.s32 s9, s8  }
0x5a8: {  	[hbm4b:s2+s7] =	stream.linear.scatter [tilespmem:s28], [sflag:$0x6], $0x320, $0x38;
	[tilespmem:$0xBF40] =	vst v63  }
0x5a9: {  	s2 =	rddreg [dreg:$0x1b]  }
0x5aa: {  	s2 =	sadd.s32 s21, s2  }
0x5ab: {  	s8 =	rddreg [dreg:$0x8];
	s2 =	sshrl.u32 s2, $0x3  }
0x5ac: {  	s21 =	rddreg [dreg:$0x9];
	s8 =	sadd.s32 s8, s2  }
0x5ad: {  	[tilespmem:s17], [sflag:$0x2] =	stream.linear.gather [hbm4b:s8+s7], $0x320, $0x38;
	[tilespmem:$0xBF40] =	vst v63  }
0x5ae: {  	s8 =	sadd.s32 s21, s2  }
0x5af: {  	[tilespmem:s18], [sflag:$0x2] =	stream.linear.gather [hbm4b:s8+s7], $0x320, $0x38;
	[tilespmem:$0xBF40] =	vst v63  }
0x5b0: {  	s9 =	simm.s32 $0x3480;
	s28 =	sadd.s32 s13, s2  }
0x5b1: {  	[tilespmem:s9], [sflag:$0x2] =	stream.linear.gather [hbm4b:s28+s7], $0x320, $0x38;
	[tilespmem:$0xBF40] =	vst v63  }
.Ltmp6:
0x5b2: {  	_ = 	snop;
	(pc) =	sbr.rel .LBB2_2-.Ltmp6, $4  }
0x5b3: {  	s21 =	simm.s32 $0x3800;
	s9 =	sadd.s32 s11, s2  }
0x5b4: {  	[tilespmem:s21], [sflag:$0x2] =	stream.linear.gather [hbm4b:s9+s7], $0x320, $0x38;
	[tilespmem:$0xBF40] =	vst v63  }
0x5b5: {  	s25 =	sadd.s32 $0x1, s25;
	s2 =	sadd.s32 s12, s2;
	s28 =	simm.s32 $0x3B80  }
0x5b6: {  	[tilespmem:s28], [sflag:$0x2] =	stream.linear.gather [hbm4b:s2+s7], $0x320, $0x38;
	[tilespmem:$0xBF40] =	vst v63  }
.LBB2_11:
0x5b7: {  	_ =	sfence.sel $0x180000  }
0x5b8: {  	[bflag:$0x0] =	sbarrier.arrive $0xFFFF  }
0x5b9: {  	_ =	strace $0x90000047  }
0x5ba: {  	[bflag:$0x2] =	sbarrier.arrive $0xFFFF  }
0x5bb: {  	s0 =	rddreg [dreg:$0x6]  }
0x5bc: {  	s0 =	sadd.s32 @!p0 $0x100000, s0  }
0x5bd: {  	[sflag:s0] =	ssyncadd.tile.s32 @!p0 $0x1;
	_ =	shalt  }
.Lfunc_end2:
_tile_overlayer_lowered:
.L_overlay_start_2:
0x5be: {  	(tag) =	ssettag $0x2  }
0x5bf: {  	s0 =	rddreg [dreg:$0x0];
	s2 =	stileid.u32  }
0x5c0: {  	s1 =	rddreg [dreg:$0x1];
	p0 =	sne.s32 s2, $0x0  }
0x5c1: {  	s3 =	rddreg [dreg:$0x2];
	[bflag:$0x3] =	sbarrier.arrive $0xFFFF;
	s2 =	simm.s32 @!p0 $0x1C07  }
0x5c2: {  	[timem:s3], [sflag:s2] =	dma.local @!p0 [hbm:s0], s1  }
0x5c3: {  	s0 =	simm.s32 @!p0 $0x7  }
0x5c4: {  	_ =	swait.ge @!p0 [sflag:s0], s1  }
0x5c5: {  	s1 =	ssub.s32 @!p0 $0x0, s1;
	[sflag:s0] =	ssyncset.done @!p0 $0x0  }
0x5c6: {  	[sflag:s0] =	ssyncadd.s32 @!p0 s1  }
0x5c7: {  	[bflag:$0x3] =	sbarrier.arrive $0xFFFF  }
0x5c8: {  	_ =	shalt  }

</sc_bundles>
